<compile_context>
chip_gen: v7x
topology: tpu7x:2x2x1
jax: 0.10.2.dev20260603
libtpu: 0.0.44.dev20260713+nightly
codegen_flags: <defaults>
</compile_context>

<pallas_src>
import functools

import jax
import jax.numpy as jnp
from jax import lax
from jax.experimental import pallas as pl
from jax.experimental.pallas import tpu as pltpu
from jax.experimental.pallas import tpu_sc as plsc

_NC = 2
_NS = 16
_NW = _NC * _NS

_K = 50
_GA = 4
_RB = _GA
_IB = 2 * _RB
_FA = _IB


def _segment_sum_sc(x, src, dst):
    n, d = x.shape
    e = src.shape[0]
    epw = e // _NW
    nchunk = epw // _K
    rows_per_tile = (n // _NS) // 8 * 8
    rows_tail = n - rows_per_tile * _NS

    src3 = src.reshape(_NW, nchunk, _K)
    dst3 = dst.reshape(_NW, nchunk, _K)

    mesh = plsc.VectorSubcoreMesh(core_axis_name="c", subcore_axis_name="s")

    zrows = 64

    @functools.partial(
        pl.kernel,
        out_type=jax.ShapeDtypeStruct((2 * n, d), jnp.float32),
        mesh=mesh,
        scratch_types=[
            pltpu.VMEM_SHARED((n, d), jnp.float32),
            pltpu.VMEM((_IB, _K), jnp.int32),
            pltpu.VMEM((_IB, _K), jnp.int32),
            pltpu.VMEM((_RB, _K, d), jnp.float32),
            pltpu.VMEM((zrows, d), jnp.float32),
            [pltpu.SemaphoreType.DMA] * _IB,
            [pltpu.SemaphoreType.DMA] * _RB,
            [pltpu.SemaphoreType.DMA] * _RB,
        ],
    )
    def segsum(x_hbm, src_hbm, dst_hbm, out_hbm,
               acc_sh, sidx_v, didx_v, ring_v, zbuf_v, isem, gsem, ssem):
        cid = lax.axis_index("c")
        sid = lax.axis_index("s")
        wid = sid * _NC + cid

        r0 = sid * rows_per_tile
        t0 = rows_per_tile * _NS

        @pl.loop(0, zrows)
        def _zrow(r):
            for cc in range(d // 16):
                zbuf_v[r, pl.ds(cc * 16, 16)] = jnp.zeros((16,), jnp.float32)

        full, part = divmod(rows_per_tile, zrows)
        for z in range(full):
            pltpu.sync_copy(zbuf_v, acc_sh.at[pl.ds(r0 + z * zrows, zrows)])
        if part:
            pltpu.sync_copy(zbuf_v.at[pl.ds(0, part)],
                            acc_sh.at[pl.ds(r0 + full * zrows, part)])
        if rows_tail:
            @pl.when(sid == _NS - 1)
            def _zero_tail():
                pltpu.sync_copy(zbuf_v.at[pl.ds(0, rows_tail)],
                                acc_sh.at[pl.ds(t0, rows_tail)])
        plsc.subcore_barrier()

        def fetch_idx(c, j):
            pltpu.make_async_copy(src_hbm.at[wid, c], sidx_v.at[j],
                                  isem[j]).start()
            pltpu.make_async_copy(dst_hbm.at[wid, c], didx_v.at[j],
                                  isem[j]).start()

        def wait_idx(c, j):
            pltpu.make_async_copy(src_hbm.at[wid, c], sidx_v.at[j],
                                  isem[j]).wait()
            pltpu.make_async_copy(dst_hbm.at[wid, c], didx_v.at[j],
                                  isem[j]).wait()

        def gather(b, j):
            return pltpu.make_async_copy(
                x_hbm.at[sidx_v.at[j]], ring_v.at[b], gsem[b])

        def scatter_start(b, j):
            pltpu.async_copy(
                ring_v.at[b], acc_sh.at[didx_v.at[j]], ssem[b], add=True)

        def scatter_drain(b, j):
            pltpu.make_async_copy(
                ring_v.at[b], acc_sh.at[didx_v.at[j]], ssem[b]).wait()

        for j in range(_FA):
            fetch_idx(j, j)
        for c in range(_GA):
            wait_idx(c, c)
            gather(c, c).start()

        @pl.loop(0, nchunk, step=_IB)
        def _chunks(g):
            for u in range(_IB):
                c = g + u
                b = u % _RB
                gather(b, u).wait()
                scatter_start(b, u)
                scatter_drain(b, u)
                rc = c + _GA
                rb = (u + _GA) % _RB
                rj = (u + _GA) % _IB

                @pl.when(rc < nchunk)
                def _refill():
                    wait_idx(rc, rj)
                    gather(rb, rj).start()

                fq = c + _FA
                fj = (u + _FA) % _IB

                @pl.when(fq < nchunk)
                def _next_fetch():
                    fetch_idx(fq, fj)

        plsc.subcore_barrier()

        pltpu.sync_copy(acc_sh.at[pl.ds(r0, rows_per_tile)],
                        out_hbm.at[pl.ds(cid * n + r0, rows_per_tile)])
        if rows_tail:
            @pl.when(sid == _NS - 1)
            def _write_tail():
                t0 = rows_per_tile * _NS
                pltpu.sync_copy(acc_sh.at[pl.ds(t0, rows_tail)],
                                out_hbm.at[pl.ds(cid * n + t0, rows_tail)])

    return segsum(x, src3, dst3)


def _mlp_bn_body(x_ref, p_ref, wa_ref, ba_ref, wb_ref, bb_ref, g_ref, be_ref,
                 o_ref):
    n = x_ref.shape[0]
    od = o_ref.shape[1]
    h0 = x_ref[...] + p_ref[:n, :] + p_ref[n:, :]
    t = jnp.dot(h0, wa_ref[...], preferred_element_type=jnp.float32)
    t = jnp.maximum(t + ba_ref[...], 0.0)
    u = jnp.dot(t, wb_ref[...], preferred_element_type=jnp.float32)
    u = jnp.maximum(u + bb_ref[...], 0.0)
    mu = jnp.mean(u, axis=0, keepdims=True)
    dev = u - mu
    var = jnp.mean(dev * dev, axis=0, keepdims=True)
    res = dev * lax.rsqrt(var + 1e-5) * g_ref[...] + be_ref[...]
    o_ref[...] = res[:, :od]


def _mlp_bn(x, parts, wa, ba, wb, bb, g, be, out_dim):
    n, d = x.shape
    return pl.pallas_call(
        _mlp_bn_body,
        out_shape=jax.ShapeDtypeStruct((n, out_dim), jnp.float32),
    )(x, parts, wa, ba.reshape(1, d), wb, bb.reshape(1, -1),
      g.reshape(1, -1), be.reshape(1, -1))


def kernel(x, edge_index, W1a, b1a, W1b, b1b, g1, be1,
           W5a, b5a, W5b, b5b, g5, be5):
    n, d = x.shape
    out_dim = W5b.shape[1]
    src = edge_index[0]
    dst = edge_index[1]

    parts1 = _segment_sum_sc(x, src, dst)
    h = _mlp_bn(x, parts1, W1a, b1a, W1b, b1b, g1, be1, d)

    pad = d - out_dim
    w5b_p = jnp.pad(W5b, ((0, 0), (0, pad)))
    b5b_p = jnp.pad(b5b, (0, pad))
    g5_p = jnp.pad(g5, (0, pad))
    be5_p = jnp.pad(be5, (0, pad))

    parts2 = _segment_sum_sc(h, src, dst)
    return _mlp_bn(h, parts2, W5a, b5a, w5b_p, b5b_p, g5_p, be5_p, out_dim)

# --- scband reference (transcript-rebuilt; emitter-appended) ---
"""Pipeline reference for scband-gin-node-weight-encoder-83760452207416 (READ-ONLY COPY).

The authoritative reference and input builder live on the scoring server;
editing this copy changes nothing except your own understanding.
"""

import jax, jax.numpy as jnp
import numpy as np

N = 10000
E = 320000
D = 128
OUT = 2


def setup_inputs(seed: int = 0) -> dict:
    key = jax.random.key(seed)
    ks = jax.random.split(key, 12)
    x = jax.random.normal(ks[0], (N, D), dtype=jnp.float32)
    edge_index = jax.random.randint(ks[1], (2, E), 0, N, dtype=jnp.int32)
    s1 = 1.0 / np.sqrt(D)
    W1a = jax.random.uniform(ks[2], (D, D), jnp.float32, -s1, s1)
    b1a = jax.random.uniform(ks[3], (D,), jnp.float32, -s1, s1)
    W1b = jax.random.uniform(ks[4], (D, D), jnp.float32, -s1, s1)
    b1b = jax.random.uniform(ks[5], (D,), jnp.float32, -s1, s1)
    g1 = jnp.ones((D,), jnp.float32)
    be1 = jnp.zeros((D,), jnp.float32)
    W5a = jax.random.uniform(ks[6], (D, D), jnp.float32, -s1, s1)
    b5a = jax.random.uniform(ks[7], (D,), jnp.float32, -s1, s1)
    W5b = jax.random.uniform(ks[8], (D, OUT), jnp.float32, -s1, s1)
    b5b = jax.random.uniform(ks[9], (OUT,), jnp.float32, -s1, s1)
    g5 = jnp.ones((OUT,), jnp.float32)
    be5 = jnp.zeros((OUT,), jnp.float32)
    return {"x": x, "edge_index": edge_index, "W1a": W1a, "b1a": b1a, "W1b": W1b, "b1b": b1b, "g1": g1, "be1": be1, "W5a": W5a, "b5a": b5a, "W5b": W5b, "b5b": b5b, "g5": g5, "be5": be5}


def _bn(h, g, b):
    mu = jnp.mean(h, axis=0)
    var = jnp.var(h, axis=0)
    return (h - mu) / jnp.sqrt(var + 1e-5) * g + b


def reference(x, edge_index, W1a, b1a, W1b, b1b, g1, be1, W5a, b5a, W5b, b5b, g5, be5):
    src = edge_index[0]
    dst = edge_index[1]
    n = x.shape[0]
    # GINConv layer 1 (eps = 0): nn1((1+eps)*x + sum_{j in N(i)} x_j)
    agg = jax.ops.segment_sum(jnp.take(x, src, axis=0), dst, num_segments=n)
    h = x + agg
    h = jax.nn.relu(h @ W1a + b1a) @ W1b + b1b
    h = jax.nn.relu(h)
    h = _bn(h, g1, be1)
    # GINConv layer 5
    agg2 = jax.ops.segment_sum(jnp.take(h, src, axis=0), dst, num_segments=n)
    h2 = h + agg2
    h2 = jax.nn.relu(h2 @ W5a + b5a) @ W5b + b5b
    h2 = jax.nn.relu(h2)
    h2 = _bn(h2, g5, be5)
    return h2

if __name__ == "__main__":
    import jax
    _d = setup_inputs()
    print(jax.jit(kernel)(*tuple(_d.values())))

</pallas_src>

<mosaic_0001>
#map = affine_map<(d0, d1) -> (0, 0)>
#map1 = affine_map<(d0, d1) -> (0, 0, 0)>
module attributes {stable_mosaic.version = 14 : i64} {
  func.func @segsum(%arg0: i32, %arg1: i32, %arg2: memref<10000x128xf32, #tpu.memory_space<hbm>>, %arg3: memref<32x200x50xi32, #tpu.memory_space<hbm>>, %arg4: memref<32x200x50xi32, #tpu.memory_space<hbm>>, %arg5: memref<20000x128xf32, #tpu.memory_space<hbm>>, %arg6: memref<10000x128xf32, #tpu.memory_space<vmem_shared>>, %arg7: memref<8x50xi32, #tpu.memory_space<vmem>>, %arg8: memref<8x50xi32, #tpu.memory_space<vmem>>, %arg9: memref<4x50x128xf32, #tpu.memory_space<vmem>>, %arg10: memref<64x128xf32, #tpu.memory_space<vmem>>, %arg11: memref<!tpu.dma_semaphore, #tpu.memory_space<semaphore_mem>>, %arg12: memref<!tpu.dma_semaphore, #tpu.memory_space<semaphore_mem>>, %arg13: memref<!tpu.dma_semaphore, #tpu.memory_space<semaphore_mem>>, %arg14: memref<!tpu.dma_semaphore, #tpu.memory_space<semaphore_mem>>, %arg15: memref<!tpu.dma_semaphore, #tpu.memory_space<semaphore_mem>>, %arg16: memref<!tpu.dma_semaphore, #tpu.memory_space<semaphore_mem>>, %arg17: memref<!tpu.dma_semaphore, #tpu.memory_space<semaphore_mem>>, %arg18: memref<!tpu.dma_semaphore, #tpu.memory_space<semaphore_mem>>, %arg19: memref<!tpu.dma_semaphore, #tpu.memory_space<semaphore_mem>>, %arg20: memref<!tpu.dma_semaphore, #tpu.memory_space<semaphore_mem>>, %arg21: memref<!tpu.dma_semaphore, #tpu.memory_space<semaphore_mem>>, %arg22: memref<!tpu.dma_semaphore, #tpu.memory_space<semaphore_mem>>, %arg23: memref<!tpu.dma_semaphore, #tpu.memory_space<semaphore_mem>>, %arg24: memref<!tpu.dma_semaphore, #tpu.memory_space<semaphore_mem>>, %arg25: memref<!tpu.dma_semaphore, #tpu.memory_space<semaphore_mem>>, %arg26: memref<!tpu.dma_semaphore, #tpu.memory_space<semaphore_mem>>) attributes {dimension_semantics = [#tpu.dimension_semantics<core_parallel>, #tpu.dimension_semantics<subcore_parallel>], iteration_bounds = array<i64: 2, 16>, scalar_prefetch = 0 : i64, scratch_operands = 21 : i64, tpu.core_type = #tpu.core_type<sc_vector_subcore>, window_params = [{transform_indices = #map}, {transform_indices = #map1}, {transform_indices = #map1}, {transform_indices = #map}]} {
    %mul3A = arith.constant 2 : i32
    %mul3A_0 = arith.muli %arg1, %mul3A : i32
    %add3A = arith.addi %mul3A_0, %arg0 : i32
    %mul3A_1 = arith.constant 624 : i32
    %mul3A_2 = arith.muli %arg1, %mul3A_1 : i32
    %scan3A = arith.constant 0 : i32
    %scan3A_3 = arith.constant 64 : i32
    %scan3A_4 = arith.addi %scan3A, %scan3A_3 : i32
    %scan3A_5 = arith.constant 1 : i32
    scf.for %scan3A_425 = %scan3A to %scan3A_4 step %scan3A_5  : i32 {
      %mul3A_426 = arith.constant 1 : i32
      %mul3A_427 = arith.muli %scan3A_425, %mul3A_426 : i32
      %add3A_428 = arith.constant 0 : i32
      %add3A_429 = arith.addi %add3A_428, %mul3A_427 : i32
      %broadcast_in_dim3A = arith.constant 0.000000e+00 : f32
      %broadcast_in_dim3A_430 = vector.broadcast %broadcast_in_dim3A : f32 to vector<16xf32>
      %swap3A = arith.index_cast %add3A_429 : i32 to index
      %swap3A_431 = arith.constant 0 : index
      %swap3A_432 = tpu.vector_load %arg10[%swap3A, %swap3A_431] {strides = array<i32>} : memref<64x128xf32, #tpu.memory_space<vmem>>, vector<1x16xf32>,
      %swap3A_433 = vector.shape_cast %swap3A_432 : vector<1x16xf32> to vector<16xf32>
      %swap3A_434 = vector.shape_cast %broadcast_in_dim3A_430 : vector<16xf32> to vector<1x16xf32>
      tpu.vector_store %arg10[%swap3A, %swap3A_431], %swap3A_434 {strides = array<i32>} : memref<64x128xf32, #tpu.memory_space<vmem>>, vector<1x16xf32>,
      %broadcast_in_dim3A_435 = arith.constant 0.000000e+00 : f32
      %broadcast_in_dim3A_436 = vector.broadcast %broadcast_in_dim3A_435 : f32 to vector<16xf32>
      %swap3A_437 = arith.index_cast %add3A_429 : i32 to index
      %swap3A_438 = arith.constant 16 : index
      %swap3A_439 = tpu.vector_load %arg10[%swap3A_437, %swap3A_438] {strides = array<i32>} : memref<64x128xf32, #tpu.memory_space<vmem>>, vector<1x16xf32>,
      %swap3A_440 = vector.shape_cast %swap3A_439 : vector<1x16xf32> to vector<16xf32>
      %swap3A_441 = vector.shape_cast %broadcast_in_dim3A_436 : vector<16xf32> to vector<1x16xf32>
      tpu.vector_store %arg10[%swap3A_437, %swap3A_438], %swap3A_441 {strides = array<i32>} : memref<64x128xf32, #tpu.memory_space<vmem>>, vector<1x16xf32>,
      %broadcast_in_dim3A_442 = arith.constant 0.000000e+00 : f32
      %broadcast_in_dim3A_443 = vector.broadcast %broadcast_in_dim3A_442 : f32 to vector<16xf32>
      %swap3A_444 = arith.index_cast %add3A_429 : i32 to index
      %swap3A_445 = arith.constant 32 : index
      %swap3A_446 = tpu.vector_load %arg10[%swap3A_444, %swap3A_445] {strides = array<i32>} : memref<64x128xf32, #tpu.memory_space<vmem>>, vector<1x16xf32>,
      %swap3A_447 = vector.shape_cast %swap3A_446 : vector<1x16xf32> to vector<16xf32>
      %swap3A_448 = vector.shape_cast %broadcast_in_dim3A_443 : vector<16xf32> to vector<1x16xf32>
      tpu.vector_store %arg10[%swap3A_444, %swap3A_445], %swap3A_448 {strides = array<i32>} : memref<64x128xf32, #tpu.memory_space<vmem>>, vector<1x16xf32>,
      %broadcast_in_dim3A_449 = arith.constant 0.000000e+00 : f32
      %broadcast_in_dim3A_450 = vector.broadcast %broadcast_in_dim3A_449 : f32 to vector<16xf32>
      %swap3A_451 = arith.index_cast %add3A_429 : i32 to index
      %swap3A_452 = arith.constant 48 : index
      %swap3A_453 = tpu.vector_load %arg10[%swap3A_451, %swap3A_452] {strides = array<i32>} : memref<64x128xf32, #tpu.memory_space<vmem>>, vector<1x16xf32>,
      %swap3A_454 = vector.shape_cast %swap3A_453 : vector<1x16xf32> to vector<16xf32>
      %swap3A_455 = vector.shape_cast %broadcast_in_dim3A_450 : vector<16xf32> to vector<1x16xf32>
      tpu.vector_store %arg10[%swap3A_451, %swap3A_452], %swap3A_455 {strides = array<i32>} : memref<64x128xf32, #tpu.memory_space<vmem>>, vector<1x16xf32>,
      %broadcast_in_dim3A_456 = arith.constant 0.000000e+00 : f32
      %broadcast_in_dim3A_457 = vector.broadcast %broadcast_in_dim3A_456 : f32 to vector<16xf32>
      %swap3A_458 = arith.index_cast %add3A_429 : i32 to index
      %swap3A_459 = arith.constant 64 : index
      %swap3A_460 = tpu.vector_load %arg10[%swap3A_458, %swap3A_459] {strides = array<i32>} : memref<64x128xf32, #tpu.memory_space<vmem>>, vector<1x16xf32>,
      %swap3A_461 = vector.shape_cast %swap3A_460 : vector<1x16xf32> to vector<16xf32>
      %swap3A_462 = vector.shape_cast %broadcast_in_dim3A_457 : vector<16xf32> to vector<1x16xf32>
      tpu.vector_store %arg10[%swap3A_458, %swap3A_459], %swap3A_462 {strides = array<i32>} : memref<64x128xf32, #tpu.memory_space<vmem>>, vector<1x16xf32>,
      %broadcast_in_dim3A_463 = arith.constant 0.000000e+00 : f32
      %broadcast_in_dim3A_464 = vector.broadcast %broadcast_in_dim3A_463 : f32 to vector<16xf32>
      %swap3A_465 = arith.index_cast %add3A_429 : i32 to index
      %swap3A_466 = arith.constant 80 : index
      %swap3A_467 = tpu.vector_load %arg10[%swap3A_465, %swap3A_466] {strides = array<i32>} : memref<64x128xf32, #tpu.memory_space<vmem>>, vector<1x16xf32>,
      %swap3A_468 = vector.shape_cast %swap3A_467 : vector<1x16xf32> to vector<16xf32>
      %swap3A_469 = vector.shape_cast %broadcast_in_dim3A_464 : vector<16xf32> to vector<1x16xf32>
      tpu.vector_store %arg10[%swap3A_465, %swap3A_466], %swap3A_469 {strides = array<i32>} : memref<64x128xf32, #tpu.memory_space<vmem>>, vector<1x16xf32>,
      %broadcast_in_dim3A_470 = arith.constant 0.000000e+00 : f32
      %broadcast_in_dim3A_471 = vector.broadcast %broadcast_in_dim3A_470 : f32 to vector<16xf32>
      %swap3A_472 = arith.index_cast %add3A_429 : i32 to index
      %swap3A_473 = arith.constant 96 : index
      %swap3A_474 = tpu.vector_load %arg10[%swap3A_472, %swap3A_473] {strides = array<i32>} : memref<64x128xf32, #tpu.memory_space<vmem>>, vector<1x16xf32>,
      %swap3A_475 = vector.shape_cast %swap3A_474 : vector<1x16xf32> to vector<16xf32>
      %swap3A_476 = vector.shape_cast %broadcast_in_dim3A_471 : vector<16xf32> to vector<1x16xf32>
      tpu.vector_store %arg10[%swap3A_472, %swap3A_473], %swap3A_476 {strides = array<i32>} : memref<64x128xf32, #tpu.memory_space<vmem>>, vector<1x16xf32>,
      %broadcast_in_dim3A_477 = arith.constant 0.000000e+00 : f32
      %broadcast_in_dim3A_478 = vector.broadcast %broadcast_in_dim3A_477 : f32 to vector<16xf32>
      %swap3A_479 = arith.index_cast %add3A_429 : i32 to index
      %swap3A_480 = arith.constant 112 : index
      %swap3A_481 = tpu.vector_load %arg10[%swap3A_479, %swap3A_480] {strides = array<i32>} : memref<64x128xf32, #tpu.memory_space<vmem>>, vector<1x16xf32>,
      %swap3A_482 = vector.shape_cast %swap3A_481 : vector<1x16xf32> to vector<16xf32>
      %swap3A_483 = vector.shape_cast %broadcast_in_dim3A_478 : vector<16xf32> to vector<1x16xf32>
      tpu.vector_store %arg10[%swap3A_479, %swap3A_480], %swap3A_483 {strides = array<i32>} : memref<64x128xf32, #tpu.memory_space<vmem>>, vector<1x16xf32>,
    }
    %scan3A_6 = arith.constant 64 : i32
    %add3A_7 = arith.constant 0 : i32
    %add3A_8 = arith.addi %mul3A_2, %add3A_7 : i32
    "tpu.region"() ({
      %run_scoped3A = tpu.sem_alloc : memref<!tpu.dma_semaphore, #tpu.memory_space<semaphore_mem>>
      %dma_start3A_425 = arith.constant 0 : i32
      %dma_start3A_426 = tpu.memref_slice %arg6[%add3A_8, %dma_start3A_425] : memref<10000x128xf32, #tpu.memory_space<vmem_shared>> -> memref<64x128xf32, #tpu.memory_space<vmem_shared>>
      %dma_start3A_427 = arith.constant 0 : i32
      %dma_start3A_428 = tpu.memref_slice %arg6[%add3A_8, %dma_start3A_427] : memref<10000x128xf32, #tpu.memory_space<vmem_shared>> -> memref<64x128xf32, #tpu.memory_space<vmem_shared>>
      tpu.enqueue_dma source(%arg10 : memref<64x128xf32, #tpu.memory_space<vmem>>) target(%dma_start3A_428 : memref<64x128xf32, #tpu.memory_space<vmem_shared>>) target_semaphore(%run_scoped3A : memref<!tpu.dma_semaphore, #tpu.memory_space<semaphore_mem>>)
      %dma_wait3A_429 = arith.constant 0 : i32
      %dma_wait3A_430 = tpu.memref_slice %arg6[%add3A_8, %dma_wait3A_429] : memref<10000x128xf32, #tpu.memory_space<vmem_shared>> -> memref<64x128xf32, #tpu.memory_space<vmem_shared>>
      %dma_wait3A_431 = arith.constant 0 : i32
      %dma_wait3A_432 = tpu.memref_slice %arg6[%add3A_8, %dma_wait3A_431] : memref<10000x128xf32, #tpu.memory_space<vmem_shared>> -> memref<64x128xf32, #tpu.memory_space<vmem_shared>>
      tpu.wait_dma2 semaphore(%run_scoped3A : memref<!tpu.dma_semaphore, #tpu.memory_space<semaphore_mem>>) src(%arg10 : memref<64x128xf32, #tpu.memory_space<vmem>>) dst(%dma_wait3A_432 : memref<64x128xf32, #tpu.memory_space<vmem_shared>>)
      tpu.yield
    }) : () -> ()
    %add3A_9 = arith.constant 64 : i32
    %add3A_10 = arith.addi %mul3A_2, %add3A_9 : i32
    "tpu.region"() ({
      %run_scoped3A = tpu.sem_alloc : memref<!tpu.dma_semaphore, #tpu.memory_space<semaphore_mem>>
      %dma_start3A_425 = arith.constant 0 : i32
      %dma_start3A_426 = tpu.memref_slice %arg6[%add3A_10, %dma_start3A_425] : memref<10000x128xf32, #tpu.memory_space<vmem_shared>> -> memref<64x128xf32, #tpu.memory_space<vmem_shared>>
      %dma_start3A_427 = arith.constant 0 : i32
      %dma_start3A_428 = tpu.memref_slice %arg6[%add3A_10, %dma_start3A_427] : memref<10000x128xf32, #tpu.memory_space<vmem_shared>> -> memref<64x128xf32, #tpu.memory_space<vmem_shared>>
      tpu.enqueue_dma source(%arg10 : memref<64x128xf32, #tpu.memory_space<vmem>>) target(%dma_start3A_428 : memref<64x128xf32, #tpu.memory_space<vmem_shared>>) target_semaphore(%run_scoped3A : memref<!tpu.dma_semaphore, #tpu.memory_space<semaphore_mem>>)
      %dma_wait3A_429 = arith.constant 0 : i32
      %dma_wait3A_430 = tpu.memref_slice %arg6[%add3A_10, %dma_wait3A_429] : memref<10000x128xf32, #tpu.memory_space<vmem_shared>> -> memref<64x128xf32, #tpu.memory_space<vmem_shared>>
      %dma_wait3A_431 = arith.constant 0 : i32
      %dma_wait3A_432 = tpu.memref_slice %arg6[%add3A_10, %dma_wait3A_431] : memref<10000x128xf32, #tpu.memory_space<vmem_shared>> -> memref<64x128xf32, #tpu.memory_space<vmem_shared>>
      tpu.wait_dma2 semaphore(%run_scoped3A : memref<!tpu.dma_semaphore, #tpu.memory_space<semaphore_mem>>) src(%arg10 : memref<64x128xf32, #tpu.memory_space<vmem>>) dst(%dma_wait3A_432 : memref<64x128xf32, #tpu.memory_space<vmem_shared>>)
      tpu.yield
    }) : () -> ()
    %add3A_11 = arith.constant 128 : i32
    %add3A_12 = arith.addi %mul3A_2, %add3A_11 : i32
    "tpu.region"() ({
      %run_scoped3A = tpu.sem_alloc : memref<!tpu.dma_semaphore, #tpu.memory_space<semaphore_mem>>
      %dma_start3A_425 = arith.constant 0 : i32
      %dma_start3A_426 = tpu.memref_slice %arg6[%add3A_12, %dma_start3A_425] : memref<10000x128xf32, #tpu.memory_space<vmem_shared>> -> memref<64x128xf32, #tpu.memory_space<vmem_shared>>
      %dma_start3A_427 = arith.constant 0 : i32
      %dma_start3A_428 = tpu.memref_slice %arg6[%add3A_12, %dma_start3A_427] : memref<10000x128xf32, #tpu.memory_space<vmem_shared>> -> memref<64x128xf32, #tpu.memory_space<vmem_shared>>
      tpu.enqueue_dma source(%arg10 : memref<64x128xf32, #tpu.memory_space<vmem>>) target(%dma_start3A_428 : memref<64x128xf32, #tpu.memory_space<vmem_shared>>) target_semaphore(%run_scoped3A : memref<!tpu.dma_semaphore, #tpu.memory_space<semaphore_mem>>)
      %dma_wait3A_429 = arith.constant 0 : i32
      %dma_wait3A_430 = tpu.memref_slice %arg6[%add3A_12, %dma_wait3A_429] : memref<10000x128xf32, #tpu.memory_space<vmem_shared>> -> memref<64x128xf32, #tpu.memory_space<vmem_shared>>
      %dma_wait3A_431 = arith.constant 0 : i32
      %dma_wait3A_432 = tpu.memref_slice %arg6[%add3A_12, %dma_wait3A_431] : memref<10000x128xf32, #tpu.memory_space<vmem_shared>> -> memref<64x128xf32, #tpu.memory_space<vmem_shared>>
      tpu.wait_dma2 semaphore(%run_scoped3A : memref<!tpu.dma_semaphore, #tpu.memory_space<semaphore_mem>>) src(%arg10 : memref<64x128xf32, #tpu.memory_space<vmem>>) dst(%dma_wait3A_432 : memref<64x128xf32, #tpu.memory_space<vmem_shared>>)
      tpu.yield
    }) : () -> ()
    %add3A_13 = arith.constant 192 : i32
    %add3A_14 = arith.addi %mul3A_2, %add3A_13 : i32
    "tpu.region"() ({
      %run_scoped3A = tpu.sem_alloc : memref<!tpu.dma_semaphore, #tpu.memory_space<semaphore_mem>>
      %dma_start3A_425 = arith.constant 0 : i32
      %dma_start3A_426 = tpu.memref_slice %arg6[%add3A_14, %dma_start3A_425] : memref<10000x128xf32, #tpu.memory_space<vmem_shared>> -> memref<64x128xf32, #tpu.memory_space<vmem_shared>>
      %dma_start3A_427 = arith.constant 0 : i32
      %dma_start3A_428 = tpu.memref_slice %arg6[%add3A_14, %dma_start3A_427] : memref<10000x128xf32, #tpu.memory_space<vmem_shared>> -> memref<64x128xf32, #tpu.memory_space<vmem_shared>>
      tpu.enqueue_dma source(%arg10 : memref<64x128xf32, #tpu.memory_space<vmem>>) target(%dma_start3A_428 : memref<64x128xf32, #tpu.memory_space<vmem_shared>>) target_semaphore(%run_scoped3A : memref<!tpu.dma_semaphore, #tpu.memory_space<semaphore_mem>>)
      %dma_wait3A_429 = arith.constant 0 : i32
      %dma_wait3A_430 = tpu.memref_slice %arg6[%add3A_14, %dma_wait3A_429] : memref<10000x128xf32, #tpu.memory_space<vmem_shared>> -> memref<64x128xf32, #tpu.memory_space<vmem_shared>>
      %dma_wait3A_431 = arith.constant 0 : i32
      %dma_wait3A_432 = tpu.memref_slice %arg6[%add3A_14, %dma_wait3A_431] : memref<10000x128xf32, #tpu.memory_space<vmem_shared>> -> memref<64x128xf32, #tpu.memory_space<vmem_shared>>
      tpu.wait_dma2 semaphore(%run_scoped3A : memref<!tpu.dma_semaphore, #tpu.memory_space<semaphore_mem>>) src(%arg10 : memref<64x128xf32, #tpu.memory_space<vmem>>) dst(%dma_wait3A_432 : memref<64x128xf32, #tpu.memory_space<vmem_shared>>)
      tpu.yield
    }) : () -> ()
    %add3A_15 = arith.constant 256 : i32
    %add3A_16 = arith.addi %mul3A_2, %add3A_15 : i32
    "tpu.region"() ({
      %run_scoped3A = tpu.sem_alloc : memref<!tpu.dma_semaphore, #tpu.memory_space<semaphore_mem>>
      %dma_start3A_425 = arith.constant 0 : i32
      %dma_start3A_426 = tpu.memref_slice %arg6[%add3A_16, %dma_start3A_425] : memref<10000x128xf32, #tpu.memory_space<vmem_shared>> -> memref<64x128xf32, #tpu.memory_space<vmem_shared>>
      %dma_start3A_427 = arith.constant 0 : i32
      %dma_start3A_428 = tpu.memref_slice %arg6[%add3A_16, %dma_start3A_427] : memref<10000x128xf32, #tpu.memory_space<vmem_shared>> -> memref<64x128xf32, #tpu.memory_space<vmem_shared>>
      tpu.enqueue_dma source(%arg10 : memref<64x128xf32, #tpu.memory_space<vmem>>) target(%dma_start3A_428 : memref<64x128xf32, #tpu.memory_space<vmem_shared>>) target_semaphore(%run_scoped3A : memref<!tpu.dma_semaphore, #tpu.memory_space<semaphore_mem>>)
      %dma_wait3A_429 = arith.constant 0 : i32
      %dma_wait3A_430 = tpu.memref_slice %arg6[%add3A_16, %dma_wait3A_429] : memref<10000x128xf32, #tpu.memory_space<vmem_shared>> -> memref<64x128xf32, #tpu.memory_space<vmem_shared>>
      %dma_wait3A_431 = arith.constant 0 : i32
      %dma_wait3A_432 = tpu.memref_slice %arg6[%add3A_16, %dma_wait3A_431] : memref<10000x128xf32, #tpu.memory_space<vmem_shared>> -> memref<64x128xf32, #tpu.memory_space<vmem_shared>>
      tpu.wait_dma2 semaphore(%run_scoped3A : memref<!tpu.dma_semaphore, #tpu.memory_space<semaphore_mem>>) src(%arg10 : memref<64x128xf32, #tpu.memory_space<vmem>>) dst(%dma_wait3A_432 : memref<64x128xf32, #tpu.memory_space<vmem_shared>>)
      tpu.yield
    }) : () -> ()
    %add3A_17 = arith.constant 320 : i32
    %add3A_18 = arith.addi %mul3A_2, %add3A_17 : i32
    "tpu.region"() ({
      %run_scoped3A = tpu.sem_alloc : memref<!tpu.dma_semaphore, #tpu.memory_space<semaphore_mem>>
      %dma_start3A_425 = arith.constant 0 : i32
      %dma_start3A_426 = tpu.memref_slice %arg6[%add3A_18, %dma_start3A_425] : memref<10000x128xf32, #tpu.memory_space<vmem_shared>> -> memref<64x128xf32, #tpu.memory_space<vmem_shared>>
      %dma_start3A_427 = arith.constant 0 : i32
      %dma_start3A_428 = tpu.memref_slice %arg6[%add3A_18, %dma_start3A_427] : memref<10000x128xf32, #tpu.memory_space<vmem_shared>> -> memref<64x128xf32, #tpu.memory_space<vmem_shared>>
      tpu.enqueue_dma source(%arg10 : memref<64x128xf32, #tpu.memory_space<vmem>>) target(%dma_start3A_428 : memref<64x128xf32, #tpu.memory_space<vmem_shared>>) target_semaphore(%run_scoped3A : memref<!tpu.dma_semaphore, #tpu.memory_space<semaphore_mem>>)
      %dma_wait3A_429 = arith.constant 0 : i32
      %dma_wait3A_430 = tpu.memref_slice %arg6[%add3A_18, %dma_wait3A_429] : memref<10000x128xf32, #tpu.memory_space<vmem_shared>> -> memref<64x128xf32, #tpu.memory_space<vmem_shared>>
      %dma_wait3A_431 = arith.constant 0 : i32
      %dma_wait3A_432 = tpu.memref_slice %arg6[%add3A_18, %dma_wait3A_431] : memref<10000x128xf32, #tpu.memory_space<vmem_shared>> -> memref<64x128xf32, #tpu.memory_space<vmem_shared>>
      tpu.wait_dma2 semaphore(%run_scoped3A : memref<!tpu.dma_semaphore, #tpu.memory_space<semaphore_mem>>) src(%arg10 : memref<64x128xf32, #tpu.memory_space<vmem>>) dst(%dma_wait3A_432 : memref<64x128xf32, #tpu.memory_space<vmem_shared>>)
      tpu.yield
    }) : () -> ()
    %add3A_19 = arith.constant 384 : i32
    %add3A_20 = arith.addi %mul3A_2, %add3A_19 : i32
    "tpu.region"() ({
      %run_scoped3A = tpu.sem_alloc : memref<!tpu.dma_semaphore, #tpu.memory_space<semaphore_mem>>
      %dma_start3A_425 = arith.constant 0 : i32
      %dma_start3A_426 = tpu.memref_slice %arg6[%add3A_20, %dma_start3A_425] : memref<10000x128xf32, #tpu.memory_space<vmem_shared>> -> memref<64x128xf32, #tpu.memory_space<vmem_shared>>
      %dma_start3A_427 = arith.constant 0 : i32
      %dma_start3A_428 = tpu.memref_slice %arg6[%add3A_20, %dma_start3A_427] : memref<10000x128xf32, #tpu.memory_space<vmem_shared>> -> memref<64x128xf32, #tpu.memory_space<vmem_shared>>
      tpu.enqueue_dma source(%arg10 : memref<64x128xf32, #tpu.memory_space<vmem>>) target(%dma_start3A_428 : memref<64x128xf32, #tpu.memory_space<vmem_shared>>) target_semaphore(%run_scoped3A : memref<!tpu.dma_semaphore, #tpu.memory_space<semaphore_mem>>)
      %dma_wait3A_429 = arith.constant 0 : i32
      %dma_wait3A_430 = tpu.memref_slice %arg6[%add3A_20, %dma_wait3A_429] : memref<10000x128xf32, #tpu.memory_space<vmem_shared>> -> memref<64x128xf32, #tpu.memory_space<vmem_shared>>
      %dma_wait3A_431 = arith.constant 0 : i32
      %dma_wait3A_432 = tpu.memref_slice %arg6[%add3A_20, %dma_wait3A_431] : memref<10000x128xf32, #tpu.memory_space<vmem_shared>> -> memref<64x128xf32, #tpu.memory_space<vmem_shared>>
      tpu.wait_dma2 semaphore(%run_scoped3A : memref<!tpu.dma_semaphore, #tpu.memory_space<semaphore_mem>>) src(%arg10 : memref<64x128xf32, #tpu.memory_space<vmem>>) dst(%dma_wait3A_432 : memref<64x128xf32, #tpu.memory_space<vmem_shared>>)
      tpu.yield
    }) : () -> ()
    %add3A_21 = arith.constant 448 : i32
    %add3A_22 = arith.addi %mul3A_2, %add3A_21 : i32
    "tpu.region"() ({
      %run_scoped3A = tpu.sem_alloc : memref<!tpu.dma_semaphore, #tpu.memory_space<semaphore_mem>>
      %dma_start3A_425 = arith.constant 0 : i32
      %dma_start3A_426 = tpu.memref_slice %arg6[%add3A_22, %dma_start3A_425] : memref<10000x128xf32, #tpu.memory_space<vmem_shared>> -> memref<64x128xf32, #tpu.memory_space<vmem_shared>>
      %dma_start3A_427 = arith.constant 0 : i32
      %dma_start3A_428 = tpu.memref_slice %arg6[%add3A_22, %dma_start3A_427] : memref<10000x128xf32, #tpu.memory_space<vmem_shared>> -> memref<64x128xf32, #tpu.memory_space<vmem_shared>>
      tpu.enqueue_dma source(%arg10 : memref<64x128xf32, #tpu.memory_space<vmem>>) target(%dma_start3A_428 : memref<64x128xf32, #tpu.memory_space<vmem_shared>>) target_semaphore(%run_scoped3A : memref<!tpu.dma_semaphore, #tpu.memory_space<semaphore_mem>>)
      %dma_wait3A_429 = arith.constant 0 : i32
      %dma_wait3A_430 = tpu.memref_slice %arg6[%add3A_22, %dma_wait3A_429] : memref<10000x128xf32, #tpu.memory_space<vmem_shared>> -> memref<64x128xf32, #tpu.memory_space<vmem_shared>>
      %dma_wait3A_431 = arith.constant 0 : i32
      %dma_wait3A_432 = tpu.memref_slice %arg6[%add3A_22, %dma_wait3A_431] : memref<10000x128xf32, #tpu.memory_space<vmem_shared>> -> memref<64x128xf32, #tpu.memory_space<vmem_shared>>
      tpu.wait_dma2 semaphore(%run_scoped3A : memref<!tpu.dma_semaphore, #tpu.memory_space<semaphore_mem>>) src(%arg10 : memref<64x128xf32, #tpu.memory_space<vmem>>) dst(%dma_wait3A_432 : memref<64x128xf32, #tpu.memory_space<vmem_shared>>)
      tpu.yield
    }) : () -> ()
    %add3A_23 = arith.constant 512 : i32
    %add3A_24 = arith.addi %mul3A_2, %add3A_23 : i32
    "tpu.region"() ({
      %run_scoped3A = tpu.sem_alloc : memref<!tpu.dma_semaphore, #tpu.memory_space<semaphore_mem>>
      %dma_start3A_425 = arith.constant 0 : i32
      %dma_start3A_426 = tpu.memref_slice %arg6[%add3A_24, %dma_start3A_425] : memref<10000x128xf32, #tpu.memory_space<vmem_shared>> -> memref<64x128xf32, #tpu.memory_space<vmem_shared>>
      %dma_start3A_427 = arith.constant 0 : i32
      %dma_start3A_428 = tpu.memref_slice %arg6[%add3A_24, %dma_start3A_427] : memref<10000x128xf32, #tpu.memory_space<vmem_shared>> -> memref<64x128xf32, #tpu.memory_space<vmem_shared>>
      tpu.enqueue_dma source(%arg10 : memref<64x128xf32, #tpu.memory_space<vmem>>) target(%dma_start3A_428 : memref<64x128xf32, #tpu.memory_space<vmem_shared>>) target_semaphore(%run_scoped3A : memref<!tpu.dma_semaphore, #tpu.memory_space<semaphore_mem>>)
      %dma_wait3A_429 = arith.constant 0 : i32
      %dma_wait3A_430 = tpu.memref_slice %arg6[%add3A_24, %dma_wait3A_429] : memref<10000x128xf32, #tpu.memory_space<vmem_shared>> -> memref<64x128xf32, #tpu.memory_space<vmem_shared>>
      %dma_wait3A_431 = arith.constant 0 : i32
      %dma_wait3A_432 = tpu.memref_slice %arg6[%add3A_24, %dma_wait3A_431] : memref<10000x128xf32, #tpu.memory_space<vmem_shared>> -> memref<64x128xf32, #tpu.memory_space<vmem_shared>>
      tpu.wait_dma2 semaphore(%run_scoped3A : memref<!tpu.dma_semaphore, #tpu.memory_space<semaphore_mem>>) src(%arg10 : memref<64x128xf32, #tpu.memory_space<vmem>>) dst(%dma_wait3A_432 : memref<64x128xf32, #tpu.memory_space<vmem_shared>>)
      tpu.yield
    }) : () -> ()
    %add3A_25 = arith.constant 576 : i32
    %add3A_26 = arith.addi %mul3A_2, %add3A_25 : i32
    "tpu.region"() ({
      %run_scoped3A = tpu.sem_alloc : memref<!tpu.dma_semaphore, #tpu.memory_space<semaphore_mem>>
      %dma_start3A_425 = arith.constant 0 : i32
      %dma_start3A_426 = arith.constant 0 : i32
      %dma_start3A_427 = tpu.memref_slice %arg10[%dma_start3A_425, %dma_start3A_426] : memref<64x128xf32, #tpu.memory_space<vmem>> -> memref<48x128xf32, #tpu.memory_space<vmem>>
      %dma_start3A_428 = arith.constant 0 : i32
      %dma_start3A_429 = tpu.memref_slice %arg6[%add3A_26, %dma_start3A_428] : memref<10000x128xf32, #tpu.memory_space<vmem_shared>> -> memref<48x128xf32, #tpu.memory_space<vmem_shared>>
      %dma_start3A_430 = arith.constant 0 : i32
      %dma_start3A_431 = tpu.memref_slice %arg6[%add3A_26, %dma_start3A_430] : memref<10000x128xf32, #tpu.memory_space<vmem_shared>> -> memref<48x128xf32, #tpu.memory_space<vmem_shared>>
      %dma_start3A_432 = arith.constant 0 : i32
      %dma_start3A_433 = arith.constant 0 : i32
      %dma_start3A_434 = tpu.memref_slice %arg10[%dma_start3A_432, %dma_start3A_433] : memref<64x128xf32, #tpu.memory_space<vmem>> -> memref<48x128xf32, #tpu.memory_space<vmem>>
      tpu.enqueue_dma source(%dma_start3A_434 : memref<48x128xf32, #tpu.memory_space<vmem>>) target(%dma_start3A_431 : memref<48x128xf32, #tpu.memory_space<vmem_shared>>) target_semaphore(%run_scoped3A : memref<!tpu.dma_semaphore, #tpu.memory_space<semaphore_mem>>)
      %dma_wait3A_435 = arith.constant 0 : i32
      %dma_wait3A_436 = arith.constant 0 : i32
      %dma_wait3A_437 = tpu.memref_slice %arg10[%dma_wait3A_435, %dma_wait3A_436] : memref<64x128xf32, #tpu.memory_space<vmem>> -> memref<48x128xf32, #tpu.memory_space<vmem>>
      %dma_wait3A_438 = arith.constant 0 : i32
      %dma_wait3A_439 = tpu.memref_slice %arg6[%add3A_26, %dma_wait3A_438] : memref<10000x128xf32, #tpu.memory_space<vmem_shared>> -> memref<48x128xf32, #tpu.memory_space<vmem_shared>>
      %dma_wait3A_440 = arith.constant 0 : i32
      %dma_wait3A_441 = tpu.memref_slice %arg6[%add3A_26, %dma_wait3A_440] : memref<10000x128xf32, #tpu.memory_space<vmem_shared>> -> memref<48x128xf32, #tpu.memory_space<vmem_shared>>
      %dma_wait3A_442 = arith.constant 0 : i32
      %dma_wait3A_443 = arith.constant 0 : i32
      %dma_wait3A_444 = tpu.memref_slice %arg10[%dma_wait3A_442, %dma_wait3A_443] : memref<64x128xf32, #tpu.memory_space<vmem>> -> memref<48x128xf32, #tpu.memory_space<vmem>>
      tpu.wait_dma2 semaphore(%run_scoped3A : memref<!tpu.dma_semaphore, #tpu.memory_space<semaphore_mem>>) src(%dma_wait3A_444 : memref<48x128xf32, #tpu.memory_space<vmem>>) dst(%dma_wait3A_441 : memref<48x128xf32, #tpu.memory_space<vmem_shared>>)
      tpu.yield
    }) : () -> ()
    %eq3A = arith.constant 15 : i32
    %eq3A_27 = arith.cmpi eq, %arg1, %eq3A : i32
    %convert_element_type3A = arith.extui %eq3A_27 : i1 to i32
    %cond3A = arith.constant 0 : i32
    %cond3A_28 = arith.cmpi ne, %convert_element_type3A, %cond3A : i32
    scf.if %cond3A_28 {
      "tpu.region"() ({
        %run_scoped3A = tpu.sem_alloc : memref<!tpu.dma_semaphore, #tpu.memory_space<semaphore_mem>>
        %dma_start3A_425 = arith.constant 0 : i32
        %dma_start3A_426 = arith.constant 0 : i32
        %dma_start3A_427 = tpu.memref_slice %arg10[%dma_start3A_425, %dma_start3A_426] : memref<64x128xf32, #tpu.memory_space<vmem>> -> memref<16x128xf32, #tpu.memory_space<vmem>>
        %dma_start3A_428 = arith.constant 9984 : i32
        %dma_start3A_429 = arith.constant 0 : i32
        %dma_start3A_430 = tpu.memref_slice %arg6[%dma_start3A_428, %dma_start3A_429] : memref<10000x128xf32, #tpu.memory_space<vmem_shared>> -> memref<16x128xf32, #tpu.memory_space<vmem_shared>>
        %dma_start3A_431 = arith.constant 9984 : i32
        %dma_start3A_432 = arith.constant 0 : i32
        %dma_start3A_433 = tpu.memref_slice %arg6[%dma_start3A_431, %dma_start3A_432] : memref<10000x128xf32, #tpu.memory_space<vmem_shared>> -> memref<16x128xf32, #tpu.memory_space<vmem_shared>>
        %dma_start3A_434 = arith.constant 0 : i32
        %dma_start3A_435 = arith.constant 0 : i32
        %dma_start3A_436 = tpu.memref_slice %arg10[%dma_start3A_434, %dma_start3A_435] : memref<64x128xf32, #tpu.memory_space<vmem>> -> memref<16x128xf32, #tpu.memory_space<vmem>>
        tpu.enqueue_dma source(%dma_start3A_436 : memref<16x128xf32, #tpu.memory_space<vmem>>) target(%dma_start3A_433 : memref<16x128xf32, #tpu.memory_space<vmem_shared>>) target_semaphore(%run_scoped3A : memref<!tpu.dma_semaphore, #tpu.memory_space<semaphore_mem>>)
        %dma_wait3A_437 = arith.constant 0 : i32
        %dma_wait3A_438 = arith.constant 0 : i32
        %dma_wait3A_439 = tpu.memref_slice %arg10[%dma_wait3A_437, %dma_wait3A_438] : memref<64x128xf32, #tpu.memory_space<vmem>> -> memref<16x128xf32, #tpu.memory_space<vmem>>
        %dma_wait3A_440 = arith.constant 9984 : i32
        %dma_wait3A_441 = arith.constant 0 : i32
        %dma_wait3A_442 = tpu.memref_slice %arg6[%dma_wait3A_440, %dma_wait3A_441] : memref<10000x128xf32, #tpu.memory_space<vmem_shared>> -> memref<16x128xf32, #tpu.memory_space<vmem_shared>>
        %dma_wait3A_443 = arith.constant 9984 : i32
        %dma_wait3A_444 = arith.constant 0 : i32
        %dma_wait3A_445 = tpu.memref_slice %arg6[%dma_wait3A_443, %dma_wait3A_444] : memref<10000x128xf32, #tpu.memory_space<vmem_shared>> -> memref<16x128xf32, #tpu.memory_space<vmem_shared>>
        %dma_wait3A_446 = arith.constant 0 : i32
        %dma_wait3A_447 = arith.constant 0 : i32
        %dma_wait3A_448 = tpu.memref_slice %arg10[%dma_wait3A_446, %dma_wait3A_447] : memref<64x128xf32, #tpu.memory_space<vmem>> -> memref<16x128xf32, #tpu.memory_space<vmem>>
        tpu.wait_dma2 semaphore(%run_scoped3A : memref<!tpu.dma_semaphore, #tpu.memory_space<semaphore_mem>>) src(%dma_wait3A_448 : memref<16x128xf32, #tpu.memory_space<vmem>>) dst(%dma_wait3A_445 : memref<16x128xf32, #tpu.memory_space<vmem_shared>>)
        tpu.yield
      }) : () -> ()
    } else {
    }
    %barrier3A = arith.constant 0 : index
    tpu.barrier barrier_id(%barrier3A)
    %dma_start3A = arith.constant 0 : i32
    %dma_start3A_29 = arith.constant 0 : i32
    %dma_start3A_30 = arith.constant 0 : i32
    %dma_start3A_31 = tpu.memref_slice %arg7[%dma_start3A_29, %dma_start3A_30] : memref<8x50xi32, #tpu.memory_space<vmem>> -> memref<1x50xi32, #tpu.memory_space<vmem>>
    %dma_start3A_32 = tpu.memref_squeeze %dma_start3A_31 : memref<1x50xi32, #tpu.memory_space<vmem>> -> memref<50xi32, #tpu.memory_space<vmem>>
    %dma_start3A_33 = arith.constant 0 : i32
    %dma_start3A_34 = tpu.memref_slice %arg3[%add3A, %dma_start3A, %dma_start3A_33] : memref<32x200x50xi32, #tpu.memory_space<hbm>> -> memref<1x1x50xi32, #tpu.memory_space<hbm>>
    %dma_start3A_35 = tpu.memref_squeeze %dma_start3A_34 : memref<1x1x50xi32, #tpu.memory_space<hbm>> -> memref<50xi32, #tpu.memory_space<hbm>>
    %dma_start3A_36 = arith.constant 0 : i32
    %dma_start3A_37 = tpu.memref_slice %arg7[%dma_start3A_29, %dma_start3A_36] : memref<8x50xi32, #tpu.memory_space<vmem>> -> memref<1x50xi32, #tpu.memory_space<vmem>>
    %dma_start3A_38 = tpu.memref_squeeze %dma_start3A_37 : memref<1x50xi32, #tpu.memory_space<vmem>> -> memref<50xi32, #tpu.memory_space<vmem>>
    %dma_start3A_39 = arith.constant 0 : i32
    %dma_start3A_40 = tpu.memref_slice %arg3[%add3A, %dma_start3A, %dma_start3A_39] : memref<32x200x50xi32, #tpu.memory_space<hbm>> -> memref<1x1x50xi32, #tpu.memory_space<hbm>>
    %dma_start3A_41 = tpu.memref_squeeze %dma_start3A_40 : memref<1x1x50xi32, #tpu.memory_space<hbm>> -> memref<50xi32, #tpu.memory_space<hbm>>
    tpu.enqueue_dma source(%dma_start3A_41 : memref<50xi32, #tpu.memory_space<hbm>>) target(%dma_start3A_38 : memref<50xi32, #tpu.memory_space<vmem>>) target_semaphore(%arg11 : memref<!tpu.dma_semaphore, #tpu.memory_space<semaphore_mem>>)
    %dma_start3A_42 = arith.constant 0 : i32
    %dma_start3A_43 = arith.constant 0 : i32
    %dma_start3A_44 = arith.constant 0 : i32
    %dma_start3A_45 = tpu.memref_slice %arg8[%dma_start3A_43, %dma_start3A_44] : memref<8x50xi32, #tpu.memory_space<vmem>> -> memref<1x50xi32, #tpu.memory_space<vmem>>
    %dma_start3A_46 = tpu.memref_squeeze %dma_start3A_45 : memref<1x50xi32, #tpu.memory_space<vmem>> -> memref<50xi32, #tpu.memory_space<vmem>>
    %dma_start3A_47 = arith.constant 0 : i32
    %dma_start3A_48 = tpu.memref_slice %arg4[%add3A, %dma_start3A_42, %dma_start3A_47] : memref<32x200x50xi32, #tpu.memory_space<hbm>> -> memref<1x1x50xi32, #tpu.memory_space<hbm>>
    %dma_start3A_49 = tpu.memref_squeeze %dma_start3A_48 : memref<1x1x50xi32, #tpu.memory_space<hbm>> -> memref<50xi32, #tpu.memory_space<hbm>>
    %dma_start3A_50 = arith.constant 0 : i32
    %dma_start3A_51 = tpu.memref_slice %arg8[%dma_start3A_43, %dma_start3A_50] : memref<8x50xi32, #tpu.memory_space<vmem>> -> memref<1x50xi32, #tpu.memory_space<vmem>>
    %dma_start3A_52 = tpu.memref_squeeze %dma_start3A_51 : memref<1x50xi32, #tpu.memory_space<vmem>> -> memref<50xi32, #tpu.memory_space<vmem>>
    %dma_start3A_53 = arith.constant 0 : i32
    %dma_start3A_54 = tpu.memref_slice %arg4[%add3A, %dma_start3A_42, %dma_start3A_53] : memref<32x200x50xi32, #tpu.memory_space<hbm>> -> memref<1x1x50xi32, #tpu.memory_space<hbm>>
    %dma_start3A_55 = tpu.memref_squeeze %dma_start3A_54 : memref<1x1x50xi32, #tpu.memory_space<hbm>> -> memref<50xi32, #tpu.memory_space<hbm>>
    tpu.enqueue_dma source(%dma_start3A_55 : memref<50xi32, #tpu.memory_space<hbm>>) target(%dma_start3A_52 : memref<50xi32, #tpu.memory_space<vmem>>) target_semaphore(%arg11 : memref<!tpu.dma_semaphore, #tpu.memory_space<semaphore_mem>>)
    %dma_start3A_56 = arith.constant 1 : i32
    %dma_start3A_57 = arith.constant 1 : i32
    %dma_start3A_58 = arith.constant 0 : i32
    %dma_start3A_59 = tpu.memref_slice %arg7[%dma_start3A_57, %dma_start3A_58] : memref<8x50xi32, #tpu.memory_space<vmem>> -> memref<1x50xi32, #tpu.memory_space<vmem>>
    %dma_start3A_60 = tpu.memref_squeeze %dma_start3A_59 : memref<1x50xi32, #tpu.memory_space<vmem>> -> memref<50xi32, #tpu.memory_space<vmem>>
    %dma_start3A_61 = arith.constant 0 : i32
    %dma_start3A_62 = tpu.memref_slice %arg3[%add3A, %dma_start3A_56, %dma_start3A_61] : memref<32x200x50xi32, #tpu.memory_space<hbm>> -> memref<1x1x50xi32, #tpu.memory_space<hbm>>
    %dma_start3A_63 = tpu.memref_squeeze %dma_start3A_62 : memref<1x1x50xi32, #tpu.memory_space<hbm>> -> memref<50xi32, #tpu.memory_space<hbm>>
    %dma_start3A_64 = arith.constant 0 : i32
    %dma_start3A_65 = tpu.memref_slice %arg7[%dma_start3A_57, %dma_start3A_64] : memref<8x50xi32, #tpu.memory_space<vmem>> -> memref<1x50xi32, #tpu.memory_space<vmem>>
    %dma_start3A_66 = tpu.memref_squeeze %dma_start3A_65 : memref<1x50xi32, #tpu.memory_space<vmem>> -> memref<50xi32, #tpu.memory_space<vmem>>
    %dma_start3A_67 = arith.constant 0 : i32
    %dma_start3A_68 = tpu.memref_slice %arg3[%add3A, %dma_start3A_56, %dma_start3A_67] : memref<32x200x50xi32, #tpu.memory_space<hbm>> -> memref<1x1x50xi32, #tpu.memory_space<hbm>>
    %dma_start3A_69 = tpu.memref_squeeze %dma_start3A_68 : memref<1x1x50xi32, #tpu.memory_space<hbm>> -> memref<50xi32, #tpu.memory_space<hbm>>
    tpu.enqueue_dma source(%dma_start3A_69 : memref<50xi32, #tpu.memory_space<hbm>>) target(%dma_start3A_66 : memref<50xi32, #tpu.memory_space<vmem>>) target_semaphore(%arg12 : memref<!tpu.dma_semaphore, #tpu.memory_space<semaphore_mem>>)
    %dma_start3A_70 = arith.constant 1 : i32
    %dma_start3A_71 = arith.constant 1 : i32
    %dma_start3A_72 = arith.constant 0 : i32
    %dma_start3A_73 = tpu.memref_slice %arg8[%dma_start3A_71, %dma_start3A_72] : memref<8x50xi32, #tpu.memory_space<vmem>> -> memref<1x50xi32, #tpu.memory_space<vmem>>
    %dma_start3A_74 = tpu.memref_squeeze %dma_start3A_73 : memref<1x50xi32, #tpu.memory_space<vmem>> -> memref<50xi32, #tpu.memory_space<vmem>>
    %dma_start3A_75 = arith.constant 0 : i32
    %dma_start3A_76 = tpu.memref_slice %arg4[%add3A, %dma_start3A_70, %dma_start3A_75] : memref<32x200x50xi32, #tpu.memory_space<hbm>> -> memref<1x1x50xi32, #tpu.memory_space<hbm>>
    %dma_start3A_77 = tpu.memref_squeeze %dma_start3A_76 : memref<1x1x50xi32, #tpu.memory_space<hbm>> -> memref<50xi32, #tpu.memory_space<hbm>>
    %dma_start3A_78 = arith.constant 0 : i32
    %dma_start3A_79 = tpu.memref_slice %arg8[%dma_start3A_71, %dma_start3A_78] : memref<8x50xi32, #tpu.memory_space<vmem>> -> memref<1x50xi32, #tpu.memory_space<vmem>>
    %dma_start3A_80 = tpu.memref_squeeze %dma_start3A_79 : memref<1x50xi32, #tpu.memory_space<vmem>> -> memref<50xi32, #tpu.memory_space<vmem>>
    %dma_start3A_81 = arith.constant 0 : i32
    %dma_start3A_82 = tpu.memref_slice %arg4[%add3A, %dma_start3A_70, %dma_start3A_81] : memref<32x200x50xi32, #tpu.memory_space<hbm>> -> memref<1x1x50xi32, #tpu.memory_space<hbm>>
    %dma_start3A_83 = tpu.memref_squeeze %dma_start3A_82 : memref<1x1x50xi32, #tpu.memory_space<hbm>> -> memref<50xi32, #tpu.memory_space<hbm>>
    tpu.enqueue_dma source(%dma_start3A_83 : memref<50xi32, #tpu.memory_space<hbm>>) target(%dma_start3A_80 : memref<50xi32, #tpu.memory_space<vmem>>) target_semaphore(%arg12 : memref<!tpu.dma_semaphore, #tpu.memory_space<semaphore_mem>>)
    %dma_start3A_84 = arith.constant 2 : i32
    %dma_start3A_85 = arith.constant 2 : i32
    %dma_start3A_86 = arith.constant 0 : i32
    %dma_start3A_87 = tpu.memref_slice %arg7[%dma_start3A_85, %dma_start3A_86] : memref<8x50xi32, #tpu.memory_space<vmem>> -> memref<1x50xi32, #tpu.memory_space<vmem>>
    %dma_start3A_88 = tpu.memref_squeeze %dma_start3A_87 : memref<1x50xi32, #tpu.memory_space<vmem>> -> memref<50xi32, #tpu.memory_space<vmem>>
    %dma_start3A_89 = arith.constant 0 : i32
    %dma_start3A_90 = tpu.memref_slice %arg3[%add3A, %dma_start3A_84, %dma_start3A_89] : memref<32x200x50xi32, #tpu.memory_space<hbm>> -> memref<1x1x50xi32, #tpu.memory_space<hbm>>
    %dma_start3A_91 = tpu.memref_squeeze %dma_start3A_90 : memref<1x1x50xi32, #tpu.memory_space<hbm>> -> memref<50xi32, #tpu.memory_space<hbm>>
    %dma_start3A_92 = arith.constant 0 : i32
    %dma_start3A_93 = tpu.memref_slice %arg7[%dma_start3A_85, %dma_start3A_92] : memref<8x50xi32, #tpu.memory_space<vmem>> -> memref<1x50xi32, #tpu.memory_space<vmem>>
    %dma_start3A_94 = tpu.memref_squeeze %dma_start3A_93 : memref<1x50xi32, #tpu.memory_space<vmem>> -> memref<50xi32, #tpu.memory_space<vmem>>
    %dma_start3A_95 = arith.constant 0 : i32
    %dma_start3A_96 = tpu.memref_slice %arg3[%add3A, %dma_start3A_84, %dma_start3A_95] : memref<32x200x50xi32, #tpu.memory_space<hbm>> -> memref<1x1x50xi32, #tpu.memory_space<hbm>>
    %dma_start3A_97 = tpu.memref_squeeze %dma_start3A_96 : memref<1x1x50xi32, #tpu.memory_space<hbm>> -> memref<50xi32, #tpu.memory_space<hbm>>
    tpu.enqueue_dma source(%dma_start3A_97 : memref<50xi32, #tpu.memory_space<hbm>>) target(%dma_start3A_94 : memref<50xi32, #tpu.memory_space<vmem>>) target_semaphore(%arg13 : memref<!tpu.dma_semaphore, #tpu.memory_space<semaphore_mem>>)
    %dma_start3A_98 = arith.constant 2 : i32
    %dma_start3A_99 = arith.constant 2 : i32
    %dma_start3A_100 = arith.constant 0 : i32
    %dma_start3A_101 = tpu.memref_slice %arg8[%dma_start3A_99, %dma_start3A_100] : memref<8x50xi32, #tpu.memory_space<vmem>> -> memref<1x50xi32, #tpu.memory_space<vmem>>
    %dma_start3A_102 = tpu.memref_squeeze %dma_start3A_101 : memref<1x50xi32, #tpu.memory_space<vmem>> -> memref<50xi32, #tpu.memory_space<vmem>>
    %dma_start3A_103 = arith.constant 0 : i32
    %dma_start3A_104 = tpu.memref_slice %arg4[%add3A, %dma_start3A_98, %dma_start3A_103] : memref<32x200x50xi32, #tpu.memory_space<hbm>> -> memref<1x1x50xi32, #tpu.memory_space<hbm>>
    %dma_start3A_105 = tpu.memref_squeeze %dma_start3A_104 : memref<1x1x50xi32, #tpu.memory_space<hbm>> -> memref<50xi32, #tpu.memory_space<hbm>>
    %dma_start3A_106 = arith.constant 0 : i32
    %dma_start3A_107 = tpu.memref_slice %arg8[%dma_start3A_99, %dma_start3A_106] : memref<8x50xi32, #tpu.memory_space<vmem>> -> memref<1x50xi32, #tpu.memory_space<vmem>>
    %dma_start3A_108 = tpu.memref_squeeze %dma_start3A_107 : memref<1x50xi32, #tpu.memory_space<vmem>> -> memref<50xi32, #tpu.memory_space<vmem>>
    %dma_start3A_109 = arith.constant 0 : i32
    %dma_start3A_110 = tpu.memref_slice %arg4[%add3A, %dma_start3A_98, %dma_start3A_109] : memref<32x200x50xi32, #tpu.memory_space<hbm>> -> memref<1x1x50xi32, #tpu.memory_space<hbm>>
    %dma_start3A_111 = tpu.memref_squeeze %dma_start3A_110 : memref<1x1x50xi32, #tpu.memory_space<hbm>> -> memref<50xi32, #tpu.memory_space<hbm>>
    tpu.enqueue_dma source(%dma_start3A_111 : memref<50xi32, #tpu.memory_space<hbm>>) target(%dma_start3A_108 : memref<50xi32, #tpu.memory_space<vmem>>) target_semaphore(%arg13 : memref<!tpu.dma_semaphore, #tpu.memory_space<semaphore_mem>>)
    %dma_start3A_112 = arith.constant 3 : i32
    %dma_start3A_113 = arith.constant 3 : i32
    %dma_start3A_114 = arith.constant 0 : i32
    %dma_start3A_115 = tpu.memref_slice %arg7[%dma_start3A_113, %dma_start3A_114] : memref<8x50xi32, #tpu.memory_space<vmem>> -> memref<1x50xi32, #tpu.memory_space<vmem>>
    %dma_start3A_116 = tpu.memref_squeeze %dma_start3A_115 : memref<1x50xi32, #tpu.memory_space<vmem>> -> memref<50xi32, #tpu.memory_space<vmem>>
    %dma_start3A_117 = arith.constant 0 : i32
    %dma_start3A_118 = tpu.memref_slice %arg3[%add3A, %dma_start3A_112, %dma_start3A_117] : memref<32x200x50xi32, #tpu.memory_space<hbm>> -> memref<1x1x50xi32, #tpu.memory_space<hbm>>
    %dma_start3A_119 = tpu.memref_squeeze %dma_start3A_118 : memref<1x1x50xi32, #tpu.memory_space<hbm>> -> memref<50xi32, #tpu.memory_space<hbm>>
    %dma_start3A_120 = arith.constant 0 : i32
    %dma_start3A_121 = tpu.memref_slice %arg7[%dma_start3A_113, %dma_start3A_120] : memref<8x50xi32, #tpu.memory_space<vmem>> -> memref<1x50xi32, #tpu.memory_space<vmem>>
    %dma_start3A_122 = tpu.memref_squeeze %dma_start3A_121 : memref<1x50xi32, #tpu.memory_space<vmem>> -> memref<50xi32, #tpu.memory_space<vmem>>
    %dma_start3A_123 = arith.constant 0 : i32
    %dma_start3A_124 = tpu.memref_slice %arg3[%add3A, %dma_start3A_112, %dma_start3A_123] : memref<32x200x50xi32, #tpu.memory_space<hbm>> -> memref<1x1x50xi32, #tpu.memory_space<hbm>>
    %dma_start3A_125 = tpu.memref_squeeze %dma_start3A_124 : memref<1x1x50xi32, #tpu.memory_space<hbm>> -> memref<50xi32, #tpu.memory_space<hbm>>
    tpu.enqueue_dma source(%dma_start3A_125 : memref<50xi32, #tpu.memory_space<hbm>>) target(%dma_start3A_122 : memref<50xi32, #tpu.memory_space<vmem>>) target_semaphore(%arg14 : memref<!tpu.dma_semaphore, #tpu.memory_space<semaphore_mem>>)
    %dma_start3A_126 = arith.constant 3 : i32
    %dma_start3A_127 = arith.constant 3 : i32
    %dma_start3A_128 = arith.constant 0 : i32
    %dma_start3A_129 = tpu.memref_slice %arg8[%dma_start3A_127, %dma_start3A_128] : memref<8x50xi32, #tpu.memory_space<vmem>> -> memref<1x50xi32, #tpu.memory_space<vmem>>
    %dma_start3A_130 = tpu.memref_squeeze %dma_start3A_129 : memref<1x50xi32, #tpu.memory_space<vmem>> -> memref<50xi32, #tpu.memory_space<vmem>>
    %dma_start3A_131 = arith.constant 0 : i32
    %dma_start3A_132 = tpu.memref_slice %arg4[%add3A, %dma_start3A_126, %dma_start3A_131] : memref<32x200x50xi32, #tpu.memory_space<hbm>> -> memref<1x1x50xi32, #tpu.memory_space<hbm>>
    %dma_start3A_133 = tpu.memref_squeeze %dma_start3A_132 : memref<1x1x50xi32, #tpu.memory_space<hbm>> -> memref<50xi32, #tpu.memory_space<hbm>>
    %dma_start3A_134 = arith.constant 0 : i32
    %dma_start3A_135 = tpu.memref_slice %arg8[%dma_start3A_127, %dma_start3A_134] : memref<8x50xi32, #tpu.memory_space<vmem>> -> memref<1x50xi32, #tpu.memory_space<vmem>>
    %dma_start3A_136 = tpu.memref_squeeze %dma_start3A_135 : memref<1x50xi32, #tpu.memory_space<vmem>> -> memref<50xi32, #tpu.memory_space<vmem>>
    %dma_start3A_137 = arith.constant 0 : i32
    %dma_start3A_138 = tpu.memref_slice %arg4[%add3A, %dma_start3A_126, %dma_start3A_137] : memref<32x200x50xi32, #tpu.memory_space<hbm>> -> memref<1x1x50xi32, #tpu.memory_space<hbm>>
    %dma_start3A_139 = tpu.memref_squeeze %dma_start3A_138 : memref<1x1x50xi32, #tpu.memory_space<hbm>> -> memref<50xi32, #tpu.memory_space<hbm>>
    tpu.enqueue_dma source(%dma_start3A_139 : memref<50xi32, #tpu.memory_space<hbm>>) target(%dma_start3A_136 : memref<50xi32, #tpu.memory_space<vmem>>) target_semaphore(%arg14 : memref<!tpu.dma_semaphore, #tpu.memory_space<semaphore_mem>>)
    %dma_start3A_140 = arith.constant 4 : i32
    %dma_start3A_141 = arith.constant 4 : i32
    %dma_start3A_142 = arith.constant 0 : i32
    %dma_start3A_143 = tpu.memref_slice %arg7[%dma_start3A_141, %dma_start3A_142] : memref<8x50xi32, #tpu.memory_space<vmem>> -> memref<1x50xi32, #tpu.memory_space<vmem>>
    %dma_start3A_144 = tpu.memref_squeeze %dma_start3A_143 : memref<1x50xi32, #tpu.memory_space<vmem>> -> memref<50xi32, #tpu.memory_space<vmem>>
    %dma_start3A_145 = arith.constant 0 : i32
    %dma_start3A_146 = tpu.memref_slice %arg3[%add3A, %dma_start3A_140, %dma_start3A_145] : memref<32x200x50xi32, #tpu.memory_space<hbm>> -> memref<1x1x50xi32, #tpu.memory_space<hbm>>
    %dma_start3A_147 = tpu.memref_squeeze %dma_start3A_146 : memref<1x1x50xi32, #tpu.memory_space<hbm>> -> memref<50xi32, #tpu.memory_space<hbm>>
    %dma_start3A_148 = arith.constant 0 : i32
    %dma_start3A_149 = tpu.memref_slice %arg7[%dma_start3A_141, %dma_start3A_148] : memref<8x50xi32, #tpu.memory_space<vmem>> -> memref<1x50xi32, #tpu.memory_space<vmem>>
    %dma_start3A_150 = tpu.memref_squeeze %dma_start3A_149 : memref<1x50xi32, #tpu.memory_space<vmem>> -> memref<50xi32, #tpu.memory_space<vmem>>
    %dma_start3A_151 = arith.constant 0 : i32
    %dma_start3A_152 = tpu.memref_slice %arg3[%add3A, %dma_start3A_140, %dma_start3A_151] : memref<32x200x50xi32, #tpu.memory_space<hbm>> -> memref<1x1x50xi32, #tpu.memory_space<hbm>>
    %dma_start3A_153 = tpu.memref_squeeze %dma_start3A_152 : memref<1x1x50xi32, #tpu.memory_space<hbm>> -> memref<50xi32, #tpu.memory_space<hbm>>
    tpu.enqueue_dma source(%dma_start3A_153 : memref<50xi32, #tpu.memory_space<hbm>>) target(%dma_start3A_150 : memref<50xi32, #tpu.memory_space<vmem>>) target_semaphore(%arg15 : memref<!tpu.dma_semaphore, #tpu.memory_space<semaphore_mem>>)
    %dma_start3A_154 = arith.constant 4 : i32
    %dma_start3A_155 = arith.constant 4 : i32
    %dma_start3A_156 = arith.constant 0 : i32
    %dma_start3A_157 = tpu.memref_slice %arg8[%dma_start3A_155, %dma_start3A_156] : memref<8x50xi32, #tpu.memory_space<vmem>> -> memref<1x50xi32, #tpu.memory_space<vmem>>
    %dma_start3A_158 = tpu.memref_squeeze %dma_start3A_157 : memref<1x50xi32, #tpu.memory_space<vmem>> -> memref<50xi32, #tpu.memory_space<vmem>>
    %dma_start3A_159 = arith.constant 0 : i32
    %dma_start3A_160 = tpu.memref_slice %arg4[%add3A, %dma_start3A_154, %dma_start3A_159] : memref<32x200x50xi32, #tpu.memory_space<hbm>> -> memref<1x1x50xi32, #tpu.memory_space<hbm>>
    %dma_start3A_161 = tpu.memref_squeeze %dma_start3A_160 : memref<1x1x50xi32, #tpu.memory_space<hbm>> -> memref<50xi32, #tpu.memory_space<hbm>>
    %dma_start3A_162 = arith.constant 0 : i32
    %dma_start3A_163 = tpu.memref_slice %arg8[%dma_start3A_155, %dma_start3A_162] : memref<8x50xi32, #tpu.memory_space<vmem>> -> memref<1x50xi32, #tpu.memory_space<vmem>>
    %dma_start3A_164 = tpu.memref_squeeze %dma_start3A_163 : memref<1x50xi32, #tpu.memory_space<vmem>> -> memref<50xi32, #tpu.memory_space<vmem>>
    %dma_start3A_165 = arith.constant 0 : i32
    %dma_start3A_166 = tpu.memref_slice %arg4[%add3A, %dma_start3A_154, %dma_start3A_165] : memref<32x200x50xi32, #tpu.memory_space<hbm>> -> memref<1x1x50xi32, #tpu.memory_space<hbm>>
    %dma_start3A_167 = tpu.memref_squeeze %dma_start3A_166 : memref<1x1x50xi32, #tpu.memory_space<hbm>> -> memref<50xi32, #tpu.memory_space<hbm>>
    tpu.enqueue_dma source(%dma_start3A_167 : memref<50xi32, #tpu.memory_space<hbm>>) target(%dma_start3A_164 : memref<50xi32, #tpu.memory_space<vmem>>) target_semaphore(%arg15 : memref<!tpu.dma_semaphore, #tpu.memory_space<semaphore_mem>>)
    %dma_start3A_168 = arith.constant 5 : i32
    %dma_start3A_169 = arith.constant 5 : i32
    %dma_start3A_170 = arith.constant 0 : i32
    %dma_start3A_171 = tpu.memref_slice %arg7[%dma_start3A_169, %dma_start3A_170] : memref<8x50xi32, #tpu.memory_space<vmem>> -> memref<1x50xi32, #tpu.memory_space<vmem>>
    %dma_start3A_172 = tpu.memref_squeeze %dma_start3A_171 : memref<1x50xi32, #tpu.memory_space<vmem>> -> memref<50xi32, #tpu.memory_space<vmem>>
    %dma_start3A_173 = arith.constant 0 : i32
    %dma_start3A_174 = tpu.memref_slice %arg3[%add3A, %dma_start3A_168, %dma_start3A_173] : memref<32x200x50xi32, #tpu.memory_space<hbm>> -> memref<1x1x50xi32, #tpu.memory_space<hbm>>
    %dma_start3A_175 = tpu.memref_squeeze %dma_start3A_174 : memref<1x1x50xi32, #tpu.memory_space<hbm>> -> memref<50xi32, #tpu.memory_space<hbm>>
    %dma_start3A_176 = arith.constant 0 : i32
    %dma_start3A_177 = tpu.memref_slice %arg7[%dma_start3A_169, %dma_start3A_176] : memref<8x50xi32, #tpu.memory_space<vmem>> -> memref<1x50xi32, #tpu.memory_space<vmem>>
    %dma_start3A_178 = tpu.memref_squeeze %dma_start3A_177 : memref<1x50xi32, #tpu.memory_space<vmem>> -> memref<50xi32, #tpu.memory_space<vmem>>
    %dma_start3A_179 = arith.constant 0 : i32
    %dma_start3A_180 = tpu.memref_slice %arg3[%add3A, %dma_start3A_168, %dma_start3A_179] : memref<32x200x50xi32, #tpu.memory_space<hbm>> -> memref<1x1x50xi32, #tpu.memory_space<hbm>>
    %dma_start3A_181 = tpu.memref_squeeze %dma_start3A_180 : memref<1x1x50xi32, #tpu.memory_space<hbm>> -> memref<50xi32, #tpu.memory_space<hbm>>
    tpu.enqueue_dma source(%dma_start3A_181 : memref<50xi32, #tpu.memory_space<hbm>>) target(%dma_start3A_178 : memref<50xi32, #tpu.memory_space<vmem>>) target_semaphore(%arg16 : memref<!tpu.dma_semaphore, #tpu.memory_space<semaphore_mem>>)
    %dma_start3A_182 = arith.constant 5 : i32
    %dma_start3A_183 = arith.constant 5 : i32
    %dma_start3A_184 = arith.constant 0 : i32
    %dma_start3A_185 = tpu.memref_slice %arg8[%dma_start3A_183, %dma_start3A_184] : memref<8x50xi32, #tpu.memory_space<vmem>> -> memref<1x50xi32, #tpu.memory_space<vmem>>
    %dma_start3A_186 = tpu.memref_squeeze %dma_start3A_185 : memref<1x50xi32, #tpu.memory_space<vmem>> -> memref<50xi32, #tpu.memory_space<vmem>>
    %dma_start3A_187 = arith.constant 0 : i32
    %dma_start3A_188 = tpu.memref_slice %arg4[%add3A, %dma_start3A_182, %dma_start3A_187] : memref<32x200x50xi32, #tpu.memory_space<hbm>> -> memref<1x1x50xi32, #tpu.memory_space<hbm>>
    %dma_start3A_189 = tpu.memref_squeeze %dma_start3A_188 : memref<1x1x50xi32, #tpu.memory_space<hbm>> -> memref<50xi32, #tpu.memory_space<hbm>>
    %dma_start3A_190 = arith.constant 0 : i32
    %dma_start3A_191 = tpu.memref_slice %arg8[%dma_start3A_183, %dma_start3A_190] : memref<8x50xi32, #tpu.memory_space<vmem>> -> memref<1x50xi32, #tpu.memory_space<vmem>>
    %dma_start3A_192 = tpu.memref_squeeze %dma_start3A_191 : memref<1x50xi32, #tpu.memory_space<vmem>> -> memref<50xi32, #tpu.memory_space<vmem>>
    %dma_start3A_193 = arith.constant 0 : i32
    %dma_start3A_194 = tpu.memref_slice %arg4[%add3A, %dma_start3A_182, %dma_start3A_193] : memref<32x200x50xi32, #tpu.memory_space<hbm>> -> memref<1x1x50xi32, #tpu.memory_space<hbm>>
    %dma_start3A_195 = tpu.memref_squeeze %dma_start3A_194 : memref<1x1x50xi32, #tpu.memory_space<hbm>> -> memref<50xi32, #tpu.memory_space<hbm>>
    tpu.enqueue_dma source(%dma_start3A_195 : memref<50xi32, #tpu.memory_space<hbm>>) target(%dma_start3A_192 : memref<50xi32, #tpu.memory_space<vmem>>) target_semaphore(%arg16 : memref<!tpu.dma_semaphore, #tpu.memory_space<semaphore_mem>>)
    %dma_start3A_196 = arith.constant 6 : i32
    %dma_start3A_197 = arith.constant 6 : i32
    %dma_start3A_198 = arith.constant 0 : i32
    %dma_start3A_199 = tpu.memref_slice %arg7[%dma_start3A_197, %dma_start3A_198] : memref<8x50xi32, #tpu.memory_space<vmem>> -> memref<1x50xi32, #tpu.memory_space<vmem>>
    %dma_start3A_200 = tpu.memref_squeeze %dma_start3A_199 : memref<1x50xi32, #tpu.memory_space<vmem>> -> memref<50xi32, #tpu.memory_space<vmem>>
    %dma_start3A_201 = arith.constant 0 : i32
    %dma_start3A_202 = tpu.memref_slice %arg3[%add3A, %dma_start3A_196, %dma_start3A_201] : memref<32x200x50xi32, #tpu.memory_space<hbm>> -> memref<1x1x50xi32, #tpu.memory_space<hbm>>
    %dma_start3A_203 = tpu.memref_squeeze %dma_start3A_202 : memref<1x1x50xi32, #tpu.memory_space<hbm>> -> memref<50xi32, #tpu.memory_space<hbm>>
    %dma_start3A_204 = arith.constant 0 : i32
    %dma_start3A_205 = tpu.memref_slice %arg7[%dma_start3A_197, %dma_start3A_204] : memref<8x50xi32, #tpu.memory_space<vmem>> -> memref<1x50xi32, #tpu.memory_space<vmem>>
    %dma_start3A_206 = tpu.memref_squeeze %dma_start3A_205 : memref<1x50xi32, #tpu.memory_space<vmem>> -> memref<50xi32, #tpu.memory_space<vmem>>
    %dma_start3A_207 = arith.constant 0 : i32
    %dma_start3A_208 = tpu.memref_slice %arg3[%add3A, %dma_start3A_196, %dma_start3A_207] : memref<32x200x50xi32, #tpu.memory_space<hbm>> -> memref<1x1x50xi32, #tpu.memory_space<hbm>>
    %dma_start3A_209 = tpu.memref_squeeze %dma_start3A_208 : memref<1x1x50xi32, #tpu.memory_space<hbm>> -> memref<50xi32, #tpu.memory_space<hbm>>
    tpu.enqueue_dma source(%dma_start3A_209 : memref<50xi32, #tpu.memory_space<hbm>>) target(%dma_start3A_206 : memref<50xi32, #tpu.memory_space<vmem>>) target_semaphore(%arg17 : memref<!tpu.dma_semaphore, #tpu.memory_space<semaphore_mem>>)
    %dma_start3A_210 = arith.constant 6 : i32
    %dma_start3A_211 = arith.constant 6 : i32
    %dma_start3A_212 = arith.constant 0 : i32
    %dma_start3A_213 = tpu.memref_slice %arg8[%dma_start3A_211, %dma_start3A_212] : memref<8x50xi32, #tpu.memory_space<vmem>> -> memref<1x50xi32, #tpu.memory_space<vmem>>
    %dma_start3A_214 = tpu.memref_squeeze %dma_start3A_213 : memref<1x50xi32, #tpu.memory_space<vmem>> -> memref<50xi32, #tpu.memory_space<vmem>>
    %dma_start3A_215 = arith.constant 0 : i32
    %dma_start3A_216 = tpu.memref_slice %arg4[%add3A, %dma_start3A_210, %dma_start3A_215] : memref<32x200x50xi32, #tpu.memory_space<hbm>> -> memref<1x1x50xi32, #tpu.memory_space<hbm>>
    %dma_start3A_217 = tpu.memref_squeeze %dma_start3A_216 : memref<1x1x50xi32, #tpu.memory_space<hbm>> -> memref<50xi32, #tpu.memory_space<hbm>>
    %dma_start3A_218 = arith.constant 0 : i32
    %dma_start3A_219 = tpu.memref_slice %arg8[%dma_start3A_211, %dma_start3A_218] : memref<8x50xi32, #tpu.memory_space<vmem>> -> memref<1x50xi32, #tpu.memory_space<vmem>>
    %dma_start3A_220 = tpu.memref_squeeze %dma_start3A_219 : memref<1x50xi32, #tpu.memory_space<vmem>> -> memref<50xi32, #tpu.memory_space<vmem>>
    %dma_start3A_221 = arith.constant 0 : i32
    %dma_start3A_222 = tpu.memref_slice %arg4[%add3A, %dma_start3A_210, %dma_start3A_221] : memref<32x200x50xi32, #tpu.memory_space<hbm>> -> memref<1x1x50xi32, #tpu.memory_space<hbm>>
    %dma_start3A_223 = tpu.memref_squeeze %dma_start3A_222 : memref<1x1x50xi32, #tpu.memory_space<hbm>> -> memref<50xi32, #tpu.memory_space<hbm>>
    tpu.enqueue_dma source(%dma_start3A_223 : memref<50xi32, #tpu.memory_space<hbm>>) target(%dma_start3A_220 : memref<50xi32, #tpu.memory_space<vmem>>) target_semaphore(%arg17 : memref<!tpu.dma_semaphore, #tpu.memory_space<semaphore_mem>>)
    %dma_start3A_224 = arith.constant 7 : i32
    %dma_start3A_225 = arith.constant 7 : i32
    %dma_start3A_226 = arith.constant 0 : i32
    %dma_start3A_227 = tpu.memref_slice %arg7[%dma_start3A_225, %dma_start3A_226] : memref<8x50xi32, #tpu.memory_space<vmem>> -> memref<1x50xi32, #tpu.memory_space<vmem>>
    %dma_start3A_228 = tpu.memref_squeeze %dma_start3A_227 : memref<1x50xi32, #tpu.memory_space<vmem>> -> memref<50xi32, #tpu.memory_space<vmem>>
    %dma_start3A_229 = arith.constant 0 : i32
    %dma_start3A_230 = tpu.memref_slice %arg3[%add3A, %dma_start3A_224, %dma_start3A_229] : memref<32x200x50xi32, #tpu.memory_space<hbm>> -> memref<1x1x50xi32, #tpu.memory_space<hbm>>
    %dma_start3A_231 = tpu.memref_squeeze %dma_start3A_230 : memref<1x1x50xi32, #tpu.memory_space<hbm>> -> memref<50xi32, #tpu.memory_space<hbm>>
    %dma_start3A_232 = arith.constant 0 : i32
    %dma_start3A_233 = tpu.memref_slice %arg7[%dma_start3A_225, %dma_start3A_232] : memref<8x50xi32, #tpu.memory_space<vmem>> -> memref<1x50xi32, #tpu.memory_space<vmem>>
    %dma_start3A_234 = tpu.memref_squeeze %dma_start3A_233 : memref<1x50xi32, #tpu.memory_space<vmem>> -> memref<50xi32, #tpu.memory_space<vmem>>
    %dma_start3A_235 = arith.constant 0 : i32
    %dma_start3A_236 = tpu.memref_slice %arg3[%add3A, %dma_start3A_224, %dma_start3A_235] : memref<32x200x50xi32, #tpu.memory_space<hbm>> -> memref<1x1x50xi32, #tpu.memory_space<hbm>>
    %dma_start3A_237 = tpu.memref_squeeze %dma_start3A_236 : memref<1x1x50xi32, #tpu.memory_space<hbm>> -> memref<50xi32, #tpu.memory_space<hbm>>
    tpu.enqueue_dma source(%dma_start3A_237 : memref<50xi32, #tpu.memory_space<hbm>>) target(%dma_start3A_234 : memref<50xi32, #tpu.memory_space<vmem>>) target_semaphore(%arg18 : memref<!tpu.dma_semaphore, #tpu.memory_space<semaphore_mem>>)
    %dma_start3A_238 = arith.constant 7 : i32
    %dma_start3A_239 = arith.constant 7 : i32
    %dma_start3A_240 = arith.constant 0 : i32
    %dma_start3A_241 = tpu.memref_slice %arg8[%dma_start3A_239, %dma_start3A_240] : memref<8x50xi32, #tpu.memory_space<vmem>> -> memref<1x50xi32, #tpu.memory_space<vmem>>
    %dma_start3A_242 = tpu.memref_squeeze %dma_start3A_241 : memref<1x50xi32, #tpu.memory_space<vmem>> -> memref<50xi32, #tpu.memory_space<vmem>>
    %dma_start3A_243 = arith.constant 0 : i32
    %dma_start3A_244 = tpu.memref_slice %arg4[%add3A, %dma_start3A_238, %dma_start3A_243] : memref<32x200x50xi32, #tpu.memory_space<hbm>> -> memref<1x1x50xi32, #tpu.memory_space<hbm>>
    %dma_start3A_245 = tpu.memref_squeeze %dma_start3A_244 : memref<1x1x50xi32, #tpu.memory_space<hbm>> -> memref<50xi32, #tpu.memory_space<hbm>>
    %dma_start3A_246 = arith.constant 0 : i32
    %dma_start3A_247 = tpu.memref_slice %arg8[%dma_start3A_239, %dma_start3A_246] : memref<8x50xi32, #tpu.memory_space<vmem>> -> memref<1x50xi32, #tpu.memory_space<vmem>>
    %dma_start3A_248 = tpu.memref_squeeze %dma_start3A_247 : memref<1x50xi32, #tpu.memory_space<vmem>> -> memref<50xi32, #tpu.memory_space<vmem>>
    %dma_start3A_249 = arith.constant 0 : i32
    %dma_start3A_250 = tpu.memref_slice %arg4[%add3A, %dma_start3A_238, %dma_start3A_249] : memref<32x200x50xi32, #tpu.memory_space<hbm>> -> memref<1x1x50xi32, #tpu.memory_space<hbm>>
    %dma_start3A_251 = tpu.memref_squeeze %dma_start3A_250 : memref<1x1x50xi32, #tpu.memory_space<hbm>> -> memref<50xi32, #tpu.memory_space<hbm>>
    tpu.enqueue_dma source(%dma_start3A_251 : memref<50xi32, #tpu.memory_space<hbm>>) target(%dma_start3A_248 : memref<50xi32, #tpu.memory_space<vmem>>) target_semaphore(%arg18 : memref<!tpu.dma_semaphore, #tpu.memory_space<semaphore_mem>>)
    %dma_wait3A = arith.constant 0 : i32
    %dma_wait3A_252 = arith.constant 0 : i32
    %dma_wait3A_253 = arith.constant 0 : i32
    %dma_wait3A_254 = tpu.memref_slice %arg7[%dma_wait3A_252, %dma_wait3A_253] : memref<8x50xi32, #tpu.memory_space<vmem>> -> memref<1x50xi32, #tpu.memory_space<vmem>>
    %dma_wait3A_255 = tpu.memref_squeeze %dma_wait3A_254 : memref<1x50xi32, #tpu.memory_space<vmem>> -> memref<50xi32, #tpu.memory_space<vmem>>
    %dma_wait3A_256 = arith.constant 0 : i32
    %dma_wait3A_257 = tpu.memref_slice %arg3[%add3A, %dma_wait3A, %dma_wait3A_256] : memref<32x200x50xi32, #tpu.memory_space<hbm>> -> memref<1x1x50xi32, #tpu.memory_space<hbm>>
    %dma_wait3A_258 = tpu.memref_squeeze %dma_wait3A_257 : memref<1x1x50xi32, #tpu.memory_space<hbm>> -> memref<50xi32, #tpu.memory_space<hbm>>
    %dma_wait3A_259 = arith.constant 0 : i32
    %dma_wait3A_260 = tpu.memref_slice %arg7[%dma_wait3A_252, %dma_wait3A_259] : memref<8x50xi32, #tpu.memory_space<vmem>> -> memref<1x50xi32, #tpu.memory_space<vmem>>
    %dma_wait3A_261 = tpu.memref_squeeze %dma_wait3A_260 : memref<1x50xi32, #tpu.memory_space<vmem>> -> memref<50xi32, #tpu.memory_space<vmem>>
    %dma_wait3A_262 = arith.constant 0 : i32
    %dma_wait3A_263 = tpu.memref_slice %arg3[%add3A, %dma_wait3A, %dma_wait3A_262] : memref<32x200x50xi32, #tpu.memory_space<hbm>> -> memref<1x1x50xi32, #tpu.memory_space<hbm>>
    %dma_wait3A_264 = tpu.memref_squeeze %dma_wait3A_263 : memref<1x1x50xi32, #tpu.memory_space<hbm>> -> memref<50xi32, #tpu.memory_space<hbm>>
    tpu.wait_dma2 semaphore(%arg11 : memref<!tpu.dma_semaphore, #tpu.memory_space<semaphore_mem>>) src(%dma_wait3A_264 : memref<50xi32, #tpu.memory_space<hbm>>) dst(%dma_wait3A_261 : memref<50xi32, #tpu.memory_space<vmem>>)
    %dma_wait3A_265 = arith.constant 0 : i32
    %dma_wait3A_266 = arith.constant 0 : i32
    %dma_wait3A_267 = arith.constant 0 : i32
    %dma_wait3A_268 = tpu.memref_slice %arg8[%dma_wait3A_266, %dma_wait3A_267] : memref<8x50xi32, #tpu.memory_space<vmem>> -> memref<1x50xi32, #tpu.memory_space<vmem>>
    %dma_wait3A_269 = tpu.memref_squeeze %dma_wait3A_268 : memref<1x50xi32, #tpu.memory_space<vmem>> -> memref<50xi32, #tpu.memory_space<vmem>>
    %dma_wait3A_270 = arith.constant 0 : i32
    %dma_wait3A_271 = tpu.memref_slice %arg4[%add3A, %dma_wait3A_265, %dma_wait3A_270] : memref<32x200x50xi32, #tpu.memory_space<hbm>> -> memref<1x1x50xi32, #tpu.memory_space<hbm>>
    %dma_wait3A_272 = tpu.memref_squeeze %dma_wait3A_271 : memref<1x1x50xi32, #tpu.memory_space<hbm>> -> memref<50xi32, #tpu.memory_space<hbm>>
    %dma_wait3A_273 = arith.constant 0 : i32
    %dma_wait3A_274 = tpu.memref_slice %arg8[%dma_wait3A_266, %dma_wait3A_273] : memref<8x50xi32, #tpu.memory_space<vmem>> -> memref<1x50xi32, #tpu.memory_space<vmem>>
    %dma_wait3A_275 = tpu.memref_squeeze %dma_wait3A_274 : memref<1x50xi32, #tpu.memory_space<vmem>> -> memref<50xi32, #tpu.memory_space<vmem>>
    %dma_wait3A_276 = arith.constant 0 : i32
    %dma_wait3A_277 = tpu.memref_slice %arg4[%add3A, %dma_wait3A_265, %dma_wait3A_276] : memref<32x200x50xi32, #tpu.memory_space<hbm>> -> memref<1x1x50xi32, #tpu.memory_space<hbm>>
    %dma_wait3A_278 = tpu.memref_squeeze %dma_wait3A_277 : memref<1x1x50xi32, #tpu.memory_space<hbm>> -> memref<50xi32, #tpu.memory_space<hbm>>
    tpu.wait_dma2 semaphore(%arg11 : memref<!tpu.dma_semaphore, #tpu.memory_space<semaphore_mem>>) src(%dma_wait3A_278 : memref<50xi32, #tpu.memory_space<hbm>>) dst(%dma_wait3A_275 : memref<50xi32, #tpu.memory_space<vmem>>)
    %dma_start3A_279 = arith.constant 0 : i32
    %dma_start3A_280 = arith.constant 0 : i32
    %dma_start3A_281 = arith.constant 0 : i32
    %dma_start3A_282 = arith.constant 0 : i32
    %dma_start3A_283 = tpu.memref_slice %arg9[%dma_start3A_280, %dma_start3A_281, %dma_start3A_282] : memref<4x50x128xf32, #tpu.memory_space<vmem>> -> memref<1x50x128xf32, #tpu.memory_space<vmem>>
    %dma_start3A_284 = tpu.memref_squeeze %dma_start3A_283 : memref<1x50x128xf32, #tpu.memory_space<vmem>> -> memref<50x128xf32, #tpu.memory_space<vmem>>
    %dma_start3A_285 = arith.constant 0 : i32
    %dma_start3A_286 = tpu.memref_slice %arg7[%dma_start3A_279, %dma_start3A_285] : memref<8x50xi32, #tpu.memory_space<vmem>> -> memref<1x50xi32, #tpu.memory_space<vmem>>
    %dma_start3A_287 = tpu.memref_squeeze %dma_start3A_286 : memref<1x50xi32, #tpu.memory_space<vmem>> -> memref<50xi32, #tpu.memory_space<vmem>>
    %dma_start3A_288 = arith.constant 0 : i32
    %dma_start3A_289 = arith.constant 0 : i32
    %dma_start3A_290 = tpu.memref_slice %arg2[%dma_start3A_288, %dma_start3A_289] : memref<10000x128xf32, #tpu.memory_space<hbm>> -> memref<10000x128xf32, #tpu.memory_space<hbm>>
    tpu.enqueue_indirect_dma source(%dma_start3A_290 : memref<10000x128xf32, #tpu.memory_space<hbm>>) target(%dma_start3A_284 : memref<50x128xf32, #tpu.memory_space<vmem>>) offsets(%dma_start3A_287 : memref<50xi32, #tpu.memory_space<vmem>>) semaphore(%arg19 : memref<!tpu.dma_semaphore, #tpu.memory_space<semaphore_mem>>)
    %dma_wait3A_291 = arith.constant 1 : i32
    %dma_wait3A_292 = arith.constant 1 : i32
    %dma_wait3A_293 = arith.constant 0 : i32
    %dma_wait3A_294 = tpu.memref_slice %arg7[%dma_wait3A_292, %dma_wait3A_293] : memref<8x50xi32, #tpu.memory_space<vmem>> -> memref<1x50xi32, #tpu.memory_space<vmem>>
    %dma_wait3A_295 = tpu.memref_squeeze %dma_wait3A_294 : memref<1x50xi32, #tpu.memory_space<vmem>> -> memref<50xi32, #tpu.memory_space<vmem>>
    %dma_wait3A_296 = arith.constant 0 : i32
    %dma_wait3A_297 = tpu.memref_slice %arg3[%add3A, %dma_wait3A_291, %dma_wait3A_296] : memref<32x200x50xi32, #tpu.memory_space<hbm>> -> memref<1x1x50xi32, #tpu.memory_space<hbm>>
    %dma_wait3A_298 = tpu.memref_squeeze %dma_wait3A_297 : memref<1x1x50xi32, #tpu.memory_space<hbm>> -> memref<50xi32, #tpu.memory_space<hbm>>
    %dma_wait3A_299 = arith.constant 0 : i32
    %dma_wait3A_300 = tpu.memref_slice %arg7[%dma_wait3A_292, %dma_wait3A_299] : memref<8x50xi32, #tpu.memory_space<vmem>> -> memref<1x50xi32, #tpu.memory_space<vmem>>
    %dma_wait3A_301 = tpu.memref_squeeze %dma_wait3A_300 : memref<1x50xi32, #tpu.memory_space<vmem>> -> memref<50xi32, #tpu.memory_space<vmem>>
    %dma_wait3A_302 = arith.constant 0 : i32
    %dma_wait3A_303 = tpu.memref_slice %arg3[%add3A, %dma_wait3A_291, %dma_wait3A_302] : memref<32x200x50xi32, #tpu.memory_space<hbm>> -> memref<1x1x50xi32, #tpu.memory_space<hbm>>
    %dma_wait3A_304 = tpu.memref_squeeze %dma_wait3A_303 : memref<1x1x50xi32, #tpu.memory_space<hbm>> -> memref<50xi32, #tpu.memory_space<hbm>>
    tpu.wait_dma2 semaphore(%arg12 : memref<!tpu.dma_semaphore, #tpu.memory_space<semaphore_mem>>) src(%dma_wait3A_304 : memref<50xi32, #tpu.memory_space<hbm>>) dst(%dma_wait3A_301 : memref<50xi32, #tpu.memory_space<vmem>>)
    %dma_wait3A_305 = arith.constant 1 : i32
    %dma_wait3A_306 = arith.constant 1 : i32
    %dma_wait3A_307 = arith.constant 0 : i32
    %dma_wait3A_308 = tpu.memref_slice %arg8[%dma_wait3A_306, %dma_wait3A_307] : memref<8x50xi32, #tpu.memory_space<vmem>> -> memref<1x50xi32, #tpu.memory_space<vmem>>
    %dma_wait3A_309 = tpu.memref_squeeze %dma_wait3A_308 : memref<1x50xi32, #tpu.memory_space<vmem>> -> memref<50xi32, #tpu.memory_space<vmem>>
    %dma_wait3A_310 = arith.constant 0 : i32
    %dma_wait3A_311 = tpu.memref_slice %arg4[%add3A, %dma_wait3A_305, %dma_wait3A_310] : memref<32x200x50xi32, #tpu.memory_space<hbm>> -> memref<1x1x50xi32, #tpu.memory_space<hbm>>
    %dma_wait3A_312 = tpu.memref_squeeze %dma_wait3A_311 : memref<1x1x50xi32, #tpu.memory_space<hbm>> -> memref<50xi32, #tpu.memory_space<hbm>>
    %dma_wait3A_313 = arith.constant 0 : i32
    %dma_wait3A_314 = tpu.memref_slice %arg8[%dma_wait3A_306, %dma_wait3A_313] : memref<8x50xi32, #tpu.memory_space<vmem>> -> memref<1x50xi32, #tpu.memory_space<vmem>>
    %dma_wait3A_315 = tpu.memref_squeeze %dma_wait3A_314 : memref<1x50xi32, #tpu.memory_space<vmem>> -> memref<50xi32, #tpu.memory_space<vmem>>
    %dma_wait3A_316 = arith.constant 0 : i32
    %dma_wait3A_317 = tpu.memref_slice %arg4[%add3A, %dma_wait3A_305, %dma_wait3A_316] : memref<32x200x50xi32, #tpu.memory_space<hbm>> -> memref<1x1x50xi32, #tpu.memory_space<hbm>>
    %dma_wait3A_318 = tpu.memref_squeeze %dma_wait3A_317 : memref<1x1x50xi32, #tpu.memory_space<hbm>> -> memref<50xi32, #tpu.memory_space<hbm>>
    tpu.wait_dma2 semaphore(%arg12 : memref<!tpu.dma_semaphore, #tpu.memory_space<semaphore_mem>>) src(%dma_wait3A_318 : memref<50xi32, #tpu.memory_space<hbm>>) dst(%dma_wait3A_315 : memref<50xi32, #tpu.memory_space<vmem>>)
    %dma_start3A_319 = arith.constant 1 : i32
    %dma_start3A_320 = arith.constant 1 : i32
    %dma_start3A_321 = arith.constant 0 : i32
    %dma_start3A_322 = arith.constant 0 : i32
    %dma_start3A_323 = tpu.memref_slice %arg9[%dma_start3A_320, %dma_start3A_321, %dma_start3A_322] : memref<4x50x128xf32, #tpu.memory_space<vmem>> -> memref<1x50x128xf32, #tpu.memory_space<vmem>>
    %dma_start3A_324 = tpu.memref_squeeze %dma_start3A_323 : memref<1x50x128xf32, #tpu.memory_space<vmem>> -> memref<50x128xf32, #tpu.memory_space<vmem>>
    %dma_start3A_325 = arith.constant 0 : i32
    %dma_start3A_326 = tpu.memref_slice %arg7[%dma_start3A_319, %dma_start3A_325] : memref<8x50xi32, #tpu.memory_space<vmem>> -> memref<1x50xi32, #tpu.memory_space<vmem>>
    %dma_start3A_327 = tpu.memref_squeeze %dma_start3A_326 : memref<1x50xi32, #tpu.memory_space<vmem>> -> memref<50xi32, #tpu.memory_space<vmem>>
    %dma_start3A_328 = arith.constant 0 : i32
    %dma_start3A_329 = arith.constant 0 : i32
    %dma_start3A_330 = tpu.memref_slice %arg2[%dma_start3A_328, %dma_start3A_329] : memref<10000x128xf32, #tpu.memory_space<hbm>> -> memref<10000x128xf32, #tpu.memory_space<hbm>>
    tpu.enqueue_indirect_dma source(%dma_start3A_330 : memref<10000x128xf32, #tpu.memory_space<hbm>>) target(%dma_start3A_324 : memref<50x128xf32, #tpu.memory_space<vmem>>) offsets(%dma_start3A_327 : memref<50xi32, #tpu.memory_space<vmem>>) semaphore(%arg20 : memref<!tpu.dma_semaphore, #tpu.memory_space<semaphore_mem>>)
    %dma_wait3A_331 = arith.constant 2 : i32
    %dma_wait3A_332 = arith.constant 2 : i32
    %dma_wait3A_333 = arith.constant 0 : i32
    %dma_wait3A_334 = tpu.memref_slice %arg7[%dma_wait3A_332, %dma_wait3A_333] : memref<8x50xi32, #tpu.memory_space<vmem>> -> memref<1x50xi32, #tpu.memory_space<vmem>>
    %dma_wait3A_335 = tpu.memref_squeeze %dma_wait3A_334 : memref<1x50xi32, #tpu.memory_space<vmem>> -> memref<50xi32, #tpu.memory_space<vmem>>
    %dma_wait3A_336 = arith.constant 0 : i32
    %dma_wait3A_337 = tpu.memref_slice %arg3[%add3A, %dma_wait3A_331, %dma_wait3A_336] : memref<32x200x50xi32, #tpu.memory_space<hbm>> -> memref<1x1x50xi32, #tpu.memory_space<hbm>>
    %dma_wait3A_338 = tpu.memref_squeeze %dma_wait3A_337 : memref<1x1x50xi32, #tpu.memory_space<hbm>> -> memref<50xi32, #tpu.memory_space<hbm>>
    %dma_wait3A_339 = arith.constant 0 : i32
    %dma_wait3A_340 = tpu.memref_slice %arg7[%dma_wait3A_332, %dma_wait3A_339] : memref<8x50xi32, #tpu.memory_space<vmem>> -> memref<1x50xi32, #tpu.memory_space<vmem>>
    %dma_wait3A_341 = tpu.memref_squeeze %dma_wait3A_340 : memref<1x50xi32, #tpu.memory_space<vmem>> -> memref<50xi32, #tpu.memory_space<vmem>>
    %dma_wait3A_342 = arith.constant 0 : i32
    %dma_wait3A_343 = tpu.memref_slice %arg3[%add3A, %dma_wait3A_331, %dma_wait3A_342] : memref<32x200x50xi32, #tpu.memory_space<hbm>> -> memref<1x1x50xi32, #tpu.memory_space<hbm>>
    %dma_wait3A_344 = tpu.memref_squeeze %dma_wait3A_343 : memref<1x1x50xi32, #tpu.memory_space<hbm>> -> memref<50xi32, #tpu.memory_space<hbm>>
    tpu.wait_dma2 semaphore(%arg13 : memref<!tpu.dma_semaphore, #tpu.memory_space<semaphore_mem>>) src(%dma_wait3A_344 : memref<50xi32, #tpu.memory_space<hbm>>) dst(%dma_wait3A_341 : memref<50xi32, #tpu.memory_space<vmem>>)
    %dma_wait3A_345 = arith.constant 2 : i32
    %dma_wait3A_346 = arith.constant 2 : i32
    %dma_wait3A_347 = arith.constant 0 : i32
    %dma_wait3A_348 = tpu.memref_slice %arg8[%dma_wait3A_346, %dma_wait3A_347] : memref<8x50xi32, #tpu.memory_space<vmem>> -> memref<1x50xi32, #tpu.memory_space<vmem>>
    %dma_wait3A_349 = tpu.memref_squeeze %dma_wait3A_348 : memref<1x50xi32, #tpu.memory_space<vmem>> -> memref<50xi32, #tpu.memory_space<vmem>>
    %dma_wait3A_350 = arith.constant 0 : i32
    %dma_wait3A_351 = tpu.memref_slice %arg4[%add3A, %dma_wait3A_345, %dma_wait3A_350] : memref<32x200x50xi32, #tpu.memory_space<hbm>> -> memref<1x1x50xi32, #tpu.memory_space<hbm>>
    %dma_wait3A_352 = tpu.memref_squeeze %dma_wait3A_351 : memref<1x1x50xi32, #tpu.memory_space<hbm>> -> memref<50xi32, #tpu.memory_space<hbm>>
    %dma_wait3A_353 = arith.constant 0 : i32
    %dma_wait3A_354 = tpu.memref_slice %arg8[%dma_wait3A_346, %dma_wait3A_353] : memref<8x50xi32, #tpu.memory_space<vmem>> -> memref<1x50xi32, #tpu.memory_space<vmem>>
    %dma_wait3A_355 = tpu.memref_squeeze %dma_wait3A_354 : memref<1x50xi32, #tpu.memory_space<vmem>> -> memref<50xi32, #tpu.memory_space<vmem>>
    %dma_wait3A_356 = arith.constant 0 : i32
    %dma_wait3A_357 = tpu.memref_slice %arg4[%add3A, %dma_wait3A_345, %dma_wait3A_356] : memref<32x200x50xi32, #tpu.memory_space<hbm>> -> memref<1x1x50xi32, #tpu.memory_space<hbm>>
    %dma_wait3A_358 = tpu.memref_squeeze %dma_wait3A_357 : memref<1x1x50xi32, #tpu.memory_space<hbm>> -> memref<50xi32, #tpu.memory_space<hbm>>
    tpu.wait_dma2 semaphore(%arg13 : memref<!tpu.dma_semaphore, #tpu.memory_space<semaphore_mem>>) src(%dma_wait3A_358 : memref<50xi32, #tpu.memory_space<hbm>>) dst(%dma_wait3A_355 : memref<50xi32, #tpu.memory_space<vmem>>)
    %dma_start3A_359 = arith.constant 2 : i32
    %dma_start3A_360 = arith.constant 2 : i32
    %dma_start3A_361 = arith.constant 0 : i32
    %dma_start3A_362 = arith.constant 0 : i32
    %dma_start3A_363 = tpu.memref_slice %arg9[%dma_start3A_360, %dma_start3A_361, %dma_start3A_362] : memref<4x50x128xf32, #tpu.memory_space<vmem>> -> memref<1x50x128xf32, #tpu.memory_space<vmem>>
    %dma_start3A_364 = tpu.memref_squeeze %dma_start3A_363 : memref<1x50x128xf32, #tpu.memory_space<vmem>> -> memref<50x128xf32, #tpu.memory_space<vmem>>
    %dma_start3A_365 = arith.constant 0 : i32
    %dma_start3A_366 = tpu.memref_slice %arg7[%dma_start3A_359, %dma_start3A_365] : memref<8x50xi32, #tpu.memory_space<vmem>> -> memref<1x50xi32, #tpu.memory_space<vmem>>
    %dma_start3A_367 = tpu.memref_squeeze %dma_start3A_366 : memref<1x50xi32, #tpu.memory_space<vmem>> -> memref<50xi32, #tpu.memory_space<vmem>>
    %dma_start3A_368 = arith.constant 0 : i32
    %dma_start3A_369 = arith.constant 0 : i32
    %dma_start3A_370 = tpu.memref_slice %arg2[%dma_start3A_368, %dma_start3A_369] : memref<10000x128xf32, #tpu.memory_space<hbm>> -> memref<10000x128xf32, #tpu.memory_space<hbm>>
    tpu.enqueue_indirect_dma source(%dma_start3A_370 : memref<10000x128xf32, #tpu.memory_space<hbm>>) target(%dma_start3A_364 : memref<50x128xf32, #tpu.memory_space<vmem>>) offsets(%dma_start3A_367 : memref<50xi32, #tpu.memory_space<vmem>>) semaphore(%arg21 : memref<!tpu.dma_semaphore, #tpu.memory_space<semaphore_mem>>)
    %dma_wait3A_371 = arith.constant 3 : i32
    %dma_wait3A_372 = arith.constant 3 : i32
    %dma_wait3A_373 = arith.constant 0 : i32
    %dma_wait3A_374 = tpu.memref_slice %arg7[%dma_wait3A_372, %dma_wait3A_373] : memref<8x50xi32, #tpu.memory_space<vmem>> -> memref<1x50xi32, #tpu.memory_space<vmem>>
    %dma_wait3A_375 = tpu.memref_squeeze %dma_wait3A_374 : memref<1x50xi32, #tpu.memory_space<vmem>> -> memref<50xi32, #tpu.memory_space<vmem>>
    %dma_wait3A_376 = arith.constant 0 : i32
    %dma_wait3A_377 = tpu.memref_slice %arg3[%add3A, %dma_wait3A_371, %dma_wait3A_376] : memref<32x200x50xi32, #tpu.memory_space<hbm>> -> memref<1x1x50xi32, #tpu.memory_space<hbm>>
    %dma_wait3A_378 = tpu.memref_squeeze %dma_wait3A_377 : memref<1x1x50xi32, #tpu.memory_space<hbm>> -> memref<50xi32, #tpu.memory_space<hbm>>
    %dma_wait3A_379 = arith.constant 0 : i32
    %dma_wait3A_380 = tpu.memref_slice %arg7[%dma_wait3A_372, %dma_wait3A_379] : memref<8x50xi32, #tpu.memory_space<vmem>> -> memref<1x50xi32, #tpu.memory_space<vmem>>
    %dma_wait3A_381 = tpu.memref_squeeze %dma_wait3A_380 : memref<1x50xi32, #tpu.memory_space<vmem>> -> memref<50xi32, #tpu.memory_space<vmem>>
    %dma_wait3A_382 = arith.constant 0 : i32
    %dma_wait3A_383 = tpu.memref_slice %arg3[%add3A, %dma_wait3A_371, %dma_wait3A_382] : memref<32x200x50xi32, #tpu.memory_space<hbm>> -> memref<1x1x50xi32, #tpu.memory_space<hbm>>
    %dma_wait3A_384 = tpu.memref_squeeze %dma_wait3A_383 : memref<1x1x50xi32, #tpu.memory_space<hbm>> -> memref<50xi32, #tpu.memory_space<hbm>>
    tpu.wait_dma2 semaphore(%arg14 : memref<!tpu.dma_semaphore, #tpu.memory_space<semaphore_mem>>) src(%dma_wait3A_384 : memref<50xi32, #tpu.memory_space<hbm>>) dst(%dma_wait3A_381 : memref<50xi32, #tpu.memory_space<vmem>>)
    %dma_wait3A_385 = arith.constant 3 : i32
    %dma_wait3A_386 = arith.constant 3 : i32
    %dma_wait3A_387 = arith.constant 0 : i32
    %dma_wait3A_388 = tpu.memref_slice %arg8[%dma_wait3A_386, %dma_wait3A_387] : memref<8x50xi32, #tpu.memory_space<vmem>> -> memref<1x50xi32, #tpu.memory_space<vmem>>
    %dma_wait3A_389 = tpu.memref_squeeze %dma_wait3A_388 : memref<1x50xi32, #tpu.memory_space<vmem>> -> memref<50xi32, #tpu.memory_space<vmem>>
    %dma_wait3A_390 = arith.constant 0 : i32
    %dma_wait3A_391 = tpu.memref_slice %arg4[%add3A, %dma_wait3A_385, %dma_wait3A_390] : memref<32x200x50xi32, #tpu.memory_space<hbm>> -> memref<1x1x50xi32, #tpu.memory_space<hbm>>
    %dma_wait3A_392 = tpu.memref_squeeze %dma_wait3A_391 : memref<1x1x50xi32, #tpu.memory_space<hbm>> -> memref<50xi32, #tpu.memory_space<hbm>>
    %dma_wait3A_393 = arith.constant 0 : i32
    %dma_wait3A_394 = tpu.memref_slice %arg8[%dma_wait3A_386, %dma_wait3A_393] : memref<8x50xi32, #tpu.memory_space<vmem>> -> memref<1x50xi32, #tpu.memory_space<vmem>>
    %dma_wait3A_395 = tpu.memref_squeeze %dma_wait3A_394 : memref<1x50xi32, #tpu.memory_space<vmem>> -> memref<50xi32, #tpu.memory_space<vmem>>
    %dma_wait3A_396 = arith.constant 0 : i32
    %dma_wait3A_397 = tpu.memref_slice %arg4[%add3A, %dma_wait3A_385, %dma_wait3A_396] : memref<32x200x50xi32, #tpu.memory_space<hbm>> -> memref<1x1x50xi32, #tpu.memory_space<hbm>>
    %dma_wait3A_398 = tpu.memref_squeeze %dma_wait3A_397 : memref<1x1x50xi32, #tpu.memory_space<hbm>> -> memref<50xi32, #tpu.memory_space<hbm>>
    tpu.wait_dma2 semaphore(%arg14 : memref<!tpu.dma_semaphore, #tpu.memory_space<semaphore_mem>>) src(%dma_wait3A_398 : memref<50xi32, #tpu.memory_space<hbm>>) dst(%dma_wait3A_395 : memref<50xi32, #tpu.memory_space<vmem>>)
    %dma_start3A_399 = arith.constant 3 : i32
    %dma_start3A_400 = arith.constant 3 : i32
    %dma_start3A_401 = arith.constant 0 : i32
    %dma_start3A_402 = arith.constant 0 : i32
    %dma_start3A_403 = tpu.memref_slice %arg9[%dma_start3A_400, %dma_start3A_401, %dma_start3A_402] : memref<4x50x128xf32, #tpu.memory_space<vmem>> -> memref<1x50x128xf32, #tpu.memory_space<vmem>>
    %dma_start3A_404 = tpu.memref_squeeze %dma_start3A_403 : memref<1x50x128xf32, #tpu.memory_space<vmem>> -> memref<50x128xf32, #tpu.memory_space<vmem>>
    %dma_start3A_405 = arith.constant 0 : i32
    %dma_start3A_406 = tpu.memref_slice %arg7[%dma_start3A_399, %dma_start3A_405] : memref<8x50xi32, #tpu.memory_space<vmem>> -> memref<1x50xi32, #tpu.memory_space<vmem>>
    %dma_start3A_407 = tpu.memref_squeeze %dma_start3A_406 : memref<1x50xi32, #tpu.memory_space<vmem>> -> memref<50xi32, #tpu.memory_space<vmem>>
    %dma_start3A_408 = arith.constant 0 : i32
    %dma_start3A_409 = arith.constant 0 : i32
    %dma_start3A_410 = tpu.memref_slice %arg2[%dma_start3A_408, %dma_start3A_409] : memref<10000x128xf32, #tpu.memory_space<hbm>> -> memref<10000x128xf32, #tpu.memory_space<hbm>>
    tpu.enqueue_indirect_dma source(%dma_start3A_410 : memref<10000x128xf32, #tpu.memory_space<hbm>>) target(%dma_start3A_404 : memref<50x128xf32, #tpu.memory_space<vmem>>) offsets(%dma_start3A_407 : memref<50xi32, #tpu.memory_space<vmem>>) semaphore(%arg22 : memref<!tpu.dma_semaphore, #tpu.memory_space<semaphore_mem>>)
    %scan3A_411 = arith.constant 0 : i32
    %scan3A_412 = arith.constant 25 : i32
    %scan3A_413 = arith.addi %scan3A_411, %scan3A_412 : i32
    %scan3A_414 = arith.constant 1 : i32
    scf.for %scan3A_425 = %scan3A_411 to %scan3A_413 step %scan3A_414  : i32 {
      %mul3A_426 = arith.constant 8 : i32
      %mul3A_427 = arith.muli %scan3A_425, %mul3A_426 : i32
      %add3A_428 = arith.constant 0 : i32
      %add3A_429 = arith.addi %add3A_428, %mul3A_427 : i32
      %add3A_430 = arith.constant 0 : i32
      %add3A_431 = arith.addi %add3A_429, %add3A_430 : i32
      %dma_wait3A_432 = arith.constant 0 : i32
      %dma_wait3A_433 = arith.constant 0 : i32
      %dma_wait3A_434 = arith.constant 0 : i32
      %dma_wait3A_435 = arith.constant 0 : i32
      %dma_wait3A_436 = tpu.memref_slice %arg9[%dma_wait3A_433, %dma_wait3A_434, %dma_wait3A_435] : memref<4x50x128xf32, #tpu.memory_space<vmem>> -> memref<1x50x128xf32, #tpu.memory_space<vmem>>
      %dma_wait3A_437 = tpu.memref_squeeze %dma_wait3A_436 : memref<1x50x128xf32, #tpu.memory_space<vmem>> -> memref<50x128xf32, #tpu.memory_space<vmem>>
      %dma_wait3A_438 = arith.constant 0 : i32
      %dma_wait3A_439 = tpu.memref_slice %arg7[%dma_wait3A_432, %dma_wait3A_438] : memref<8x50xi32, #tpu.memory_space<vmem>> -> memref<1x50xi32, #tpu.memory_space<vmem>>
      %dma_wait3A_440 = tpu.memref_squeeze %dma_wait3A_439 : memref<1x50xi32, #tpu.memory_space<vmem>> -> memref<50xi32, #tpu.memory_space<vmem>>
      %dma_wait3A_441 = arith.constant 0 : i32
      %dma_wait3A_442 = arith.constant 0 : i32
      %dma_wait3A_443 = tpu.memref_slice %arg2[%dma_wait3A_441, %dma_wait3A_442] : memref<10000x128xf32, #tpu.memory_space<hbm>> -> memref<10000x128xf32, #tpu.memory_space<hbm>>
      tpu.wait_indirect_dma semaphore(%arg19 : memref<!tpu.dma_semaphore, #tpu.memory_space<semaphore_mem>>) src(%dma_wait3A_443 : memref<10000x128xf32, #tpu.memory_space<hbm>>) dst(%dma_wait3A_437 : memref<50x128xf32, #tpu.memory_space<vmem>>)
      %dma_start3A_444 = arith.constant 0 : i32
      %dma_start3A_445 = arith.constant 0 : i32
      %dma_start3A_446 = arith.constant 0 : i32
      %dma_start3A_447 = arith.constant 0 : i32
      %dma_start3A_448 = tpu.memref_slice %arg9[%dma_start3A_444, %dma_start3A_446, %dma_start3A_447] : memref<4x50x128xf32, #tpu.memory_space<vmem>> -> memref<1x50x128xf32, #tpu.memory_space<vmem>>
      %dma_start3A_449 = tpu.memref_squeeze %dma_start3A_448 : memref<1x50x128xf32, #tpu.memory_space<vmem>> -> memref<50x128xf32, #tpu.memory_space<vmem>>
      %dma_start3A_450 = arith.constant 0 : i32
      %dma_start3A_451 = tpu.memref_slice %arg8[%dma_start3A_445, %dma_start3A_450] : memref<8x50xi32, #tpu.memory_space<vmem>> -> memref<1x50xi32, #tpu.memory_space<vmem>>
      %dma_start3A_452 = tpu.memref_squeeze %dma_start3A_451 : memref<1x50xi32, #tpu.memory_space<vmem>> -> memref<50xi32, #tpu.memory_space<vmem>>
      %dma_start3A_453 = arith.constant 0 : i32
      %dma_start3A_454 = arith.constant 0 : i32
      %dma_start3A_455 = tpu.memref_slice %arg6[%dma_start3A_453, %dma_start3A_454] : memref<10000x128xf32, #tpu.memory_space<vmem_shared>> -> memref<10000x128xf32, #tpu.memory_space<vmem_shared>>
      tpu.enqueue_indirect_dma source(%dma_start3A_449 : memref<50x128xf32, #tpu.memory_space<vmem>>) target(%dma_start3A_455 : memref<10000x128xf32, #tpu.memory_space<vmem_shared>>) offsets(%dma_start3A_452 : memref<50xi32, #tpu.memory_space<vmem>>) semaphore(%arg23 : memref<!tpu.dma_semaphore, #tpu.memory_space<semaphore_mem>>) {add = true}
      %dma_wait3A_456 = arith.constant 0 : i32
      %dma_wait3A_457 = arith.constant 0 : i32
      %dma_wait3A_458 = arith.constant 0 : i32
      %dma_wait3A_459 = arith.constant 0 : i32
      %dma_wait3A_460 = tpu.memref_slice %arg9[%dma_wait3A_456, %dma_wait3A_458, %dma_wait3A_459] : memref<4x50x128xf32, #tpu.memory_space<vmem>> -> memref<1x50x128xf32, #tpu.memory_space<vmem>>
      %dma_wait3A_461 = tpu.memref_squeeze %dma_wait3A_460 : memref<1x50x128xf32, #tpu.memory_space<vmem>> -> memref<50x128xf32, #tpu.memory_space<vmem>>
      %dma_wait3A_462 = arith.constant 0 : i32
      %dma_wait3A_463 = tpu.memref_slice %arg8[%dma_wait3A_457, %dma_wait3A_462] : memref<8x50xi32, #tpu.memory_space<vmem>> -> memref<1x50xi32, #tpu.memory_space<vmem>>
      %dma_wait3A_464 = tpu.memref_squeeze %dma_wait3A_463 : memref<1x50xi32, #tpu.memory_space<vmem>> -> memref<50xi32, #tpu.memory_space<vmem>>
      %dma_wait3A_465 = arith.constant 0 : i32
      %dma_wait3A_466 = arith.constant 0 : i32
      %dma_wait3A_467 = tpu.memref_slice %arg6[%dma_wait3A_465, %dma_wait3A_466] : memref<10000x128xf32, #tpu.memory_space<vmem_shared>> -> memref<10000x128xf32, #tpu.memory_space<vmem_shared>>
      tpu.wait_indirect_dma semaphore(%arg23 : memref<!tpu.dma_semaphore, #tpu.memory_space<semaphore_mem>>) src(%dma_wait3A_461 : memref<50x128xf32, #tpu.memory_space<vmem>>) dst(%dma_wait3A_467 : memref<10000x128xf32, #tpu.memory_space<vmem_shared>>)
      %add3A_468 = arith.constant 4 : i32
      %add3A_469 = arith.addi %add3A_431, %add3A_468 : i32
      %lt3A = arith.constant 200 : i32
      %lt3A_470 = arith.cmpi slt, %add3A_469, %lt3A : i32
      %convert_element_type3A_471 = arith.extui %lt3A_470 : i1 to i32
      %cond3A_472 = arith.constant 0 : i32
      %cond3A_473 = arith.cmpi ne, %convert_element_type3A_471, %cond3A_472 : i32
      scf.if %cond3A_473 {
        %dma_wait3A_845 = arith.constant 4 : i32
        %dma_wait3A_846 = arith.constant 0 : i32
        %dma_wait3A_847 = tpu.memref_slice %arg7[%dma_wait3A_845, %dma_wait3A_846] : memref<8x50xi32, #tpu.memory_space<vmem>> -> memref<1x50xi32, #tpu.memory_space<vmem>>
        %dma_wait3A_848 = tpu.memref_squeeze %dma_wait3A_847 : memref<1x50xi32, #tpu.memory_space<vmem>> -> memref<50xi32, #tpu.memory_space<vmem>>
        %dma_wait3A_849 = arith.constant 0 : i32
        %dma_wait3A_850 = tpu.memref_slice %arg3[%add3A, %add3A_469, %dma_wait3A_849] : memref<32x200x50xi32, #tpu.memory_space<hbm>> -> memref<1x1x50xi32, #tpu.memory_space<hbm>>
        %dma_wait3A_851 = tpu.memref_squeeze %dma_wait3A_850 : memref<1x1x50xi32, #tpu.memory_space<hbm>> -> memref<50xi32, #tpu.memory_space<hbm>>
        %dma_wait3A_852 = arith.constant 0 : i32
        %dma_wait3A_853 = tpu.memref_slice %arg7[%dma_wait3A_845, %dma_wait3A_852] : memref<8x50xi32, #tpu.memory_space<vmem>> -> memref<1x50xi32, #tpu.memory_space<vmem>>
        %dma_wait3A_854 = tpu.memref_squeeze %dma_wait3A_853 : memref<1x50xi32, #tpu.memory_space<vmem>> -> memref<50xi32, #tpu.memory_space<vmem>>
        %dma_wait3A_855 = arith.constant 0 : i32
        %dma_wait3A_856 = tpu.memref_slice %arg3[%add3A, %add3A_469, %dma_wait3A_855] : memref<32x200x50xi32, #tpu.memory_space<hbm>> -> memref<1x1x50xi32, #tpu.memory_space<hbm>>
        %dma_wait3A_857 = tpu.memref_squeeze %dma_wait3A_856 : memref<1x1x50xi32, #tpu.memory_space<hbm>> -> memref<50xi32, #tpu.memory_space<hbm>>
        tpu.wait_dma2 semaphore(%arg15 : memref<!tpu.dma_semaphore, #tpu.memory_space<semaphore_mem>>) src(%dma_wait3A_857 : memref<50xi32, #tpu.memory_space<hbm>>) dst(%dma_wait3A_854 : memref<50xi32, #tpu.memory_space<vmem>>)
        %dma_wait3A_858 = arith.constant 4 : i32
        %dma_wait3A_859 = arith.constant 0 : i32
        %dma_wait3A_860 = tpu.memref_slice %arg8[%dma_wait3A_858, %dma_wait3A_859] : memref<8x50xi32, #tpu.memory_space<vmem>> -> memref<1x50xi32, #tpu.memory_space<vmem>>
        %dma_wait3A_861 = tpu.memref_squeeze %dma_wait3A_860 : memref<1x50xi32, #tpu.memory_space<vmem>> -> memref<50xi32, #tpu.memory_space<vmem>>
        %dma_wait3A_862 = arith.constant 0 : i32
        %dma_wait3A_863 = tpu.memref_slice %arg4[%add3A, %add3A_469, %dma_wait3A_862] : memref<32x200x50xi32, #tpu.memory_space<hbm>> -> memref<1x1x50xi32, #tpu.memory_space<hbm>>
        %dma_wait3A_864 = tpu.memref_squeeze %dma_wait3A_863 : memref<1x1x50xi32, #tpu.memory_space<hbm>> -> memref<50xi32, #tpu.memory_space<hbm>>
        %dma_wait3A_865 = arith.constant 0 : i32
        %dma_wait3A_866 = tpu.memref_slice %arg8[%dma_wait3A_858, %dma_wait3A_865] : memref<8x50xi32, #tpu.memory_space<vmem>> -> memref<1x50xi32, #tpu.memory_space<vmem>>
        %dma_wait3A_867 = tpu.memref_squeeze %dma_wait3A_866 : memref<1x50xi32, #tpu.memory_space<vmem>> -> memref<50xi32, #tpu.memory_space<vmem>>
        %dma_wait3A_868 = arith.constant 0 : i32
        %dma_wait3A_869 = tpu.memref_slice %arg4[%add3A, %add3A_469, %dma_wait3A_868] : memref<32x200x50xi32, #tpu.memory_space<hbm>> -> memref<1x1x50xi32, #tpu.memory_space<hbm>>
        %dma_wait3A_870 = tpu.memref_squeeze %dma_wait3A_869 : memref<1x1x50xi32, #tpu.memory_space<hbm>> -> memref<50xi32, #tpu.memory_space<hbm>>
        tpu.wait_dma2 semaphore(%arg15 : memref<!tpu.dma_semaphore, #tpu.memory_space<semaphore_mem>>) src(%dma_wait3A_870 : memref<50xi32, #tpu.memory_space<hbm>>) dst(%dma_wait3A_867 : memref<50xi32, #tpu.memory_space<vmem>>)
        %dma_start3A_871 = arith.constant 4 : i32
        %dma_start3A_872 = arith.constant 0 : i32
        %dma_start3A_873 = arith.constant 0 : i32
        %dma_start3A_874 = arith.constant 0 : i32
        %dma_start3A_875 = tpu.memref_slice %arg9[%dma_start3A_872, %dma_start3A_873, %dma_start3A_874] : memref<4x50x128xf32, #tpu.memory_space<vmem>> -> memref<1x50x128xf32, #tpu.memory_space<vmem>>
        %dma_start3A_876 = tpu.memref_squeeze %dma_start3A_875 : memref<1x50x128xf32, #tpu.memory_space<vmem>> -> memref<50x128xf32, #tpu.memory_space<vmem>>
        %dma_start3A_877 = arith.constant 0 : i32
        %dma_start3A_878 = tpu.memref_slice %arg7[%dma_start3A_871, %dma_start3A_877] : memref<8x50xi32, #tpu.memory_space<vmem>> -> memref<1x50xi32, #tpu.memory_space<vmem>>
        %dma_start3A_879 = tpu.memref_squeeze %dma_start3A_878 : memref<1x50xi32, #tpu.memory_space<vmem>> -> memref<50xi32, #tpu.memory_space<vmem>>
        %dma_start3A_880 = arith.constant 0 : i32
        %dma_start3A_881 = arith.constant 0 : i32
        %dma_start3A_882 = tpu.memref_slice %arg2[%dma_start3A_880, %dma_start3A_881] : memref<10000x128xf32, #tpu.memory_space<hbm>> -> memref<10000x128xf32, #tpu.memory_space<hbm>>
        tpu.enqueue_indirect_dma source(%dma_start3A_882 : memref<10000x128xf32, #tpu.memory_space<hbm>>) target(%dma_start3A_876 : memref<50x128xf32, #tpu.memory_space<vmem>>) offsets(%dma_start3A_879 : memref<50xi32, #tpu.memory_space<vmem>>) semaphore(%arg19 : memref<!tpu.dma_semaphore, #tpu.memory_space<semaphore_mem>>)
      } else {
      }
      %add3A_474 = arith.constant 8 : i32
      %add3A_475 = arith.addi %add3A_431, %add3A_474 : i32
      %lt3A_476 = arith.constant 200 : i32
      %lt3A_477 = arith.cmpi slt, %add3A_475, %lt3A_476 : i32
      %convert_element_type3A_478 = arith.extui %lt3A_477 : i1 to i32
      %cond3A_479 = arith.constant 0 : i32
      %cond3A_480 = arith.cmpi ne, %convert_element_type3A_478, %cond3A_479 : i32
      scf.if %cond3A_480 {
        %dma_start3A_845 = arith.constant 0 : i32
        %dma_start3A_846 = arith.constant 0 : i32
        %dma_start3A_847 = tpu.memref_slice %arg7[%dma_start3A_845, %dma_start3A_846] : memref<8x50xi32, #tpu.memory_space<vmem>> -> memref<1x50xi32, #tpu.memory_space<vmem>>
        %dma_start3A_848 = tpu.memref_squeeze %dma_start3A_847 : memref<1x50xi32, #tpu.memory_space<vmem>> -> memref<50xi32, #tpu.memory_space<vmem>>
        %dma_start3A_849 = arith.constant 0 : i32
        %dma_start3A_850 = tpu.memref_slice %arg3[%add3A, %add3A_475, %dma_start3A_849] : memref<32x200x50xi32, #tpu.memory_space<hbm>> -> memref<1x1x50xi32, #tpu.memory_space<hbm>>
        %dma_start3A_851 = tpu.memref_squeeze %dma_start3A_850 : memref<1x1x50xi32, #tpu.memory_space<hbm>> -> memref<50xi32, #tpu.memory_space<hbm>>
        %dma_start3A_852 = arith.constant 0 : i32
        %dma_start3A_853 = tpu.memref_slice %arg7[%dma_start3A_845, %dma_start3A_852] : memref<8x50xi32, #tpu.memory_space<vmem>> -> memref<1x50xi32, #tpu.memory_space<vmem>>
        %dma_start3A_854 = tpu.memref_squeeze %dma_start3A_853 : memref<1x50xi32, #tpu.memory_space<vmem>> -> memref<50xi32, #tpu.memory_space<vmem>>
        %dma_start3A_855 = arith.constant 0 : i32
        %dma_start3A_856 = tpu.memref_slice %arg3[%add3A, %add3A_475, %dma_start3A_855] : memref<32x200x50xi32, #tpu.memory_space<hbm>> -> memref<1x1x50xi32, #tpu.memory_space<hbm>>
        %dma_start3A_857 = tpu.memref_squeeze %dma_start3A_856 : memref<1x1x50xi32, #tpu.memory_space<hbm>> -> memref<50xi32, #tpu.memory_space<hbm>>
        tpu.enqueue_dma source(%dma_start3A_857 : memref<50xi32, #tpu.memory_space<hbm>>) target(%dma_start3A_854 : memref<50xi32, #tpu.memory_space<vmem>>) target_semaphore(%arg11 : memref<!tpu.dma_semaphore, #tpu.memory_space<semaphore_mem>>)
        %dma_start3A_858 = arith.constant 0 : i32
        %dma_start3A_859 = arith.constant 0 : i32
        %dma_start3A_860 = tpu.memref_slice %arg8[%dma_start3A_858, %dma_start3A_859] : memref<8x50xi32, #tpu.memory_space<vmem>> -> memref<1x50xi32, #tpu.memory_space<vmem>>
        %dma_start3A_861 = tpu.memref_squeeze %dma_start3A_860 : memref<1x50xi32, #tpu.memory_space<vmem>> -> memref<50xi32, #tpu.memory_space<vmem>>
        %dma_start3A_862 = arith.constant 0 : i32
        %dma_start3A_863 = tpu.memref_slice %arg4[%add3A, %add3A_475, %dma_start3A_862] : memref<32x200x50xi32, #tpu.memory_space<hbm>> -> memref<1x1x50xi32, #tpu.memory_space<hbm>>
        %dma_start3A_864 = tpu.memref_squeeze %dma_start3A_863 : memref<1x1x50xi32, #tpu.memory_space<hbm>> -> memref<50xi32, #tpu.memory_space<hbm>>
        %dma_start3A_865 = arith.constant 0 : i32
        %dma_start3A_866 = tpu.memref_slice %arg8[%dma_start3A_858, %dma_start3A_865] : memref<8x50xi32, #tpu.memory_space<vmem>> -> memref<1x50xi32, #tpu.memory_space<vmem>>
        %dma_start3A_867 = tpu.memref_squeeze %dma_start3A_866 : memref<1x50xi32, #tpu.memory_space<vmem>> -> memref<50xi32, #tpu.memory_space<vmem>>
        %dma_start3A_868 = arith.constant 0 : i32
        %dma_start3A_869 = tpu.memref_slice %arg4[%add3A, %add3A_475, %dma_start3A_868] : memref<32x200x50xi32, #tpu.memory_space<hbm>> -> memref<1x1x50xi32, #tpu.memory_space<hbm>>
        %dma_start3A_870 = tpu.memref_squeeze %dma_start3A_869 : memref<1x1x50xi32, #tpu.memory_space<hbm>> -> memref<50xi32, #tpu.memory_space<hbm>>
        tpu.enqueue_dma source(%dma_start3A_870 : memref<50xi32, #tpu.memory_space<hbm>>) target(%dma_start3A_867 : memref<50xi32, #tpu.memory_space<vmem>>) target_semaphore(%arg11 : memref<!tpu.dma_semaphore, #tpu.memory_space<semaphore_mem>>)
      } else {
      }
      %add3A_481 = arith.constant 1 : i32
      %add3A_482 = arith.addi %add3A_429, %add3A_481 : i32
      %dma_wait3A_483 = arith.constant 1 : i32
      %dma_wait3A_484 = arith.constant 1 : i32
      %dma_wait3A_485 = arith.constant 0 : i32
      %dma_wait3A_486 = arith.constant 0 : i32
      %dma_wait3A_487 = tpu.memref_slice %arg9[%dma_wait3A_484, %dma_wait3A_485, %dma_wait3A_486] : memref<4x50x128xf32, #tpu.memory_space<vmem>> -> memref<1x50x128xf32, #tpu.memory_space<vmem>>
      %dma_wait3A_488 = tpu.memref_squeeze %dma_wait3A_487 : memref<1x50x128xf32, #tpu.memory_space<vmem>> -> memref<50x128xf32, #tpu.memory_space<vmem>>
      %dma_wait3A_489 = arith.constant 0 : i32
      %dma_wait3A_490 = tpu.memref_slice %arg7[%dma_wait3A_483, %dma_wait3A_489] : memref<8x50xi32, #tpu.memory_space<vmem>> -> memref<1x50xi32, #tpu.memory_space<vmem>>
      %dma_wait3A_491 = tpu.memref_squeeze %dma_wait3A_490 : memref<1x50xi32, #tpu.memory_space<vmem>> -> memref<50xi32, #tpu.memory_space<vmem>>
      %dma_wait3A_492 = arith.constant 0 : i32
      %dma_wait3A_493 = arith.constant 0 : i32
      %dma_wait3A_494 = tpu.memref_slice %arg2[%dma_wait3A_492, %dma_wait3A_493] : memref<10000x128xf32, #tpu.memory_space<hbm>> -> memref<10000x128xf32, #tpu.memory_space<hbm>>
      tpu.wait_indirect_dma semaphore(%arg20 : memref<!tpu.dma_semaphore, #tpu.memory_space<semaphore_mem>>) src(%dma_wait3A_494 : memref<10000x128xf32, #tpu.memory_space<hbm>>) dst(%dma_wait3A_488 : memref<50x128xf32, #tpu.memory_space<vmem>>)
      %dma_start3A_495 = arith.constant 1 : i32
      %dma_start3A_496 = arith.constant 1 : i32
      %dma_start3A_497 = arith.constant 0 : i32
      %dma_start3A_498 = arith.constant 0 : i32
      %dma_start3A_499 = tpu.memref_slice %arg9[%dma_start3A_495, %dma_start3A_497, %dma_start3A_498] : memref<4x50x128xf32, #tpu.memory_space<vmem>> -> memref<1x50x128xf32, #tpu.memory_space<vmem>>
      %dma_start3A_500 = tpu.memref_squeeze %dma_start3A_499 : memref<1x50x128xf32, #tpu.memory_space<vmem>> -> memref<50x128xf32, #tpu.memory_space<vmem>>
      %dma_start3A_501 = arith.constant 0 : i32
      %dma_start3A_502 = tpu.memref_slice %arg8[%dma_start3A_496, %dma_start3A_501] : memref<8x50xi32, #tpu.memory_space<vmem>> -> memref<1x50xi32, #tpu.memory_space<vmem>>
      %dma_start3A_503 = tpu.memref_squeeze %dma_start3A_502 : memref<1x50xi32, #tpu.memory_space<vmem>> -> memref<50xi32, #tpu.memory_space<vmem>>
      %dma_start3A_504 = arith.constant 0 : i32
      %dma_start3A_505 = arith.constant 0 : i32
      %dma_start3A_506 = tpu.memref_slice %arg6[%dma_start3A_504, %dma_start3A_505] : memref<10000x128xf32, #tpu.memory_space<vmem_shared>> -> memref<10000x128xf32, #tpu.memory_space<vmem_shared>>
      tpu.enqueue_indirect_dma source(%dma_start3A_500 : memref<50x128xf32, #tpu.memory_space<vmem>>) target(%dma_start3A_506 : memref<10000x128xf32, #tpu.memory_space<vmem_shared>>) offsets(%dma_start3A_503 : memref<50xi32, #tpu.memory_space<vmem>>) semaphore(%arg24 : memref<!tpu.dma_semaphore, #tpu.memory_space<semaphore_mem>>) {add = true}
      %dma_wait3A_507 = arith.constant 1 : i32
      %dma_wait3A_508 = arith.constant 1 : i32
      %dma_wait3A_509 = arith.constant 0 : i32
      %dma_wait3A_510 = arith.constant 0 : i32
      %dma_wait3A_511 = tpu.memref_slice %arg9[%dma_wait3A_507, %dma_wait3A_509, %dma_wait3A_510] : memref<4x50x128xf32, #tpu.memory_space<vmem>> -> memref<1x50x128xf32, #tpu.memory_space<vmem>>
      %dma_wait3A_512 = tpu.memref_squeeze %dma_wait3A_511 : memref<1x50x128xf32, #tpu.memory_space<vmem>> -> memref<50x128xf32, #tpu.memory_space<vmem>>
      %dma_wait3A_513 = arith.constant 0 : i32
      %dma_wait3A_514 = tpu.memref_slice %arg8[%dma_wait3A_508, %dma_wait3A_513] : memref<8x50xi32, #tpu.memory_space<vmem>> -> memref<1x50xi32, #tpu.memory_space<vmem>>
      %dma_wait3A_515 = tpu.memref_squeeze %dma_wait3A_514 : memref<1x50xi32, #tpu.memory_space<vmem>> -> memref<50xi32, #tpu.memory_space<vmem>>
      %dma_wait3A_516 = arith.constant 0 : i32
      %dma_wait3A_517 = arith.constant 0 : i32
      %dma_wait3A_518 = tpu.memref_slice %arg6[%dma_wait3A_516, %dma_wait3A_517] : memref<10000x128xf32, #tpu.memory_space<vmem_shared>> -> memref<10000x128xf32, #tpu.memory_space<vmem_shared>>
      tpu.wait_indirect_dma semaphore(%arg24 : memref<!tpu.dma_semaphore, #tpu.memory_space<semaphore_mem>>) src(%dma_wait3A_512 : memref<50x128xf32, #tpu.memory_space<vmem>>) dst(%dma_wait3A_518 : memref<10000x128xf32, #tpu.memory_space<vmem_shared>>)
      %add3A_519 = arith.constant 4 : i32
      %add3A_520 = arith.addi %add3A_482, %add3A_519 : i32
      %lt3A_521 = arith.constant 200 : i32
      %lt3A_522 = arith.cmpi slt, %add3A_520, %lt3A_521 : i32
      %convert_element_type3A_523 = arith.extui %lt3A_522 : i1 to i32
      %cond3A_524 = arith.constant 0 : i32
      %cond3A_525 = arith.cmpi ne, %convert_element_type3A_523, %cond3A_524 : i32
      scf.if %cond3A_525 {
        %dma_wait3A_845 = arith.constant 5 : i32
        %dma_wait3A_846 = arith.constant 0 : i32
        %dma_wait3A_847 = tpu.memref_slice %arg7[%dma_wait3A_845, %dma_wait3A_846] : memref<8x50xi32, #tpu.memory_space<vmem>> -> memref<1x50xi32, #tpu.memory_space<vmem>>
        %dma_wait3A_848 = tpu.memref_squeeze %dma_wait3A_847 : memref<1x50xi32, #tpu.memory_space<vmem>> -> memref<50xi32, #tpu.memory_space<vmem>>
        %dma_wait3A_849 = arith.constant 0 : i32
        %dma_wait3A_850 = tpu.memref_slice %arg3[%add3A, %add3A_520, %dma_wait3A_849] : memref<32x200x50xi32, #tpu.memory_space<hbm>> -> memref<1x1x50xi32, #tpu.memory_space<hbm>>
        %dma_wait3A_851 = tpu.memref_squeeze %dma_wait3A_850 : memref<1x1x50xi32, #tpu.memory_space<hbm>> -> memref<50xi32, #tpu.memory_space<hbm>>
        %dma_wait3A_852 = arith.constant 0 : i32
        %dma_wait3A_853 = tpu.memref_slice %arg7[%dma_wait3A_845, %dma_wait3A_852] : memref<8x50xi32, #tpu.memory_space<vmem>> -> memref<1x50xi32, #tpu.memory_space<vmem>>
        %dma_wait3A_854 = tpu.memref_squeeze %dma_wait3A_853 : memref<1x50xi32, #tpu.memory_space<vmem>> -> memref<50xi32, #tpu.memory_space<vmem>>
        %dma_wait3A_855 = arith.constant 0 : i32
        %dma_wait3A_856 = tpu.memref_slice %arg3[%add3A, %add3A_520, %dma_wait3A_855] : memref<32x200x50xi32, #tpu.memory_space<hbm>> -> memref<1x1x50xi32, #tpu.memory_space<hbm>>
        %dma_wait3A_857 = tpu.memref_squeeze %dma_wait3A_856 : memref<1x1x50xi32, #tpu.memory_space<hbm>> -> memref<50xi32, #tpu.memory_space<hbm>>
        tpu.wait_dma2 semaphore(%arg16 : memref<!tpu.dma_semaphore, #tpu.memory_space<semaphore_mem>>) src(%dma_wait3A_857 : memref<50xi32, #tpu.memory_space<hbm>>) dst(%dma_wait3A_854 : memref<50xi32, #tpu.memory_space<vmem>>)
        %dma_wait3A_858 = arith.constant 5 : i32
        %dma_wait3A_859 = arith.constant 0 : i32
        %dma_wait3A_860 = tpu.memref_slice %arg8[%dma_wait3A_858, %dma_wait3A_859] : memref<8x50xi32, #tpu.memory_space<vmem>> -> memref<1x50xi32, #tpu.memory_space<vmem>>
        %dma_wait3A_861 = tpu.memref_squeeze %dma_wait3A_860 : memref<1x50xi32, #tpu.memory_space<vmem>> -> memref<50xi32, #tpu.memory_space<vmem>>
        %dma_wait3A_862 = arith.constant 0 : i32
        %dma_wait3A_863 = tpu.memref_slice %arg4[%add3A, %add3A_520, %dma_wait3A_862] : memref<32x200x50xi32, #tpu.memory_space<hbm>> -> memref<1x1x50xi32, #tpu.memory_space<hbm>>
        %dma_wait3A_864 = tpu.memref_squeeze %dma_wait3A_863 : memref<1x1x50xi32, #tpu.memory_space<hbm>> -> memref<50xi32, #tpu.memory_space<hbm>>
        %dma_wait3A_865 = arith.constant 0 : i32
        %dma_wait3A_866 = tpu.memref_slice %arg8[%dma_wait3A_858, %dma_wait3A_865] : memref<8x50xi32, #tpu.memory_space<vmem>> -> memref<1x50xi32, #tpu.memory_space<vmem>>
        %dma_wait3A_867 = tpu.memref_squeeze %dma_wait3A_866 : memref<1x50xi32, #tpu.memory_space<vmem>> -> memref<50xi32, #tpu.memory_space<vmem>>
        %dma_wait3A_868 = arith.constant 0 : i32
        %dma_wait3A_869 = tpu.memref_slice %arg4[%add3A, %add3A_520, %dma_wait3A_868] : memref<32x200x50xi32, #tpu.memory_space<hbm>> -> memref<1x1x50xi32, #tpu.memory_space<hbm>>
        %dma_wait3A_870 = tpu.memref_squeeze %dma_wait3A_869 : memref<1x1x50xi32, #tpu.memory_space<hbm>> -> memref<50xi32, #tpu.memory_space<hbm>>
        tpu.wait_dma2 semaphore(%arg16 : memref<!tpu.dma_semaphore, #tpu.memory_space<semaphore_mem>>) src(%dma_wait3A_870 : memref<50xi32, #tpu.memory_space<hbm>>) dst(%dma_wait3A_867 : memref<50xi32, #tpu.memory_space<vmem>>)
        %dma_start3A_871 = arith.constant 5 : i32
        %dma_start3A_872 = arith.constant 1 : i32
        %dma_start3A_873 = arith.constant 0 : i32
        %dma_start3A_874 = arith.constant 0 : i32
        %dma_start3A_875 = tpu.memref_slice %arg9[%dma_start3A_872, %dma_start3A_873, %dma_start3A_874] : memref<4x50x128xf32, #tpu.memory_space<vmem>> -> memref<1x50x128xf32, #tpu.memory_space<vmem>>
        %dma_start3A_876 = tpu.memref_squeeze %dma_start3A_875 : memref<1x50x128xf32, #tpu.memory_space<vmem>> -> memref<50x128xf32, #tpu.memory_space<vmem>>
        %dma_start3A_877 = arith.constant 0 : i32
        %dma_start3A_878 = tpu.memref_slice %arg7[%dma_start3A_871, %dma_start3A_877] : memref<8x50xi32, #tpu.memory_space<vmem>> -> memref<1x50xi32, #tpu.memory_space<vmem>>
        %dma_start3A_879 = tpu.memref_squeeze %dma_start3A_878 : memref<1x50xi32, #tpu.memory_space<vmem>> -> memref<50xi32, #tpu.memory_space<vmem>>
        %dma_start3A_880 = arith.constant 0 : i32
        %dma_start3A_881 = arith.constant 0 : i32
        %dma_start3A_882 = tpu.memref_slice %arg2[%dma_start3A_880, %dma_start3A_881] : memref<10000x128xf32, #tpu.memory_space<hbm>> -> memref<10000x128xf32, #tpu.memory_space<hbm>>
        tpu.enqueue_indirect_dma source(%dma_start3A_882 : memref<10000x128xf32, #tpu.memory_space<hbm>>) target(%dma_start3A_876 : memref<50x128xf32, #tpu.memory_space<vmem>>) offsets(%dma_start3A_879 : memref<50xi32, #tpu.memory_space<vmem>>) semaphore(%arg20 : memref<!tpu.dma_semaphore, #tpu.memory_space<semaphore_mem>>)
      } else {
      }
      %add3A_526 = arith.constant 8 : i32
      %add3A_527 = arith.addi %add3A_482, %add3A_526 : i32
      %lt3A_528 = arith.constant 200 : i32
      %lt3A_529 = arith.cmpi slt, %add3A_527, %lt3A_528 : i32
      %convert_element_type3A_530 = arith.extui %lt3A_529 : i1 to i32
      %cond3A_531 = arith.constant 0 : i32
      %cond3A_532 = arith.cmpi ne, %convert_element_type3A_530, %cond3A_531 : i32
      scf.if %cond3A_532 {
        %dma_start3A_845 = arith.constant 1 : i32
        %dma_start3A_846 = arith.constant 0 : i32
        %dma_start3A_847 = tpu.memref_slice %arg7[%dma_start3A_845, %dma_start3A_846] : memref<8x50xi32, #tpu.memory_space<vmem>> -> memref<1x50xi32, #tpu.memory_space<vmem>>
        %dma_start3A_848 = tpu.memref_squeeze %dma_start3A_847 : memref<1x50xi32, #tpu.memory_space<vmem>> -> memref<50xi32, #tpu.memory_space<vmem>>
        %dma_start3A_849 = arith.constant 0 : i32
        %dma_start3A_850 = tpu.memref_slice %arg3[%add3A, %add3A_527, %dma_start3A_849] : memref<32x200x50xi32, #tpu.memory_space<hbm>> -> memref<1x1x50xi32, #tpu.memory_space<hbm>>
        %dma_start3A_851 = tpu.memref_squeeze %dma_start3A_850 : memref<1x1x50xi32, #tpu.memory_space<hbm>> -> memref<50xi32, #tpu.memory_space<hbm>>
        %dma_start3A_852 = arith.constant 0 : i32
        %dma_start3A_853 = tpu.memref_slice %arg7[%dma_start3A_845, %dma_start3A_852] : memref<8x50xi32, #tpu.memory_space<vmem>> -> memref<1x50xi32, #tpu.memory_space<vmem>>
        %dma_start3A_854 = tpu.memref_squeeze %dma_start3A_853 : memref<1x50xi32, #tpu.memory_space<vmem>> -> memref<50xi32, #tpu.memory_space<vmem>>
        %dma_start3A_855 = arith.constant 0 : i32
        %dma_start3A_856 = tpu.memref_slice %arg3[%add3A, %add3A_527, %dma_start3A_855] : memref<32x200x50xi32, #tpu.memory_space<hbm>> -> memref<1x1x50xi32, #tpu.memory_space<hbm>>
        %dma_start3A_857 = tpu.memref_squeeze %dma_start3A_856 : memref<1x1x50xi32, #tpu.memory_space<hbm>> -> memref<50xi32, #tpu.memory_space<hbm>>
        tpu.enqueue_dma source(%dma_start3A_857 : memref<50xi32, #tpu.memory_space<hbm>>) target(%dma_start3A_854 : memref<50xi32, #tpu.memory_space<vmem>>) target_semaphore(%arg12 : memref<!tpu.dma_semaphore, #tpu.memory_space<semaphore_mem>>)
        %dma_start3A_858 = arith.constant 1 : i32
        %dma_start3A_859 = arith.constant 0 : i32
        %dma_start3A_860 = tpu.memref_slice %arg8[%dma_start3A_858, %dma_start3A_859] : memref<8x50xi32, #tpu.memory_space<vmem>> -> memref<1x50xi32, #tpu.memory_space<vmem>>
        %dma_start3A_861 = tpu.memref_squeeze %dma_start3A_860 : memref<1x50xi32, #tpu.memory_space<vmem>> -> memref<50xi32, #tpu.memory_space<vmem>>
        %dma_start3A_862 = arith.constant 0 : i32
        %dma_start3A_863 = tpu.memref_slice %arg4[%add3A, %add3A_527, %dma_start3A_862] : memref<32x200x50xi32, #tpu.memory_space<hbm>> -> memref<1x1x50xi32, #tpu.memory_space<hbm>>
        %dma_start3A_864 = tpu.memref_squeeze %dma_start3A_863 : memref<1x1x50xi32, #tpu.memory_space<hbm>> -> memref<50xi32, #tpu.memory_space<hbm>>
        %dma_start3A_865 = arith.constant 0 : i32
        %dma_start3A_866 = tpu.memref_slice %arg8[%dma_start3A_858, %dma_start3A_865] : memref<8x50xi32, #tpu.memory_space<vmem>> -> memref<1x50xi32, #tpu.memory_space<vmem>>
        %dma_start3A_867 = tpu.memref_squeeze %dma_start3A_866 : memref<1x50xi32, #tpu.memory_space<vmem>> -> memref<50xi32, #tpu.memory_space<vmem>>
        %dma_start3A_868 = arith.constant 0 : i32
        %dma_start3A_869 = tpu.memref_slice %arg4[%add3A, %add3A_527, %dma_start3A_868] : memref<32x200x50xi32, #tpu.memory_space<hbm>> -> memref<1x1x50xi32, #tpu.memory_space<hbm>>
        %dma_start3A_870 = tpu.memref_squeeze %dma_start3A_869 : memref<1x1x50xi32, #tpu.memory_space<hbm>> -> memref<50xi32, #tpu.memory_space<hbm>>
        tpu.enqueue_dma source(%dma_start3A_870 : memref<50xi32, #tpu.memory_space<hbm>>) target(%dma_start3A_867 : memref<50xi32, #tpu.memory_space<vmem>>) target_semaphore(%arg12 : memref<!tpu.dma_semaphore, #tpu.memory_space<semaphore_mem>>)
      } else {
      }
      %add3A_533 = arith.constant 2 : i32
      %add3A_534 = arith.addi %add3A_429, %add3A_533 : i32
      %dma_wait3A_535 = arith.constant 2 : i32
      %dma_wait3A_536 = arith.constant 2 : i32
      %dma_wait3A_537 = arith.constant 0 : i32
      %dma_wait3A_538 = arith.constant 0 : i32
      %dma_wait3A_539 = tpu.memref_slice %arg9[%dma_wait3A_536, %dma_wait3A_537, %dma_wait3A_538] : memref<4x50x128xf32, #tpu.memory_space<vmem>> -> memref<1x50x128xf32, #tpu.memory_space<vmem>>
      %dma_wait3A_540 = tpu.memref_squeeze %dma_wait3A_539 : memref<1x50x128xf32, #tpu.memory_space<vmem>> -> memref<50x128xf32, #tpu.memory_space<vmem>>
      %dma_wait3A_541 = arith.constant 0 : i32
      %dma_wait3A_542 = tpu.memref_slice %arg7[%dma_wait3A_535, %dma_wait3A_541] : memref<8x50xi32, #tpu.memory_space<vmem>> -> memref<1x50xi32, #tpu.memory_space<vmem>>
      %dma_wait3A_543 = tpu.memref_squeeze %dma_wait3A_542 : memref<1x50xi32, #tpu.memory_space<vmem>> -> memref<50xi32, #tpu.memory_space<vmem>>
      %dma_wait3A_544 = arith.constant 0 : i32
      %dma_wait3A_545 = arith.constant 0 : i32
      %dma_wait3A_546 = tpu.memref_slice %arg2[%dma_wait3A_544, %dma_wait3A_545] : memref<10000x128xf32, #tpu.memory_space<hbm>> -> memref<10000x128xf32, #tpu.memory_space<hbm>>
      tpu.wait_indirect_dma semaphore(%arg21 : memref<!tpu.dma_semaphore, #tpu.memory_space<semaphore_mem>>) src(%dma_wait3A_546 : memref<10000x128xf32, #tpu.memory_space<hbm>>) dst(%dma_wait3A_540 : memref<50x128xf32, #tpu.memory_space<vmem>>)
      %dma_start3A_547 = arith.constant 2 : i32
      %dma_start3A_548 = arith.constant 2 : i32
      %dma_start3A_549 = arith.constant 0 : i32
      %dma_start3A_550 = arith.constant 0 : i32
      %dma_start3A_551 = tpu.memref_slice %arg9[%dma_start3A_547, %dma_start3A_549, %dma_start3A_550] : memref<4x50x128xf32, #tpu.memory_space<vmem>> -> memref<1x50x128xf32, #tpu.memory_space<vmem>>
      %dma_start3A_552 = tpu.memref_squeeze %dma_start3A_551 : memref<1x50x128xf32, #tpu.memory_space<vmem>> -> memref<50x128xf32, #tpu.memory_space<vmem>>
      %dma_start3A_553 = arith.constant 0 : i32
      %dma_start3A_554 = tpu.memref_slice %arg8[%dma_start3A_548, %dma_start3A_553] : memref<8x50xi32, #tpu.memory_space<vmem>> -> memref<1x50xi32, #tpu.memory_space<vmem>>
      %dma_start3A_555 = tpu.memref_squeeze %dma_start3A_554 : memref<1x50xi32, #tpu.memory_space<vmem>> -> memref<50xi32, #tpu.memory_space<vmem>>
      %dma_start3A_556 = arith.constant 0 : i32
      %dma_start3A_557 = arith.constant 0 : i32
      %dma_start3A_558 = tpu.memref_slice %arg6[%dma_start3A_556, %dma_start3A_557] : memref<10000x128xf32, #tpu.memory_space<vmem_shared>> -> memref<10000x128xf32, #tpu.memory_space<vmem_shared>>
      tpu.enqueue_indirect_dma source(%dma_start3A_552 : memref<50x128xf32, #tpu.memory_space<vmem>>) target(%dma_start3A_558 : memref<10000x128xf32, #tpu.memory_space<vmem_shared>>) offsets(%dma_start3A_555 : memref<50xi32, #tpu.memory_space<vmem>>) semaphore(%arg25 : memref<!tpu.dma_semaphore, #tpu.memory_space<semaphore_mem>>) {add = true}
      %dma_wait3A_559 = arith.constant 2 : i32
      %dma_wait3A_560 = arith.constant 2 : i32
      %dma_wait3A_561 = arith.constant 0 : i32
      %dma_wait3A_562 = arith.constant 0 : i32
      %dma_wait3A_563 = tpu.memref_slice %arg9[%dma_wait3A_559, %dma_wait3A_561, %dma_wait3A_562] : memref<4x50x128xf32, #tpu.memory_space<vmem>> -> memref<1x50x128xf32, #tpu.memory_space<vmem>>
      %dma_wait3A_564 = tpu.memref_squeeze %dma_wait3A_563 : memref<1x50x128xf32, #tpu.memory_space<vmem>> -> memref<50x128xf32, #tpu.memory_space<vmem>>
      %dma_wait3A_565 = arith.constant 0 : i32
      %dma_wait3A_566 = tpu.memref_slice %arg8[%dma_wait3A_560, %dma_wait3A_565] : memref<8x50xi32, #tpu.memory_space<vmem>> -> memref<1x50xi32, #tpu.memory_space<vmem>>
      %dma_wait3A_567 = tpu.memref_squeeze %dma_wait3A_566 : memref<1x50xi32, #tpu.memory_space<vmem>> -> memref<50xi32, #tpu.memory_space<vmem>>
      %dma_wait3A_568 = arith.constant 0 : i32
      %dma_wait3A_569 = arith.constant 0 : i32
      %dma_wait3A_570 = tpu.memref_slice %arg6[%dma_wait3A_568, %dma_wait3A_569] : memref<10000x128xf32, #tpu.memory_space<vmem_shared>> -> memref<10000x128xf32, #tpu.memory_space<vmem_shared>>
      tpu.wait_indirect_dma semaphore(%arg25 : memref<!tpu.dma_semaphore, #tpu.memory_space<semaphore_mem>>) src(%dma_wait3A_564 : memref<50x128xf32, #tpu.memory_space<vmem>>) dst(%dma_wait3A_570 : memref<10000x128xf32, #tpu.memory_space<vmem_shared>>)
      %add3A_571 = arith.constant 4 : i32
      %add3A_572 = arith.addi %add3A_534, %add3A_571 : i32
      %lt3A_573 = arith.constant 200 : i32
      %lt3A_574 = arith.cmpi slt, %add3A_572, %lt3A_573 : i32
      %convert_element_type3A_575 = arith.extui %lt3A_574 : i1 to i32
      %cond3A_576 = arith.constant 0 : i32
      %cond3A_577 = arith.cmpi ne, %convert_element_type3A_575, %cond3A_576 : i32
      scf.if %cond3A_577 {
        %dma_wait3A_845 = arith.constant 6 : i32
        %dma_wait3A_846 = arith.constant 0 : i32
        %dma_wait3A_847 = tpu.memref_slice %arg7[%dma_wait3A_845, %dma_wait3A_846] : memref<8x50xi32, #tpu.memory_space<vmem>> -> memref<1x50xi32, #tpu.memory_space<vmem>>
        %dma_wait3A_848 = tpu.memref_squeeze %dma_wait3A_847 : memref<1x50xi32, #tpu.memory_space<vmem>> -> memref<50xi32, #tpu.memory_space<vmem>>
        %dma_wait3A_849 = arith.constant 0 : i32
        %dma_wait3A_850 = tpu.memref_slice %arg3[%add3A, %add3A_572, %dma_wait3A_849] : memref<32x200x50xi32, #tpu.memory_space<hbm>> -> memref<1x1x50xi32, #tpu.memory_space<hbm>>
        %dma_wait3A_851 = tpu.memref_squeeze %dma_wait3A_850 : memref<1x1x50xi32, #tpu.memory_space<hbm>> -> memref<50xi32, #tpu.memory_space<hbm>>
        %dma_wait3A_852 = arith.constant 0 : i32
        %dma_wait3A_853 = tpu.memref_slice %arg7[%dma_wait3A_845, %dma_wait3A_852] : memref<8x50xi32, #tpu.memory_space<vmem>> -> memref<1x50xi32, #tpu.memory_space<vmem>>
        %dma_wait3A_854 = tpu.memref_squeeze %dma_wait3A_853 : memref<1x50xi32, #tpu.memory_space<vmem>> -> memref<50xi32, #tpu.memory_space<vmem>>
        %dma_wait3A_855 = arith.constant 0 : i32
        %dma_wait3A_856 = tpu.memref_slice %arg3[%add3A, %add3A_572, %dma_wait3A_855] : memref<32x200x50xi32, #tpu.memory_space<hbm>> -> memref<1x1x50xi32, #tpu.memory_space<hbm>>
        %dma_wait3A_857 = tpu.memref_squeeze %dma_wait3A_856 : memref<1x1x50xi32, #tpu.memory_space<hbm>> -> memref<50xi32, #tpu.memory_space<hbm>>
        tpu.wait_dma2 semaphore(%arg17 : memref<!tpu.dma_semaphore, #tpu.memory_space<semaphore_mem>>) src(%dma_wait3A_857 : memref<50xi32, #tpu.memory_space<hbm>>) dst(%dma_wait3A_854 : memref<50xi32, #tpu.memory_space<vmem>>)
        %dma_wait3A_858 = arith.constant 6 : i32
        %dma_wait3A_859 = arith.constant 0 : i32
        %dma_wait3A_860 = tpu.memref_slice %arg8[%dma_wait3A_858, %dma_wait3A_859] : memref<8x50xi32, #tpu.memory_space<vmem>> -> memref<1x50xi32, #tpu.memory_space<vmem>>
        %dma_wait3A_861 = tpu.memref_squeeze %dma_wait3A_860 : memref<1x50xi32, #tpu.memory_space<vmem>> -> memref<50xi32, #tpu.memory_space<vmem>>
        %dma_wait3A_862 = arith.constant 0 : i32
        %dma_wait3A_863 = tpu.memref_slice %arg4[%add3A, %add3A_572, %dma_wait3A_862] : memref<32x200x50xi32, #tpu.memory_space<hbm>> -> memref<1x1x50xi32, #tpu.memory_space<hbm>>
        %dma_wait3A_864 = tpu.memref_squeeze %dma_wait3A_863 : memref<1x1x50xi32, #tpu.memory_space<hbm>> -> memref<50xi32, #tpu.memory_space<hbm>>
        %dma_wait3A_865 = arith.constant 0 : i32
        %dma_wait3A_866 = tpu.memref_slice %arg8[%dma_wait3A_858, %dma_wait3A_865] : memref<8x50xi32, #tpu.memory_space<vmem>> -> memref<1x50xi32, #tpu.memory_space<vmem>>
        %dma_wait3A_867 = tpu.memref_squeeze %dma_wait3A_866 : memref<1x50xi32, #tpu.memory_space<vmem>> -> memref<50xi32, #tpu.memory_space<vmem>>
        %dma_wait3A_868 = arith.constant 0 : i32
        %dma_wait3A_869 = tpu.memref_slice %arg4[%add3A, %add3A_572, %dma_wait3A_868] : memref<32x200x50xi32, #tpu.memory_space<hbm>> -> memref<1x1x50xi32, #tpu.memory_space<hbm>>
        %dma_wait3A_870 = tpu.memref_squeeze %dma_wait3A_869 : memref<1x1x50xi32, #tpu.memory_space<hbm>> -> memref<50xi32, #tpu.memory_space<hbm>>
        tpu.wait_dma2 semaphore(%arg17 : memref<!tpu.dma_semaphore, #tpu.memory_space<semaphore_mem>>) src(%dma_wait3A_870 : memref<50xi32, #tpu.memory_space<hbm>>) dst(%dma_wait3A_867 : memref<50xi32, #tpu.memory_space<vmem>>)
        %dma_start3A_871 = arith.constant 6 : i32
        %dma_start3A_872 = arith.constant 2 : i32
        %dma_start3A_873 = arith.constant 0 : i32
        %dma_start3A_874 = arith.constant 0 : i32
        %dma_start3A_875 = tpu.memref_slice %arg9[%dma_start3A_872, %dma_start3A_873, %dma_start3A_874] : memref<4x50x128xf32, #tpu.memory_space<vmem>> -> memref<1x50x128xf32, #tpu.memory_space<vmem>>
        %dma_start3A_876 = tpu.memref_squeeze %dma_start3A_875 : memref<1x50x128xf32, #tpu.memory_space<vmem>> -> memref<50x128xf32, #tpu.memory_space<vmem>>
        %dma_start3A_877 = arith.constant 0 : i32
        %dma_start3A_878 = tpu.memref_slice %arg7[%dma_start3A_871, %dma_start3A_877] : memref<8x50xi32, #tpu.memory_space<vmem>> -> memref<1x50xi32, #tpu.memory_space<vmem>>
        %dma_start3A_879 = tpu.memref_squeeze %dma_start3A_878 : memref<1x50xi32, #tpu.memory_space<vmem>> -> memref<50xi32, #tpu.memory_space<vmem>>
        %dma_start3A_880 = arith.constant 0 : i32
        %dma_start3A_881 = arith.constant 0 : i32
        %dma_start3A_882 = tpu.memref_slice %arg2[%dma_start3A_880, %dma_start3A_881] : memref<10000x128xf32, #tpu.memory_space<hbm>> -> memref<10000x128xf32, #tpu.memory_space<hbm>>
        tpu.enqueue_indirect_dma source(%dma_start3A_882 : memref<10000x128xf32, #tpu.memory_space<hbm>>) target(%dma_start3A_876 : memref<50x128xf32, #tpu.memory_space<vmem>>) offsets(%dma_start3A_879 : memref<50xi32, #tpu.memory_space<vmem>>) semaphore(%arg21 : memref<!tpu.dma_semaphore, #tpu.memory_space<semaphore_mem>>)
      } else {
      }
      %add3A_578 = arith.constant 8 : i32
      %add3A_579 = arith.addi %add3A_534, %add3A_578 : i32
      %lt3A_580 = arith.constant 200 : i32
      %lt3A_581 = arith.cmpi slt, %add3A_579, %lt3A_580 : i32
      %convert_element_type3A_582 = arith.extui %lt3A_581 : i1 to i32
      %cond3A_583 = arith.constant 0 : i32
      %cond3A_584 = arith.cmpi ne, %convert_element_type3A_582, %cond3A_583 : i32
      scf.if %cond3A_584 {
        %dma_start3A_845 = arith.constant 2 : i32
        %dma_start3A_846 = arith.constant 0 : i32
        %dma_start3A_847 = tpu.memref_slice %arg7[%dma_start3A_845, %dma_start3A_846] : memref<8x50xi32, #tpu.memory_space<vmem>> -> memref<1x50xi32, #tpu.memory_space<vmem>>
        %dma_start3A_848 = tpu.memref_squeeze %dma_start3A_847 : memref<1x50xi32, #tpu.memory_space<vmem>> -> memref<50xi32, #tpu.memory_space<vmem>>
        %dma_start3A_849 = arith.constant 0 : i32
        %dma_start3A_850 = tpu.memref_slice %arg3[%add3A, %add3A_579, %dma_start3A_849] : memref<32x200x50xi32, #tpu.memory_space<hbm>> -> memref<1x1x50xi32, #tpu.memory_space<hbm>>
        %dma_start3A_851 = tpu.memref_squeeze %dma_start3A_850 : memref<1x1x50xi32, #tpu.memory_space<hbm>> -> memref<50xi32, #tpu.memory_space<hbm>>
        %dma_start3A_852 = arith.constant 0 : i32
        %dma_start3A_853 = tpu.memref_slice %arg7[%dma_start3A_845, %dma_start3A_852] : memref<8x50xi32, #tpu.memory_space<vmem>> -> memref<1x50xi32, #tpu.memory_space<vmem>>
        %dma_start3A_854 = tpu.memref_squeeze %dma_start3A_853 : memref<1x50xi32, #tpu.memory_space<vmem>> -> memref<50xi32, #tpu.memory_space<vmem>>
        %dma_start3A_855 = arith.constant 0 : i32
        %dma_start3A_856 = tpu.memref_slice %arg3[%add3A, %add3A_579, %dma_start3A_855] : memref<32x200x50xi32, #tpu.memory_space<hbm>> -> memref<1x1x50xi32, #tpu.memory_space<hbm>>
        %dma_start3A_857 = tpu.memref_squeeze %dma_start3A_856 : memref<1x1x50xi32, #tpu.memory_space<hbm>> -> memref<50xi32, #tpu.memory_space<hbm>>
        tpu.enqueue_dma source(%dma_start3A_857 : memref<50xi32, #tpu.memory_space<hbm>>) target(%dma_start3A_854 : memref<50xi32, #tpu.memory_space<vmem>>) target_semaphore(%arg13 : memref<!tpu.dma_semaphore, #tpu.memory_space<semaphore_mem>>)
        %dma_start3A_858 = arith.constant 2 : i32
        %dma_start3A_859 = arith.constant 0 : i32
        %dma_start3A_860 = tpu.memref_slice %arg8[%dma_start3A_858, %dma_start3A_859] : memref<8x50xi32, #tpu.memory_space<vmem>> -> memref<1x50xi32, #tpu.memory_space<vmem>>
        %dma_start3A_861 = tpu.memref_squeeze %dma_start3A_860 : memref<1x50xi32, #tpu.memory_space<vmem>> -> memref<50xi32, #tpu.memory_space<vmem>>
        %dma_start3A_862 = arith.constant 0 : i32
        %dma_start3A_863 = tpu.memref_slice %arg4[%add3A, %add3A_579, %dma_start3A_862] : memref<32x200x50xi32, #tpu.memory_space<hbm>> -> memref<1x1x50xi32, #tpu.memory_space<hbm>>
        %dma_start3A_864 = tpu.memref_squeeze %dma_start3A_863 : memref<1x1x50xi32, #tpu.memory_space<hbm>> -> memref<50xi32, #tpu.memory_space<hbm>>
        %dma_start3A_865 = arith.constant 0 : i32
        %dma_start3A_866 = tpu.memref_slice %arg8[%dma_start3A_858, %dma_start3A_865] : memref<8x50xi32, #tpu.memory_space<vmem>> -> memref<1x50xi32, #tpu.memory_space<vmem>>
        %dma_start3A_867 = tpu.memref_squeeze %dma_start3A_866 : memref<1x50xi32, #tpu.memory_space<vmem>> -> memref<50xi32, #tpu.memory_space<vmem>>
        %dma_start3A_868 = arith.constant 0 : i32
        %dma_start3A_869 = tpu.memref_slice %arg4[%add3A, %add3A_579, %dma_start3A_868] : memref<32x200x50xi32, #tpu.memory_space<hbm>> -> memref<1x1x50xi32, #tpu.memory_space<hbm>>
        %dma_start3A_870 = tpu.memref_squeeze %dma_start3A_869 : memref<1x1x50xi32, #tpu.memory_space<hbm>> -> memref<50xi32, #tpu.memory_space<hbm>>
        tpu.enqueue_dma source(%dma_start3A_870 : memref<50xi32, #tpu.memory_space<hbm>>) target(%dma_start3A_867 : memref<50xi32, #tpu.memory_space<vmem>>) target_semaphore(%arg13 : memref<!tpu.dma_semaphore, #tpu.memory_space<semaphore_mem>>)
      } else {
      }
      %add3A_585 = arith.constant 3 : i32
      %add3A_586 = arith.addi %add3A_429, %add3A_585 : i32
      %dma_wait3A_587 = arith.constant 3 : i32
      %dma_wait3A_588 = arith.constant 3 : i32
      %dma_wait3A_589 = arith.constant 0 : i32
      %dma_wait3A_590 = arith.constant 0 : i32
      %dma_wait3A_591 = tpu.memref_slice %arg9[%dma_wait3A_588, %dma_wait3A_589, %dma_wait3A_590] : memref<4x50x128xf32, #tpu.memory_space<vmem>> -> memref<1x50x128xf32, #tpu.memory_space<vmem>>
      %dma_wait3A_592 = tpu.memref_squeeze %dma_wait3A_591 : memref<1x50x128xf32, #tpu.memory_space<vmem>> -> memref<50x128xf32, #tpu.memory_space<vmem>>
      %dma_wait3A_593 = arith.constant 0 : i32
      %dma_wait3A_594 = tpu.memref_slice %arg7[%dma_wait3A_587, %dma_wait3A_593] : memref<8x50xi32, #tpu.memory_space<vmem>> -> memref<1x50xi32, #tpu.memory_space<vmem>>
      %dma_wait3A_595 = tpu.memref_squeeze %dma_wait3A_594 : memref<1x50xi32, #tpu.memory_space<vmem>> -> memref<50xi32, #tpu.memory_space<vmem>>
      %dma_wait3A_596 = arith.constant 0 : i32
      %dma_wait3A_597 = arith.constant 0 : i32
      %dma_wait3A_598 = tpu.memref_slice %arg2[%dma_wait3A_596, %dma_wait3A_597] : memref<10000x128xf32, #tpu.memory_space<hbm>> -> memref<10000x128xf32, #tpu.memory_space<hbm>>
      tpu.wait_indirect_dma semaphore(%arg22 : memref<!tpu.dma_semaphore, #tpu.memory_space<semaphore_mem>>) src(%dma_wait3A_598 : memref<10000x128xf32, #tpu.memory_space<hbm>>) dst(%dma_wait3A_592 : memref<50x128xf32, #tpu.memory_space<vmem>>)
      %dma_start3A_599 = arith.constant 3 : i32
      %dma_start3A_600 = arith.constant 3 : i32
      %dma_start3A_601 = arith.constant 0 : i32
      %dma_start3A_602 = arith.constant 0 : i32
      %dma_start3A_603 = tpu.memref_slice %arg9[%dma_start3A_599, %dma_start3A_601, %dma_start3A_602] : memref<4x50x128xf32, #tpu.memory_space<vmem>> -> memref<1x50x128xf32, #tpu.memory_space<vmem>>
      %dma_start3A_604 = tpu.memref_squeeze %dma_start3A_603 : memref<1x50x128xf32, #tpu.memory_space<vmem>> -> memref<50x128xf32, #tpu.memory_space<vmem>>
      %dma_start3A_605 = arith.constant 0 : i32
      %dma_start3A_606 = tpu.memref_slice %arg8[%dma_start3A_600, %dma_start3A_605] : memref<8x50xi32, #tpu.memory_space<vmem>> -> memref<1x50xi32, #tpu.memory_space<vmem>>
      %dma_start3A_607 = tpu.memref_squeeze %dma_start3A_606 : memref<1x50xi32, #tpu.memory_space<vmem>> -> memref<50xi32, #tpu.memory_space<vmem>>
      %dma_start3A_608 = arith.constant 0 : i32
      %dma_start3A_609 = arith.constant 0 : i32
      %dma_start3A_610 = tpu.memref_slice %arg6[%dma_start3A_608, %dma_start3A_609] : memref<10000x128xf32, #tpu.memory_space<vmem_shared>> -> memref<10000x128xf32, #tpu.memory_space<vmem_shared>>
      tpu.enqueue_indirect_dma source(%dma_start3A_604 : memref<50x128xf32, #tpu.memory_space<vmem>>) target(%dma_start3A_610 : memref<10000x128xf32, #tpu.memory_space<vmem_shared>>) offsets(%dma_start3A_607 : memref<50xi32, #tpu.memory_space<vmem>>) semaphore(%arg26 : memref<!tpu.dma_semaphore, #tpu.memory_space<semaphore_mem>>) {add = true}
      %dma_wait3A_611 = arith.constant 3 : i32
      %dma_wait3A_612 = arith.constant 3 : i32
      %dma_wait3A_613 = arith.constant 0 : i32
      %dma_wait3A_614 = arith.constant 0 : i32
      %dma_wait3A_615 = tpu.memref_slice %arg9[%dma_wait3A_611, %dma_wait3A_613, %dma_wait3A_614] : memref<4x50x128xf32, #tpu.memory_space<vmem>> -> memref<1x50x128xf32, #tpu.memory_space<vmem>>
      %dma_wait3A_616 = tpu.memref_squeeze %dma_wait3A_615 : memref<1x50x128xf32, #tpu.memory_space<vmem>> -> memref<50x128xf32, #tpu.memory_space<vmem>>
      %dma_wait3A_617 = arith.constant 0 : i32
      %dma_wait3A_618 = tpu.memref_slice %arg8[%dma_wait3A_612, %dma_wait3A_617] : memref<8x50xi32, #tpu.memory_space<vmem>> -> memref<1x50xi32, #tpu.memory_space<vmem>>
      %dma_wait3A_619 = tpu.memref_squeeze %dma_wait3A_618 : memref<1x50xi32, #tpu.memory_space<vmem>> -> memref<50xi32, #tpu.memory_space<vmem>>
      %dma_wait3A_620 = arith.constant 0 : i32
      %dma_wait3A_621 = arith.constant 0 : i32
      %dma_wait3A_622 = tpu.memref_slice %arg6[%dma_wait3A_620, %dma_wait3A_621] : memref<10000x128xf32, #tpu.memory_space<vmem_shared>> -> memref<10000x128xf32, #tpu.memory_space<vmem_shared>>
      tpu.wait_indirect_dma semaphore(%arg26 : memref<!tpu.dma_semaphore, #tpu.memory_space<semaphore_mem>>) src(%dma_wait3A_616 : memref<50x128xf32, #tpu.memory_space<vmem>>) dst(%dma_wait3A_622 : memref<10000x128xf32, #tpu.memory_space<vmem_shared>>)
      %add3A_623 = arith.constant 4 : i32
      %add3A_624 = arith.addi %add3A_586, %add3A_623 : i32
      %lt3A_625 = arith.constant 200 : i32
      %lt3A_626 = arith.cmpi slt, %add3A_624, %lt3A_625 : i32
      %convert_element_type3A_627 = arith.extui %lt3A_626 : i1 to i32
      %cond3A_628 = arith.constant 0 : i32
      %cond3A_629 = arith.cmpi ne, %convert_element_type3A_627, %cond3A_628 : i32
      scf.if %cond3A_629 {
        %dma_wait3A_845 = arith.constant 7 : i32
        %dma_wait3A_846 = arith.constant 0 : i32
        %dma_wait3A_847 = tpu.memref_slice %arg7[%dma_wait3A_845, %dma_wait3A_846] : memref<8x50xi32, #tpu.memory_space<vmem>> -> memref<1x50xi32, #tpu.memory_space<vmem>>
        %dma_wait3A_848 = tpu.memref_squeeze %dma_wait3A_847 : memref<1x50xi32, #tpu.memory_space<vmem>> -> memref<50xi32, #tpu.memory_space<vmem>>
        %dma_wait3A_849 = arith.constant 0 : i32
        %dma_wait3A_850 = tpu.memref_slice %arg3[%add3A, %add3A_624, %dma_wait3A_849] : memref<32x200x50xi32, #tpu.memory_space<hbm>> -> memref<1x1x50xi32, #tpu.memory_space<hbm>>
        %dma_wait3A_851 = tpu.memref_squeeze %dma_wait3A_850 : memref<1x1x50xi32, #tpu.memory_space<hbm>> -> memref<50xi32, #tpu.memory_space<hbm>>
        %dma_wait3A_852 = arith.constant 0 : i32
        %dma_wait3A_853 = tpu.memref_slice %arg7[%dma_wait3A_845, %dma_wait3A_852] : memref<8x50xi32, #tpu.memory_space<vmem>> -> memref<1x50xi32, #tpu.memory_space<vmem>>
        %dma_wait3A_854 = tpu.memref_squeeze %dma_wait3A_853 : memref<1x50xi32, #tpu.memory_space<vmem>> -> memref<50xi32, #tpu.memory_space<vmem>>
        %dma_wait3A_855 = arith.constant 0 : i32
        %dma_wait3A_856 = tpu.memref_slice %arg3[%add3A, %add3A_624, %dma_wait3A_855] : memref<32x200x50xi32, #tpu.memory_space<hbm>> -> memref<1x1x50xi32, #tpu.memory_space<hbm>>
        %dma_wait3A_857 = tpu.memref_squeeze %dma_wait3A_856 : memref<1x1x50xi32, #tpu.memory_space<hbm>> -> memref<50xi32, #tpu.memory_space<hbm>>
        tpu.wait_dma2 semaphore(%arg18 : memref<!tpu.dma_semaphore, #tpu.memory_space<semaphore_mem>>) src(%dma_wait3A_857 : memref<50xi32, #tpu.memory_space<hbm>>) dst(%dma_wait3A_854 : memref<50xi32, #tpu.memory_space<vmem>>)
        %dma_wait3A_858 = arith.constant 7 : i32
        %dma_wait3A_859 = arith.constant 0 : i32
        %dma_wait3A_860 = tpu.memref_slice %arg8[%dma_wait3A_858, %dma_wait3A_859] : memref<8x50xi32, #tpu.memory_space<vmem>> -> memref<1x50xi32, #tpu.memory_space<vmem>>
        %dma_wait3A_861 = tpu.memref_squeeze %dma_wait3A_860 : memref<1x50xi32, #tpu.memory_space<vmem>> -> memref<50xi32, #tpu.memory_space<vmem>>
        %dma_wait3A_862 = arith.constant 0 : i32
        %dma_wait3A_863 = tpu.memref_slice %arg4[%add3A, %add3A_624, %dma_wait3A_862] : memref<32x200x50xi32, #tpu.memory_space<hbm>> -> memref<1x1x50xi32, #tpu.memory_space<hbm>>
        %dma_wait3A_864 = tpu.memref_squeeze %dma_wait3A_863 : memref<1x1x50xi32, #tpu.memory_space<hbm>> -> memref<50xi32, #tpu.memory_space<hbm>>
        %dma_wait3A_865 = arith.constant 0 : i32
        %dma_wait3A_866 = tpu.memref_slice %arg8[%dma_wait3A_858, %dma_wait3A_865] : memref<8x50xi32, #tpu.memory_space<vmem>> -> memref<1x50xi32, #tpu.memory_space<vmem>>
        %dma_wait3A_867 = tpu.memref_squeeze %dma_wait3A_866 : memref<1x50xi32, #tpu.memory_space<vmem>> -> memref<50xi32, #tpu.memory_space<vmem>>
        %dma_wait3A_868 = arith.constant 0 : i32
        %dma_wait3A_869 = tpu.memref_slice %arg4[%add3A, %add3A_624, %dma_wait3A_868] : memref<32x200x50xi32, #tpu.memory_space<hbm>> -> memref<1x1x50xi32, #tpu.memory_space<hbm>>
        %dma_wait3A_870 = tpu.memref_squeeze %dma_wait3A_869 : memref<1x1x50xi32, #tpu.memory_space<hbm>> -> memref<50xi32, #tpu.memory_space<hbm>>
        tpu.wait_dma2 semaphore(%arg18 : memref<!tpu.dma_semaphore, #tpu.memory_space<semaphore_mem>>) src(%dma_wait3A_870 : memref<50xi32, #tpu.memory_space<hbm>>) dst(%dma_wait3A_867 : memref<50xi32, #tpu.memory_space<vmem>>)
        %dma_start3A_871 = arith.constant 7 : i32
        %dma_start3A_872 = arith.constant 3 : i32
        %dma_start3A_873 = arith.constant 0 : i32
        %dma_start3A_874 = arith.constant 0 : i32
        %dma_start3A_875 = tpu.memref_slice %arg9[%dma_start3A_872, %dma_start3A_873, %dma_start3A_874] : memref<4x50x128xf32, #tpu.memory_space<vmem>> -> memref<1x50x128xf32, #tpu.memory_space<vmem>>
        %dma_start3A_876 = tpu.memref_squeeze %dma_start3A_875 : memref<1x50x128xf32, #tpu.memory_space<vmem>> -> memref<50x128xf32, #tpu.memory_space<vmem>>
        %dma_start3A_877 = arith.constant 0 : i32
        %dma_start3A_878 = tpu.memref_slice %arg7[%dma_start3A_871, %dma_start3A_877] : memref<8x50xi32, #tpu.memory_space<vmem>> -> memref<1x50xi32, #tpu.memory_space<vmem>>
        %dma_start3A_879 = tpu.memref_squeeze %dma_start3A_878 : memref<1x50xi32, #tpu.memory_space<vmem>> -> memref<50xi32, #tpu.memory_space<vmem>>
        %dma_start3A_880 = arith.constant 0 : i32
        %dma_start3A_881 = arith.constant 0 : i32
        %dma_start3A_882 = tpu.memref_slice %arg2[%dma_start3A_880, %dma_start3A_881] : memref<10000x128xf32, #tpu.memory_space<hbm>> -> memref<10000x128xf32, #tpu.memory_space<hbm>>
        tpu.enqueue_indirect_dma source(%dma_start3A_882 : memref<10000x128xf32, #tpu.memory_space<hbm>>) target(%dma_start3A_876 : memref<50x128xf32, #tpu.memory_space<vmem>>) offsets(%dma_start3A_879 : memref<50xi32, #tpu.memory_space<vmem>>) semaphore(%arg22 : memref<!tpu.dma_semaphore, #tpu.memory_space<semaphore_mem>>)
      } else {
      }
      %add3A_630 = arith.constant 8 : i32
      %add3A_631 = arith.addi %add3A_586, %add3A_630 : i32
      %lt3A_632 = arith.constant 200 : i32
      %lt3A_633 = arith.cmpi slt, %add3A_631, %lt3A_632 : i32
      %convert_element_type3A_634 = arith.extui %lt3A_633 : i1 to i32
      %cond3A_635 = arith.constant 0 : i32
      %cond3A_636 = arith.cmpi ne, %convert_element_type3A_634, %cond3A_635 : i32
      scf.if %cond3A_636 {
        %dma_start3A_845 = arith.constant 3 : i32
        %dma_start3A_846 = arith.constant 0 : i32
        %dma_start3A_847 = tpu.memref_slice %arg7[%dma_start3A_845, %dma_start3A_846] : memref<8x50xi32, #tpu.memory_space<vmem>> -> memref<1x50xi32, #tpu.memory_space<vmem>>
        %dma_start3A_848 = tpu.memref_squeeze %dma_start3A_847 : memref<1x50xi32, #tpu.memory_space<vmem>> -> memref<50xi32, #tpu.memory_space<vmem>>
        %dma_start3A_849 = arith.constant 0 : i32
        %dma_start3A_850 = tpu.memref_slice %arg3[%add3A, %add3A_631, %dma_start3A_849] : memref<32x200x50xi32, #tpu.memory_space<hbm>> -> memref<1x1x50xi32, #tpu.memory_space<hbm>>
        %dma_start3A_851 = tpu.memref_squeeze %dma_start3A_850 : memref<1x1x50xi32, #tpu.memory_space<hbm>> -> memref<50xi32, #tpu.memory_space<hbm>>
        %dma_start3A_852 = arith.constant 0 : i32
        %dma_start3A_853 = tpu.memref_slice %arg7[%dma_start3A_845, %dma_start3A_852] : memref<8x50xi32, #tpu.memory_space<vmem>> -> memref<1x50xi32, #tpu.memory_space<vmem>>
        %dma_start3A_854 = tpu.memref_squeeze %dma_start3A_853 : memref<1x50xi32, #tpu.memory_space<vmem>> -> memref<50xi32, #tpu.memory_space<vmem>>
        %dma_start3A_855 = arith.constant 0 : i32
        %dma_start3A_856 = tpu.memref_slice %arg3[%add3A, %add3A_631, %dma_start3A_855] : memref<32x200x50xi32, #tpu.memory_space<hbm>> -> memref<1x1x50xi32, #tpu.memory_space<hbm>>
        %dma_start3A_857 = tpu.memref_squeeze %dma_start3A_856 : memref<1x1x50xi32, #tpu.memory_space<hbm>> -> memref<50xi32, #tpu.memory_space<hbm>>
        tpu.enqueue_dma source(%dma_start3A_857 : memref<50xi32, #tpu.memory_space<hbm>>) target(%dma_start3A_854 : memref<50xi32, #tpu.memory_space<vmem>>) target_semaphore(%arg14 : memref<!tpu.dma_semaphore, #tpu.memory_space<semaphore_mem>>)
        %dma_start3A_858 = arith.constant 3 : i32
        %dma_start3A_859 = arith.constant 0 : i32
        %dma_start3A_860 = tpu.memref_slice %arg8[%dma_start3A_858, %dma_start3A_859] : memref<8x50xi32, #tpu.memory_space<vmem>> -> memref<1x50xi32, #tpu.memory_space<vmem>>
        %dma_start3A_861 = tpu.memref_squeeze %dma_start3A_860 : memref<1x50xi32, #tpu.memory_space<vmem>> -> memref<50xi32, #tpu.memory_space<vmem>>
        %dma_start3A_862 = arith.constant 0 : i32
        %dma_start3A_863 = tpu.memref_slice %arg4[%add3A, %add3A_631, %dma_start3A_862] : memref<32x200x50xi32, #tpu.memory_space<hbm>> -> memref<1x1x50xi32, #tpu.memory_space<hbm>>
        %dma_start3A_864 = tpu.memref_squeeze %dma_start3A_863 : memref<1x1x50xi32, #tpu.memory_space<hbm>> -> memref<50xi32, #tpu.memory_space<hbm>>
        %dma_start3A_865 = arith.constant 0 : i32
        %dma_start3A_866 = tpu.memref_slice %arg8[%dma_start3A_858, %dma_start3A_865] : memref<8x50xi32, #tpu.memory_space<vmem>> -> memref<1x50xi32, #tpu.memory_space<vmem>>
        %dma_start3A_867 = tpu.memref_squeeze %dma_start3A_866 : memref<1x50xi32, #tpu.memory_space<vmem>> -> memref<50xi32, #tpu.memory_space<vmem>>
        %dma_start3A_868 = arith.constant 0 : i32
        %dma_start3A_869 = tpu.memref_slice %arg4[%add3A, %add3A_631, %dma_start3A_868] : memref<32x200x50xi32, #tpu.memory_space<hbm>> -> memref<1x1x50xi32, #tpu.memory_space<hbm>>
        %dma_start3A_870 = tpu.memref_squeeze %dma_start3A_869 : memref<1x1x50xi32, #tpu.memory_space<hbm>> -> memref<50xi32, #tpu.memory_space<hbm>>
        tpu.enqueue_dma source(%dma_start3A_870 : memref<50xi32, #tpu.memory_space<hbm>>) target(%dma_start3A_867 : memref<50xi32, #tpu.memory_space<vmem>>) target_semaphore(%arg14 : memref<!tpu.dma_semaphore, #tpu.memory_space<semaphore_mem>>)
      } else {
      }
      %add3A_637 = arith.constant 4 : i32
      %add3A_638 = arith.addi %add3A_429, %add3A_637 : i32
      %dma_wait3A_639 = arith.constant 4 : i32
      %dma_wait3A_640 = arith.constant 0 : i32
      %dma_wait3A_641 = arith.constant 0 : i32
      %dma_wait3A_642 = arith.constant 0 : i32
      %dma_wait3A_643 = tpu.memref_slice %arg9[%dma_wait3A_640, %dma_wait3A_641, %dma_wait3A_642] : memref<4x50x128xf32, #tpu.memory_space<vmem>> -> memref<1x50x128xf32, #tpu.memory_space<vmem>>
      %dma_wait3A_644 = tpu.memref_squeeze %dma_wait3A_643 : memref<1x50x128xf32, #tpu.memory_space<vmem>> -> memref<50x128xf32, #tpu.memory_space<vmem>>
      %dma_wait3A_645 = arith.constant 0 : i32
      %dma_wait3A_646 = tpu.memref_slice %arg7[%dma_wait3A_639, %dma_wait3A_645] : memref<8x50xi32, #tpu.memory_space<vmem>> -> memref<1x50xi32, #tpu.memory_space<vmem>>
      %dma_wait3A_647 = tpu.memref_squeeze %dma_wait3A_646 : memref<1x50xi32, #tpu.memory_space<vmem>> -> memref<50xi32, #tpu.memory_space<vmem>>
      %dma_wait3A_648 = arith.constant 0 : i32
      %dma_wait3A_649 = arith.constant 0 : i32
      %dma_wait3A_650 = tpu.memref_slice %arg2[%dma_wait3A_648, %dma_wait3A_649] : memref<10000x128xf32, #tpu.memory_space<hbm>> -> memref<10000x128xf32, #tpu.memory_space<hbm>>
      tpu.wait_indirect_dma semaphore(%arg19 : memref<!tpu.dma_semaphore, #tpu.memory_space<semaphore_mem>>) src(%dma_wait3A_650 : memref<10000x128xf32, #tpu.memory_space<hbm>>) dst(%dma_wait3A_644 : memref<50x128xf32, #tpu.memory_space<vmem>>)
      %dma_start3A_651 = arith.constant 0 : i32
      %dma_start3A_652 = arith.constant 4 : i32
      %dma_start3A_653 = arith.constant 0 : i32
      %dma_start3A_654 = arith.constant 0 : i32
      %dma_start3A_655 = tpu.memref_slice %arg9[%dma_start3A_651, %dma_start3A_653, %dma_start3A_654] : memref<4x50x128xf32, #tpu.memory_space<vmem>> -> memref<1x50x128xf32, #tpu.memory_space<vmem>>
      %dma_start3A_656 = tpu.memref_squeeze %dma_start3A_655 : memref<1x50x128xf32, #tpu.memory_space<vmem>> -> memref<50x128xf32, #tpu.memory_space<vmem>>
      %dma_start3A_657 = arith.constant 0 : i32
      %dma_start3A_658 = tpu.memref_slice %arg8[%dma_start3A_652, %dma_start3A_657] : memref<8x50xi32, #tpu.memory_space<vmem>> -> memref<1x50xi32, #tpu.memory_space<vmem>>
      %dma_start3A_659 = tpu.memref_squeeze %dma_start3A_658 : memref<1x50xi32, #tpu.memory_space<vmem>> -> memref<50xi32, #tpu.memory_space<vmem>>
      %dma_start3A_660 = arith.constant 0 : i32
      %dma_start3A_661 = arith.constant 0 : i32
      %dma_start3A_662 = tpu.memref_slice %arg6[%dma_start3A_660, %dma_start3A_661] : memref<10000x128xf32, #tpu.memory_space<vmem_shared>> -> memref<10000x128xf32, #tpu.memory_space<vmem_shared>>
      tpu.enqueue_indirect_dma source(%dma_start3A_656 : memref<50x128xf32, #tpu.memory_space<vmem>>) target(%dma_start3A_662 : memref<10000x128xf32, #tpu.memory_space<vmem_shared>>) offsets(%dma_start3A_659 : memref<50xi32, #tpu.memory_space<vmem>>) semaphore(%arg23 : memref<!tpu.dma_semaphore, #tpu.memory_space<semaphore_mem>>) {add = true}
      %dma_wait3A_663 = arith.constant 0 : i32
      %dma_wait3A_664 = arith.constant 4 : i32
      %dma_wait3A_665 = arith.constant 0 : i32
      %dma_wait3A_666 = arith.constant 0 : i32
      %dma_wait3A_667 = tpu.memref_slice %arg9[%dma_wait3A_663, %dma_wait3A_665, %dma_wait3A_666] : memref<4x50x128xf32, #tpu.memory_space<vmem>> -> memref<1x50x128xf32, #tpu.memory_space<vmem>>
      %dma_wait3A_668 = tpu.memref_squeeze %dma_wait3A_667 : memref<1x50x128xf32, #tpu.memory_space<vmem>> -> memref<50x128xf32, #tpu.memory_space<vmem>>
      %dma_wait3A_669 = arith.constant 0 : i32
      %dma_wait3A_670 = tpu.memref_slice %arg8[%dma_wait3A_664, %dma_wait3A_669] : memref<8x50xi32, #tpu.memory_space<vmem>> -> memref<1x50xi32, #tpu.memory_space<vmem>>
      %dma_wait3A_671 = tpu.memref_squeeze %dma_wait3A_670 : memref<1x50xi32, #tpu.memory_space<vmem>> -> memref<50xi32, #tpu.memory_space<vmem>>
      %dma_wait3A_672 = arith.constant 0 : i32
      %dma_wait3A_673 = arith.constant 0 : i32
      %dma_wait3A_674 = tpu.memref_slice %arg6[%dma_wait3A_672, %dma_wait3A_673] : memref<10000x128xf32, #tpu.memory_space<vmem_shared>> -> memref<10000x128xf32, #tpu.memory_space<vmem_shared>>
      tpu.wait_indirect_dma semaphore(%arg23 : memref<!tpu.dma_semaphore, #tpu.memory_space<semaphore_mem>>) src(%dma_wait3A_668 : memref<50x128xf32, #tpu.memory_space<vmem>>) dst(%dma_wait3A_674 : memref<10000x128xf32, #tpu.memory_space<vmem_shared>>)
      %add3A_675 = arith.constant 4 : i32
      %add3A_676 = arith.addi %add3A_638, %add3A_675 : i32
      %lt3A_677 = arith.constant 200 : i32
      %lt3A_678 = arith.cmpi slt, %add3A_676, %lt3A_677 : i32
      %convert_element_type3A_679 = arith.extui %lt3A_678 : i1 to i32
      %cond3A_680 = arith.constant 0 : i32
      %cond3A_681 = arith.cmpi ne, %convert_element_type3A_679, %cond3A_680 : i32
      scf.if %cond3A_681 {
        %dma_wait3A_845 = arith.constant 0 : i32
        %dma_wait3A_846 = arith.constant 0 : i32
        %dma_wait3A_847 = tpu.memref_slice %arg7[%dma_wait3A_845, %dma_wait3A_846] : memref<8x50xi32, #tpu.memory_space<vmem>> -> memref<1x50xi32, #tpu.memory_space<vmem>>
        %dma_wait3A_848 = tpu.memref_squeeze %dma_wait3A_847 : memref<1x50xi32, #tpu.memory_space<vmem>> -> memref<50xi32, #tpu.memory_space<vmem>>
        %dma_wait3A_849 = arith.constant 0 : i32
        %dma_wait3A_850 = tpu.memref_slice %arg3[%add3A, %add3A_676, %dma_wait3A_849] : memref<32x200x50xi32, #tpu.memory_space<hbm>> -> memref<1x1x50xi32, #tpu.memory_space<hbm>>
        %dma_wait3A_851 = tpu.memref_squeeze %dma_wait3A_850 : memref<1x1x50xi32, #tpu.memory_space<hbm>> -> memref<50xi32, #tpu.memory_space<hbm>>
        %dma_wait3A_852 = arith.constant 0 : i32
        %dma_wait3A_853 = tpu.memref_slice %arg7[%dma_wait3A_845, %dma_wait3A_852] : memref<8x50xi32, #tpu.memory_space<vmem>> -> memref<1x50xi32, #tpu.memory_space<vmem>>
        %dma_wait3A_854 = tpu.memref_squeeze %dma_wait3A_853 : memref<1x50xi32, #tpu.memory_space<vmem>> -> memref<50xi32, #tpu.memory_space<vmem>>
        %dma_wait3A_855 = arith.constant 0 : i32
        %dma_wait3A_856 = tpu.memref_slice %arg3[%add3A, %add3A_676, %dma_wait3A_855] : memref<32x200x50xi32, #tpu.memory_space<hbm>> -> memref<1x1x50xi32, #tpu.memory_space<hbm>>
        %dma_wait3A_857 = tpu.memref_squeeze %dma_wait3A_856 : memref<1x1x50xi32, #tpu.memory_space<hbm>> -> memref<50xi32, #tpu.memory_space<hbm>>
        tpu.wait_dma2 semaphore(%arg11 : memref<!tpu.dma_semaphore, #tpu.memory_space<semaphore_mem>>) src(%dma_wait3A_857 : memref<50xi32, #tpu.memory_space<hbm>>) dst(%dma_wait3A_854 : memref<50xi32, #tpu.memory_space<vmem>>)
        %dma_wait3A_858 = arith.constant 0 : i32
        %dma_wait3A_859 = arith.constant 0 : i32
        %dma_wait3A_860 = tpu.memref_slice %arg8[%dma_wait3A_858, %dma_wait3A_859] : memref<8x50xi32, #tpu.memory_space<vmem>> -> memref<1x50xi32, #tpu.memory_space<vmem>>
        %dma_wait3A_861 = tpu.memref_squeeze %dma_wait3A_860 : memref<1x50xi32, #tpu.memory_space<vmem>> -> memref<50xi32, #tpu.memory_space<vmem>>
        %dma_wait3A_862 = arith.constant 0 : i32
        %dma_wait3A_863 = tpu.memref_slice %arg4[%add3A, %add3A_676, %dma_wait3A_862] : memref<32x200x50xi32, #tpu.memory_space<hbm>> -> memref<1x1x50xi32, #tpu.memory_space<hbm>>
        %dma_wait3A_864 = tpu.memref_squeeze %dma_wait3A_863 : memref<1x1x50xi32, #tpu.memory_space<hbm>> -> memref<50xi32, #tpu.memory_space<hbm>>
        %dma_wait3A_865 = arith.constant 0 : i32
        %dma_wait3A_866 = tpu.memref_slice %arg8[%dma_wait3A_858, %dma_wait3A_865] : memref<8x50xi32, #tpu.memory_space<vmem>> -> memref<1x50xi32, #tpu.memory_space<vmem>>
        %dma_wait3A_867 = tpu.memref_squeeze %dma_wait3A_866 : memref<1x50xi32, #tpu.memory_space<vmem>> -> memref<50xi32, #tpu.memory_space<vmem>>
        %dma_wait3A_868 = arith.constant 0 : i32
        %dma_wait3A_869 = tpu.memref_slice %arg4[%add3A, %add3A_676, %dma_wait3A_868] : memref<32x200x50xi32, #tpu.memory_space<hbm>> -> memref<1x1x50xi32, #tpu.memory_space<hbm>>
        %dma_wait3A_870 = tpu.memref_squeeze %dma_wait3A_869 : memref<1x1x50xi32, #tpu.memory_space<hbm>> -> memref<50xi32, #tpu.memory_space<hbm>>
        tpu.wait_dma2 semaphore(%arg11 : memref<!tpu.dma_semaphore, #tpu.memory_space<semaphore_mem>>) src(%dma_wait3A_870 : memref<50xi32, #tpu.memory_space<hbm>>) dst(%dma_wait3A_867 : memref<50xi32, #tpu.memory_space<vmem>>)
        %dma_start3A_871 = arith.constant 0 : i32
        %dma_start3A_872 = arith.constant 0 : i32
        %dma_start3A_873 = arith.constant 0 : i32
        %dma_start3A_874 = arith.constant 0 : i32
        %dma_start3A_875 = tpu.memref_slice %arg9[%dma_start3A_872, %dma_start3A_873, %dma_start3A_874] : memref<4x50x128xf32, #tpu.memory_space<vmem>> -> memref<1x50x128xf32, #tpu.memory_space<vmem>>
        %dma_start3A_876 = tpu.memref_squeeze %dma_start3A_875 : memref<1x50x128xf32, #tpu.memory_space<vmem>> -> memref<50x128xf32, #tpu.memory_space<vmem>>
        %dma_start3A_877 = arith.constant 0 : i32
        %dma_start3A_878 = tpu.memref_slice %arg7[%dma_start3A_871, %dma_start3A_877] : memref<8x50xi32, #tpu.memory_space<vmem>> -> memref<1x50xi32, #tpu.memory_space<vmem>>
        %dma_start3A_879 = tpu.memref_squeeze %dma_start3A_878 : memref<1x50xi32, #tpu.memory_space<vmem>> -> memref<50xi32, #tpu.memory_space<vmem>>
        %dma_start3A_880 = arith.constant 0 : i32
        %dma_start3A_881 = arith.constant 0 : i32
        %dma_start3A_882 = tpu.memref_slice %arg2[%dma_start3A_880, %dma_start3A_881] : memref<10000x128xf32, #tpu.memory_space<hbm>> -> memref<10000x128xf32, #tpu.memory_space<hbm>>
        tpu.enqueue_indirect_dma source(%dma_start3A_882 : memref<10000x128xf32, #tpu.memory_space<hbm>>) target(%dma_start3A_876 : memref<50x128xf32, #tpu.memory_space<vmem>>) offsets(%dma_start3A_879 : memref<50xi32, #tpu.memory_space<vmem>>) semaphore(%arg19 : memref<!tpu.dma_semaphore, #tpu.memory_space<semaphore_mem>>)
      } else {
      }
      %add3A_682 = arith.constant 8 : i32
      %add3A_683 = arith.addi %add3A_638, %add3A_682 : i32
      %lt3A_684 = arith.constant 200 : i32
      %lt3A_685 = arith.cmpi slt, %add3A_683, %lt3A_684 : i32
      %convert_element_type3A_686 = arith.extui %lt3A_685 : i1 to i32
      %cond3A_687 = arith.constant 0 : i32
      %cond3A_688 = arith.cmpi ne, %convert_element_type3A_686, %cond3A_687 : i32
      scf.if %cond3A_688 {
        %dma_start3A_845 = arith.constant 4 : i32
        %dma_start3A_846 = arith.constant 0 : i32
        %dma_start3A_847 = tpu.memref_slice %arg7[%dma_start3A_845, %dma_start3A_846] : memref<8x50xi32, #tpu.memory_space<vmem>> -> memref<1x50xi32, #tpu.memory_space<vmem>>
        %dma_start3A_848 = tpu.memref_squeeze %dma_start3A_847 : memref<1x50xi32, #tpu.memory_space<vmem>> -> memref<50xi32, #tpu.memory_space<vmem>>
        %dma_start3A_849 = arith.constant 0 : i32
        %dma_start3A_850 = tpu.memref_slice %arg3[%add3A, %add3A_683, %dma_start3A_849] : memref<32x200x50xi32, #tpu.memory_space<hbm>> -> memref<1x1x50xi32, #tpu.memory_space<hbm>>
        %dma_start3A_851 = tpu.memref_squeeze %dma_start3A_850 : memref<1x1x50xi32, #tpu.memory_space<hbm>> -> memref<50xi32, #tpu.memory_space<hbm>>
        %dma_start3A_852 = arith.constant 0 : i32
        %dma_start3A_853 = tpu.memref_slice %arg7[%dma_start3A_845, %dma_start3A_852] : memref<8x50xi32, #tpu.memory_space<vmem>> -> memref<1x50xi32, #tpu.memory_space<vmem>>
        %dma_start3A_854 = tpu.memref_squeeze %dma_start3A_853 : memref<1x50xi32, #tpu.memory_space<vmem>> -> memref<50xi32, #tpu.memory_space<vmem>>
        %dma_start3A_855 = arith.constant 0 : i32
        %dma_start3A_856 = tpu.memref_slice %arg3[%add3A, %add3A_683, %dma_start3A_855] : memref<32x200x50xi32, #tpu.memory_space<hbm>> -> memref<1x1x50xi32, #tpu.memory_space<hbm>>
        %dma_start3A_857 = tpu.memref_squeeze %dma_start3A_856 : memref<1x1x50xi32, #tpu.memory_space<hbm>> -> memref<50xi32, #tpu.memory_space<hbm>>
        tpu.enqueue_dma source(%dma_start3A_857 : memref<50xi32, #tpu.memory_space<hbm>>) target(%dma_start3A_854 : memref<50xi32, #tpu.memory_space<vmem>>) target_semaphore(%arg15 : memref<!tpu.dma_semaphore, #tpu.memory_space<semaphore_mem>>)
        %dma_start3A_858 = arith.constant 4 : i32
        %dma_start3A_859 = arith.constant 0 : i32
        %dma_start3A_860 = tpu.memref_slice %arg8[%dma_start3A_858, %dma_start3A_859] : memref<8x50xi32, #tpu.memory_space<vmem>> -> memref<1x50xi32, #tpu.memory_space<vmem>>
        %dma_start3A_861 = tpu.memref_squeeze %dma_start3A_860 : memref<1x50xi32, #tpu.memory_space<vmem>> -> memref<50xi32, #tpu.memory_space<vmem>>
        %dma_start3A_862 = arith.constant 0 : i32
        %dma_start3A_863 = tpu.memref_slice %arg4[%add3A, %add3A_683, %dma_start3A_862] : memref<32x200x50xi32, #tpu.memory_space<hbm>> -> memref<1x1x50xi32, #tpu.memory_space<hbm>>
        %dma_start3A_864 = tpu.memref_squeeze %dma_start3A_863 : memref<1x1x50xi32, #tpu.memory_space<hbm>> -> memref<50xi32, #tpu.memory_space<hbm>>
        %dma_start3A_865 = arith.constant 0 : i32
        %dma_start3A_866 = tpu.memref_slice %arg8[%dma_start3A_858, %dma_start3A_865] : memref<8x50xi32, #tpu.memory_space<vmem>> -> memref<1x50xi32, #tpu.memory_space<vmem>>
        %dma_start3A_867 = tpu.memref_squeeze %dma_start3A_866 : memref<1x50xi32, #tpu.memory_space<vmem>> -> memref<50xi32, #tpu.memory_space<vmem>>
        %dma_start3A_868 = arith.constant 0 : i32
        %dma_start3A_869 = tpu.memref_slice %arg4[%add3A, %add3A_683, %dma_start3A_868] : memref<32x200x50xi32, #tpu.memory_space<hbm>> -> memref<1x1x50xi32, #tpu.memory_space<hbm>>
        %dma_start3A_870 = tpu.memref_squeeze %dma_start3A_869 : memref<1x1x50xi32, #tpu.memory_space<hbm>> -> memref<50xi32, #tpu.memory_space<hbm>>
        tpu.enqueue_dma source(%dma_start3A_870 : memref<50xi32, #tpu.memory_space<hbm>>) target(%dma_start3A_867 : memref<50xi32, #tpu.memory_space<vmem>>) target_semaphore(%arg15 : memref<!tpu.dma_semaphore, #tpu.memory_space<semaphore_mem>>)
      } else {
      }
      %add3A_689 = arith.constant 5 : i32
      %add3A_690 = arith.addi %add3A_429, %add3A_689 : i32
      %dma_wait3A_691 = arith.constant 5 : i32
      %dma_wait3A_692 = arith.constant 1 : i32
      %dma_wait3A_693 = arith.constant 0 : i32
      %dma_wait3A_694 = arith.constant 0 : i32
      %dma_wait3A_695 = tpu.memref_slice %arg9[%dma_wait3A_692, %dma_wait3A_693, %dma_wait3A_694] : memref<4x50x128xf32, #tpu.memory_space<vmem>> -> memref<1x50x128xf32, #tpu.memory_space<vmem>>
      %dma_wait3A_696 = tpu.memref_squeeze %dma_wait3A_695 : memref<1x50x128xf32, #tpu.memory_space<vmem>> -> memref<50x128xf32, #tpu.memory_space<vmem>>
      %dma_wait3A_697 = arith.constant 0 : i32
      %dma_wait3A_698 = tpu.memref_slice %arg7[%dma_wait3A_691, %dma_wait3A_697] : memref<8x50xi32, #tpu.memory_space<vmem>> -> memref<1x50xi32, #tpu.memory_space<vmem>>
      %dma_wait3A_699 = tpu.memref_squeeze %dma_wait3A_698 : memref<1x50xi32, #tpu.memory_space<vmem>> -> memref<50xi32, #tpu.memory_space<vmem>>
      %dma_wait3A_700 = arith.constant 0 : i32
      %dma_wait3A_701 = arith.constant 0 : i32
      %dma_wait3A_702 = tpu.memref_slice %arg2[%dma_wait3A_700, %dma_wait3A_701] : memref<10000x128xf32, #tpu.memory_space<hbm>> -> memref<10000x128xf32, #tpu.memory_space<hbm>>
      tpu.wait_indirect_dma semaphore(%arg20 : memref<!tpu.dma_semaphore, #tpu.memory_space<semaphore_mem>>) src(%dma_wait3A_702 : memref<10000x128xf32, #tpu.memory_space<hbm>>) dst(%dma_wait3A_696 : memref<50x128xf32, #tpu.memory_space<vmem>>)
      %dma_start3A_703 = arith.constant 1 : i32
      %dma_start3A_704 = arith.constant 5 : i32
      %dma_start3A_705 = arith.constant 0 : i32
      %dma_start3A_706 = arith.constant 0 : i32
      %dma_start3A_707 = tpu.memref_slice %arg9[%dma_start3A_703, %dma_start3A_705, %dma_start3A_706] : memref<4x50x128xf32, #tpu.memory_space<vmem>> -> memref<1x50x128xf32, #tpu.memory_space<vmem>>
      %dma_start3A_708 = tpu.memref_squeeze %dma_start3A_707 : memref<1x50x128xf32, #tpu.memory_space<vmem>> -> memref<50x128xf32, #tpu.memory_space<vmem>>
      %dma_start3A_709 = arith.constant 0 : i32
      %dma_start3A_710 = tpu.memref_slice %arg8[%dma_start3A_704, %dma_start3A_709] : memref<8x50xi32, #tpu.memory_space<vmem>> -> memref<1x50xi32, #tpu.memory_space<vmem>>
      %dma_start3A_711 = tpu.memref_squeeze %dma_start3A_710 : memref<1x50xi32, #tpu.memory_space<vmem>> -> memref<50xi32, #tpu.memory_space<vmem>>
      %dma_start3A_712 = arith.constant 0 : i32
      %dma_start3A_713 = arith.constant 0 : i32
      %dma_start3A_714 = tpu.memref_slice %arg6[%dma_start3A_712, %dma_start3A_713] : memref<10000x128xf32, #tpu.memory_space<vmem_shared>> -> memref<10000x128xf32, #tpu.memory_space<vmem_shared>>
      tpu.enqueue_indirect_dma source(%dma_start3A_708 : memref<50x128xf32, #tpu.memory_space<vmem>>) target(%dma_start3A_714 : memref<10000x128xf32, #tpu.memory_space<vmem_shared>>) offsets(%dma_start3A_711 : memref<50xi32, #tpu.memory_space<vmem>>) semaphore(%arg24 : memref<!tpu.dma_semaphore, #tpu.memory_space<semaphore_mem>>) {add = true}
      %dma_wait3A_715 = arith.constant 1 : i32
      %dma_wait3A_716 = arith.constant 5 : i32
      %dma_wait3A_717 = arith.constant 0 : i32
      %dma_wait3A_718 = arith.constant 0 : i32
      %dma_wait3A_719 = tpu.memref_slice %arg9[%dma_wait3A_715, %dma_wait3A_717, %dma_wait3A_718] : memref<4x50x128xf32, #tpu.memory_space<vmem>> -> memref<1x50x128xf32, #tpu.memory_space<vmem>>
      %dma_wait3A_720 = tpu.memref_squeeze %dma_wait3A_719 : memref<1x50x128xf32, #tpu.memory_space<vmem>> -> memref<50x128xf32, #tpu.memory_space<vmem>>
      %dma_wait3A_721 = arith.constant 0 : i32
      %dma_wait3A_722 = tpu.memref_slice %arg8[%dma_wait3A_716, %dma_wait3A_721] : memref<8x50xi32, #tpu.memory_space<vmem>> -> memref<1x50xi32, #tpu.memory_space<vmem>>
      %dma_wait3A_723 = tpu.memref_squeeze %dma_wait3A_722 : memref<1x50xi32, #tpu.memory_space<vmem>> -> memref<50xi32, #tpu.memory_space<vmem>>
      %dma_wait3A_724 = arith.constant 0 : i32
      %dma_wait3A_725 = arith.constant 0 : i32
      %dma_wait3A_726 = tpu.memref_slice %arg6[%dma_wait3A_724, %dma_wait3A_725] : memref<10000x128xf32, #tpu.memory_space<vmem_shared>> -> memref<10000x128xf32, #tpu.memory_space<vmem_shared>>
      tpu.wait_indirect_dma semaphore(%arg24 : memref<!tpu.dma_semaphore, #tpu.memory_space<semaphore_mem>>) src(%dma_wait3A_720 : memref<50x128xf32, #tpu.memory_space<vmem>>) dst(%dma_wait3A_726 : memref<10000x128xf32, #tpu.memory_space<vmem_shared>>)
      %add3A_727 = arith.constant 4 : i32
      %add3A_728 = arith.addi %add3A_690, %add3A_727 : i32
      %lt3A_729 = arith.constant 200 : i32
      %lt3A_730 = arith.cmpi slt, %add3A_728, %lt3A_729 : i32
      %convert_element_type3A_731 = arith.extui %lt3A_730 : i1 to i32
      %cond3A_732 = arith.constant 0 : i32
      %cond3A_733 = arith.cmpi ne, %convert_element_type3A_731, %cond3A_732 : i32
      scf.if %cond3A_733 {
        %dma_wait3A_845 = arith.constant 1 : i32
        %dma_wait3A_846 = arith.constant 0 : i32
        %dma_wait3A_847 = tpu.memref_slice %arg7[%dma_wait3A_845, %dma_wait3A_846] : memref<8x50xi32, #tpu.memory_space<vmem>> -> memref<1x50xi32, #tpu.memory_space<vmem>>
        %dma_wait3A_848 = tpu.memref_squeeze %dma_wait3A_847 : memref<1x50xi32, #tpu.memory_space<vmem>> -> memref<50xi32, #tpu.memory_space<vmem>>
        %dma_wait3A_849 = arith.constant 0 : i32
        %dma_wait3A_850 = tpu.memref_slice %arg3[%add3A, %add3A_728, %dma_wait3A_849] : memref<32x200x50xi32, #tpu.memory_space<hbm>> -> memref<1x1x50xi32, #tpu.memory_space<hbm>>
        %dma_wait3A_851 = tpu.memref_squeeze %dma_wait3A_850 : memref<1x1x50xi32, #tpu.memory_space<hbm>> -> memref<50xi32, #tpu.memory_space<hbm>>
        %dma_wait3A_852 = arith.constant 0 : i32
        %dma_wait3A_853 = tpu.memref_slice %arg7[%dma_wait3A_845, %dma_wait3A_852] : memref<8x50xi32, #tpu.memory_space<vmem>> -> memref<1x50xi32, #tpu.memory_space<vmem>>
        %dma_wait3A_854 = tpu.memref_squeeze %dma_wait3A_853 : memref<1x50xi32, #tpu.memory_space<vmem>> -> memref<50xi32, #tpu.memory_space<vmem>>
        %dma_wait3A_855 = arith.constant 0 : i32
        %dma_wait3A_856 = tpu.memref_slice %arg3[%add3A, %add3A_728, %dma_wait3A_855] : memref<32x200x50xi32, #tpu.memory_space<hbm>> -> memref<1x1x50xi32, #tpu.memory_space<hbm>>
        %dma_wait3A_857 = tpu.memref_squeeze %dma_wait3A_856 : memref<1x1x50xi32, #tpu.memory_space<hbm>> -> memref<50xi32, #tpu.memory_space<hbm>>
        tpu.wait_dma2 semaphore(%arg12 : memref<!tpu.dma_semaphore, #tpu.memory_space<semaphore_mem>>) src(%dma_wait3A_857 : memref<50xi32, #tpu.memory_space<hbm>>) dst(%dma_wait3A_854 : memref<50xi32, #tpu.memory_space<vmem>>)
        %dma_wait3A_858 = arith.constant 1 : i32
        %dma_wait3A_859 = arith.constant 0 : i32
        %dma_wait3A_860 = tpu.memref_slice %arg8[%dma_wait3A_858, %dma_wait3A_859] : memref<8x50xi32, #tpu.memory_space<vmem>> -> memref<1x50xi32, #tpu.memory_space<vmem>>
        %dma_wait3A_861 = tpu.memref_squeeze %dma_wait3A_860 : memref<1x50xi32, #tpu.memory_space<vmem>> -> memref<50xi32, #tpu.memory_space<vmem>>
        %dma_wait3A_862 = arith.constant 0 : i32
        %dma_wait3A_863 = tpu.memref_slice %arg4[%add3A, %add3A_728, %dma_wait3A_862] : memref<32x200x50xi32, #tpu.memory_space<hbm>> -> memref<1x1x50xi32, #tpu.memory_space<hbm>>
        %dma_wait3A_864 = tpu.memref_squeeze %dma_wait3A_863 : memref<1x1x50xi32, #tpu.memory_space<hbm>> -> memref<50xi32, #tpu.memory_space<hbm>>
        %dma_wait3A_865 = arith.constant 0 : i32
        %dma_wait3A_866 = tpu.memref_slice %arg8[%dma_wait3A_858, %dma_wait3A_865] : memref<8x50xi32, #tpu.memory_space<vmem>> -> memref<1x50xi32, #tpu.memory_space<vmem>>
        %dma_wait3A_867 = tpu.memref_squeeze %dma_wait3A_866 : memref<1x50xi32, #tpu.memory_space<vmem>> -> memref<50xi32, #tpu.memory_space<vmem>>
        %dma_wait3A_868 = arith.constant 0 : i32
        %dma_wait3A_869 = tpu.memref_slice %arg4[%add3A, %add3A_728, %dma_wait3A_868] : memref<32x200x50xi32, #tpu.memory_space<hbm>> -> memref<1x1x50xi32, #tpu.memory_space<hbm>>
        %dma_wait3A_870 = tpu.memref_squeeze %dma_wait3A_869 : memref<1x1x50xi32, #tpu.memory_space<hbm>> -> memref<50xi32, #tpu.memory_space<hbm>>
        tpu.wait_dma2 semaphore(%arg12 : memref<!tpu.dma_semaphore, #tpu.memory_space<semaphore_mem>>) src(%dma_wait3A_870 : memref<50xi32, #tpu.memory_space<hbm>>) dst(%dma_wait3A_867 : memref<50xi32, #tpu.memory_space<vmem>>)
        %dma_start3A_871 = arith.constant 1 : i32
        %dma_start3A_872 = arith.constant 1 : i32
        %dma_start3A_873 = arith.constant 0 : i32
        %dma_start3A_874 = arith.constant 0 : i32
        %dma_start3A_875 = tpu.memref_slice %arg9[%dma_start3A_872, %dma_start3A_873, %dma_start3A_874] : memref<4x50x128xf32, #tpu.memory_space<vmem>> -> memref<1x50x128xf32, #tpu.memory_space<vmem>>
        %dma_start3A_876 = tpu.memref_squeeze %dma_start3A_875 : memref<1x50x128xf32, #tpu.memory_space<vmem>> -> memref<50x128xf32, #tpu.memory_space<vmem>>
        %dma_start3A_877 = arith.constant 0 : i32
        %dma_start3A_878 = tpu.memref_slice %arg7[%dma_start3A_871, %dma_start3A_877] : memref<8x50xi32, #tpu.memory_space<vmem>> -> memref<1x50xi32, #tpu.memory_space<vmem>>
        %dma_start3A_879 = tpu.memref_squeeze %dma_start3A_878 : memref<1x50xi32, #tpu.memory_space<vmem>> -> memref<50xi32, #tpu.memory_space<vmem>>
        %dma_start3A_880 = arith.constant 0 : i32
        %dma_start3A_881 = arith.constant 0 : i32
        %dma_start3A_882 = tpu.memref_slice %arg2[%dma_start3A_880, %dma_start3A_881] : memref<10000x128xf32, #tpu.memory_space<hbm>> -> memref<10000x128xf32, #tpu.memory_space<hbm>>
        tpu.enqueue_indirect_dma source(%dma_start3A_882 : memref<10000x128xf32, #tpu.memory_space<hbm>>) target(%dma_start3A_876 : memref<50x128xf32, #tpu.memory_space<vmem>>) offsets(%dma_start3A_879 : memref<50xi32, #tpu.memory_space<vmem>>) semaphore(%arg20 : memref<!tpu.dma_semaphore, #tpu.memory_space<semaphore_mem>>)
      } else {
      }
      %add3A_734 = arith.constant 8 : i32
      %add3A_735 = arith.addi %add3A_690, %add3A_734 : i32
      %lt3A_736 = arith.constant 200 : i32
      %lt3A_737 = arith.cmpi slt, %add3A_735, %lt3A_736 : i32
      %convert_element_type3A_738 = arith.extui %lt3A_737 : i1 to i32
      %cond3A_739 = arith.constant 0 : i32
      %cond3A_740 = arith.cmpi ne, %convert_element_type3A_738, %cond3A_739 : i32
      scf.if %cond3A_740 {
        %dma_start3A_845 = arith.constant 5 : i32
        %dma_start3A_846 = arith.constant 0 : i32
        %dma_start3A_847 = tpu.memref_slice %arg7[%dma_start3A_845, %dma_start3A_846] : memref<8x50xi32, #tpu.memory_space<vmem>> -> memref<1x50xi32, #tpu.memory_space<vmem>>
        %dma_start3A_848 = tpu.memref_squeeze %dma_start3A_847 : memref<1x50xi32, #tpu.memory_space<vmem>> -> memref<50xi32, #tpu.memory_space<vmem>>
        %dma_start3A_849 = arith.constant 0 : i32
        %dma_start3A_850 = tpu.memref_slice %arg3[%add3A, %add3A_735, %dma_start3A_849] : memref<32x200x50xi32, #tpu.memory_space<hbm>> -> memref<1x1x50xi32, #tpu.memory_space<hbm>>
        %dma_start3A_851 = tpu.memref_squeeze %dma_start3A_850 : memref<1x1x50xi32, #tpu.memory_space<hbm>> -> memref<50xi32, #tpu.memory_space<hbm>>
        %dma_start3A_852 = arith.constant 0 : i32
        %dma_start3A_853 = tpu.memref_slice %arg7[%dma_start3A_845, %dma_start3A_852] : memref<8x50xi32, #tpu.memory_space<vmem>> -> memref<1x50xi32, #tpu.memory_space<vmem>>
        %dma_start3A_854 = tpu.memref_squeeze %dma_start3A_853 : memref<1x50xi32, #tpu.memory_space<vmem>> -> memref<50xi32, #tpu.memory_space<vmem>>
        %dma_start3A_855 = arith.constant 0 : i32
        %dma_start3A_856 = tpu.memref_slice %arg3[%add3A, %add3A_735, %dma_start3A_855] : memref<32x200x50xi32, #tpu.memory_space<hbm>> -> memref<1x1x50xi32, #tpu.memory_space<hbm>>
        %dma_start3A_857 = tpu.memref_squeeze %dma_start3A_856 : memref<1x1x50xi32, #tpu.memory_space<hbm>> -> memref<50xi32, #tpu.memory_space<hbm>>
        tpu.enqueue_dma source(%dma_start3A_857 : memref<50xi32, #tpu.memory_space<hbm>>) target(%dma_start3A_854 : memref<50xi32, #tpu.memory_space<vmem>>) target_semaphore(%arg16 : memref<!tpu.dma_semaphore, #tpu.memory_space<semaphore_mem>>)
        %dma_start3A_858 = arith.constant 5 : i32
        %dma_start3A_859 = arith.constant 0 : i32
        %dma_start3A_860 = tpu.memref_slice %arg8[%dma_start3A_858, %dma_start3A_859] : memref<8x50xi32, #tpu.memory_space<vmem>> -> memref<1x50xi32, #tpu.memory_space<vmem>>
        %dma_start3A_861 = tpu.memref_squeeze %dma_start3A_860 : memref<1x50xi32, #tpu.memory_space<vmem>> -> memref<50xi32, #tpu.memory_space<vmem>>
        %dma_start3A_862 = arith.constant 0 : i32
        %dma_start3A_863 = tpu.memref_slice %arg4[%add3A, %add3A_735, %dma_start3A_862] : memref<32x200x50xi32, #tpu.memory_space<hbm>> -> memref<1x1x50xi32, #tpu.memory_space<hbm>>
        %dma_start3A_864 = tpu.memref_squeeze %dma_start3A_863 : memref<1x1x50xi32, #tpu.memory_space<hbm>> -> memref<50xi32, #tpu.memory_space<hbm>>
        %dma_start3A_865 = arith.constant 0 : i32
        %dma_start3A_866 = tpu.memref_slice %arg8[%dma_start3A_858, %dma_start3A_865] : memref<8x50xi32, #tpu.memory_space<vmem>> -> memref<1x50xi32, #tpu.memory_space<vmem>>
        %dma_start3A_867 = tpu.memref_squeeze %dma_start3A_866 : memref<1x50xi32, #tpu.memory_space<vmem>> -> memref<50xi32, #tpu.memory_space<vmem>>
        %dma_start3A_868 = arith.constant 0 : i32
        %dma_start3A_869 = tpu.memref_slice %arg4[%add3A, %add3A_735, %dma_start3A_868] : memref<32x200x50xi32, #tpu.memory_space<hbm>> -> memref<1x1x50xi32, #tpu.memory_space<hbm>>
        %dma_start3A_870 = tpu.memref_squeeze %dma_start3A_869 : memref<1x1x50xi32, #tpu.memory_space<hbm>> -> memref<50xi32, #tpu.memory_space<hbm>>
        tpu.enqueue_dma source(%dma_start3A_870 : memref<50xi32, #tpu.memory_space<hbm>>) target(%dma_start3A_867 : memref<50xi32, #tpu.memory_space<vmem>>) target_semaphore(%arg16 : memref<!tpu.dma_semaphore, #tpu.memory_space<semaphore_mem>>)
      } else {
      }
      %add3A_741 = arith.constant 6 : i32
      %add3A_742 = arith.addi %add3A_429, %add3A_741 : i32
      %dma_wait3A_743 = arith.constant 6 : i32
      %dma_wait3A_744 = arith.constant 2 : i32
      %dma_wait3A_745 = arith.constant 0 : i32
      %dma_wait3A_746 = arith.constant 0 : i32
      %dma_wait3A_747 = tpu.memref_slice %arg9[%dma_wait3A_744, %dma_wait3A_745, %dma_wait3A_746] : memref<4x50x128xf32, #tpu.memory_space<vmem>> -> memref<1x50x128xf32, #tpu.memory_space<vmem>>
      %dma_wait3A_748 = tpu.memref_squeeze %dma_wait3A_747 : memref<1x50x128xf32, #tpu.memory_space<vmem>> -> memref<50x128xf32, #tpu.memory_space<vmem>>
      %dma_wait3A_749 = arith.constant 0 : i32
      %dma_wait3A_750 = tpu.memref_slice %arg7[%dma_wait3A_743, %dma_wait3A_749] : memref<8x50xi32, #tpu.memory_space<vmem>> -> memref<1x50xi32, #tpu.memory_space<vmem>>
      %dma_wait3A_751 = tpu.memref_squeeze %dma_wait3A_750 : memref<1x50xi32, #tpu.memory_space<vmem>> -> memref<50xi32, #tpu.memory_space<vmem>>
      %dma_wait3A_752 = arith.constant 0 : i32
      %dma_wait3A_753 = arith.constant 0 : i32
      %dma_wait3A_754 = tpu.memref_slice %arg2[%dma_wait3A_752, %dma_wait3A_753] : memref<10000x128xf32, #tpu.memory_space<hbm>> -> memref<10000x128xf32, #tpu.memory_space<hbm>>
      tpu.wait_indirect_dma semaphore(%arg21 : memref<!tpu.dma_semaphore, #tpu.memory_space<semaphore_mem>>) src(%dma_wait3A_754 : memref<10000x128xf32, #tpu.memory_space<hbm>>) dst(%dma_wait3A_748 : memref<50x128xf32, #tpu.memory_space<vmem>>)
      %dma_start3A_755 = arith.constant 2 : i32
      %dma_start3A_756 = arith.constant 6 : i32
      %dma_start3A_757 = arith.constant 0 : i32
      %dma_start3A_758 = arith.constant 0 : i32
      %dma_start3A_759 = tpu.memref_slice %arg9[%dma_start3A_755, %dma_start3A_757, %dma_start3A_758] : memref<4x50x128xf32, #tpu.memory_space<vmem>> -> memref<1x50x128xf32, #tpu.memory_space<vmem>>
      %dma_start3A_760 = tpu.memref_squeeze %dma_start3A_759 : memref<1x50x128xf32, #tpu.memory_space<vmem>> -> memref<50x128xf32, #tpu.memory_space<vmem>>
      %dma_start3A_761 = arith.constant 0 : i32
      %dma_start3A_762 = tpu.memref_slice %arg8[%dma_start3A_756, %dma_start3A_761] : memref<8x50xi32, #tpu.memory_space<vmem>> -> memref<1x50xi32, #tpu.memory_space<vmem>>
      %dma_start3A_763 = tpu.memref_squeeze %dma_start3A_762 : memref<1x50xi32, #tpu.memory_space<vmem>> -> memref<50xi32, #tpu.memory_space<vmem>>
      %dma_start3A_764 = arith.constant 0 : i32
      %dma_start3A_765 = arith.constant 0 : i32
      %dma_start3A_766 = tpu.memref_slice %arg6[%dma_start3A_764, %dma_start3A_765] : memref<10000x128xf32, #tpu.memory_space<vmem_shared>> -> memref<10000x128xf32, #tpu.memory_space<vmem_shared>>
      tpu.enqueue_indirect_dma source(%dma_start3A_760 : memref<50x128xf32, #tpu.memory_space<vmem>>) target(%dma_start3A_766 : memref<10000x128xf32, #tpu.memory_space<vmem_shared>>) offsets(%dma_start3A_763 : memref<50xi32, #tpu.memory_space<vmem>>) semaphore(%arg25 : memref<!tpu.dma_semaphore, #tpu.memory_space<semaphore_mem>>) {add = true}
      %dma_wait3A_767 = arith.constant 2 : i32
      %dma_wait3A_768 = arith.constant 6 : i32
      %dma_wait3A_769 = arith.constant 0 : i32
      %dma_wait3A_770 = arith.constant 0 : i32
      %dma_wait3A_771 = tpu.memref_slice %arg9[%dma_wait3A_767, %dma_wait3A_769, %dma_wait3A_770] : memref<4x50x128xf32, #tpu.memory_space<vmem>> -> memref<1x50x128xf32, #tpu.memory_space<vmem>>
      %dma_wait3A_772 = tpu.memref_squeeze %dma_wait3A_771 : memref<1x50x128xf32, #tpu.memory_space<vmem>> -> memref<50x128xf32, #tpu.memory_space<vmem>>
      %dma_wait3A_773 = arith.constant 0 : i32
      %dma_wait3A_774 = tpu.memref_slice %arg8[%dma_wait3A_768, %dma_wait3A_773] : memref<8x50xi32, #tpu.memory_space<vmem>> -> memref<1x50xi32, #tpu.memory_space<vmem>>
      %dma_wait3A_775 = tpu.memref_squeeze %dma_wait3A_774 : memref<1x50xi32, #tpu.memory_space<vmem>> -> memref<50xi32, #tpu.memory_space<vmem>>
      %dma_wait3A_776 = arith.constant 0 : i32
      %dma_wait3A_777 = arith.constant 0 : i32
      %dma_wait3A_778 = tpu.memref_slice %arg6[%dma_wait3A_776, %dma_wait3A_777] : memref<10000x128xf32, #tpu.memory_space<vmem_shared>> -> memref<10000x128xf32, #tpu.memory_space<vmem_shared>>
      tpu.wait_indirect_dma semaphore(%arg25 : memref<!tpu.dma_semaphore, #tpu.memory_space<semaphore_mem>>) src(%dma_wait3A_772 : memref<50x128xf32, #tpu.memory_space<vmem>>) dst(%dma_wait3A_778 : memref<10000x128xf32, #tpu.memory_space<vmem_shared>>)
      %add3A_779 = arith.constant 4 : i32
      %add3A_780 = arith.addi %add3A_742, %add3A_779 : i32
      %lt3A_781 = arith.constant 200 : i32
      %lt3A_782 = arith.cmpi slt, %add3A_780, %lt3A_781 : i32
      %convert_element_type3A_783 = arith.extui %lt3A_782 : i1 to i32
      %cond3A_784 = arith.constant 0 : i32
      %cond3A_785 = arith.cmpi ne, %convert_element_type3A_783, %cond3A_784 : i32
      scf.if %cond3A_785 {
        %dma_wait3A_845 = arith.constant 2 : i32
        %dma_wait3A_846 = arith.constant 0 : i32
        %dma_wait3A_847 = tpu.memref_slice %arg7[%dma_wait3A_845, %dma_wait3A_846] : memref<8x50xi32, #tpu.memory_space<vmem>> -> memref<1x50xi32, #tpu.memory_space<vmem>>
        %dma_wait3A_848 = tpu.memref_squeeze %dma_wait3A_847 : memref<1x50xi32, #tpu.memory_space<vmem>> -> memref<50xi32, #tpu.memory_space<vmem>>
        %dma_wait3A_849 = arith.constant 0 : i32
        %dma_wait3A_850 = tpu.memref_slice %arg3[%add3A, %add3A_780, %dma_wait3A_849] : memref<32x200x50xi32, #tpu.memory_space<hbm>> -> memref<1x1x50xi32, #tpu.memory_space<hbm>>
        %dma_wait3A_851 = tpu.memref_squeeze %dma_wait3A_850 : memref<1x1x50xi32, #tpu.memory_space<hbm>> -> memref<50xi32, #tpu.memory_space<hbm>>
        %dma_wait3A_852 = arith.constant 0 : i32
        %dma_wait3A_853 = tpu.memref_slice %arg7[%dma_wait3A_845, %dma_wait3A_852] : memref<8x50xi32, #tpu.memory_space<vmem>> -> memref<1x50xi32, #tpu.memory_space<vmem>>
        %dma_wait3A_854 = tpu.memref_squeeze %dma_wait3A_853 : memref<1x50xi32, #tpu.memory_space<vmem>> -> memref<50xi32, #tpu.memory_space<vmem>>
        %dma_wait3A_855 = arith.constant 0 : i32
        %dma_wait3A_856 = tpu.memref_slice %arg3[%add3A, %add3A_780, %dma_wait3A_855] : memref<32x200x50xi32, #tpu.memory_space<hbm>> -> memref<1x1x50xi32, #tpu.memory_space<hbm>>
        %dma_wait3A_857 = tpu.memref_squeeze %dma_wait3A_856 : memref<1x1x50xi32, #tpu.memory_space<hbm>> -> memref<50xi32, #tpu.memory_space<hbm>>
        tpu.wait_dma2 semaphore(%arg13 : memref<!tpu.dma_semaphore, #tpu.memory_space<semaphore_mem>>) src(%dma_wait3A_857 : memref<50xi32, #tpu.memory_space<hbm>>) dst(%dma_wait3A_854 : memref<50xi32, #tpu.memory_space<vmem>>)
        %dma_wait3A_858 = arith.constant 2 : i32
        %dma_wait3A_859 = arith.constant 0 : i32
        %dma_wait3A_860 = tpu.memref_slice %arg8[%dma_wait3A_858, %dma_wait3A_859] : memref<8x50xi32, #tpu.memory_space<vmem>> -> memref<1x50xi32, #tpu.memory_space<vmem>>
        %dma_wait3A_861 = tpu.memref_squeeze %dma_wait3A_860 : memref<1x50xi32, #tpu.memory_space<vmem>> -> memref<50xi32, #tpu.memory_space<vmem>>
        %dma_wait3A_862 = arith.constant 0 : i32
        %dma_wait3A_863 = tpu.memref_slice %arg4[%add3A, %add3A_780, %dma_wait3A_862] : memref<32x200x50xi32, #tpu.memory_space<hbm>> -> memref<1x1x50xi32, #tpu.memory_space<hbm>>
        %dma_wait3A_864 = tpu.memref_squeeze %dma_wait3A_863 : memref<1x1x50xi32, #tpu.memory_space<hbm>> -> memref<50xi32, #tpu.memory_space<hbm>>
        %dma_wait3A_865 = arith.constant 0 : i32
        %dma_wait3A_866 = tpu.memref_slice %arg8[%dma_wait3A_858, %dma_wait3A_865] : memref<8x50xi32, #tpu.memory_space<vmem>> -> memref<1x50xi32, #tpu.memory_space<vmem>>
        %dma_wait3A_867 = tpu.memref_squeeze %dma_wait3A_866 : memref<1x50xi32, #tpu.memory_space<vmem>> -> memref<50xi32, #tpu.memory_space<vmem>>
        %dma_wait3A_868 = arith.constant 0 : i32
        %dma_wait3A_869 = tpu.memref_slice %arg4[%add3A, %add3A_780, %dma_wait3A_868] : memref<32x200x50xi32, #tpu.memory_space<hbm>> -> memref<1x1x50xi32, #tpu.memory_space<hbm>>
        %dma_wait3A_870 = tpu.memref_squeeze %dma_wait3A_869 : memref<1x1x50xi32, #tpu.memory_space<hbm>> -> memref<50xi32, #tpu.memory_space<hbm>>
        tpu.wait_dma2 semaphore(%arg13 : memref<!tpu.dma_semaphore, #tpu.memory_space<semaphore_mem>>) src(%dma_wait3A_870 : memref<50xi32, #tpu.memory_space<hbm>>) dst(%dma_wait3A_867 : memref<50xi32, #tpu.memory_space<vmem>>)
        %dma_start3A_871 = arith.constant 2 : i32
        %dma_start3A_872 = arith.constant 2 : i32
        %dma_start3A_873 = arith.constant 0 : i32
        %dma_start3A_874 = arith.constant 0 : i32
        %dma_start3A_875 = tpu.memref_slice %arg9[%dma_start3A_872, %dma_start3A_873, %dma_start3A_874] : memref<4x50x128xf32, #tpu.memory_space<vmem>> -> memref<1x50x128xf32, #tpu.memory_space<vmem>>
        %dma_start3A_876 = tpu.memref_squeeze %dma_start3A_875 : memref<1x50x128xf32, #tpu.memory_space<vmem>> -> memref<50x128xf32, #tpu.memory_space<vmem>>
        %dma_start3A_877 = arith.constant 0 : i32
        %dma_start3A_878 = tpu.memref_slice %arg7[%dma_start3A_871, %dma_start3A_877] : memref<8x50xi32, #tpu.memory_space<vmem>> -> memref<1x50xi32, #tpu.memory_space<vmem>>
        %dma_start3A_879 = tpu.memref_squeeze %dma_start3A_878 : memref<1x50xi32, #tpu.memory_space<vmem>> -> memref<50xi32, #tpu.memory_space<vmem>>
        %dma_start3A_880 = arith.constant 0 : i32
        %dma_start3A_881 = arith.constant 0 : i32
        %dma_start3A_882 = tpu.memref_slice %arg2[%dma_start3A_880, %dma_start3A_881] : memref<10000x128xf32, #tpu.memory_space<hbm>> -> memref<10000x128xf32, #tpu.memory_space<hbm>>
        tpu.enqueue_indirect_dma source(%dma_start3A_882 : memref<10000x128xf32, #tpu.memory_space<hbm>>) target(%dma_start3A_876 : memref<50x128xf32, #tpu.memory_space<vmem>>) offsets(%dma_start3A_879 : memref<50xi32, #tpu.memory_space<vmem>>) semaphore(%arg21 : memref<!tpu.dma_semaphore, #tpu.memory_space<semaphore_mem>>)
      } else {
      }
      %add3A_786 = arith.constant 8 : i32
      %add3A_787 = arith.addi %add3A_742, %add3A_786 : i32
      %lt3A_788 = arith.constant 200 : i32
      %lt3A_789 = arith.cmpi slt, %add3A_787, %lt3A_788 : i32
      %convert_element_type3A_790 = arith.extui %lt3A_789 : i1 to i32
      %cond3A_791 = arith.constant 0 : i32
      %cond3A_792 = arith.cmpi ne, %convert_element_type3A_790, %cond3A_791 : i32
      scf.if %cond3A_792 {
        %dma_start3A_845 = arith.constant 6 : i32
        %dma_start3A_846 = arith.constant 0 : i32
        %dma_start3A_847 = tpu.memref_slice %arg7[%dma_start3A_845, %dma_start3A_846] : memref<8x50xi32, #tpu.memory_space<vmem>> -> memref<1x50xi32, #tpu.memory_space<vmem>>
        %dma_start3A_848 = tpu.memref_squeeze %dma_start3A_847 : memref<1x50xi32, #tpu.memory_space<vmem>> -> memref<50xi32, #tpu.memory_space<vmem>>
        %dma_start3A_849 = arith.constant 0 : i32
        %dma_start3A_850 = tpu.memref_slice %arg3[%add3A, %add3A_787, %dma_start3A_849] : memref<32x200x50xi32, #tpu.memory_space<hbm>> -> memref<1x1x50xi32, #tpu.memory_space<hbm>>
        %dma_start3A_851 = tpu.memref_squeeze %dma_start3A_850 : memref<1x1x50xi32, #tpu.memory_space<hbm>> -> memref<50xi32, #tpu.memory_space<hbm>>
        %dma_start3A_852 = arith.constant 0 : i32
        %dma_start3A_853 = tpu.memref_slice %arg7[%dma_start3A_845, %dma_start3A_852] : memref<8x50xi32, #tpu.memory_space<vmem>> -> memref<1x50xi32, #tpu.memory_space<vmem>>
        %dma_start3A_854 = tpu.memref_squeeze %dma_start3A_853 : memref<1x50xi32, #tpu.memory_space<vmem>> -> memref<50xi32, #tpu.memory_space<vmem>>
        %dma_start3A_855 = arith.constant 0 : i32
        %dma_start3A_856 = tpu.memref_slice %arg3[%add3A, %add3A_787, %dma_start3A_855] : memref<32x200x50xi32, #tpu.memory_space<hbm>> -> memref<1x1x50xi32, #tpu.memory_space<hbm>>
        %dma_start3A_857 = tpu.memref_squeeze %dma_start3A_856 : memref<1x1x50xi32, #tpu.memory_space<hbm>> -> memref<50xi32, #tpu.memory_space<hbm>>
        tpu.enqueue_dma source(%dma_start3A_857 : memref<50xi32, #tpu.memory_space<hbm>>) target(%dma_start3A_854 : memref<50xi32, #tpu.memory_space<vmem>>) target_semaphore(%arg17 : memref<!tpu.dma_semaphore, #tpu.memory_space<semaphore_mem>>)
        %dma_start3A_858 = arith.constant 6 : i32
        %dma_start3A_859 = arith.constant 0 : i32
        %dma_start3A_860 = tpu.memref_slice %arg8[%dma_start3A_858, %dma_start3A_859] : memref<8x50xi32, #tpu.memory_space<vmem>> -> memref<1x50xi32, #tpu.memory_space<vmem>>
        %dma_start3A_861 = tpu.memref_squeeze %dma_start3A_860 : memref<1x50xi32, #tpu.memory_space<vmem>> -> memref<50xi32, #tpu.memory_space<vmem>>
        %dma_start3A_862 = arith.constant 0 : i32
        %dma_start3A_863 = tpu.memref_slice %arg4[%add3A, %add3A_787, %dma_start3A_862] : memref<32x200x50xi32, #tpu.memory_space<hbm>> -> memref<1x1x50xi32, #tpu.memory_space<hbm>>
        %dma_start3A_864 = tpu.memref_squeeze %dma_start3A_863 : memref<1x1x50xi32, #tpu.memory_space<hbm>> -> memref<50xi32, #tpu.memory_space<hbm>>
        %dma_start3A_865 = arith.constant 0 : i32
        %dma_start3A_866 = tpu.memref_slice %arg8[%dma_start3A_858, %dma_start3A_865] : memref<8x50xi32, #tpu.memory_space<vmem>> -> memref<1x50xi32, #tpu.memory_space<vmem>>
        %dma_start3A_867 = tpu.memref_squeeze %dma_start3A_866 : memref<1x50xi32, #tpu.memory_space<vmem>> -> memref<50xi32, #tpu.memory_space<vmem>>
        %dma_start3A_868 = arith.constant 0 : i32
        %dma_start3A_869 = tpu.memref_slice %arg4[%add3A, %add3A_787, %dma_start3A_868] : memref<32x200x50xi32, #tpu.memory_space<hbm>> -> memref<1x1x50xi32, #tpu.memory_space<hbm>>
        %dma_start3A_870 = tpu.memref_squeeze %dma_start3A_869 : memref<1x1x50xi32, #tpu.memory_space<hbm>> -> memref<50xi32, #tpu.memory_space<hbm>>
        tpu.enqueue_dma source(%dma_start3A_870 : memref<50xi32, #tpu.memory_space<hbm>>) target(%dma_start3A_867 : memref<50xi32, #tpu.memory_space<vmem>>) target_semaphore(%arg17 : memref<!tpu.dma_semaphore, #tpu.memory_space<semaphore_mem>>)
      } else {
      }
      %add3A_793 = arith.constant 7 : i32
      %add3A_794 = arith.addi %add3A_429, %add3A_793 : i32
      %dma_wait3A_795 = arith.constant 7 : i32
      %dma_wait3A_796 = arith.constant 3 : i32
      %dma_wait3A_797 = arith.constant 0 : i32
      %dma_wait3A_798 = arith.constant 0 : i32
      %dma_wait3A_799 = tpu.memref_slice %arg9[%dma_wait3A_796, %dma_wait3A_797, %dma_wait3A_798] : memref<4x50x128xf32, #tpu.memory_space<vmem>> -> memref<1x50x128xf32, #tpu.memory_space<vmem>>
      %dma_wait3A_800 = tpu.memref_squeeze %dma_wait3A_799 : memref<1x50x128xf32, #tpu.memory_space<vmem>> -> memref<50x128xf32, #tpu.memory_space<vmem>>
      %dma_wait3A_801 = arith.constant 0 : i32
      %dma_wait3A_802 = tpu.memref_slice %arg7[%dma_wait3A_795, %dma_wait3A_801] : memref<8x50xi32, #tpu.memory_space<vmem>> -> memref<1x50xi32, #tpu.memory_space<vmem>>
      %dma_wait3A_803 = tpu.memref_squeeze %dma_wait3A_802 : memref<1x50xi32, #tpu.memory_space<vmem>> -> memref<50xi32, #tpu.memory_space<vmem>>
      %dma_wait3A_804 = arith.constant 0 : i32
      %dma_wait3A_805 = arith.constant 0 : i32
      %dma_wait3A_806 = tpu.memref_slice %arg2[%dma_wait3A_804, %dma_wait3A_805] : memref<10000x128xf32, #tpu.memory_space<hbm>> -> memref<10000x128xf32, #tpu.memory_space<hbm>>
      tpu.wait_indirect_dma semaphore(%arg22 : memref<!tpu.dma_semaphore, #tpu.memory_space<semaphore_mem>>) src(%dma_wait3A_806 : memref<10000x128xf32, #tpu.memory_space<hbm>>) dst(%dma_wait3A_800 : memref<50x128xf32, #tpu.memory_space<vmem>>)
      %dma_start3A_807 = arith.constant 3 : i32
      %dma_start3A_808 = arith.constant 7 : i32
      %dma_start3A_809 = arith.constant 0 : i32
      %dma_start3A_810 = arith.constant 0 : i32
      %dma_start3A_811 = tpu.memref_slice %arg9[%dma_start3A_807, %dma_start3A_809, %dma_start3A_810] : memref<4x50x128xf32, #tpu.memory_space<vmem>> -> memref<1x50x128xf32, #tpu.memory_space<vmem>>
      %dma_start3A_812 = tpu.memref_squeeze %dma_start3A_811 : memref<1x50x128xf32, #tpu.memory_space<vmem>> -> memref<50x128xf32, #tpu.memory_space<vmem>>
      %dma_start3A_813 = arith.constant 0 : i32
      %dma_start3A_814 = tpu.memref_slice %arg8[%dma_start3A_808, %dma_start3A_813] : memref<8x50xi32, #tpu.memory_space<vmem>> -> memref<1x50xi32, #tpu.memory_space<vmem>>
      %dma_start3A_815 = tpu.memref_squeeze %dma_start3A_814 : memref<1x50xi32, #tpu.memory_space<vmem>> -> memref<50xi32, #tpu.memory_space<vmem>>
      %dma_start3A_816 = arith.constant 0 : i32
      %dma_start3A_817 = arith.constant 0 : i32
      %dma_start3A_818 = tpu.memref_slice %arg6[%dma_start3A_816, %dma_start3A_817] : memref<10000x128xf32, #tpu.memory_space<vmem_shared>> -> memref<10000x128xf32, #tpu.memory_space<vmem_shared>>
      tpu.enqueue_indirect_dma source(%dma_start3A_812 : memref<50x128xf32, #tpu.memory_space<vmem>>) target(%dma_start3A_818 : memref<10000x128xf32, #tpu.memory_space<vmem_shared>>) offsets(%dma_start3A_815 : memref<50xi32, #tpu.memory_space<vmem>>) semaphore(%arg26 : memref<!tpu.dma_semaphore, #tpu.memory_space<semaphore_mem>>) {add = true}
      %dma_wait3A_819 = arith.constant 3 : i32
      %dma_wait3A_820 = arith.constant 7 : i32
      %dma_wait3A_821 = arith.constant 0 : i32
      %dma_wait3A_822 = arith.constant 0 : i32
      %dma_wait3A_823 = tpu.memref_slice %arg9[%dma_wait3A_819, %dma_wait3A_821, %dma_wait3A_822] : memref<4x50x128xf32, #tpu.memory_space<vmem>> -> memref<1x50x128xf32, #tpu.memory_space<vmem>>
      %dma_wait3A_824 = tpu.memref_squeeze %dma_wait3A_823 : memref<1x50x128xf32, #tpu.memory_space<vmem>> -> memref<50x128xf32, #tpu.memory_space<vmem>>
      %dma_wait3A_825 = arith.constant 0 : i32
      %dma_wait3A_826 = tpu.memref_slice %arg8[%dma_wait3A_820, %dma_wait3A_825] : memref<8x50xi32, #tpu.memory_space<vmem>> -> memref<1x50xi32, #tpu.memory_space<vmem>>
      %dma_wait3A_827 = tpu.memref_squeeze %dma_wait3A_826 : memref<1x50xi32, #tpu.memory_space<vmem>> -> memref<50xi32, #tpu.memory_space<vmem>>
      %dma_wait3A_828 = arith.constant 0 : i32
      %dma_wait3A_829 = arith.constant 0 : i32
      %dma_wait3A_830 = tpu.memref_slice %arg6[%dma_wait3A_828, %dma_wait3A_829] : memref<10000x128xf32, #tpu.memory_space<vmem_shared>> -> memref<10000x128xf32, #tpu.memory_space<vmem_shared>>
      tpu.wait_indirect_dma semaphore(%arg26 : memref<!tpu.dma_semaphore, #tpu.memory_space<semaphore_mem>>) src(%dma_wait3A_824 : memref<50x128xf32, #tpu.memory_space<vmem>>) dst(%dma_wait3A_830 : memref<10000x128xf32, #tpu.memory_space<vmem_shared>>)
      %add3A_831 = arith.constant 4 : i32
      %add3A_832 = arith.addi %add3A_794, %add3A_831 : i32
      %lt3A_833 = arith.constant 200 : i32
      %lt3A_834 = arith.cmpi slt, %add3A_832, %lt3A_833 : i32
      %convert_element_type3A_835 = arith.extui %lt3A_834 : i1 to i32
      %cond3A_836 = arith.constant 0 : i32
      %cond3A_837 = arith.cmpi ne, %convert_element_type3A_835, %cond3A_836 : i32
      scf.if %cond3A_837 {
        %dma_wait3A_845 = arith.constant 3 : i32
        %dma_wait3A_846 = arith.constant 0 : i32
        %dma_wait3A_847 = tpu.memref_slice %arg7[%dma_wait3A_845, %dma_wait3A_846] : memref<8x50xi32, #tpu.memory_space<vmem>> -> memref<1x50xi32, #tpu.memory_space<vmem>>
        %dma_wait3A_848 = tpu.memref_squeeze %dma_wait3A_847 : memref<1x50xi32, #tpu.memory_space<vmem>> -> memref<50xi32, #tpu.memory_space<vmem>>
        %dma_wait3A_849 = arith.constant 0 : i32
        %dma_wait3A_850 = tpu.memref_slice %arg3[%add3A, %add3A_832, %dma_wait3A_849] : memref<32x200x50xi32, #tpu.memory_space<hbm>> -> memref<1x1x50xi32, #tpu.memory_space<hbm>>
        %dma_wait3A_851 = tpu.memref_squeeze %dma_wait3A_850 : memref<1x1x50xi32, #tpu.memory_space<hbm>> -> memref<50xi32, #tpu.memory_space<hbm>>
        %dma_wait3A_852 = arith.constant 0 : i32
        %dma_wait3A_853 = tpu.memref_slice %arg7[%dma_wait3A_845, %dma_wait3A_852] : memref<8x50xi32, #tpu.memory_space<vmem>> -> memref<1x50xi32, #tpu.memory_space<vmem>>
        %dma_wait3A_854 = tpu.memref_squeeze %dma_wait3A_853 : memref<1x50xi32, #tpu.memory_space<vmem>> -> memref<50xi32, #tpu.memory_space<vmem>>
        %dma_wait3A_855 = arith.constant 0 : i32
        %dma_wait3A_856 = tpu.memref_slice %arg3[%add3A, %add3A_832, %dma_wait3A_855] : memref<32x200x50xi32, #tpu.memory_space<hbm>> -> memref<1x1x50xi32, #tpu.memory_space<hbm>>
        %dma_wait3A_857 = tpu.memref_squeeze %dma_wait3A_856 : memref<1x1x50xi32, #tpu.memory_space<hbm>> -> memref<50xi32, #tpu.memory_space<hbm>>
        tpu.wait_dma2 semaphore(%arg14 : memref<!tpu.dma_semaphore, #tpu.memory_space<semaphore_mem>>) src(%dma_wait3A_857 : memref<50xi32, #tpu.memory_space<hbm>>) dst(%dma_wait3A_854 : memref<50xi32, #tpu.memory_space<vmem>>)
        %dma_wait3A_858 = arith.constant 3 : i32
        %dma_wait3A_859 = arith.constant 0 : i32
        %dma_wait3A_860 = tpu.memref_slice %arg8[%dma_wait3A_858, %dma_wait3A_859] : memref<8x50xi32, #tpu.memory_space<vmem>> -> memref<1x50xi32, #tpu.memory_space<vmem>>
        %dma_wait3A_861 = tpu.memref_squeeze %dma_wait3A_860 : memref<1x50xi32, #tpu.memory_space<vmem>> -> memref<50xi32, #tpu.memory_space<vmem>>
        %dma_wait3A_862 = arith.constant 0 : i32
        %dma_wait3A_863 = tpu.memref_slice %arg4[%add3A, %add3A_832, %dma_wait3A_862] : memref<32x200x50xi32, #tpu.memory_space<hbm>> -> memref<1x1x50xi32, #tpu.memory_space<hbm>>
        %dma_wait3A_864 = tpu.memref_squeeze %dma_wait3A_863 : memref<1x1x50xi32, #tpu.memory_space<hbm>> -> memref<50xi32, #tpu.memory_space<hbm>>
        %dma_wait3A_865 = arith.constant 0 : i32
        %dma_wait3A_866 = tpu.memref_slice %arg8[%dma_wait3A_858, %dma_wait3A_865] : memref<8x50xi32, #tpu.memory_space<vmem>> -> memref<1x50xi32, #tpu.memory_space<vmem>>
        %dma_wait3A_867 = tpu.memref_squeeze %dma_wait3A_866 : memref<1x50xi32, #tpu.memory_space<vmem>> -> memref<50xi32, #tpu.memory_space<vmem>>
        %dma_wait3A_868 = arith.constant 0 : i32
        %dma_wait3A_869 = tpu.memref_slice %arg4[%add3A, %add3A_832, %dma_wait3A_868] : memref<32x200x50xi32, #tpu.memory_space<hbm>> -> memref<1x1x50xi32, #tpu.memory_space<hbm>>
        %dma_wait3A_870 = tpu.memref_squeeze %dma_wait3A_869 : memref<1x1x50xi32, #tpu.memory_space<hbm>> -> memref<50xi32, #tpu.memory_space<hbm>>
        tpu.wait_dma2 semaphore(%arg14 : memref<!tpu.dma_semaphore, #tpu.memory_space<semaphore_mem>>) src(%dma_wait3A_870 : memref<50xi32, #tpu.memory_space<hbm>>) dst(%dma_wait3A_867 : memref<50xi32, #tpu.memory_space<vmem>>)
        %dma_start3A_871 = arith.constant 3 : i32
        %dma_start3A_872 = arith.constant 3 : i32
        %dma_start3A_873 = arith.constant 0 : i32
        %dma_start3A_874 = arith.constant 0 : i32
        %dma_start3A_875 = tpu.memref_slice %arg9[%dma_start3A_872, %dma_start3A_873, %dma_start3A_874] : memref<4x50x128xf32, #tpu.memory_space<vmem>> -> memref<1x50x128xf32, #tpu.memory_space<vmem>>
        %dma_start3A_876 = tpu.memref_squeeze %dma_start3A_875 : memref<1x50x128xf32, #tpu.memory_space<vmem>> -> memref<50x128xf32, #tpu.memory_space<vmem>>
        %dma_start3A_877 = arith.constant 0 : i32
        %dma_start3A_878 = tpu.memref_slice %arg7[%dma_start3A_871, %dma_start3A_877] : memref<8x50xi32, #tpu.memory_space<vmem>> -> memref<1x50xi32, #tpu.memory_space<vmem>>
        %dma_start3A_879 = tpu.memref_squeeze %dma_start3A_878 : memref<1x50xi32, #tpu.memory_space<vmem>> -> memref<50xi32, #tpu.memory_space<vmem>>
        %dma_start3A_880 = arith.constant 0 : i32
        %dma_start3A_881 = arith.constant 0 : i32
        %dma_start3A_882 = tpu.memref_slice %arg2[%dma_start3A_880, %dma_start3A_881] : memref<10000x128xf32, #tpu.memory_space<hbm>> -> memref<10000x128xf32, #tpu.memory_space<hbm>>
        tpu.enqueue_indirect_dma source(%dma_start3A_882 : memref<10000x128xf32, #tpu.memory_space<hbm>>) target(%dma_start3A_876 : memref<50x128xf32, #tpu.memory_space<vmem>>) offsets(%dma_start3A_879 : memref<50xi32, #tpu.memory_space<vmem>>) semaphore(%arg22 : memref<!tpu.dma_semaphore, #tpu.memory_space<semaphore_mem>>)
      } else {
      }
      %add3A_838 = arith.constant 8 : i32
      %add3A_839 = arith.addi %add3A_794, %add3A_838 : i32
      %lt3A_840 = arith.constant 200 : i32
      %lt3A_841 = arith.cmpi slt, %add3A_839, %lt3A_840 : i32
      %convert_element_type3A_842 = arith.extui %lt3A_841 : i1 to i32
      %cond3A_843 = arith.constant 0 : i32
      %cond3A_844 = arith.cmpi ne, %convert_element_type3A_842, %cond3A_843 : i32
      scf.if %cond3A_844 {
        %dma_start3A_845 = arith.constant 7 : i32
        %dma_start3A_846 = arith.constant 0 : i32
        %dma_start3A_847 = tpu.memref_slice %arg7[%dma_start3A_845, %dma_start3A_846] : memref<8x50xi32, #tpu.memory_space<vmem>> -> memref<1x50xi32, #tpu.memory_space<vmem>>
        %dma_start3A_848 = tpu.memref_squeeze %dma_start3A_847 : memref<1x50xi32, #tpu.memory_space<vmem>> -> memref<50xi32, #tpu.memory_space<vmem>>
        %dma_start3A_849 = arith.constant 0 : i32
        %dma_start3A_850 = tpu.memref_slice %arg3[%add3A, %add3A_839, %dma_start3A_849] : memref<32x200x50xi32, #tpu.memory_space<hbm>> -> memref<1x1x50xi32, #tpu.memory_space<hbm>>
        %dma_start3A_851 = tpu.memref_squeeze %dma_start3A_850 : memref<1x1x50xi32, #tpu.memory_space<hbm>> -> memref<50xi32, #tpu.memory_space<hbm>>
        %dma_start3A_852 = arith.constant 0 : i32
        %dma_start3A_853 = tpu.memref_slice %arg7[%dma_start3A_845, %dma_start3A_852] : memref<8x50xi32, #tpu.memory_space<vmem>> -> memref<1x50xi32, #tpu.memory_space<vmem>>
        %dma_start3A_854 = tpu.memref_squeeze %dma_start3A_853 : memref<1x50xi32, #tpu.memory_space<vmem>> -> memref<50xi32, #tpu.memory_space<vmem>>
        %dma_start3A_855 = arith.constant 0 : i32
        %dma_start3A_856 = tpu.memref_slice %arg3[%add3A, %add3A_839, %dma_start3A_855] : memref<32x200x50xi32, #tpu.memory_space<hbm>> -> memref<1x1x50xi32, #tpu.memory_space<hbm>>
        %dma_start3A_857 = tpu.memref_squeeze %dma_start3A_856 : memref<1x1x50xi32, #tpu.memory_space<hbm>> -> memref<50xi32, #tpu.memory_space<hbm>>
        tpu.enqueue_dma source(%dma_start3A_857 : memref<50xi32, #tpu.memory_space<hbm>>) target(%dma_start3A_854 : memref<50xi32, #tpu.memory_space<vmem>>) target_semaphore(%arg18 : memref<!tpu.dma_semaphore, #tpu.memory_space<semaphore_mem>>)
        %dma_start3A_858 = arith.constant 7 : i32
        %dma_start3A_859 = arith.constant 0 : i32
        %dma_start3A_860 = tpu.memref_slice %arg8[%dma_start3A_858, %dma_start3A_859] : memref<8x50xi32, #tpu.memory_space<vmem>> -> memref<1x50xi32, #tpu.memory_space<vmem>>
        %dma_start3A_861 = tpu.memref_squeeze %dma_start3A_860 : memref<1x50xi32, #tpu.memory_space<vmem>> -> memref<50xi32, #tpu.memory_space<vmem>>
        %dma_start3A_862 = arith.constant 0 : i32
        %dma_start3A_863 = tpu.memref_slice %arg4[%add3A, %add3A_839, %dma_start3A_862] : memref<32x200x50xi32, #tpu.memory_space<hbm>> -> memref<1x1x50xi32, #tpu.memory_space<hbm>>
        %dma_start3A_864 = tpu.memref_squeeze %dma_start3A_863 : memref<1x1x50xi32, #tpu.memory_space<hbm>> -> memref<50xi32, #tpu.memory_space<hbm>>
        %dma_start3A_865 = arith.constant 0 : i32
        %dma_start3A_866 = tpu.memref_slice %arg8[%dma_start3A_858, %dma_start3A_865] : memref<8x50xi32, #tpu.memory_space<vmem>> -> memref<1x50xi32, #tpu.memory_space<vmem>>
        %dma_start3A_867 = tpu.memref_squeeze %dma_start3A_866 : memref<1x50xi32, #tpu.memory_space<vmem>> -> memref<50xi32, #tpu.memory_space<vmem>>
        %dma_start3A_868 = arith.constant 0 : i32
        %dma_start3A_869 = tpu.memref_slice %arg4[%add3A, %add3A_839, %dma_start3A_868] : memref<32x200x50xi32, #tpu.memory_space<hbm>> -> memref<1x1x50xi32, #tpu.memory_space<hbm>>
        %dma_start3A_870 = tpu.memref_squeeze %dma_start3A_869 : memref<1x1x50xi32, #tpu.memory_space<hbm>> -> memref<50xi32, #tpu.memory_space<hbm>>
        tpu.enqueue_dma source(%dma_start3A_870 : memref<50xi32, #tpu.memory_space<hbm>>) target(%dma_start3A_867 : memref<50xi32, #tpu.memory_space<vmem>>) target_semaphore(%arg18 : memref<!tpu.dma_semaphore, #tpu.memory_space<semaphore_mem>>)
      } else {
      }
    }
    %scan3A_415 = arith.constant 25 : i32
    %barrier3A_416 = arith.constant 0 : index
    tpu.barrier barrier_id(%barrier3A_416)
    %mul3A_417 = arith.constant 10000 : i32
    %mul3A_418 = arith.muli %arg0, %mul3A_417 : i32
    %add3A_419 = arith.addi %mul3A_418, %mul3A_2 : i32
    "tpu.region"() ({
      %run_scoped3A = tpu.sem_alloc : memref<!tpu.dma_semaphore, #tpu.memory_space<semaphore_mem>>
      %dma_start3A_425 = arith.constant 0 : i32
      %dma_start3A_426 = tpu.memref_slice %arg5[%add3A_419, %dma_start3A_425] : memref<20000x128xf32, #tpu.memory_space<hbm>> -> memref<624x128xf32, #tpu.memory_space<hbm>>
      %dma_start3A_427 = arith.constant 0 : i32
      %dma_start3A_428 = tpu.memref_slice %arg6[%mul3A_2, %dma_start3A_427] : memref<10000x128xf32, #tpu.memory_space<vmem_shared>> -> memref<624x128xf32, #tpu.memory_space<vmem_shared>>
      tpu.enqueue_dma source(%dma_start3A_428 : memref<624x128xf32, #tpu.memory_space<vmem_shared>>) target(%dma_start3A_426 : memref<624x128xf32, #tpu.memory_space<hbm>>) target_semaphore(%run_scoped3A : memref<!tpu.dma_semaphore, #tpu.memory_space<semaphore_mem>>)
      %dma_wait3A_429 = arith.constant 0 : i32
      %dma_wait3A_430 = tpu.memref_slice %arg5[%add3A_419, %dma_wait3A_429] : memref<20000x128xf32, #tpu.memory_space<hbm>> -> memref<624x128xf32, #tpu.memory_space<hbm>>
      %dma_wait3A_431 = arith.constant 0 : i32
      %dma_wait3A_432 = tpu.memref_slice %arg6[%mul3A_2, %dma_wait3A_431] : memref<10000x128xf32, #tpu.memory_space<vmem_shared>> -> memref<624x128xf32, #tpu.memory_space<vmem_shared>>
      tpu.wait_dma2 semaphore(%run_scoped3A : memref<!tpu.dma_semaphore, #tpu.memory_space<semaphore_mem>>) src(%dma_wait3A_432 : memref<624x128xf32, #tpu.memory_space<vmem_shared>>) dst(%dma_wait3A_430 : memref<624x128xf32, #tpu.memory_space<hbm>>)
      tpu.yield
    }) : () -> ()
    %eq3A_420 = arith.constant 15 : i32
    %eq3A_421 = arith.cmpi eq, %arg1, %eq3A_420 : i32
    %convert_element_type3A_422 = arith.extui %eq3A_421 : i1 to i32
    %cond3A_423 = arith.constant 0 : i32
    %cond3A_424 = arith.cmpi ne, %convert_element_type3A_422, %cond3A_423 : i32
    scf.if %cond3A_424 {
      %mul3A_425 = arith.constant 10000 : i32
      %mul3A_426 = arith.muli %arg0, %mul3A_425 : i32
      %add3A_427 = arith.constant 9984 : i32
      %add3A_428 = arith.addi %mul3A_426, %add3A_427 : i32
      "tpu.region"() ({
        %run_scoped3A = tpu.sem_alloc : memref<!tpu.dma_semaphore, #tpu.memory_space<semaphore_mem>>
        %dma_start3A_429 = arith.constant 0 : i32
        %dma_start3A_430 = tpu.memref_slice %arg5[%add3A_428, %dma_start3A_429] : memref<20000x128xf32, #tpu.memory_space<hbm>> -> memref<16x128xf32, #tpu.memory_space<hbm>>
        %dma_start3A_431 = arith.constant 9984 : i32
        %dma_start3A_432 = arith.constant 0 : i32
        %dma_start3A_433 = tpu.memref_slice %arg6[%dma_start3A_431, %dma_start3A_432] : memref<10000x128xf32, #tpu.memory_space<vmem_shared>> -> memref<16x128xf32, #tpu.memory_space<vmem_shared>>
        tpu.enqueue_dma source(%dma_start3A_433 : memref<16x128xf32, #tpu.memory_space<vmem_shared>>) target(%dma_start3A_430 : memref<16x128xf32, #tpu.memory_space<hbm>>) target_semaphore(%run_scoped3A : memref<!tpu.dma_semaphore, #tpu.memory_space<semaphore_mem>>)
        %dma_wait3A_434 = arith.constant 0 : i32
        %dma_wait3A_435 = tpu.memref_slice %arg5[%add3A_428, %dma_wait3A_434] : memref<20000x128xf32, #tpu.memory_space<hbm>> -> memref<16x128xf32, #tpu.memory_space<hbm>>
        %dma_wait3A_436 = arith.constant 9984 : i32
        %dma_wait3A_437 = arith.constant 0 : i32
        %dma_wait3A_438 = tpu.memref_slice %arg6[%dma_wait3A_436, %dma_wait3A_437] : memref<10000x128xf32, #tpu.memory_space<vmem_shared>> -> memref<16x128xf32, #tpu.memory_space<vmem_shared>>
        tpu.wait_dma2 semaphore(%run_scoped3A : memref<!tpu.dma_semaphore, #tpu.memory_space<semaphore_mem>>) src(%dma_wait3A_438 : memref<16x128xf32, #tpu.memory_space<vmem_shared>>) dst(%dma_wait3A_435 : memref<16x128xf32, #tpu.memory_space<hbm>>)
        tpu.yield
      }) : () -> ()
    } else {
    }
    return
  }
}

#map = affine_map<(d0, d1) -> (0, 0)>
#map1 = affine_map<(d0, d1) -> (0, 0, 0)>
module attributes {stable_mosaic.version = 14 : i64} {
  func.func @segsum(%arg0: i32, %arg1: i32, %arg2: memref<10000x128xf32, #tpu.memory_space<hbm>>, %arg3: memref<32x200x50xi32, #tpu.memory_space<hbm>>, %arg4: memref<32x200x50xi32, #tpu.memory_space<hbm>>, %arg5: memref<20000x128xf32, #tpu.memory_space<hbm>>, %arg6: memref<10000x128xf32, #tpu.memory_space<vmem_shared>>, %arg7: memref<8x50xi32, #tpu.memory_space<vmem>>, %arg8: memref<8x50xi32, #tpu.memory_space<vmem>>, %arg9: memref<4x50x128xf32, #tpu.memory_space<vmem>>, %arg10: memref<64x128xf32, #tpu.memory_space<vmem>>, %arg11: memref<!tpu.dma_semaphore, #tpu.memory_space<semaphore_mem>>, %arg12: memref<!tpu.dma_semaphore, #tpu.memory_space<semaphore_mem>>, %arg13: memref<!tpu.dma_semaphore, #tpu.memory_space<semaphore_mem>>, %arg14: memref<!tpu.dma_semaphore, #tpu.memory_space<semaphore_mem>>, %arg15: memref<!tpu.dma_semaphore, #tpu.memory_space<semaphore_mem>>, %arg16: memref<!tpu.dma_semaphore, #tpu.memory_space<semaphore_mem>>, %arg17: memref<!tpu.dma_semaphore, #tpu.memory_space<semaphore_mem>>, %arg18: memref<!tpu.dma_semaphore, #tpu.memory_space<semaphore_mem>>, %arg19: memref<!tpu.dma_semaphore, #tpu.memory_space<semaphore_mem>>, %arg20: memref<!tpu.dma_semaphore, #tpu.memory_space<semaphore_mem>>, %arg21: memref<!tpu.dma_semaphore, #tpu.memory_space<semaphore_mem>>, %arg22: memref<!tpu.dma_semaphore, #tpu.memory_space<semaphore_mem>>, %arg23: memref<!tpu.dma_semaphore, #tpu.memory_space<semaphore_mem>>, %arg24: memref<!tpu.dma_semaphore, #tpu.memory_space<semaphore_mem>>, %arg25: memref<!tpu.dma_semaphore, #tpu.memory_space<semaphore_mem>>, %arg26: memref<!tpu.dma_semaphore, #tpu.memory_space<semaphore_mem>>) attributes {dimension_semantics = [#tpu.dimension_semantics<core_parallel>, #tpu.dimension_semantics<subcore_parallel>], iteration_bounds = array<i64: 2, 16>, scalar_prefetch = 0 : i64, scratch_operands = 21 : i64, tpu.core_type = #tpu.core_type<sc_vector_subcore>, window_params = [{transform_indices = #map}, {transform_indices = #map1}, {transform_indices = #map1}, {transform_indices = #map}]} {
    %mul3A = arith.constant 2 : i32
    %mul3A_0 = arith.muli %arg1, %mul3A : i32
    %add3A = arith.addi %mul3A_0, %arg0 : i32
    %mul3A_1 = arith.constant 624 : i32
    %mul3A_2 = arith.muli %arg1, %mul3A_1 : i32
    %scan3A = arith.constant 0 : i32
    %scan3A_3 = arith.constant 64 : i32
    %scan3A_4 = arith.addi %scan3A, %scan3A_3 : i32
    %scan3A_5 = arith.constant 1 : i32
    scf.for %scan3A_425 = %scan3A to %scan3A_4 step %scan3A_5  : i32 {
      %mul3A_426 = arith.constant 1 : i32
      %mul3A_427 = arith.muli %scan3A_425, %mul3A_426 : i32
      %add3A_428 = arith.constant 0 : i32
      %add3A_429 = arith.addi %add3A_428, %mul3A_427 : i32
      %broadcast_in_dim3A = arith.constant 0.000000e+00 : f32
      %broadcast_in_dim3A_430 = vector.broadcast %broadcast_in_dim3A : f32 to vector<16xf32>
      %swap3A = arith.index_cast %add3A_429 : i32 to index
      %swap3A_431 = arith.constant 0 : index
      %swap3A_432 = tpu.vector_load %arg10[%swap3A, %swap3A_431] {strides = array<i32>} : memref<64x128xf32, #tpu.memory_space<vmem>>, vector<1x16xf32>,
      %swap3A_433 = vector.shape_cast %swap3A_432 : vector<1x16xf32> to vector<16xf32>
      %swap3A_434 = vector.shape_cast %broadcast_in_dim3A_430 : vector<16xf32> to vector<1x16xf32>
      tpu.vector_store %arg10[%swap3A, %swap3A_431], %swap3A_434 {strides = array<i32>} : memref<64x128xf32, #tpu.memory_space<vmem>>, vector<1x16xf32>,
      %broadcast_in_dim3A_435 = arith.constant 0.000000e+00 : f32
      %broadcast_in_dim3A_436 = vector.broadcast %broadcast_in_dim3A_435 : f32 to vector<16xf32>
      %swap3A_437 = arith.index_cast %add3A_429 : i32 to index
      %swap3A_438 = arith.constant 16 : index
      %swap3A_439 = tpu.vector_load %arg10[%swap3A_437, %swap3A_438] {strides = array<i32>} : memref<64x128xf32, #tpu.memory_space<vmem>>, vector<1x16xf32>,
      %swap3A_440 = vector.shape_cast %swap3A_439 : vector<1x16xf32> to vector<16xf32>
      %swap3A_441 = vector.shape_cast %broadcast_in_dim3A_436 : vector<16xf32> to vector<1x16xf32>
      tpu.vector_store %arg10[%swap3A_437, %swap3A_438], %swap3A_441 {strides = array<i32>} : memref<64x128xf32, #tpu.memory_space<vmem>>, vector<1x16xf32>,
      %broadcast_in_dim3A_442 = arith.constant 0.000000e+00 : f32
      %broadcast_in_dim3A_443 = vector.broadcast %broadcast_in_dim3A_442 : f32 to vector<16xf32>
      %swap3A_444 = arith.index_cast %add3A_429 : i32 to index
      %swap3A_445 = arith.constant 32 : index
      %swap3A_446 = tpu.vector_load %arg10[%swap3A_444, %swap3A_445] {strides = array<i32>} : memref<64x128xf32, #tpu.memory_space<vmem>>, vector<1x16xf32>,
      %swap3A_447 = vector.shape_cast %swap3A_446 : vector<1x16xf32> to vector<16xf32>
      %swap3A_448 = vector.shape_cast %broadcast_in_dim3A_443 : vector<16xf32> to vector<1x16xf32>
      tpu.vector_store %arg10[%swap3A_444, %swap3A_445], %swap3A_448 {strides = array<i32>} : memref<64x128xf32, #tpu.memory_space<vmem>>, vector<1x16xf32>,
      %broadcast_in_dim3A_449 = arith.constant 0.000000e+00 : f32
      %broadcast_in_dim3A_450 = vector.broadcast %broadcast_in_dim3A_449 : f32 to vector<16xf32>
      %swap3A_451 = arith.index_cast %add3A_429 : i32 to index
      %swap3A_452 = arith.constant 48 : index
      %swap3A_453 = tpu.vector_load %arg10[%swap3A_451, %swap3A_452] {strides = array<i32>} : memref<64x128xf32, #tpu.memory_space<vmem>>, vector<1x16xf32>,
      %swap3A_454 = vector.shape_cast %swap3A_453 : vector<1x16xf32> to vector<16xf32>
      %swap3A_455 = vector.shape_cast %broadcast_in_dim3A_450 : vector<16xf32> to vector<1x16xf32>
      tpu.vector_store %arg10[%swap3A_451, %swap3A_452], %swap3A_455 {strides = array<i32>} : memref<64x128xf32, #tpu.memory_space<vmem>>, vector<1x16xf32>,
      %broadcast_in_dim3A_456 = arith.constant 0.000000e+00 : f32
      %broadcast_in_dim3A_457 = vector.broadcast %broadcast_in_dim3A_456 : f32 to vector<16xf32>
      %swap3A_458 = arith.index_cast %add3A_429 : i32 to index
      %swap3A_459 = arith.constant 64 : index
      %swap3A_460 = tpu.vector_load %arg10[%swap3A_458, %swap3A_459] {strides = array<i32>} : memref<64x128xf32, #tpu.memory_space<vmem>>, vector<1x16xf32>,
      %swap3A_461 = vector.shape_cast %swap3A_460 : vector<1x16xf32> to vector<16xf32>
      %swap3A_462 = vector.shape_cast %broadcast_in_dim3A_457 : vector<16xf32> to vector<1x16xf32>
      tpu.vector_store %arg10[%swap3A_458, %swap3A_459], %swap3A_462 {strides = array<i32>} : memref<64x128xf32, #tpu.memory_space<vmem>>, vector<1x16xf32>,
      %broadcast_in_dim3A_463 = arith.constant 0.000000e+00 : f32
      %broadcast_in_dim3A_464 = vector.broadcast %broadcast_in_dim3A_463 : f32 to vector<16xf32>
      %swap3A_465 = arith.index_cast %add3A_429 : i32 to index
      %swap3A_466 = arith.constant 80 : index
      %swap3A_467 = tpu.vector_load %arg10[%swap3A_465, %swap3A_466] {strides = array<i32>} : memref<64x128xf32, #tpu.memory_space<vmem>>, vector<1x16xf32>,
      %swap3A_468 = vector.shape_cast %swap3A_467 : vector<1x16xf32> to vector<16xf32>
      %swap3A_469 = vector.shape_cast %broadcast_in_dim3A_464 : vector<16xf32> to vector<1x16xf32>
      tpu.vector_store %arg10[%swap3A_465, %swap3A_466], %swap3A_469 {strides = array<i32>} : memref<64x128xf32, #tpu.memory_space<vmem>>, vector<1x16xf32>,
      %broadcast_in_dim3A_470 = arith.constant 0.000000e+00 : f32
      %broadcast_in_dim3A_471 = vector.broadcast %broadcast_in_dim3A_470 : f32 to vector<16xf32>
      %swap3A_472 = arith.index_cast %add3A_429 : i32 to index
      %swap3A_473 = arith.constant 96 : index
      %swap3A_474 = tpu.vector_load %arg10[%swap3A_472, %swap3A_473] {strides = array<i32>} : memref<64x128xf32, #tpu.memory_space<vmem>>, vector<1x16xf32>,
      %swap3A_475 = vector.shape_cast %swap3A_474 : vector<1x16xf32> to vector<16xf32>
      %swap3A_476 = vector.shape_cast %broadcast_in_dim3A_471 : vector<16xf32> to vector<1x16xf32>
      tpu.vector_store %arg10[%swap3A_472, %swap3A_473], %swap3A_476 {strides = array<i32>} : memref<64x128xf32, #tpu.memory_space<vmem>>, vector<1x16xf32>,
      %broadcast_in_dim3A_477 = arith.constant 0.000000e+00 : f32
      %broadcast_in_dim3A_478 = vector.broadcast %broadcast_in_dim3A_477 : f32 to vector<16xf32>
      %swap3A_479 = arith.index_cast %add3A_429 : i32 to index
      %swap3A_480 = arith.constant 112 : index
      %swap3A_481 = tpu.vector_load %arg10[%swap3A_479, %swap3A_480] {strides = array<i32>} : memref<64x128xf32, #tpu.memory_space<vmem>>, vector<1x16xf32>,
      %swap3A_482 = vector.shape_cast %swap3A_481 : vector<1x16xf32> to vector<16xf32>
      %swap3A_483 = vector.shape_cast %broadcast_in_dim3A_478 : vector<16xf32> to vector<1x16xf32>
      tpu.vector_store %arg10[%swap3A_479, %swap3A_480], %swap3A_483 {strides = array<i32>} : memref<64x128xf32, #tpu.memory_space<vmem>>, vector<1x16xf32>,
    }
    %scan3A_6 = arith.constant 64 : i32
    %add3A_7 = arith.constant 0 : i32
    %add3A_8 = arith.addi %mul3A_2, %add3A_7 : i32
    "tpu.region"() ({
      %run_scoped3A = tpu.sem_alloc : memref<!tpu.dma_semaphore, #tpu.memory_space<semaphore_mem>>
      %dma_start3A_425 = arith.constant 0 : i32
      %dma_start3A_426 = tpu.memref_slice %arg6[%add3A_8, %dma_start3A_425] : memref<10000x128xf32, #tpu.memory_space<vmem_shared>> -> memref<64x128xf32, #tpu.memory_space<vmem_shared>>
      %dma_start3A_427 = arith.constant 0 : i32
      %dma_start3A_428 = tpu.memref_slice %arg6[%add3A_8, %dma_start3A_427] : memref<10000x128xf32, #tpu.memory_space<vmem_shared>> -> memref<64x128xf32, #tpu.memory_space<vmem_shared>>
      tpu.enqueue_dma source(%arg10 : memref<64x128xf32, #tpu.memory_space<vmem>>) target(%dma_start3A_428 : memref<64x128xf32, #tpu.memory_space<vmem_shared>>) target_semaphore(%run_scoped3A : memref<!tpu.dma_semaphore, #tpu.memory_space<semaphore_mem>>)
      %dma_wait3A_429 = arith.constant 0 : i32
      %dma_wait3A_430 = tpu.memref_slice %arg6[%add3A_8, %dma_wait3A_429] : memref<10000x128xf32, #tpu.memory_space<vmem_shared>> -> memref<64x128xf32, #tpu.memory_space<vmem_shared>>
      %dma_wait3A_431 = arith.constant 0 : i32
      %dma_wait3A_432 = tpu.memref_slice %arg6[%add3A_8, %dma_wait3A_431] : memref<10000x128xf32, #tpu.memory_space<vmem_shared>> -> memref<64x128xf32, #tpu.memory_space<vmem_shared>>
      tpu.wait_dma2 semaphore(%run_scoped3A : memref<!tpu.dma_semaphore, #tpu.memory_space<semaphore_mem>>) src(%arg10 : memref<64x128xf32, #tpu.memory_space<vmem>>) dst(%dma_wait3A_432 : memref<64x128xf32, #tpu.memory_space<vmem_shared>>)
      tpu.yield
    }) : () -> ()
    %add3A_9 = arith.constant 64 : i32
    %add3A_10 = arith.addi %mul3A_2, %add3A_9 : i32
    "tpu.region"() ({
      %run_scoped3A = tpu.sem_alloc : memref<!tpu.dma_semaphore, #tpu.memory_space<semaphore_mem>>
      %dma_start3A_425 = arith.constant 0 : i32
      %dma_start3A_426 = tpu.memref_slice %arg6[%add3A_10, %dma_start3A_425] : memref<10000x128xf32, #tpu.memory_space<vmem_shared>> -> memref<64x128xf32, #tpu.memory_space<vmem_shared>>
      %dma_start3A_427 = arith.constant 0 : i32
      %dma_start3A_428 = tpu.memref_slice %arg6[%add3A_10, %dma_start3A_427] : memref<10000x128xf32, #tpu.memory_space<vmem_shared>> -> memref<64x128xf32, #tpu.memory_space<vmem_shared>>
      tpu.enqueue_dma source(%arg10 : memref<64x128xf32, #tpu.memory_space<vmem>>) target(%dma_start3A_428 : memref<64x128xf32, #tpu.memory_space<vmem_shared>>) target_semaphore(%run_scoped3A : memref<!tpu.dma_semaphore, #tpu.memory_space<semaphore_mem>>)
      %dma_wait3A_429 = arith.constant 0 : i32
      %dma_wait3A_430 = tpu.memref_slice %arg6[%add3A_10, %dma_wait3A_429] : memref<10000x128xf32, #tpu.memory_space<vmem_shared>> -> memref<64x128xf32, #tpu.memory_space<vmem_shared>>
      %dma_wait3A_431 = arith.constant 0 : i32
      %dma_wait3A_432 = tpu.memref_slice %arg6[%add3A_10, %dma_wait3A_431] : memref<10000x128xf32, #tpu.memory_space<vmem_shared>> -> memref<64x128xf32, #tpu.memory_space<vmem_shared>>
      tpu.wait_dma2 semaphore(%run_scoped3A : memref<!tpu.dma_semaphore, #tpu.memory_space<semaphore_mem>>) src(%arg10 : memref<64x128xf32, #tpu.memory_space<vmem>>) dst(%dma_wait3A_432 : memref<64x128xf32, #tpu.memory_space<vmem_shared>>)
      tpu.yield
    }) : () -> ()
    %add3A_11 = arith.constant 128 : i32
    %add3A_12 = arith.addi %mul3A_2, %add3A_11 : i32
    "tpu.region"() ({
      %run_scoped3A = tpu.sem_alloc : memref<!tpu.dma_semaphore, #tpu.memory_space<semaphore_mem>>
      %dma_start3A_425 = arith.constant 0 : i32
      %dma_start3A_426 = tpu.memref_slice %arg6[%add3A_12, %dma_start3A_425] : memref<10000x128xf32, #tpu.memory_space<vmem_shared>> -> memref<64x128xf32, #tpu.memory_space<vmem_shared>>
      %dma_start3A_427 = arith.constant 0 : i32
      %dma_start3A_428 = tpu.memref_slice %arg6[%add3A_12, %dma_start3A_427] : memref<10000x128xf32, #tpu.memory_space<vmem_shared>> -> memref<64x128xf32, #tpu.memory_space<vmem_shared>>
      tpu.enqueue_dma source(%arg10 : memref<64x128xf32, #tpu.memory_space<vmem>>) target(%dma_start3A_428 : memref<64x128xf32, #tpu.memory_space<vmem_shared>>) target_semaphore(%run_scoped3A : memref<!tpu.dma_semaphore, #tpu.memory_space<semaphore_mem>>)
      %dma_wait3A_429 = arith.constant 0 : i32
      %dma_wait3A_430 = tpu.memref_slice %arg6[%add3A_12, %dma_wait3A_429] : memref<10000x128xf32, #tpu.memory_space<vmem_shared>> -> memref<64x128xf32, #tpu.memory_space<vmem_shared>>
      %dma_wait3A_431 = arith.constant 0 : i32
      %dma_wait3A_432 = tpu.memref_slice %arg6[%add3A_12, %dma_wait3A_431] : memref<10000x128xf32, #tpu.memory_space<vmem_shared>> -> memref<64x128xf32, #tpu.memory_space<vmem_shared>>
      tpu.wait_dma2 semaphore(%run_scoped3A : memref<!tpu.dma_semaphore, #tpu.memory_space<semaphore_mem>>) src(%arg10 : memref<64x128xf32, #tpu.memory_space<vmem>>) dst(%dma_wait3A_432 : memref<64x128xf32, #tpu.memory_space<vmem_shared>>)
      tpu.yield
    }) : () -> ()
    %add3A_13 = arith.constant 192 : i32
    %add3A_14 = arith.addi %mul3A_2, %add3A_13 : i32
    "tpu.region"() ({
      %run_scoped3A = tpu.sem_alloc : memref<!tpu.dma_semaphore, #tpu.memory_space<semaphore_mem>>
      %dma_start3A_425 = arith.constant 0 : i32
      %dma_start3A_426 = tpu.memref_slice %arg6[%add3A_14, %dma_start3A_425] : memref<10000x128xf32, #tpu.memory_space<vmem_shared>> -> memref<64x128xf32, #tpu.memory_space<vmem_shared>>
      %dma_start3A_427 = arith.constant 0 : i32
      %dma_start3A_428 = tpu.memref_slice %arg6[%add3A_14, %dma_start3A_427] : memref<10000x128xf32, #tpu.memory_space<vmem_shared>> -> memref<64x128xf32, #tpu.memory_space<vmem_shared>>
      tpu.enqueue_dma source(%arg10 : memref<64x128xf32, #tpu.memory_space<vmem>>) target(%dma_start3A_428 : memref<64x128xf32, #tpu.memory_space<vmem_shared>>) target_semaphore(%run_scoped3A : memref<!tpu.dma_semaphore, #tpu.memory_space<semaphore_mem>>)
      %dma_wait3A_429 = arith.constant 0 : i32
      %dma_wait3A_430 = tpu.memref_slice %arg6[%add3A_14, %dma_wait3A_429] : memref<10000x128xf32, #tpu.memory_space<vmem_shared>> -> memref<64x128xf32, #tpu.memory_space<vmem_shared>>
      %dma_wait3A_431 = arith.constant 0 : i32
      %dma_wait3A_432 = tpu.memref_slice %arg6[%add3A_14, %dma_wait3A_431] : memref<10000x128xf32, #tpu.memory_space<vmem_shared>> -> memref<64x128xf32, #tpu.memory_space<vmem_shared>>
      tpu.wait_dma2 semaphore(%run_scoped3A : memref<!tpu.dma_semaphore, #tpu.memory_space<semaphore_mem>>) src(%arg10 : memref<64x128xf32, #tpu.memory_space<vmem>>) dst(%dma_wait3A_432 : memref<64x128xf32, #tpu.memory_space<vmem_shared>>)
      tpu.yield
    }) : () -> ()
    %add3A_15 = arith.constant 256 : i32
    %add3A_16 = arith.addi %mul3A_2, %add3A_15 : i32
    "tpu.region"() ({
      %run_scoped3A = tpu.sem_alloc : memref<!tpu.dma_semaphore, #tpu.memory_space<semaphore_mem>>
      %dma_start3A_425 = arith.constant 0 : i32
      %dma_start3A_426 = tpu.memref_slice %arg6[%add3A_16, %dma_start3A_425] : memref<10000x128xf32, #tpu.memory_space<vmem_shared>> -> memref<64x128xf32, #tpu.memory_space<vmem_shared>>
      %dma_start3A_427 = arith.constant 0 : i32
      %dma_start3A_428 = tpu.memref_slice %arg6[%add3A_16, %dma_start3A_427] : memref<10000x128xf32, #tpu.memory_space<vmem_shared>> -> memref<64x128xf32, #tpu.memory_space<vmem_shared>>
      tpu.enqueue_dma source(%arg10 : memref<64x128xf32, #tpu.memory_space<vmem>>) target(%dma_start3A_428 : memref<64x128xf32, #tpu.memory_space<vmem_shared>>) target_semaphore(%run_scoped3A : memref<!tpu.dma_semaphore, #tpu.memory_space<semaphore_mem>>)
      %dma_wait3A_429 = arith.constant 0 : i32
      %dma_wait3A_430 = tpu.memref_slice %arg6[%add3A_16, %dma_wait3A_429] : memref<10000x128xf32, #tpu.memory_space<vmem_shared>> -> memref<64x128xf32, #tpu.memory_space<vmem_shared>>
      %dma_wait3A_431 = arith.constant 0 : i32
      %dma_wait3A_432 = tpu.memref_slice %arg6[%add3A_16, %dma_wait3A_431] : memref<10000x128xf32, #tpu.memory_space<vmem_shared>> -> memref<64x128xf32, #tpu.memory_space<vmem_shared>>
      tpu.wait_dma2 semaphore(%run_scoped3A : memref<!tpu.dma_semaphore, #tpu.memory_space<semaphore_mem>>) src(%arg10 : memref<64x128xf32, #tpu.memory_space<vmem>>) dst(%dma_wait3A_432 : memref<64x128xf32, #tpu.memory_space<vmem_shared>>)
      tpu.yield
    }) : () -> ()
    %add3A_17 = arith.constant 320 : i32
    %add3A_18 = arith.addi %mul3A_2, %add3A_17 : i32
    "tpu.region"() ({
      %run_scoped3A = tpu.sem_alloc : memref<!tpu.dma_semaphore, #tpu.memory_space<semaphore_mem>>
      %dma_start3A_425 = arith.constant 0 : i32
      %dma_start3A_426 = tpu.memref_slice %arg6[%add3A_18, %dma_start3A_425] : memref<10000x128xf32, #tpu.memory_space<vmem_shared>> -> memref<64x128xf32, #tpu.memory_space<vmem_shared>>
      %dma_start3A_427 = arith.constant 0 : i32
      %dma_start3A_428 = tpu.memref_slice %arg6[%add3A_18, %dma_start3A_427] : memref<10000x128xf32, #tpu.memory_space<vmem_shared>> -> memref<64x128xf32, #tpu.memory_space<vmem_shared>>
      tpu.enqueue_dma source(%arg10 : memref<64x128xf32, #tpu.memory_space<vmem>>) target(%dma_start3A_428 : memref<64x128xf32, #tpu.memory_space<vmem_shared>>) target_semaphore(%run_scoped3A : memref<!tpu.dma_semaphore, #tpu.memory_space<semaphore_mem>>)
      %dma_wait3A_429 = arith.constant 0 : i32
      %dma_wait3A_430 = tpu.memref_slice %arg6[%add3A_18, %dma_wait3A_429] : memref<10000x128xf32, #tpu.memory_space<vmem_shared>> -> memref<64x128xf32, #tpu.memory_space<vmem_shared>>
      %dma_wait3A_431 = arith.constant 0 : i32
      %dma_wait3A_432 = tpu.memref_slice %arg6[%add3A_18, %dma_wait3A_431] : memref<10000x128xf32, #tpu.memory_space<vmem_shared>> -> memref<64x128xf32, #tpu.memory_space<vmem_shared>>
      tpu.wait_dma2 semaphore(%run_scoped3A : memref<!tpu.dma_semaphore, #tpu.memory_space<semaphore_mem>>) src(%arg10 : memref<64x128xf32, #tpu.memory_space<vmem>>) dst(%dma_wait3A_432 : memref<64x128xf32, #tpu.memory_space<vmem_shared>>)
      tpu.yield
    }) : () -> ()
    %add3A_19 = arith.constant 384 : i32
    %add3A_20 = arith.addi %mul3A_2, %add3A_19 : i32
    "tpu.region"() ({
      %run_scoped3A = tpu.sem_alloc : memref<!tpu.dma_semaphore, #tpu.memory_space<semaphore_mem>>
      %dma_start3A_425 = arith.constant 0 : i32
      %dma_start3A_426 = tpu.memref_slice %arg6[%add3A_20, %dma_start3A_425] : memref<10000x128xf32, #tpu.memory_space<vmem_shared>> -> memref<64x128xf32, #tpu.memory_space<vmem_shared>>
      %dma_start3A_427 = arith.constant 0 : i32
      %dma_start3A_428 = tpu.memref_slice %arg6[%add3A_20, %dma_start3A_427] : memref<10000x128xf32, #tpu.memory_space<vmem_shared>> -> memref<64x128xf32, #tpu.memory_space<vmem_shared>>
      tpu.enqueue_dma source(%arg10 : memref<64x128xf32, #tpu.memory_space<vmem>>) target(%dma_start3A_428 : memref<64x128xf32, #tpu.memory_space<vmem_shared>>) target_semaphore(%run_scoped3A : memref<!tpu.dma_semaphore, #tpu.memory_space<semaphore_mem>>)
      %dma_wait3A_429 = arith.constant 0 : i32
      %dma_wait3A_430 = tpu.memref_slice %arg6[%add3A_20, %dma_wait3A_429] : memref<10000x128xf32, #tpu.memory_space<vmem_shared>> -> memref<64x128xf32, #tpu.memory_space<vmem_shared>>
      %dma_wait3A_431 = arith.constant 0 : i32
      %dma_wait3A_432 = tpu.memref_slice %arg6[%add3A_20, %dma_wait3A_431] : memref<10000x128xf32, #tpu.memory_space<vmem_shared>> -> memref<64x128xf32, #tpu.memory_space<vmem_shared>>
      tpu.wait_dma2 semaphore(%run_scoped3A : memref<!tpu.dma_semaphore, #tpu.memory_space<semaphore_mem>>) src(%arg10 : memref<64x128xf32, #tpu.memory_space<vmem>>) dst(%dma_wait3A_432 : memref<64x128xf32, #tpu.memory_space<vmem_shared>>)
      tpu.yield
    }) : () -> ()
    %add3A_21 = arith.constant 448 : i32
    %add3A_22 = arith.addi %mul3A_2, %add3A_21 : i32
    "tpu.region"() ({
      %run_scoped3A = tpu.sem_alloc : memref<!tpu.dma_semaphore, #tpu.memory_space<semaphore_mem>>
      %dma_start3A_425 = arith.constant 0 : i32
      %dma_start3A_426 = tpu.memref_slice %arg6[%add3A_22, %dma_start3A_425] : memref<10000x128xf32, #tpu.memory_space<vmem_shared>> -> memref<64x128xf32, #tpu.memory_space<vmem_shared>>
      %dma_start3A_427 = arith.constant 0 : i32
      %dma_start3A_428 = tpu.memref_slice %arg6[%add3A_22, %dma_start3A_427] : memref<10000x128xf32, #tpu.memory_space<vmem_shared>> -> memref<64x128xf32, #tpu.memory_space<vmem_shared>>
      tpu.enqueue_dma source(%arg10 : memref<64x128xf32, #tpu.memory_space<vmem>>) target(%dma_start3A_428 : memref<64x128xf32, #tpu.memory_space<vmem_shared>>) target_semaphore(%run_scoped3A : memref<!tpu.dma_semaphore, #tpu.memory_space<semaphore_mem>>)
      %dma_wait3A_429 = arith.constant 0 : i32
      %dma_wait3A_430 = tpu.memref_slice %arg6[%add3A_22, %dma_wait3A_429] : memref<10000x128xf32, #tpu.memory_space<vmem_shared>> -> memref<64x128xf32, #tpu.memory_space<vmem_shared>>
      %dma_wait3A_431 = arith.constant 0 : i32
      %dma_wait3A_432 = tpu.memref_slice %arg6[%add3A_22, %dma_wait3A_431] : memref<10000x128xf32, #tpu.memory_space<vmem_shared>> -> memref<64x128xf32, #tpu.memory_space<vmem_shared>>
      tpu.wait_dma2 semaphore(%run_scoped3A : memref<!tpu.dma_semaphore, #tpu.memory_space<semaphore_mem>>) src(%arg10 : memref<64x128xf32, #tpu.memory_space<vmem>>) dst(%dma_wait3A_432 : memref<64x128xf32, #tpu.memory_space<vmem_shared>>)
      tpu.yield
    }) : () -> ()
    %add3A_23 = arith.constant 512 : i32
    %add3A_24 = arith.addi %mul3A_2, %add3A_23 : i32
    "tpu.region"() ({
      %run_scoped3A = tpu.sem_alloc : memref<!tpu.dma_semaphore, #tpu.memory_space<semaphore_mem>>
      %dma_start3A_425 = arith.constant 0 : i32
      %dma_start3A_426 = tpu.memref_slice %arg6[%add3A_24, %dma_start3A_425] : memref<10000x128xf32, #tpu.memory_space<vmem_shared>> -> memref<64x128xf32, #tpu.memory_space<vmem_shared>>
      %dma_start3A_427 = arith.constant 0 : i32
      %dma_start3A_428 = tpu.memref_slice %arg6[%add3A_24, %dma_start3A_427] : memref<10000x128xf32, #tpu.memory_space<vmem_shared>> -> memref<64x128xf32, #tpu.memory_space<vmem_shared>>
      tpu.enqueue_dma source(%arg10 : memref<64x128xf32, #tpu.memory_space<vmem>>) target(%dma_start3A_428 : memref<64x128xf32, #tpu.memory_space<vmem_shared>>) target_semaphore(%run_scoped3A : memref<!tpu.dma_semaphore, #tpu.memory_space<semaphore_mem>>)
      %dma_wait3A_429 = arith.constant 0 : i32
      %dma_wait3A_430 = tpu.memref_slice %arg6[%add3A_24, %dma_wait3A_429] : memref<10000x128xf32, #tpu.memory_space<vmem_shared>> -> memref<64x128xf32, #tpu.memory_space<vmem_shared>>
      %dma_wait3A_431 = arith.constant 0 : i32
      %dma_wait3A_432 = tpu.memref_slice %arg6[%add3A_24, %dma_wait3A_431] : memref<10000x128xf32, #tpu.memory_space<vmem_shared>> -> memref<64x128xf32, #tpu.memory_space<vmem_shared>>
      tpu.wait_dma2 semaphore(%run_scoped3A : memref<!tpu.dma_semaphore, #tpu.memory_space<semaphore_mem>>) src(%arg10 : memref<64x128xf32, #tpu.memory_space<vmem>>) dst(%dma_wait3A_432 : memref<64x128xf32, #tpu.memory_space<vmem_shared>>)
      tpu.yield
    }) : () -> ()
    %add3A_25 = arith.constant 576 : i32
    %add3A_26 = arith.addi %mul3A_2, %add3A_25 : i32
    "tpu.region"() ({
      %run_scoped3A = tpu.sem_alloc : memref<!tpu.dma_semaphore, #tpu.memory_space<semaphore_mem>>
      %dma_start3A_425 = arith.constant 0 : i32
      %dma_start3A_426 = arith.constant 0 : i32
      %dma_start3A_427 = tpu.memref_slice %arg10[%dma_start3A_425, %dma_start3A_426] : memref<64x128xf32, #tpu.memory_space<vmem>> -> memref<48x128xf32, #tpu.memory_space<vmem>>
      %dma_start3A_428 = arith.constant 0 : i32
      %dma_start3A_429 = tpu.memref_slice %arg6[%add3A_26, %dma_start3A_428] : memref<10000x128xf32, #tpu.memory_space<vmem_shared>> -> memref<48x128xf32, #tpu.memory_space<vmem_shared>>
      %dma_start3A_430 = arith.constant 0 : i32
      %dma_start3A_431 = tpu.memref_slice %arg6[%add3A_26, %dma_start3A_430] : memref<10000x128xf32, #tpu.memory_space<vmem_shared>> -> memref<48x128xf32, #tpu.memory_space<vmem_shared>>
      %dma_start3A_432 = arith.constant 0 : i32
      %dma_start3A_433 = arith.constant 0 : i32
      %dma_start3A_434 = tpu.memref_slice %arg10[%dma_start3A_432, %dma_start3A_433] : memref<64x128xf32, #tpu.memory_space<vmem>> -> memref<48x128xf32, #tpu.memory_space<vmem>>
      tpu.enqueue_dma source(%dma_start3A_434 : memref<48x128xf32, #tpu.memory_space<vmem>>) target(%dma_start3A_431 : memref<48x128xf32, #tpu.memory_space<vmem_shared>>) target_semaphore(%run_scoped3A : memref<!tpu.dma_semaphore, #tpu.memory_space<semaphore_mem>>)
      %dma_wait3A_435 = arith.constant 0 : i32
      %dma_wait3A_436 = arith.constant 0 : i32
      %dma_wait3A_437 = tpu.memref_slice %arg10[%dma_wait3A_435, %dma_wait3A_436] : memref<64x128xf32, #tpu.memory_space<vmem>> -> memref<48x128xf32, #tpu.memory_space<vmem>>
      %dma_wait3A_438 = arith.constant 0 : i32
      %dma_wait3A_439 = tpu.memref_slice %arg6[%add3A_26, %dma_wait3A_438] : memref<10000x128xf32, #tpu.memory_space<vmem_shared>> -> memref<48x128xf32, #tpu.memory_space<vmem_shared>>
      %dma_wait3A_440 = arith.constant 0 : i32
      %dma_wait3A_441 = tpu.memref_slice %arg6[%add3A_26, %dma_wait3A_440] : memref<10000x128xf32, #tpu.memory_space<vmem_shared>> -> memref<48x128xf32, #tpu.memory_space<vmem_shared>>
      %dma_wait3A_442 = arith.constant 0 : i32
      %dma_wait3A_443 = arith.constant 0 : i32
      %dma_wait3A_444 = tpu.memref_slice %arg10[%dma_wait3A_442, %dma_wait3A_443] : memref<64x128xf32, #tpu.memory_space<vmem>> -> memref<48x128xf32, #tpu.memory_space<vmem>>
      tpu.wait_dma2 semaphore(%run_scoped3A : memref<!tpu.dma_semaphore, #tpu.memory_space<semaphore_mem>>) src(%dma_wait3A_444 : memref<48x128xf32, #tpu.memory_space<vmem>>) dst(%dma_wait3A_441 : memref<48x128xf32, #tpu.memory_space<vmem_shared>>)
      tpu.yield
    }) : () -> ()
    %eq3A = arith.constant 15 : i32
    %eq3A_27 = arith.cmpi eq, %arg1, %eq3A : i32
    %convert_element_type3A = arith.extui %eq3A_27 : i1 to i32
    %cond3A = arith.constant 0 : i32
    %cond3A_28 = arith.cmpi ne, %convert_element_type3A, %cond3A : i32
    scf.if %cond3A_28 {
      "tpu.region"() ({
        %run_scoped3A = tpu.sem_alloc : memref<!tpu.dma_semaphore, #tpu.memory_space<semaphore_mem>>
        %dma_start3A_425 = arith.constant 0 : i32
        %dma_start3A_426 = arith.constant 0 : i32
        %dma_start3A_427 = tpu.memref_slice %arg10[%dma_start3A_425, %dma_start3A_426] : memref<64x128xf32, #tpu.memory_space<vmem>> -> memref<16x128xf32, #tpu.memory_space<vmem>>
        %dma_start3A_428 = arith.constant 9984 : i32
        %dma_start3A_429 = arith.constant 0 : i32
        %dma_start3A_430 = tpu.memref_slice %arg6[%dma_start3A_428, %dma_start3A_429] : memref<10000x128xf32, #tpu.memory_space<vmem_shared>> -> memref<16x128xf32, #tpu.memory_space<vmem_shared>>
        %dma_start3A_431 = arith.constant 9984 : i32
        %dma_start3A_432 = arith.constant 0 : i32
        %dma_start3A_433 = tpu.memref_slice %arg6[%dma_start3A_431, %dma_start3A_432] : memref<10000x128xf32, #tpu.memory_space<vmem_shared>> -> memref<16x128xf32, #tpu.memory_space<vmem_shared>>
        %dma_start3A_434 = arith.constant 0 : i32
        %dma_start3A_435 = arith.constant 0 : i32
        %dma_start3A_436 = tpu.memref_slice %arg10[%dma_start3A_434, %dma_start3A_435] : memref<64x128xf32, #tpu.memory_space<vmem>> -> memref<16x128xf32, #tpu.memory_space<vmem>>
        tpu.enqueue_dma source(%dma_start3A_436 : memref<16x128xf32, #tpu.memory_space<vmem>>) target(%dma_start3A_433 : memref<16x128xf32, #tpu.memory_space<vmem_shared>>) target_semaphore(%run_scoped3A : memref<!tpu.dma_semaphore, #tpu.memory_space<semaphore_mem>>)
        %dma_wait3A_437 = arith.constant 0 : i32
        %dma_wait3A_438 = arith.constant 0 : i32
        %dma_wait3A_439 = tpu.memref_slice %arg10[%dma_wait3A_437, %dma_wait3A_438] : memref<64x128xf32, #tpu.memory_space<vmem>> -> memref<16x128xf32, #tpu.memory_space<vmem>>
        %dma_wait3A_440 = arith.constant 9984 : i32
        %dma_wait3A_441 = arith.constant 0 : i32
        %dma_wait3A_442 = tpu.memref_slice %arg6[%dma_wait3A_440, %dma_wait3A_441] : memref<10000x128xf32, #tpu.memory_space<vmem_shared>> -> memref<16x128xf32, #tpu.memory_space<vmem_shared>>
        %dma_wait3A_443 = arith.constant 9984 : i32
        %dma_wait3A_444 = arith.constant 0 : i32
        %dma_wait3A_445 = tpu.memref_slice %arg6[%dma_wait3A_443, %dma_wait3A_444] : memref<10000x128xf32, #tpu.memory_space<vmem_shared>> -> memref<16x128xf32, #tpu.memory_space<vmem_shared>>
        %dma_wait3A_446 = arith.constant 0 : i32
        %dma_wait3A_447 = arith.constant 0 : i32
        %dma_wait3A_448 = tpu.memref_slice %arg10[%dma_wait3A_446, %dma_wait3A_447] : memref<64x128xf32, #tpu.memory_space<vmem>> -> memref<16x128xf32, #tpu.memory_space<vmem>>
        tpu.wait_dma2 semaphore(%run_scoped3A : memref<!tpu.dma_semaphore, #tpu.memory_space<semaphore_mem>>) src(%dma_wait3A_448 : memref<16x128xf32, #tpu.memory_space<vmem>>) dst(%dma_wait3A_445 : memref<16x128xf32, #tpu.memory_space<vmem_shared>>)
        tpu.yield
      }) : () -> ()
    } else {
    }
    %barrier3A = arith.constant 0 : index
    tpu.barrier barrier_id(%barrier3A)
    %dma_start3A = arith.constant 0 : i32
    %dma_start3A_29 = arith.constant 0 : i32
    %dma_start3A_30 = arith.constant 0 : i32
    %dma_start3A_31 = tpu.memref_slice %arg7[%dma_start3A_29, %dma_start3A_30] : memref<8x50xi32, #tpu.memory_space<vmem>> -> memref<1x50xi32, #tpu.memory_space<vmem>>
    %dma_start3A_32 = tpu.memref_squeeze %dma_start3A_31 : memref<1x50xi32, #tpu.memory_space<vmem>> -> memref<50xi32, #tpu.memory_space<vmem>>
    %dma_start3A_33 = arith.constant 0 : i32
    %dma_start3A_34 = tpu.memref_slice %arg3[%add3A, %dma_start3A, %dma_start3A_33] : memref<32x200x50xi32, #tpu.memory_space<hbm>> -> memref<1x1x50xi32, #tpu.memory_space<hbm>>
    %dma_start3A_35 = tpu.memref_squeeze %dma_start3A_34 : memref<1x1x50xi32, #tpu.memory_space<hbm>> -> memref<50xi32, #tpu.memory_space<hbm>>
    %dma_start3A_36 = arith.constant 0 : i32
    %dma_start3A_37 = tpu.memref_slice %arg7[%dma_start3A_29, %dma_start3A_36] : memref<8x50xi32, #tpu.memory_space<vmem>> -> memref<1x50xi32, #tpu.memory_space<vmem>>
    %dma_start3A_38 = tpu.memref_squeeze %dma_start3A_37 : memref<1x50xi32, #tpu.memory_space<vmem>> -> memref<50xi32, #tpu.memory_space<vmem>>
    %dma_start3A_39 = arith.constant 0 : i32
    %dma_start3A_40 = tpu.memref_slice %arg3[%add3A, %dma_start3A, %dma_start3A_39] : memref<32x200x50xi32, #tpu.memory_space<hbm>> -> memref<1x1x50xi32, #tpu.memory_space<hbm>>
    %dma_start3A_41 = tpu.memref_squeeze %dma_start3A_40 : memref<1x1x50xi32, #tpu.memory_space<hbm>> -> memref<50xi32, #tpu.memory_space<hbm>>
    tpu.enqueue_dma source(%dma_start3A_41 : memref<50xi32, #tpu.memory_space<hbm>>) target(%dma_start3A_38 : memref<50xi32, #tpu.memory_space<vmem>>) target_semaphore(%arg11 : memref<!tpu.dma_semaphore, #tpu.memory_space<semaphore_mem>>)
    %dma_start3A_42 = arith.constant 0 : i32
    %dma_start3A_43 = arith.constant 0 : i32
    %dma_start3A_44 = arith.constant 0 : i32
    %dma_start3A_45 = tpu.memref_slice %arg8[%dma_start3A_43, %dma_start3A_44] : memref<8x50xi32, #tpu.memory_space<vmem>> -> memref<1x50xi32, #tpu.memory_space<vmem>>
    %dma_start3A_46 = tpu.memref_squeeze %dma_start3A_45 : memref<1x50xi32, #tpu.memory_space<vmem>> -> memref<50xi32, #tpu.memory_space<vmem>>
    %dma_start3A_47 = arith.constant 0 : i32
    %dma_start3A_48 = tpu.memref_slice %arg4[%add3A, %dma_start3A_42, %dma_start3A_47] : memref<32x200x50xi32, #tpu.memory_space<hbm>> -> memref<1x1x50xi32, #tpu.memory_space<hbm>>
    %dma_start3A_49 = tpu.memref_squeeze %dma_start3A_48 : memref<1x1x50xi32, #tpu.memory_space<hbm>> -> memref<50xi32, #tpu.memory_space<hbm>>
    %dma_start3A_50 = arith.constant 0 : i32
    %dma_start3A_51 = tpu.memref_slice %arg8[%dma_start3A_43, %dma_start3A_50] : memref<8x50xi32, #tpu.memory_space<vmem>> -> memref<1x50xi32, #tpu.memory_space<vmem>>
    %dma_start3A_52 = tpu.memref_squeeze %dma_start3A_51 : memref<1x50xi32, #tpu.memory_space<vmem>> -> memref<50xi32, #tpu.memory_space<vmem>>
    %dma_start3A_53 = arith.constant 0 : i32
    %dma_start3A_54 = tpu.memref_slice %arg4[%add3A, %dma_start3A_42, %dma_start3A_53] : memref<32x200x50xi32, #tpu.memory_space<hbm>> -> memref<1x1x50xi32, #tpu.memory_space<hbm>>
    %dma_start3A_55 = tpu.memref_squeeze %dma_start3A_54 : memref<1x1x50xi32, #tpu.memory_space<hbm>> -> memref<50xi32, #tpu.memory_space<hbm>>
    tpu.enqueue_dma source(%dma_start3A_55 : memref<50xi32, #tpu.memory_space<hbm>>) target(%dma_start3A_52 : memref<50xi32, #tpu.memory_space<vmem>>) target_semaphore(%arg11 : memref<!tpu.dma_semaphore, #tpu.memory_space<semaphore_mem>>)
    %dma_start3A_56 = arith.constant 1 : i32
    %dma_start3A_57 = arith.constant 1 : i32
    %dma_start3A_58 = arith.constant 0 : i32
    %dma_start3A_59 = tpu.memref_slice %arg7[%dma_start3A_57, %dma_start3A_58] : memref<8x50xi32, #tpu.memory_space<vmem>> -> memref<1x50xi32, #tpu.memory_space<vmem>>
    %dma_start3A_60 = tpu.memref_squeeze %dma_start3A_59 : memref<1x50xi32, #tpu.memory_space<vmem>> -> memref<50xi32, #tpu.memory_space<vmem>>
    %dma_start3A_61 = arith.constant 0 : i32
    %dma_start3A_62 = tpu.memref_slice %arg3[%add3A, %dma_start3A_56, %dma_start3A_61] : memref<32x200x50xi32, #tpu.memory_space<hbm>> -> memref<1x1x50xi32, #tpu.memory_space<hbm>>
    %dma_start3A_63 = tpu.memref_squeeze %dma_start3A_62 : memref<1x1x50xi32, #tpu.memory_space<hbm>> -> memref<50xi32, #tpu.memory_space<hbm>>
    %dma_start3A_64 = arith.constant 0 : i32
    %dma_start3A_65 = tpu.memref_slice %arg7[%dma_start3A_57, %dma_start3A_64] : memref<8x50xi32, #tpu.memory_space<vmem>> -> memref<1x50xi32, #tpu.memory_space<vmem>>
    %dma_start3A_66 = tpu.memref_squeeze %dma_start3A_65 : memref<1x50xi32, #tpu.memory_space<vmem>> -> memref<50xi32, #tpu.memory_space<vmem>>
    %dma_start3A_67 = arith.constant 0 : i32
    %dma_start3A_68 = tpu.memref_slice %arg3[%add3A, %dma_start3A_56, %dma_start3A_67] : memref<32x200x50xi32, #tpu.memory_space<hbm>> -> memref<1x1x50xi32, #tpu.memory_space<hbm>>
    %dma_start3A_69 = tpu.memref_squeeze %dma_start3A_68 : memref<1x1x50xi32, #tpu.memory_space<hbm>> -> memref<50xi32, #tpu.memory_space<hbm>>
    tpu.enqueue_dma source(%dma_start3A_69 : memref<50xi32, #tpu.memory_space<hbm>>) target(%dma_start3A_66 : memref<50xi32, #tpu.memory_space<vmem>>) target_semaphore(%arg12 : memref<!tpu.dma_semaphore, #tpu.memory_space<semaphore_mem>>)
    %dma_start3A_70 = arith.constant 1 : i32
    %dma_start3A_71 = arith.constant 1 : i32
    %dma_start3A_72 = arith.constant 0 : i32
    %dma_start3A_73 = tpu.memref_slice %arg8[%dma_start3A_71, %dma_start3A_72] : memref<8x50xi32, #tpu.memory_space<vmem>> -> memref<1x50xi32, #tpu.memory_space<vmem>>
    %dma_start3A_74 = tpu.memref_squeeze %dma_start3A_73 : memref<1x50xi32, #tpu.memory_space<vmem>> -> memref<50xi32, #tpu.memory_space<vmem>>
    %dma_start3A_75 = arith.constant 0 : i32
    %dma_start3A_76 = tpu.memref_slice %arg4[%add3A, %dma_start3A_70, %dma_start3A_75] : memref<32x200x50xi32, #tpu.memory_space<hbm>> -> memref<1x1x50xi32, #tpu.memory_space<hbm>>
    %dma_start3A_77 = tpu.memref_squeeze %dma_start3A_76 : memref<1x1x50xi32, #tpu.memory_space<hbm>> -> memref<50xi32, #tpu.memory_space<hbm>>
    %dma_start3A_78 = arith.constant 0 : i32
    %dma_start3A_79 = tpu.memref_slice %arg8[%dma_start3A_71, %dma_start3A_78] : memref<8x50xi32, #tpu.memory_space<vmem>> -> memref<1x50xi32, #tpu.memory_space<vmem>>
    %dma_start3A_80 = tpu.memref_squeeze %dma_start3A_79 : memref<1x50xi32, #tpu.memory_space<vmem>> -> memref<50xi32, #tpu.memory_space<vmem>>
    %dma_start3A_81 = arith.constant 0 : i32
    %dma_start3A_82 = tpu.memref_slice %arg4[%add3A, %dma_start3A_70, %dma_start3A_81] : memref<32x200x50xi32, #tpu.memory_space<hbm>> -> memref<1x1x50xi32, #tpu.memory_space<hbm>>
    %dma_start3A_83 = tpu.memref_squeeze %dma_start3A_82 : memref<1x1x50xi32, #tpu.memory_space<hbm>> -> memref<50xi32, #tpu.memory_space<hbm>>
    tpu.enqueue_dma source(%dma_start3A_83 : memref<50xi32, #tpu.memory_space<hbm>>) target(%dma_start3A_80 : memref<50xi32, #tpu.memory_space<vmem>>) target_semaphore(%arg12 : memref<!tpu.dma_semaphore, #tpu.memory_space<semaphore_mem>>)
    %dma_start3A_84 = arith.constant 2 : i32
    %dma_start3A_85 = arith.constant 2 : i32
    %dma_start3A_86 = arith.constant 0 : i32
    %dma_start3A_87 = tpu.memref_slice %arg7[%dma_start3A_85, %dma_start3A_86] : memref<8x50xi32, #tpu.memory_space<vmem>> -> memref<1x50xi32, #tpu.memory_space<vmem>>
    %dma_start3A_88 = tpu.memref_squeeze %dma_start3A_87 : memref<1x50xi32, #tpu.memory_space<vmem>> -> memref<50xi32, #tpu.memory_space<vmem>>
    %dma_start3A_89 = arith.constant 0 : i32
    %dma_start3A_90 = tpu.memref_slice %arg3[%add3A, %dma_start3A_84, %dma_start3A_89] : memref<32x200x50xi32, #tpu.memory_space<hbm>> -> memref<1x1x50xi32, #tpu.memory_space<hbm>>
    %dma_start3A_91 = tpu.memref_squeeze %dma_start3A_90 : memref<1x1x50xi32, #tpu.memory_space<hbm>> -> memref<50xi32, #tpu.memory_space<hbm>>
    %dma_start3A_92 = arith.constant 0 : i32
    %dma_start3A_93 = tpu.memref_slice %arg7[%dma_start3A_85, %dma_start3A_92] : memref<8x50xi32, #tpu.memory_space<vmem>> -> memref<1x50xi32, #tpu.memory_space<vmem>>
    %dma_start3A_94 = tpu.memref_squeeze %dma_start3A_93 : memref<1x50xi32, #tpu.memory_space<vmem>> -> memref<50xi32, #tpu.memory_space<vmem>>
    %dma_start3A_95 = arith.constant 0 : i32
    %dma_start3A_96 = tpu.memref_slice %arg3[%add3A, %dma_start3A_84, %dma_start3A_95] : memref<32x200x50xi32, #tpu.memory_space<hbm>> -> memref<1x1x50xi32, #tpu.memory_space<hbm>>
    %dma_start3A_97 = tpu.memref_squeeze %dma_start3A_96 : memref<1x1x50xi32, #tpu.memory_space<hbm>> -> memref<50xi32, #tpu.memory_space<hbm>>
    tpu.enqueue_dma source(%dma_start3A_97 : memref<50xi32, #tpu.memory_space<hbm>>) target(%dma_start3A_94 : memref<50xi32, #tpu.memory_space<vmem>>) target_semaphore(%arg13 : memref<!tpu.dma_semaphore, #tpu.memory_space<semaphore_mem>>)
    %dma_start3A_98 = arith.constant 2 : i32
    %dma_start3A_99 = arith.constant 2 : i32
    %dma_start3A_100 = arith.constant 0 : i32
    %dma_start3A_101 = tpu.memref_slice %arg8[%dma_start3A_99, %dma_start3A_100] : memref<8x50xi32, #tpu.memory_space<vmem>> -> memref<1x50xi32, #tpu.memory_space<vmem>>
    %dma_start3A_102 = tpu.memref_squeeze %dma_start3A_101 : memref<1x50xi32, #tpu.memory_space<vmem>> -> memref<50xi32, #tpu.memory_space<vmem>>
    %dma_start3A_103 = arith.constant 0 : i32
    %dma_start3A_104 = tpu.memref_slice %arg4[%add3A, %dma_start3A_98, %dma_start3A_103] : memref<32x200x50xi32, #tpu.memory_space<hbm>> -> memref<1x1x50xi32, #tpu.memory_space<hbm>>
    %dma_start3A_105 = tpu.memref_squeeze %dma_start3A_104 : memref<1x1x50xi32, #tpu.memory_space<hbm>> -> memref<50xi32, #tpu.memory_space<hbm>>
    %dma_start3A_106 = arith.constant 0 : i32
    %dma_start3A_107 = tpu.memref_slice %arg8[%dma_start3A_99, %dma_start3A_106] : memref<8x50xi32, #tpu.memory_space<vmem>> -> memref<1x50xi32, #tpu.memory_space<vmem>>
    %dma_start3A_108 = tpu.memref_squeeze %dma_start3A_107 : memref<1x50xi32, #tpu.memory_space<vmem>> -> memref<50xi32, #tpu.memory_space<vmem>>
    %dma_start3A_109 = arith.constant 0 : i32
    %dma_start3A_110 = tpu.memref_slice %arg4[%add3A, %dma_start3A_98, %dma_start3A_109] : memref<32x200x50xi32, #tpu.memory_space<hbm>> -> memref<1x1x50xi32, #tpu.memory_space<hbm>>
    %dma_start3A_111 = tpu.memref_squeeze %dma_start3A_110 : memref<1x1x50xi32, #tpu.memory_space<hbm>> -> memref<50xi32, #tpu.memory_space<hbm>>
    tpu.enqueue_dma source(%dma_start3A_111 : memref<50xi32, #tpu.memory_space<hbm>>) target(%dma_start3A_108 : memref<50xi32, #tpu.memory_space<vmem>>) target_semaphore(%arg13 : memref<!tpu.dma_semaphore, #tpu.memory_space<semaphore_mem>>)
    %dma_start3A_112 = arith.constant 3 : i32
    %dma_start3A_113 = arith.constant 3 : i32
    %dma_start3A_114 = arith.constant 0 : i32
    %dma_start3A_115 = tpu.memref_slice %arg7[%dma_start3A_113, %dma_start3A_114] : memref<8x50xi32, #tpu.memory_space<vmem>> -> memref<1x50xi32, #tpu.memory_space<vmem>>
    %dma_start3A_116 = tpu.memref_squeeze %dma_start3A_115 : memref<1x50xi32, #tpu.memory_space<vmem>> -> memref<50xi32, #tpu.memory_space<vmem>>
    %dma_start3A_117 = arith.constant 0 : i32
    %dma_start3A_118 = tpu.memref_slice %arg3[%add3A, %dma_start3A_112, %dma_start3A_117] : memref<32x200x50xi32, #tpu.memory_space<hbm>> -> memref<1x1x50xi32, #tpu.memory_space<hbm>>
    %dma_start3A_119 = tpu.memref_squeeze %dma_start3A_118 : memref<1x1x50xi32, #tpu.memory_space<hbm>> -> memref<50xi32, #tpu.memory_space<hbm>>
    %dma_start3A_120 = arith.constant 0 : i32
    %dma_start3A_121 = tpu.memref_slice %arg7[%dma_start3A_113, %dma_start3A_120] : memref<8x50xi32, #tpu.memory_space<vmem>> -> memref<1x50xi32, #tpu.memory_space<vmem>>
    %dma_start3A_122 = tpu.memref_squeeze %dma_start3A_121 : memref<1x50xi32, #tpu.memory_space<vmem>> -> memref<50xi32, #tpu.memory_space<vmem>>
    %dma_start3A_123 = arith.constant 0 : i32
    %dma_start3A_124 = tpu.memref_slice %arg3[%add3A, %dma_start3A_112, %dma_start3A_123] : memref<32x200x50xi32, #tpu.memory_space<hbm>> -> memref<1x1x50xi32, #tpu.memory_space<hbm>>
    %dma_start3A_125 = tpu.memref_squeeze %dma_start3A_124 : memref<1x1x50xi32, #tpu.memory_space<hbm>> -> memref<50xi32, #tpu.memory_space<hbm>>
    tpu.enqueue_dma source(%dma_start3A_125 : memref<50xi32, #tpu.memory_space<hbm>>) target(%dma_start3A_122 : memref<50xi32, #tpu.memory_space<vmem>>) target_semaphore(%arg14 : memref<!tpu.dma_semaphore, #tpu.memory_space<semaphore_mem>>)
    %dma_start3A_126 = arith.constant 3 : i32
    %dma_start3A_127 = arith.constant 3 : i32
    %dma_start3A_128 = arith.constant 0 : i32
    %dma_start3A_129 = tpu.memref_slice %arg8[%dma_start3A_127, %dma_start3A_128] : memref<8x50xi32, #tpu.memory_space<vmem>> -> memref<1x50xi32, #tpu.memory_space<vmem>>
    %dma_start3A_130 = tpu.memref_squeeze %dma_start3A_129 : memref<1x50xi32, #tpu.memory_space<vmem>> -> memref<50xi32, #tpu.memory_space<vmem>>
    %dma_start3A_131 = arith.constant 0 : i32
    %dma_start3A_132 = tpu.memref_slice %arg4[%add3A, %dma_start3A_126, %dma_start3A_131] : memref<32x200x50xi32, #tpu.memory_space<hbm>> -> memref<1x1x50xi32, #tpu.memory_space<hbm>>
    %dma_start3A_133 = tpu.memref_squeeze %dma_start3A_132 : memref<1x1x50xi32, #tpu.memory_space<hbm>> -> memref<50xi32, #tpu.memory_space<hbm>>
    %dma_start3A_134 = arith.constant 0 : i32
    %dma_start3A_135 = tpu.memref_slice %arg8[%dma_start3A_127, %dma_start3A_134] : memref<8x50xi32, #tpu.memory_space<vmem>> -> memref<1x50xi32, #tpu.memory_space<vmem>>
    %dma_start3A_136 = tpu.memref_squeeze %dma_start3A_135 : memref<1x50xi32, #tpu.memory_space<vmem>> -> memref<50xi32, #tpu.memory_space<vmem>>
    %dma_start3A_137 = arith.constant 0 : i32
    %dma_start3A_138 = tpu.memref_slice %arg4[%add3A, %dma_start3A_126, %dma_start3A_137] : memref<32x200x50xi32, #tpu.memory_space<hbm>> -> memref<1x1x50xi32, #tpu.memory_space<hbm>>
    %dma_start3A_139 = tpu.memref_squeeze %dma_start3A_138 : memref<1x1x50xi32, #tpu.memory_space<hbm>> -> memref<50xi32, #tpu.memory_space<hbm>>
    tpu.enqueue_dma source(%dma_start3A_139 : memref<50xi32, #tpu.memory_space<hbm>>) target(%dma_start3A_136 : memref<50xi32, #tpu.memory_space<vmem>>) target_semaphore(%arg14 : memref<!tpu.dma_semaphore, #tpu.memory_space<semaphore_mem>>)
    %dma_start3A_140 = arith.constant 4 : i32
    %dma_start3A_141 = arith.constant 4 : i32
    %dma_start3A_142 = arith.constant 0 : i32
    %dma_start3A_143 = tpu.memref_slice %arg7[%dma_start3A_141, %dma_start3A_142] : memref<8x50xi32, #tpu.memory_space<vmem>> -> memref<1x50xi32, #tpu.memory_space<vmem>>
    %dma_start3A_144 = tpu.memref_squeeze %dma_start3A_143 : memref<1x50xi32, #tpu.memory_space<vmem>> -> memref<50xi32, #tpu.memory_space<vmem>>
    %dma_start3A_145 = arith.constant 0 : i32
    %dma_start3A_146 = tpu.memref_slice %arg3[%add3A, %dma_start3A_140, %dma_start3A_145] : memref<32x200x50xi32, #tpu.memory_space<hbm>> -> memref<1x1x50xi32, #tpu.memory_space<hbm>>
    %dma_start3A_147 = tpu.memref_squeeze %dma_start3A_146 : memref<1x1x50xi32, #tpu.memory_space<hbm>> -> memref<50xi32, #tpu.memory_space<hbm>>
    %dma_start3A_148 = arith.constant 0 : i32
    %dma_start3A_149 = tpu.memref_slice %arg7[%dma_start3A_141, %dma_start3A_148] : memref<8x50xi32, #tpu.memory_space<vmem>> -> memref<1x50xi32, #tpu.memory_space<vmem>>
    %dma_start3A_150 = tpu.memref_squeeze %dma_start3A_149 : memref<1x50xi32, #tpu.memory_space<vmem>> -> memref<50xi32, #tpu.memory_space<vmem>>
    %dma_start3A_151 = arith.constant 0 : i32
    %dma_start3A_152 = tpu.memref_slice %arg3[%add3A, %dma_start3A_140, %dma_start3A_151] : memref<32x200x50xi32, #tpu.memory_space<hbm>> -> memref<1x1x50xi32, #tpu.memory_space<hbm>>
    %dma_start3A_153 = tpu.memref_squeeze %dma_start3A_152 : memref<1x1x50xi32, #tpu.memory_space<hbm>> -> memref<50xi32, #tpu.memory_space<hbm>>
    tpu.enqueue_dma source(%dma_start3A_153 : memref<50xi32, #tpu.memory_space<hbm>>) target(%dma_start3A_150 : memref<50xi32, #tpu.memory_space<vmem>>) target_semaphore(%arg15 : memref<!tpu.dma_semaphore, #tpu.memory_space<semaphore_mem>>)
    %dma_start3A_154 = arith.constant 4 : i32
    %dma_start3A_155 = arith.constant 4 : i32
    %dma_start3A_156 = arith.constant 0 : i32
    %dma_start3A_157 = tpu.memref_slice %arg8[%dma_start3A_155, %dma_start3A_156] : memref<8x50xi32, #tpu.memory_space<vmem>> -> memref<1x50xi32, #tpu.memory_space<vmem>>
    %dma_start3A_158 = tpu.memref_squeeze %dma_start3A_157 : memref<1x50xi32, #tpu.memory_space<vmem>> -> memref<50xi32, #tpu.memory_space<vmem>>
    %dma_start3A_159 = arith.constant 0 : i32
    %dma_start3A_160 = tpu.memref_slice %arg4[%add3A, %dma_start3A_154, %dma_start3A_159] : memref<32x200x50xi32, #tpu.memory_space<hbm>> -> memref<1x1x50xi32, #tpu.memory_space<hbm>>
    %dma_start3A_161 = tpu.memref_squeeze %dma_start3A_160 : memref<1x1x50xi32, #tpu.memory_space<hbm>> -> memref<50xi32, #tpu.memory_space<hbm>>
    %dma_start3A_162 = arith.constant 0 : i32
    %dma_start3A_163 = tpu.memref_slice %arg8[%dma_start3A_155, %dma_start3A_162] : memref<8x50xi32, #tpu.memory_space<vmem>> -> memref<1x50xi32, #tpu.memory_space<vmem>>
    %dma_start3A_164 = tpu.memref_squeeze %dma_start3A_163 : memref<1x50xi32, #tpu.memory_space<vmem>> -> memref<50xi32, #tpu.memory_space<vmem>>
    %dma_start3A_165 = arith.constant 0 : i32
    %dma_start3A_166 = tpu.memref_slice %arg4[%add3A, %dma_start3A_154, %dma_start3A_165] : memref<32x200x50xi32, #tpu.memory_space<hbm>> -> memref<1x1x50xi32, #tpu.memory_space<hbm>>
    %dma_start3A_167 = tpu.memref_squeeze %dma_start3A_166 : memref<1x1x50xi32, #tpu.memory_space<hbm>> -> memref<50xi32, #tpu.memory_space<hbm>>
    tpu.enqueue_dma source(%dma_start3A_167 : memref<50xi32, #tpu.memory_space<hbm>>) target(%dma_start3A_164 : memref<50xi32, #tpu.memory_space<vmem>>) target_semaphore(%arg15 : memref<!tpu.dma_semaphore, #tpu.memory_space<semaphore_mem>>)
    %dma_start3A_168 = arith.constant 5 : i32
    %dma_start3A_169 = arith.constant 5 : i32
    %dma_start3A_170 = arith.constant 0 : i32
    %dma_start3A_171 = tpu.memref_slice %arg7[%dma_start3A_169, %dma_start3A_170] : memref<8x50xi32, #tpu.memory_space<vmem>> -> memref<1x50xi32, #tpu.memory_space<vmem>>
    %dma_start3A_172 = tpu.memref_squeeze %dma_start3A_171 : memref<1x50xi32, #tpu.memory_space<vmem>> -> memref<50xi32, #tpu.memory_space<vmem>>
    %dma_start3A_173 = arith.constant 0 : i32
    %dma_start3A_174 = tpu.memref_slice %arg3[%add3A, %dma_start3A_168, %dma_start3A_173] : memref<32x200x50xi32, #tpu.memory_space<hbm>> -> memref<1x1x50xi32, #tpu.memory_space<hbm>>
    %dma_start3A_175 = tpu.memref_squeeze %dma_start3A_174 : memref<1x1x50xi32, #tpu.memory_space<hbm>> -> memref<50xi32, #tpu.memory_space<hbm>>
    %dma_start3A_176 = arith.constant 0 : i32
    %dma_start3A_177 = tpu.memref_slice %arg7[%dma_start3A_169, %dma_start3A_176] : memref<8x50xi32, #tpu.memory_space<vmem>> -> memref<1x50xi32, #tpu.memory_space<vmem>>
    %dma_start3A_178 = tpu.memref_squeeze %dma_start3A_177 : memref<1x50xi32, #tpu.memory_space<vmem>> -> memref<50xi32, #tpu.memory_space<vmem>>
    %dma_start3A_179 = arith.constant 0 : i32
    %dma_start3A_180 = tpu.memref_slice %arg3[%add3A, %dma_start3A_168, %dma_start3A_179] : memref<32x200x50xi32, #tpu.memory_space<hbm>> -> memref<1x1x50xi32, #tpu.memory_space<hbm>>
    %dma_start3A_181 = tpu.memref_squeeze %dma_start3A_180 : memref<1x1x50xi32, #tpu.memory_space<hbm>> -> memref<50xi32, #tpu.memory_space<hbm>>
    tpu.enqueue_dma source(%dma_start3A_181 : memref<50xi32, #tpu.memory_space<hbm>>) target(%dma_start3A_178 : memref<50xi32, #tpu.memory_space<vmem>>) target_semaphore(%arg16 : memref<!tpu.dma_semaphore, #tpu.memory_space<semaphore_mem>>)
    %dma_start3A_182 = arith.constant 5 : i32
    %dma_start3A_183 = arith.constant 5 : i32
    %dma_start3A_184 = arith.constant 0 : i32
    %dma_start3A_185 = tpu.memref_slice %arg8[%dma_start3A_183, %dma_start3A_184] : memref<8x50xi32, #tpu.memory_space<vmem>> -> memref<1x50xi32, #tpu.memory_space<vmem>>
    %dma_start3A_186 = tpu.memref_squeeze %dma_start3A_185 : memref<1x50xi32, #tpu.memory_space<vmem>> -> memref<50xi32, #tpu.memory_space<vmem>>
    %dma_start3A_187 = arith.constant 0 : i32
    %dma_start3A_188 = tpu.memref_slice %arg4[%add3A, %dma_start3A_182, %dma_start3A_187] : memref<32x200x50xi32, #tpu.memory_space<hbm>> -> memref<1x1x50xi32, #tpu.memory_space<hbm>>
    %dma_start3A_189 = tpu.memref_squeeze %dma_start3A_188 : memref<1x1x50xi32, #tpu.memory_space<hbm>> -> memref<50xi32, #tpu.memory_space<hbm>>
    %dma_start3A_190 = arith.constant 0 : i32
    %dma_start3A_191 = tpu.memref_slice %arg8[%dma_start3A_183, %dma_start3A_190] : memref<8x50xi32, #tpu.memory_space<vmem>> -> memref<1x50xi32, #tpu.memory_space<vmem>>
    %dma_start3A_192 = tpu.memref_squeeze %dma_start3A_191 : memref<1x50xi32, #tpu.memory_space<vmem>> -> memref<50xi32, #tpu.memory_space<vmem>>
    %dma_start3A_193 = arith.constant 0 : i32
    %dma_start3A_194 = tpu.memref_slice %arg4[%add3A, %dma_start3A_182, %dma_start3A_193] : memref<32x200x50xi32, #tpu.memory_space<hbm>> -> memref<1x1x50xi32, #tpu.memory_space<hbm>>
    %dma_start3A_195 = tpu.memref_squeeze %dma_start3A_194 : memref<1x1x50xi32, #tpu.memory_space<hbm>> -> memref<50xi32, #tpu.memory_space<hbm>>
    tpu.enqueue_dma source(%dma_start3A_195 : memref<50xi32, #tpu.memory_space<hbm>>) target(%dma_start3A_192 : memref<50xi32, #tpu.memory_space<vmem>>) target_semaphore(%arg16 : memref<!tpu.dma_semaphore, #tpu.memory_space<semaphore_mem>>)
    %dma_start3A_196 = arith.constant 6 : i32
    %dma_start3A_197 = arith.constant 6 : i32
    %dma_start3A_198 = arith.constant 0 : i32
    %dma_start3A_199 = tpu.memref_slice %arg7[%dma_start3A_197, %dma_start3A_198] : memref<8x50xi32, #tpu.memory_space<vmem>> -> memref<1x50xi32, #tpu.memory_space<vmem>>
    %dma_start3A_200 = tpu.memref_squeeze %dma_start3A_199 : memref<1x50xi32, #tpu.memory_space<vmem>> -> memref<50xi32, #tpu.memory_space<vmem>>
    %dma_start3A_201 = arith.constant 0 : i32
    %dma_start3A_202 = tpu.memref_slice %arg3[%add3A, %dma_start3A_196, %dma_start3A_201] : memref<32x200x50xi32, #tpu.memory_space<hbm>> -> memref<1x1x50xi32, #tpu.memory_space<hbm>>
    %dma_start3A_203 = tpu.memref_squeeze %dma_start3A_202 : memref<1x1x50xi32, #tpu.memory_space<hbm>> -> memref<50xi32, #tpu.memory_space<hbm>>
    %dma_start3A_204 = arith.constant 0 : i32
    %dma_start3A_205 = tpu.memref_slice %arg7[%dma_start3A_197, %dma_start3A_204] : memref<8x50xi32, #tpu.memory_space<vmem>> -> memref<1x50xi32, #tpu.memory_space<vmem>>
    %dma_start3A_206 = tpu.memref_squeeze %dma_start3A_205 : memref<1x50xi32, #tpu.memory_space<vmem>> -> memref<50xi32, #tpu.memory_space<vmem>>
    %dma_start3A_207 = arith.constant 0 : i32
    %dma_start3A_208 = tpu.memref_slice %arg3[%add3A, %dma_start3A_196, %dma_start3A_207] : memref<32x200x50xi32, #tpu.memory_space<hbm>> -> memref<1x1x50xi32, #tpu.memory_space<hbm>>
    %dma_start3A_209 = tpu.memref_squeeze %dma_start3A_208 : memref<1x1x50xi32, #tpu.memory_space<hbm>> -> memref<50xi32, #tpu.memory_space<hbm>>
    tpu.enqueue_dma source(%dma_start3A_209 : memref<50xi32, #tpu.memory_space<hbm>>) target(%dma_start3A_206 : memref<50xi32, #tpu.memory_space<vmem>>) target_semaphore(%arg17 : memref<!tpu.dma_semaphore, #tpu.memory_space<semaphore_mem>>)
    %dma_start3A_210 = arith.constant 6 : i32
    %dma_start3A_211 = arith.constant 6 : i32
    %dma_start3A_212 = arith.constant 0 : i32
    %dma_start3A_213 = tpu.memref_slice %arg8[%dma_start3A_211, %dma_start3A_212] : memref<8x50xi32, #tpu.memory_space<vmem>> -> memref<1x50xi32, #tpu.memory_space<vmem>>
    %dma_start3A_214 = tpu.memref_squeeze %dma_start3A_213 : memref<1x50xi32, #tpu.memory_space<vmem>> -> memref<50xi32, #tpu.memory_space<vmem>>
    %dma_start3A_215 = arith.constant 0 : i32
    %dma_start3A_216 = tpu.memref_slice %arg4[%add3A, %dma_start3A_210, %dma_start3A_215] : memref<32x200x50xi32, #tpu.memory_space<hbm>> -> memref<1x1x50xi32, #tpu.memory_space<hbm>>
    %dma_start3A_217 = tpu.memref_squeeze %dma_start3A_216 : memref<1x1x50xi32, #tpu.memory_space<hbm>> -> memref<50xi32, #tpu.memory_space<hbm>>
    %dma_start3A_218 = arith.constant 0 : i32
    %dma_start3A_219 = tpu.memref_slice %arg8[%dma_start3A_211, %dma_start3A_218] : memref<8x50xi32, #tpu.memory_space<vmem>> -> memref<1x50xi32, #tpu.memory_space<vmem>>
    %dma_start3A_220 = tpu.memref_squeeze %dma_start3A_219 : memref<1x50xi32, #tpu.memory_space<vmem>> -> memref<50xi32, #tpu.memory_space<vmem>>
    %dma_start3A_221 = arith.constant 0 : i32
    %dma_start3A_222 = tpu.memref_slice %arg4[%add3A, %dma_start3A_210, %dma_start3A_221] : memref<32x200x50xi32, #tpu.memory_space<hbm>> -> memref<1x1x50xi32, #tpu.memory_space<hbm>>
    %dma_start3A_223 = tpu.memref_squeeze %dma_start3A_222 : memref<1x1x50xi32, #tpu.memory_space<hbm>> -> memref<50xi32, #tpu.memory_space<hbm>>
    tpu.enqueue_dma source(%dma_start3A_223 : memref<50xi32, #tpu.memory_space<hbm>>) target(%dma_start3A_220 : memref<50xi32, #tpu.memory_space<vmem>>) target_semaphore(%arg17 : memref<!tpu.dma_semaphore, #tpu.memory_space<semaphore_mem>>)
    %dma_start3A_224 = arith.constant 7 : i32
    %dma_start3A_225 = arith.constant 7 : i32
    %dma_start3A_226 = arith.constant 0 : i32
    %dma_start3A_227 = tpu.memref_slice %arg7[%dma_start3A_225, %dma_start3A_226] : memref<8x50xi32, #tpu.memory_space<vmem>> -> memref<1x50xi32, #tpu.memory_space<vmem>>
    %dma_start3A_228 = tpu.memref_squeeze %dma_start3A_227 : memref<1x50xi32, #tpu.memory_space<vmem>> -> memref<50xi32, #tpu.memory_space<vmem>>
    %dma_start3A_229 = arith.constant 0 : i32
    %dma_start3A_230 = tpu.memref_slice %arg3[%add3A, %dma_start3A_224, %dma_start3A_229] : memref<32x200x50xi32, #tpu.memory_space<hbm>> -> memref<1x1x50xi32, #tpu.memory_space<hbm>>
    %dma_start3A_231 = tpu.memref_squeeze %dma_start3A_230 : memref<1x1x50xi32, #tpu.memory_space<hbm>> -> memref<50xi32, #tpu.memory_space<hbm>>
    %dma_start3A_232 = arith.constant 0 : i32
    %dma_start3A_233 = tpu.memref_slice %arg7[%dma_start3A_225, %dma_start3A_232] : memref<8x50xi32, #tpu.memory_space<vmem>> -> memref<1x50xi32, #tpu.memory_space<vmem>>
    %dma_start3A_234 = tpu.memref_squeeze %dma_start3A_233 : memref<1x50xi32, #tpu.memory_space<vmem>> -> memref<50xi32, #tpu.memory_space<vmem>>
    %dma_start3A_235 = arith.constant 0 : i32
    %dma_start3A_236 = tpu.memref_slice %arg3[%add3A, %dma_start3A_224, %dma_start3A_235] : memref<32x200x50xi32, #tpu.memory_space<hbm>> -> memref<1x1x50xi32, #tpu.memory_space<hbm>>
    %dma_start3A_237 = tpu.memref_squeeze %dma_start3A_236 : memref<1x1x50xi32, #tpu.memory_space<hbm>> -> memref<50xi32, #tpu.memory_space<hbm>>
    tpu.enqueue_dma source(%dma_start3A_237 : memref<50xi32, #tpu.memory_space<hbm>>) target(%dma_start3A_234 : memref<50xi32, #tpu.memory_space<vmem>>) target_semaphore(%arg18 : memref<!tpu.dma_semaphore, #tpu.memory_space<semaphore_mem>>)
    %dma_start3A_238 = arith.constant 7 : i32
    %dma_start3A_239 = arith.constant 7 : i32
    %dma_start3A_240 = arith.constant 0 : i32
    %dma_start3A_241 = tpu.memref_slice %arg8[%dma_start3A_239, %dma_start3A_240] : memref<8x50xi32, #tpu.memory_space<vmem>> -> memref<1x50xi32, #tpu.memory_space<vmem>>
    %dma_start3A_242 = tpu.memref_squeeze %dma_start3A_241 : memref<1x50xi32, #tpu.memory_space<vmem>> -> memref<50xi32, #tpu.memory_space<vmem>>
    %dma_start3A_243 = arith.constant 0 : i32
    %dma_start3A_244 = tpu.memref_slice %arg4[%add3A, %dma_start3A_238, %dma_start3A_243] : memref<32x200x50xi32, #tpu.memory_space<hbm>> -> memref<1x1x50xi32, #tpu.memory_space<hbm>>
    %dma_start3A_245 = tpu.memref_squeeze %dma_start3A_244 : memref<1x1x50xi32, #tpu.memory_space<hbm>> -> memref<50xi32, #tpu.memory_space<hbm>>
    %dma_start3A_246 = arith.constant 0 : i32
    %dma_start3A_247 = tpu.memref_slice %arg8[%dma_start3A_239, %dma_start3A_246] : memref<8x50xi32, #tpu.memory_space<vmem>> -> memref<1x50xi32, #tpu.memory_space<vmem>>
    %dma_start3A_248 = tpu.memref_squeeze %dma_start3A_247 : memref<1x50xi32, #tpu.memory_space<vmem>> -> memref<50xi32, #tpu.memory_space<vmem>>
    %dma_start3A_249 = arith.constant 0 : i32
    %dma_start3A_250 = tpu.memref_slice %arg4[%add3A, %dma_start3A_238, %dma_start3A_249] : memref<32x200x50xi32, #tpu.memory_space<hbm>> -> memref<1x1x50xi32, #tpu.memory_space<hbm>>
    %dma_start3A_251 = tpu.memref_squeeze %dma_start3A_250 : memref<1x1x50xi32, #tpu.memory_space<hbm>> -> memref<50xi32, #tpu.memory_space<hbm>>
    tpu.enqueue_dma source(%dma_start3A_251 : memref<50xi32, #tpu.memory_space<hbm>>) target(%dma_start3A_248 : memref<50xi32, #tpu.memory_space<vmem>>) target_semaphore(%arg18 : memref<!tpu.dma_semaphore, #tpu.memory_space<semaphore_mem>>)
    %dma_wait3A = arith.constant 0 : i32
    %dma_wait3A_252 = arith.constant 0 : i32
    %dma_wait3A_253 = arith.constant 0 : i32
    %dma_wait3A_254 = tpu.memref_slice %arg7[%dma_wait3A_252, %dma_wait3A_253] : memref<8x50xi32, #tpu.memory_space<vmem>> -> memref<1x50xi32, #tpu.memory_space<vmem>>
    %dma_wait3A_255 = tpu.memref_squeeze %dma_wait3A_254 : memref<1x50xi32, #tpu.memory_space<vmem>> -> memref<50xi32, #tpu.memory_space<vmem>>
    %dma_wait3A_256 = arith.constant 0 : i32
    %dma_wait3A_257 = tpu.memref_slice %arg3[%add3A, %dma_wait3A, %dma_wait3A_256] : memref<32x200x50xi32, #tpu.memory_space<hbm>> -> memref<1x1x50xi32, #tpu.memory_space<hbm>>
    %dma_wait3A_258 = tpu.memref_squeeze %dma_wait3A_257 : memref<1x1x50xi32, #tpu.memory_space<hbm>> -> memref<50xi32, #tpu.memory_space<hbm>>
    %dma_wait3A_259 = arith.constant 0 : i32
    %dma_wait3A_260 = tpu.memref_slice %arg7[%dma_wait3A_252, %dma_wait3A_259] : memref<8x50xi32, #tpu.memory_space<vmem>> -> memref<1x50xi32, #tpu.memory_space<vmem>>
    %dma_wait3A_261 = tpu.memref_squeeze %dma_wait3A_260 : memref<1x50xi32, #tpu.memory_space<vmem>> -> memref<50xi32, #tpu.memory_space<vmem>>
    %dma_wait3A_262 = arith.constant 0 : i32
    %dma_wait3A_263 = tpu.memref_slice %arg3[%add3A, %dma_wait3A, %dma_wait3A_262] : memref<32x200x50xi32, #tpu.memory_space<hbm>> -> memref<1x1x50xi32, #tpu.memory_space<hbm>>
    %dma_wait3A_264 = tpu.memref_squeeze %dma_wait3A_263 : memref<1x1x50xi32, #tpu.memory_space<hbm>> -> memref<50xi32, #tpu.memory_space<hbm>>
    tpu.wait_dma2 semaphore(%arg11 : memref<!tpu.dma_semaphore, #tpu.memory_space<semaphore_mem>>) src(%dma_wait3A_264 : memref<50xi32, #tpu.memory_space<hbm>>) dst(%dma_wait3A_261 : memref<50xi32, #tpu.memory_space<vmem>>)
    %dma_wait3A_265 = arith.constant 0 : i32
    %dma_wait3A_266 = arith.constant 0 : i32
    %dma_wait3A_267 = arith.constant 0 : i32
    %dma_wait3A_268 = tpu.memref_slice %arg8[%dma_wait3A_266, %dma_wait3A_267] : memref<8x50xi32, #tpu.memory_space<vmem>> -> memref<1x50xi32, #tpu.memory_space<vmem>>
    %dma_wait3A_269 = tpu.memref_squeeze %dma_wait3A_268 : memref<1x50xi32, #tpu.memory_space<vmem>> -> memref<50xi32, #tpu.memory_space<vmem>>
    %dma_wait3A_270 = arith.constant 0 : i32
    %dma_wait3A_271 = tpu.memref_slice %arg4[%add3A, %dma_wait3A_265, %dma_wait3A_270] : memref<32x200x50xi32, #tpu.memory_space<hbm>> -> memref<1x1x50xi32, #tpu.memory_space<hbm>>
    %dma_wait3A_272 = tpu.memref_squeeze %dma_wait3A_271 : memref<1x1x50xi32, #tpu.memory_space<hbm>> -> memref<50xi32, #tpu.memory_space<hbm>>
    %dma_wait3A_273 = arith.constant 0 : i32
    %dma_wait3A_274 = tpu.memref_slice %arg8[%dma_wait3A_266, %dma_wait3A_273] : memref<8x50xi32, #tpu.memory_space<vmem>> -> memref<1x50xi32, #tpu.memory_space<vmem>>
    %dma_wait3A_275 = tpu.memref_squeeze %dma_wait3A_274 : memref<1x50xi32, #tpu.memory_space<vmem>> -> memref<50xi32, #tpu.memory_space<vmem>>
    %dma_wait3A_276 = arith.constant 0 : i32
    %dma_wait3A_277 = tpu.memref_slice %arg4[%add3A, %dma_wait3A_265, %dma_wait3A_276] : memref<32x200x50xi32, #tpu.memory_space<hbm>> -> memref<1x1x50xi32, #tpu.memory_space<hbm>>
    %dma_wait3A_278 = tpu.memref_squeeze %dma_wait3A_277 : memref<1x1x50xi32, #tpu.memory_space<hbm>> -> memref<50xi32, #tpu.memory_space<hbm>>
    tpu.wait_dma2 semaphore(%arg11 : memref<!tpu.dma_semaphore, #tpu.memory_space<semaphore_mem>>) src(%dma_wait3A_278 : memref<50xi32, #tpu.memory_space<hbm>>) dst(%dma_wait3A_275 : memref<50xi32, #tpu.memory_space<vmem>>)
    %dma_start3A_279 = arith.constant 0 : i32
    %dma_start3A_280 = arith.constant 0 : i32
    %dma_start3A_281 = arith.constant 0 : i32
    %dma_start3A_282 = arith.constant 0 : i32
    %dma_start3A_283 = tpu.memref_slice %arg9[%dma_start3A_280, %dma_start3A_281, %dma_start3A_282] : memref<4x50x128xf32, #tpu.memory_space<vmem>> -> memref<1x50x128xf32, #tpu.memory_space<vmem>>
    %dma_start3A_284 = tpu.memref_squeeze %dma_start3A_283 : memref<1x50x128xf32, #tpu.memory_space<vmem>> -> memref<50x128xf32, #tpu.memory_space<vmem>>
    %dma_start3A_285 = arith.constant 0 : i32
    %dma_start3A_286 = tpu.memref_slice %arg7[%dma_start3A_279, %dma_start3A_285] : memref<8x50xi32, #tpu.memory_space<vmem>> -> memref<1x50xi32, #tpu.memory_space<vmem>>
    %dma_start3A_287 = tpu.memref_squeeze %dma_start3A_286 : memref<1x50xi32, #tpu.memory_space<vmem>> -> memref<50xi32, #tpu.memory_space<vmem>>
    %dma_start3A_288 = arith.constant 0 : i32
    %dma_start3A_289 = arith.constant 0 : i32
    %dma_start3A_290 = tpu.memref_slice %arg2[%dma_start3A_288, %dma_start3A_289] : memref<10000x128xf32, #tpu.memory_space<hbm>> -> memref<10000x128xf32, #tpu.memory_space<hbm>>
    tpu.enqueue_indirect_dma source(%dma_start3A_290 : memref<10000x128xf32, #tpu.memory_space<hbm>>) target(%dma_start3A_284 : memref<50x128xf32, #tpu.memory_space<vmem>>) offsets(%dma_start3A_287 : memref<50xi32, #tpu.memory_space<vmem>>) semaphore(%arg19 : memref<!tpu.dma_semaphore, #tpu.memory_space<semaphore_mem>>)
    %dma_wait3A_291 = arith.constant 1 : i32
    %dma_wait3A_292 = arith.constant 1 : i32
    %dma_wait3A_293 = arith.constant 0 : i32
    %dma_wait3A_294 = tpu.memref_slice %arg7[%dma_wait3A_292, %dma_wait3A_293] : memref<8x50xi32, #tpu.memory_space<vmem>> -> memref<1x50xi32, #tpu.memory_space<vmem>>
    %dma_wait3A_295 = tpu.memref_squeeze %dma_wait3A_294 : memref<1x50xi32, #tpu.memory_space<vmem>> -> memref<50xi32, #tpu.memory_space<vmem>>
    %dma_wait3A_296 = arith.constant 0 : i32
    %dma_wait3A_297 = tpu.memref_slice %arg3[%add3A, %dma_wait3A_291, %dma_wait3A_296] : memref<32x200x50xi32, #tpu.memory_space<hbm>> -> memref<1x1x50xi32, #tpu.memory_space<hbm>>
    %dma_wait3A_298 = tpu.memref_squeeze %dma_wait3A_297 : memref<1x1x50xi32, #tpu.memory_space<hbm>> -> memref<50xi32, #tpu.memory_space<hbm>>
    %dma_wait3A_299 = arith.constant 0 : i32
    %dma_wait3A_300 = tpu.memref_slice %arg7[%dma_wait3A_292, %dma_wait3A_299] : memref<8x50xi32, #tpu.memory_space<vmem>> -> memref<1x50xi32, #tpu.memory_space<vmem>>
    %dma_wait3A_301 = tpu.memref_squeeze %dma_wait3A_300 : memref<1x50xi32, #tpu.memory_space<vmem>> -> memref<50xi32, #tpu.memory_space<vmem>>
    %dma_wait3A_302 = arith.constant 0 : i32
    %dma_wait3A_303 = tpu.memref_slice %arg3[%add3A, %dma_wait3A_291, %dma_wait3A_302] : memref<32x200x50xi32, #tpu.memory_space<hbm>> -> memref<1x1x50xi32, #tpu.memory_space<hbm>>
    %dma_wait3A_304 = tpu.memref_squeeze %dma_wait3A_303 : memref<1x1x50xi32, #tpu.memory_space<hbm>> -> memref<50xi32, #tpu.memory_space<hbm>>
    tpu.wait_dma2 semaphore(%arg12 : memref<!tpu.dma_semaphore, #tpu.memory_space<semaphore_mem>>) src(%dma_wait3A_304 : memref<50xi32, #tpu.memory_space<hbm>>) dst(%dma_wait3A_301 : memref<50xi32, #tpu.memory_space<vmem>>)
    %dma_wait3A_305 = arith.constant 1 : i32
    %dma_wait3A_306 = arith.constant 1 : i32
    %dma_wait3A_307 = arith.constant 0 : i32
    %dma_wait3A_308 = tpu.memref_slice %arg8[%dma_wait3A_306, %dma_wait3A_307] : memref<8x50xi32, #tpu.memory_space<vmem>> -> memref<1x50xi32, #tpu.memory_space<vmem>>
    %dma_wait3A_309 = tpu.memref_squeeze %dma_wait3A_308 : memref<1x50xi32, #tpu.memory_space<vmem>> -> memref<50xi32, #tpu.memory_space<vmem>>
    %dma_wait3A_310 = arith.constant 0 : i32
    %dma_wait3A_311 = tpu.memref_slice %arg4[%add3A, %dma_wait3A_305, %dma_wait3A_310] : memref<32x200x50xi32, #tpu.memory_space<hbm>> -> memref<1x1x50xi32, #tpu.memory_space<hbm>>
    %dma_wait3A_312 = tpu.memref_squeeze %dma_wait3A_311 : memref<1x1x50xi32, #tpu.memory_space<hbm>> -> memref<50xi32, #tpu.memory_space<hbm>>
    %dma_wait3A_313 = arith.constant 0 : i32
    %dma_wait3A_314 = tpu.memref_slice %arg8[%dma_wait3A_306, %dma_wait3A_313] : memref<8x50xi32, #tpu.memory_space<vmem>> -> memref<1x50xi32, #tpu.memory_space<vmem>>
    %dma_wait3A_315 = tpu.memref_squeeze %dma_wait3A_314 : memref<1x50xi32, #tpu.memory_space<vmem>> -> memref<50xi32, #tpu.memory_space<vmem>>
    %dma_wait3A_316 = arith.constant 0 : i32
    %dma_wait3A_317 = tpu.memref_slice %arg4[%add3A, %dma_wait3A_305, %dma_wait3A_316] : memref<32x200x50xi32, #tpu.memory_space<hbm>> -> memref<1x1x50xi32, #tpu.memory_space<hbm>>
    %dma_wait3A_318 = tpu.memref_squeeze %dma_wait3A_317 : memref<1x1x50xi32, #tpu.memory_space<hbm>> -> memref<50xi32, #tpu.memory_space<hbm>>
    tpu.wait_dma2 semaphore(%arg12 : memref<!tpu.dma_semaphore, #tpu.memory_space<semaphore_mem>>) src(%dma_wait3A_318 : memref<50xi32, #tpu.memory_space<hbm>>) dst(%dma_wait3A_315 : memref<50xi32, #tpu.memory_space<vmem>>)
    %dma_start3A_319 = arith.constant 1 : i32
    %dma_start3A_320 = arith.constant 1 : i32
    %dma_start3A_321 = arith.constant 0 : i32
    %dma_start3A_322 = arith.constant 0 : i32
    %dma_start3A_323 = tpu.memref_slice %arg9[%dma_start3A_320, %dma_start3A_321, %dma_start3A_322] : memref<4x50x128xf32, #tpu.memory_space<vmem>> -> memref<1x50x128xf32, #tpu.memory_space<vmem>>
    %dma_start3A_324 = tpu.memref_squeeze %dma_start3A_323 : memref<1x50x128xf32, #tpu.memory_space<vmem>> -> memref<50x128xf32, #tpu.memory_space<vmem>>
    %dma_start3A_325 = arith.constant 0 : i32
    %dma_start3A_326 = tpu.memref_slice %arg7[%dma_start3A_319, %dma_start3A_325] : memref<8x50xi32, #tpu.memory_space<vmem>> -> memref<1x50xi32, #tpu.memory_space<vmem>>
    %dma_start3A_327 = tpu.memref_squeeze %dma_start3A_326 : memref<1x50xi32, #tpu.memory_space<vmem>> -> memref<50xi32, #tpu.memory_space<vmem>>
    %dma_start3A_328 = arith.constant 0 : i32
    %dma_start3A_329 = arith.constant 0 : i32
    %dma_start3A_330 = tpu.memref_slice %arg2[%dma_start3A_328, %dma_start3A_329] : memref<10000x128xf32, #tpu.memory_space<hbm>> -> memref<10000x128xf32, #tpu.memory_space<hbm>>
    tpu.enqueue_indirect_dma source(%dma_start3A_330 : memref<10000x128xf32, #tpu.memory_space<hbm>>) target(%dma_start3A_324 : memref<50x128xf32, #tpu.memory_space<vmem>>) offsets(%dma_start3A_327 : memref<50xi32, #tpu.memory_space<vmem>>) semaphore(%arg20 : memref<!tpu.dma_semaphore, #tpu.memory_space<semaphore_mem>>)
    %dma_wait3A_331 = arith.constant 2 : i32
    %dma_wait3A_332 = arith.constant 2 : i32
    %dma_wait3A_333 = arith.constant 0 : i32
    %dma_wait3A_334 = tpu.memref_slice %arg7[%dma_wait3A_332, %dma_wait3A_333] : memref<8x50xi32, #tpu.memory_space<vmem>> -> memref<1x50xi32, #tpu.memory_space<vmem>>
    %dma_wait3A_335 = tpu.memref_squeeze %dma_wait3A_334 : memref<1x50xi32, #tpu.memory_space<vmem>> -> memref<50xi32, #tpu.memory_space<vmem>>
    %dma_wait3A_336 = arith.constant 0 : i32
    %dma_wait3A_337 = tpu.memref_slice %arg3[%add3A, %dma_wait3A_331, %dma_wait3A_336] : memref<32x200x50xi32, #tpu.memory_space<hbm>> -> memref<1x1x50xi32, #tpu.memory_space<hbm>>
    %dma_wait3A_338 = tpu.memref_squeeze %dma_wait3A_337 : memref<1x1x50xi32, #tpu.memory_space<hbm>> -> memref<50xi32, #tpu.memory_space<hbm>>
    %dma_wait3A_339 = arith.constant 0 : i32
    %dma_wait3A_340 = tpu.memref_slice %arg7[%dma_wait3A_332, %dma_wait3A_339] : memref<8x50xi32, #tpu.memory_space<vmem>> -> memref<1x50xi32, #tpu.memory_space<vmem>>
    %dma_wait3A_341 = tpu.memref_squeeze %dma_wait3A_340 : memref<1x50xi32, #tpu.memory_space<vmem>> -> memref<50xi32, #tpu.memory_space<vmem>>
    %dma_wait3A_342 = arith.constant 0 : i32
    %dma_wait3A_343 = tpu.memref_slice %arg3[%add3A, %dma_wait3A_331, %dma_wait3A_342] : memref<32x200x50xi32, #tpu.memory_space<hbm>> -> memref<1x1x50xi32, #tpu.memory_space<hbm>>
    %dma_wait3A_344 = tpu.memref_squeeze %dma_wait3A_343 : memref<1x1x50xi32, #tpu.memory_space<hbm>> -> memref<50xi32, #tpu.memory_space<hbm>>
    tpu.wait_dma2 semaphore(%arg13 : memref<!tpu.dma_semaphore, #tpu.memory_space<semaphore_mem>>) src(%dma_wait3A_344 : memref<50xi32, #tpu.memory_space<hbm>>) dst(%dma_wait3A_341 : memref<50xi32, #tpu.memory_space<vmem>>)
    %dma_wait3A_345 = arith.constant 2 : i32
    %dma_wait3A_346 = arith.constant 2 : i32
    %dma_wait3A_347 = arith.constant 0 : i32
    %dma_wait3A_348 = tpu.memref_slice %arg8[%dma_wait3A_346, %dma_wait3A_347] : memref<8x50xi32, #tpu.memory_space<vmem>> -> memref<1x50xi32, #tpu.memory_space<vmem>>
    %dma_wait3A_349 = tpu.memref_squeeze %dma_wait3A_348 : memref<1x50xi32, #tpu.memory_space<vmem>> -> memref<50xi32, #tpu.memory_space<vmem>>
    %dma_wait3A_350 = arith.constant 0 : i32
    %dma_wait3A_351 = tpu.memref_slice %arg4[%add3A, %dma_wait3A_345, %dma_wait3A_350] : memref<32x200x50xi32, #tpu.memory_space<hbm>> -> memref<1x1x50xi32, #tpu.memory_space<hbm>>
    %dma_wait3A_352 = tpu.memref_squeeze %dma_wait3A_351 : memref<1x1x50xi32, #tpu.memory_space<hbm>> -> memref<50xi32, #tpu.memory_space<hbm>>
    %dma_wait3A_353 = arith.constant 0 : i32
    %dma_wait3A_354 = tpu.memref_slice %arg8[%dma_wait3A_346, %dma_wait3A_353] : memref<8x50xi32, #tpu.memory_space<vmem>> -> memref<1x50xi32, #tpu.memory_space<vmem>>
    %dma_wait3A_355 = tpu.memref_squeeze %dma_wait3A_354 : memref<1x50xi32, #tpu.memory_space<vmem>> -> memref<50xi32, #tpu.memory_space<vmem>>
    %dma_wait3A_356 = arith.constant 0 : i32
    %dma_wait3A_357 = tpu.memref_slice %arg4[%add3A, %dma_wait3A_345, %dma_wait3A_356] : memref<32x200x50xi32, #tpu.memory_space<hbm>> -> memref<1x1x50xi32, #tpu.memory_space<hbm>>
    %dma_wait3A_358 = tpu.memref_squeeze %dma_wait3A_357 : memref<1x1x50xi32, #tpu.memory_space<hbm>> -> memref<50xi32, #tpu.memory_space<hbm>>
    tpu.wait_dma2 semaphore(%arg13 : memref<!tpu.dma_semaphore, #tpu.memory_space<semaphore_mem>>) src(%dma_wait3A_358 : memref<50xi32, #tpu.memory_space<hbm>>) dst(%dma_wait3A_355 : memref<50xi32, #tpu.memory_space<vmem>>)
    %dma_start3A_359 = arith.constant 2 : i32
    %dma_start3A_360 = arith.constant 2 : i32
    %dma_start3A_361 = arith.constant 0 : i32
    %dma_start3A_362 = arith.constant 0 : i32
    %dma_start3A_363 = tpu.memref_slice %arg9[%dma_start3A_360, %dma_start3A_361, %dma_start3A_362] : memref<4x50x128xf32, #tpu.memory_space<vmem>> -> memref<1x50x128xf32, #tpu.memory_space<vmem>>
    %dma_start3A_364 = tpu.memref_squeeze %dma_start3A_363 : memref<1x50x128xf32, #tpu.memory_space<vmem>> -> memref<50x128xf32, #tpu.memory_space<vmem>>
    %dma_start3A_365 = arith.constant 0 : i32
    %dma_start3A_366 = tpu.memref_slice %arg7[%dma_start3A_359, %dma_start3A_365] : memref<8x50xi32, #tpu.memory_space<vmem>> -> memref<1x50xi32, #tpu.memory_space<vmem>>
    %dma_start3A_367 = tpu.memref_squeeze %dma_start3A_366 : memref<1x50xi32, #tpu.memory_space<vmem>> -> memref<50xi32, #tpu.memory_space<vmem>>
    %dma_start3A_368 = arith.constant 0 : i32
    %dma_start3A_369 = arith.constant 0 : i32
    %dma_start3A_370 = tpu.memref_slice %arg2[%dma_start3A_368, %dma_start3A_369] : memref<10000x128xf32, #tpu.memory_space<hbm>> -> memref<10000x128xf32, #tpu.memory_space<hbm>>
    tpu.enqueue_indirect_dma source(%dma_start3A_370 : memref<10000x128xf32, #tpu.memory_space<hbm>>) target(%dma_start3A_364 : memref<50x128xf32, #tpu.memory_space<vmem>>) offsets(%dma_start3A_367 : memref<50xi32, #tpu.memory_space<vmem>>) semaphore(%arg21 : memref<!tpu.dma_semaphore, #tpu.memory_space<semaphore_mem>>)
    %dma_wait3A_371 = arith.constant 3 : i32
    %dma_wait3A_372 = arith.constant 3 : i32
    %dma_wait3A_373 = arith.constant 0 : i32
    %dma_wait3A_374 = tpu.memref_slice %arg7[%dma_wait3A_372, %dma_wait3A_373] : memref<8x50xi32, #tpu.memory_space<vmem>> -> memref<1x50xi32, #tpu.memory_space<vmem>>
    %dma_wait3A_375 = tpu.memref_squeeze %dma_wait3A_374 : memref<1x50xi32, #tpu.memory_space<vmem>> -> memref<50xi32, #tpu.memory_space<vmem>>
    %dma_wait3A_376 = arith.constant 0 : i32
    %dma_wait3A_377 = tpu.memref_slice %arg3[%add3A, %dma_wait3A_371, %dma_wait3A_376] : memref<32x200x50xi32, #tpu.memory_space<hbm>> -> memref<1x1x50xi32, #tpu.memory_space<hbm>>
    %dma_wait3A_378 = tpu.memref_squeeze %dma_wait3A_377 : memref<1x1x50xi32, #tpu.memory_space<hbm>> -> memref<50xi32, #tpu.memory_space<hbm>>
    %dma_wait3A_379 = arith.constant 0 : i32
    %dma_wait3A_380 = tpu.memref_slice %arg7[%dma_wait3A_372, %dma_wait3A_379] : memref<8x50xi32, #tpu.memory_space<vmem>> -> memref<1x50xi32, #tpu.memory_space<vmem>>
    %dma_wait3A_381 = tpu.memref_squeeze %dma_wait3A_380 : memref<1x50xi32, #tpu.memory_space<vmem>> -> memref<50xi32, #tpu.memory_space<vmem>>
    %dma_wait3A_382 = arith.constant 0 : i32
    %dma_wait3A_383 = tpu.memref_slice %arg3[%add3A, %dma_wait3A_371, %dma_wait3A_382] : memref<32x200x50xi32, #tpu.memory_space<hbm>> -> memref<1x1x50xi32, #tpu.memory_space<hbm>>
    %dma_wait3A_384 = tpu.memref_squeeze %dma_wait3A_383 : memref<1x1x50xi32, #tpu.memory_space<hbm>> -> memref<50xi32, #tpu.memory_space<hbm>>
    tpu.wait_dma2 semaphore(%arg14 : memref<!tpu.dma_semaphore, #tpu.memory_space<semaphore_mem>>) src(%dma_wait3A_384 : memref<50xi32, #tpu.memory_space<hbm>>) dst(%dma_wait3A_381 : memref<50xi32, #tpu.memory_space<vmem>>)
    %dma_wait3A_385 = arith.constant 3 : i32
    %dma_wait3A_386 = arith.constant 3 : i32
    %dma_wait3A_387 = arith.constant 0 : i32
    %dma_wait3A_388 = tpu.memref_slice %arg8[%dma_wait3A_386, %dma_wait3A_387] : memref<8x50xi32, #tpu.memory_space<vmem>> -> memref<1x50xi32, #tpu.memory_space<vmem>>
    %dma_wait3A_389 = tpu.memref_squeeze %dma_wait3A_388 : memref<1x50xi32, #tpu.memory_space<vmem>> -> memref<50xi32, #tpu.memory_space<vmem>>
    %dma_wait3A_390 = arith.constant 0 : i32
    %dma_wait3A_391 = tpu.memref_slice %arg4[%add3A, %dma_wait3A_385, %dma_wait3A_390] : memref<32x200x50xi32, #tpu.memory_space<hbm>> -> memref<1x1x50xi32, #tpu.memory_space<hbm>>
    %dma_wait3A_392 = tpu.memref_squeeze %dma_wait3A_391 : memref<1x1x50xi32, #tpu.memory_space<hbm>> -> memref<50xi32, #tpu.memory_space<hbm>>
    %dma_wait3A_393 = arith.constant 0 : i32
    %dma_wait3A_394 = tpu.memref_slice %arg8[%dma_wait3A_386, %dma_wait3A_393] : memref<8x50xi32, #tpu.memory_space<vmem>> -> memref<1x50xi32, #tpu.memory_space<vmem>>
    %dma_wait3A_395 = tpu.memref_squeeze %dma_wait3A_394 : memref<1x50xi32, #tpu.memory_space<vmem>> -> memref<50xi32, #tpu.memory_space<vmem>>
    %dma_wait3A_396 = arith.constant 0 : i32
    %dma_wait3A_397 = tpu.memref_slice %arg4[%add3A, %dma_wait3A_385, %dma_wait3A_396] : memref<32x200x50xi32, #tpu.memory_space<hbm>> -> memref<1x1x50xi32, #tpu.memory_space<hbm>>
    %dma_wait3A_398 = tpu.memref_squeeze %dma_wait3A_397 : memref<1x1x50xi32, #tpu.memory_space<hbm>> -> memref<50xi32, #tpu.memory_space<hbm>>
    tpu.wait_dma2 semaphore(%arg14 : memref<!tpu.dma_semaphore, #tpu.memory_space<semaphore_mem>>) src(%dma_wait3A_398 : memref<50xi32, #tpu.memory_space<hbm>>) dst(%dma_wait3A_395 : memref<50xi32, #tpu.memory_space<vmem>>)
    %dma_start3A_399 = arith.constant 3 : i32
    %dma_start3A_400 = arith.constant 3 : i32
    %dma_start3A_401 = arith.constant 0 : i32
    %dma_start3A_402 = arith.constant 0 : i32
    %dma_start3A_403 = tpu.memref_slice %arg9[%dma_start3A_400, %dma_start3A_401, %dma_start3A_402] : memref<4x50x128xf32, #tpu.memory_space<vmem>> -> memref<1x50x128xf32, #tpu.memory_space<vmem>>
    %dma_start3A_404 = tpu.memref_squeeze %dma_start3A_403 : memref<1x50x128xf32, #tpu.memory_space<vmem>> -> memref<50x128xf32, #tpu.memory_space<vmem>>
    %dma_start3A_405 = arith.constant 0 : i32
    %dma_start3A_406 = tpu.memref_slice %arg7[%dma_start3A_399, %dma_start3A_405] : memref<8x50xi32, #tpu.memory_space<vmem>> -> memref<1x50xi32, #tpu.memory_space<vmem>>
    %dma_start3A_407 = tpu.memref_squeeze %dma_start3A_406 : memref<1x50xi32, #tpu.memory_space<vmem>> -> memref<50xi32, #tpu.memory_space<vmem>>
    %dma_start3A_408 = arith.constant 0 : i32
    %dma_start3A_409 = arith.constant 0 : i32
    %dma_start3A_410 = tpu.memref_slice %arg2[%dma_start3A_408, %dma_start3A_409] : memref<10000x128xf32, #tpu.memory_space<hbm>> -> memref<10000x128xf32, #tpu.memory_space<hbm>>
    tpu.enqueue_indirect_dma source(%dma_start3A_410 : memref<10000x128xf32, #tpu.memory_space<hbm>>) target(%dma_start3A_404 : memref<50x128xf32, #tpu.memory_space<vmem>>) offsets(%dma_start3A_407 : memref<50xi32, #tpu.memory_space<vmem>>) semaphore(%arg22 : memref<!tpu.dma_semaphore, #tpu.memory_space<semaphore_mem>>)
    %scan3A_411 = arith.constant 0 : i32
    %scan3A_412 = arith.constant 25 : i32
    %scan3A_413 = arith.addi %scan3A_411, %scan3A_412 : i32
    %scan3A_414 = arith.constant 1 : i32
    scf.for %scan3A_425 = %scan3A_411 to %scan3A_413 step %scan3A_414  : i32 {
      %mul3A_426 = arith.constant 8 : i32
      %mul3A_427 = arith.muli %scan3A_425, %mul3A_426 : i32
      %add3A_428 = arith.constant 0 : i32
      %add3A_429 = arith.addi %add3A_428, %mul3A_427 : i32
      %add3A_430 = arith.constant 0 : i32
      %add3A_431 = arith.addi %add3A_429, %add3A_430 : i32
      %dma_wait3A_432 = arith.constant 0 : i32
      %dma_wait3A_433 = arith.constant 0 : i32
      %dma_wait3A_434 = arith.constant 0 : i32
      %dma_wait3A_435 = arith.constant 0 : i32
      %dma_wait3A_436 = tpu.memref_slice %arg9[%dma_wait3A_433, %dma_wait3A_434, %dma_wait3A_435] : memref<4x50x128xf32, #tpu.memory_space<vmem>> -> memref<1x50x128xf32, #tpu.memory_space<vmem>>
      %dma_wait3A_437 = tpu.memref_squeeze %dma_wait3A_436 : memref<1x50x128xf32, #tpu.memory_space<vmem>> -> memref<50x128xf32, #tpu.memory_space<vmem>>
      %dma_wait3A_438 = arith.constant 0 : i32
      %dma_wait3A_439 = tpu.memref_slice %arg7[%dma_wait3A_432, %dma_wait3A_438] : memref<8x50xi32, #tpu.memory_space<vmem>> -> memref<1x50xi32, #tpu.memory_space<vmem>>
      %dma_wait3A_440 = tpu.memref_squeeze %dma_wait3A_439 : memref<1x50xi32, #tpu.memory_space<vmem>> -> memref<50xi32, #tpu.memory_space<vmem>>
      %dma_wait3A_441 = arith.constant 0 : i32
      %dma_wait3A_442 = arith.constant 0 : i32
      %dma_wait3A_443 = tpu.memref_slice %arg2[%dma_wait3A_441, %dma_wait3A_442] : memref<10000x128xf32, #tpu.memory_space<hbm>> -> memref<10000x128xf32, #tpu.memory_space<hbm>>
      tpu.wait_indirect_dma semaphore(%arg19 : memref<!tpu.dma_semaphore, #tpu.memory_space<semaphore_mem>>) src(%dma_wait3A_443 : memref<10000x128xf32, #tpu.memory_space<hbm>>) dst(%dma_wait3A_437 : memref<50x128xf32, #tpu.memory_space<vmem>>)
      %dma_start3A_444 = arith.constant 0 : i32
      %dma_start3A_445 = arith.constant 0 : i32
      %dma_start3A_446 = arith.constant 0 : i32
      %dma_start3A_447 = arith.constant 0 : i32
      %dma_start3A_448 = tpu.memref_slice %arg9[%dma_start3A_444, %dma_start3A_446, %dma_start3A_447] : memref<4x50x128xf32, #tpu.memory_space<vmem>> -> memref<1x50x128xf32, #tpu.memory_space<vmem>>
      %dma_start3A_449 = tpu.memref_squeeze %dma_start3A_448 : memref<1x50x128xf32, #tpu.memory_space<vmem>> -> memref<50x128xf32, #tpu.memory_space<vmem>>
      %dma_start3A_450 = arith.constant 0 : i32
      %dma_start3A_451 = tpu.memref_slice %arg8[%dma_start3A_445, %dma_start3A_450] : memref<8x50xi32, #tpu.memory_space<vmem>> -> memref<1x50xi32, #tpu.memory_space<vmem>>
      %dma_start3A_452 = tpu.memref_squeeze %dma_start3A_451 : memref<1x50xi32, #tpu.memory_space<vmem>> -> memref<50xi32, #tpu.memory_space<vmem>>
      %dma_start3A_453 = arith.constant 0 : i32
      %dma_start3A_454 = arith.constant 0 : i32
      %dma_start3A_455 = tpu.memref_slice %arg6[%dma_start3A_453, %dma_start3A_454] : memref<10000x128xf32, #tpu.memory_space<vmem_shared>> -> memref<10000x128xf32, #tpu.memory_space<vmem_shared>>
      tpu.enqueue_indirect_dma source(%dma_start3A_449 : memref<50x128xf32, #tpu.memory_space<vmem>>) target(%dma_start3A_455 : memref<10000x128xf32, #tpu.memory_space<vmem_shared>>) offsets(%dma_start3A_452 : memref<50xi32, #tpu.memory_space<vmem>>) semaphore(%arg23 : memref<!tpu.dma_semaphore, #tpu.memory_space<semaphore_mem>>) {add = true}
      %dma_wait3A_456 = arith.constant 0 : i32
      %dma_wait3A_457 = arith.constant 0 : i32
      %dma_wait3A_458 = arith.constant 0 : i32
      %dma_wait3A_459 = arith.constant 0 : i32
      %dma_wait3A_460 = tpu.memref_slice %arg9[%dma_wait3A_456, %dma_wait3A_458, %dma_wait3A_459] : memref<4x50x128xf32, #tpu.memory_space<vmem>> -> memref<1x50x128xf32, #tpu.memory_space<vmem>>
      %dma_wait3A_461 = tpu.memref_squeeze %dma_wait3A_460 : memref<1x50x128xf32, #tpu.memory_space<vmem>> -> memref<50x128xf32, #tpu.memory_space<vmem>>
      %dma_wait3A_462 = arith.constant 0 : i32
      %dma_wait3A_463 = tpu.memref_slice %arg8[%dma_wait3A_457, %dma_wait3A_462] : memref<8x50xi32, #tpu.memory_space<vmem>> -> memref<1x50xi32, #tpu.memory_space<vmem>>
      %dma_wait3A_464 = tpu.memref_squeeze %dma_wait3A_463 : memref<1x50xi32, #tpu.memory_space<vmem>> -> memref<50xi32, #tpu.memory_space<vmem>>
      %dma_wait3A_465 = arith.constant 0 : i32
      %dma_wait3A_466 = arith.constant 0 : i32
      %dma_wait3A_467 = tpu.memref_slice %arg6[%dma_wait3A_465, %dma_wait3A_466] : memref<10000x128xf32, #tpu.memory_space<vmem_shared>> -> memref<10000x128xf32, #tpu.memory_space<vmem_shared>>
      tpu.wait_indirect_dma semaphore(%arg23 : memref<!tpu.dma_semaphore, #tpu.memory_space<semaphore_mem>>) src(%dma_wait3A_461 : memref<50x128xf32, #tpu.memory_space<vmem>>) dst(%dma_wait3A_467 : memref<10000x128xf32, #tpu.memory_space<vmem_shared>>)
      %add3A_468 = arith.constant 4 : i32
      %add3A_469 = arith.addi %add3A_431, %add3A_468 : i32
      %lt3A = arith.constant 200 : i32
      %lt3A_470 = arith.cmpi slt, %add3A_469, %lt3A : i32
      %convert_element_type3A_471 = arith.extui %lt3A_470 : i1 to i32
      %cond3A_472 = arith.constant 0 : i32
      %cond3A_473 = arith.cmpi ne, %convert_element_type3A_471, %cond3A_472 : i32
      scf.if %cond3A_473 {
        %dma_wait3A_845 = arith.constant 4 : i32
        %dma_wait3A_846 = arith.constant 0 : i32
        %dma_wait3A_847 = tpu.memref_slice %arg7[%dma_wait3A_845, %dma_wait3A_846] : memref<8x50xi32, #tpu.memory_space<vmem>> -> memref<1x50xi32, #tpu.memory_space<vmem>>
        %dma_wait3A_848 = tpu.memref_squeeze %dma_wait3A_847 : memref<1x50xi32, #tpu.memory_space<vmem>> -> memref<50xi32, #tpu.memory_space<vmem>>
        %dma_wait3A_849 = arith.constant 0 : i32
        %dma_wait3A_850 = tpu.memref_slice %arg3[%add3A, %add3A_469, %dma_wait3A_849] : memref<32x200x50xi32, #tpu.memory_space<hbm>> -> memref<1x1x50xi32, #tpu.memory_space<hbm>>
        %dma_wait3A_851 = tpu.memref_squeeze %dma_wait3A_850 : memref<1x1x50xi32, #tpu.memory_space<hbm>> -> memref<50xi32, #tpu.memory_space<hbm>>
        %dma_wait3A_852 = arith.constant 0 : i32
        %dma_wait3A_853 = tpu.memref_slice %arg7[%dma_wait3A_845, %dma_wait3A_852] : memref<8x50xi32, #tpu.memory_space<vmem>> -> memref<1x50xi32, #tpu.memory_space<vmem>>
        %dma_wait3A_854 = tpu.memref_squeeze %dma_wait3A_853 : memref<1x50xi32, #tpu.memory_space<vmem>> -> memref<50xi32, #tpu.memory_space<vmem>>
        %dma_wait3A_855 = arith.constant 0 : i32
        %dma_wait3A_856 = tpu.memref_slice %arg3[%add3A, %add3A_469, %dma_wait3A_855] : memref<32x200x50xi32, #tpu.memory_space<hbm>> -> memref<1x1x50xi32, #tpu.memory_space<hbm>>
        %dma_wait3A_857 = tpu.memref_squeeze %dma_wait3A_856 : memref<1x1x50xi32, #tpu.memory_space<hbm>> -> memref<50xi32, #tpu.memory_space<hbm>>
        tpu.wait_dma2 semaphore(%arg15 : memref<!tpu.dma_semaphore, #tpu.memory_space<semaphore_mem>>) src(%dma_wait3A_857 : memref<50xi32, #tpu.memory_space<hbm>>) dst(%dma_wait3A_854 : memref<50xi32, #tpu.memory_space<vmem>>)
        %dma_wait3A_858 = arith.constant 4 : i32
        %dma_wait3A_859 = arith.constant 0 : i32
        %dma_wait3A_860 = tpu.memref_slice %arg8[%dma_wait3A_858, %dma_wait3A_859] : memref<8x50xi32, #tpu.memory_space<vmem>> -> memref<1x50xi32, #tpu.memory_space<vmem>>
        %dma_wait3A_861 = tpu.memref_squeeze %dma_wait3A_860 : memref<1x50xi32, #tpu.memory_space<vmem>> -> memref<50xi32, #tpu.memory_space<vmem>>
        %dma_wait3A_862 = arith.constant 0 : i32
        %dma_wait3A_863 = tpu.memref_slice %arg4[%add3A, %add3A_469, %dma_wait3A_862] : memref<32x200x50xi32, #tpu.memory_space<hbm>> -> memref<1x1x50xi32, #tpu.memory_space<hbm>>
        %dma_wait3A_864 = tpu.memref_squeeze %dma_wait3A_863 : memref<1x1x50xi32, #tpu.memory_space<hbm>> -> memref<50xi32, #tpu.memory_space<hbm>>
        %dma_wait3A_865 = arith.constant 0 : i32
        %dma_wait3A_866 = tpu.memref_slice %arg8[%dma_wait3A_858, %dma_wait3A_865] : memref<8x50xi32, #tpu.memory_space<vmem>> -> memref<1x50xi32, #tpu.memory_space<vmem>>
        %dma_wait3A_867 = tpu.memref_squeeze %dma_wait3A_866 : memref<1x50xi32, #tpu.memory_space<vmem>> -> memref<50xi32, #tpu.memory_space<vmem>>
        %dma_wait3A_868 = arith.constant 0 : i32
        %dma_wait3A_869 = tpu.memref_slice %arg4[%add3A, %add3A_469, %dma_wait3A_868] : memref<32x200x50xi32, #tpu.memory_space<hbm>> -> memref<1x1x50xi32, #tpu.memory_space<hbm>>
        %dma_wait3A_870 = tpu.memref_squeeze %dma_wait3A_869 : memref<1x1x50xi32, #tpu.memory_space<hbm>> -> memref<50xi32, #tpu.memory_space<hbm>>
        tpu.wait_dma2 semaphore(%arg15 : memref<!tpu.dma_semaphore, #tpu.memory_space<semaphore_mem>>) src(%dma_wait3A_870 : memref<50xi32, #tpu.memory_space<hbm>>) dst(%dma_wait3A_867 : memref<50xi32, #tpu.memory_space<vmem>>)
        %dma_start3A_871 = arith.constant 4 : i32
        %dma_start3A_872 = arith.constant 0 : i32
        %dma_start3A_873 = arith.constant 0 : i32
        %dma_start3A_874 = arith.constant 0 : i32
        %dma_start3A_875 = tpu.memref_slice %arg9[%dma_start3A_872, %dma_start3A_873, %dma_start3A_874] : memref<4x50x128xf32, #tpu.memory_space<vmem>> -> memref<1x50x128xf32, #tpu.memory_space<vmem>>
        %dma_start3A_876 = tpu.memref_squeeze %dma_start3A_875 : memref<1x50x128xf32, #tpu.memory_space<vmem>> -> memref<50x128xf32, #tpu.memory_space<vmem>>
        %dma_start3A_877 = arith.constant 0 : i32
        %dma_start3A_878 = tpu.memref_slice %arg7[%dma_start3A_871, %dma_start3A_877] : memref<8x50xi32, #tpu.memory_space<vmem>> -> memref<1x50xi32, #tpu.memory_space<vmem>>
        %dma_start3A_879 = tpu.memref_squeeze %dma_start3A_878 : memref<1x50xi32, #tpu.memory_space<vmem>> -> memref<50xi32, #tpu.memory_space<vmem>>
        %dma_start3A_880 = arith.constant 0 : i32
        %dma_start3A_881 = arith.constant 0 : i32
        %dma_start3A_882 = tpu.memref_slice %arg2[%dma_start3A_880, %dma_start3A_881] : memref<10000x128xf32, #tpu.memory_space<hbm>> -> memref<10000x128xf32, #tpu.memory_space<hbm>>
        tpu.enqueue_indirect_dma source(%dma_start3A_882 : memref<10000x128xf32, #tpu.memory_space<hbm>>) target(%dma_start3A_876 : memref<50x128xf32, #tpu.memory_space<vmem>>) offsets(%dma_start3A_879 : memref<50xi32, #tpu.memory_space<vmem>>) semaphore(%arg19 : memref<!tpu.dma_semaphore, #tpu.memory_space<semaphore_mem>>)
      } else {
      }
      %add3A_474 = arith.constant 8 : i32
      %add3A_475 = arith.addi %add3A_431, %add3A_474 : i32
      %lt3A_476 = arith.constant 200 : i32
      %lt3A_477 = arith.cmpi slt, %add3A_475, %lt3A_476 : i32
      %convert_element_type3A_478 = arith.extui %lt3A_477 : i1 to i32
      %cond3A_479 = arith.constant 0 : i32
      %cond3A_480 = arith.cmpi ne, %convert_element_type3A_478, %cond3A_479 : i32
      scf.if %cond3A_480 {
        %dma_start3A_845 = arith.constant 0 : i32
        %dma_start3A_846 = arith.constant 0 : i32
        %dma_start3A_847 = tpu.memref_slice %arg7[%dma_start3A_845, %dma_start3A_846] : memref<8x50xi32, #tpu.memory_space<vmem>> -> memref<1x50xi32, #tpu.memory_space<vmem>>
        %dma_start3A_848 = tpu.memref_squeeze %dma_start3A_847 : memref<1x50xi32, #tpu.memory_space<vmem>> -> memref<50xi32, #tpu.memory_space<vmem>>
        %dma_start3A_849 = arith.constant 0 : i32
        %dma_start3A_850 = tpu.memref_slice %arg3[%add3A, %add3A_475, %dma_start3A_849] : memref<32x200x50xi32, #tpu.memory_space<hbm>> -> memref<1x1x50xi32, #tpu.memory_space<hbm>>
        %dma_start3A_851 = tpu.memref_squeeze %dma_start3A_850 : memref<1x1x50xi32, #tpu.memory_space<hbm>> -> memref<50xi32, #tpu.memory_space<hbm>>
        %dma_start3A_852 = arith.constant 0 : i32
        %dma_start3A_853 = tpu.memref_slice %arg7[%dma_start3A_845, %dma_start3A_852] : memref<8x50xi32, #tpu.memory_space<vmem>> -> memref<1x50xi32, #tpu.memory_space<vmem>>
        %dma_start3A_854 = tpu.memref_squeeze %dma_start3A_853 : memref<1x50xi32, #tpu.memory_space<vmem>> -> memref<50xi32, #tpu.memory_space<vmem>>
        %dma_start3A_855 = arith.constant 0 : i32
        %dma_start3A_856 = tpu.memref_slice %arg3[%add3A, %add3A_475, %dma_start3A_855] : memref<32x200x50xi32, #tpu.memory_space<hbm>> -> memref<1x1x50xi32, #tpu.memory_space<hbm>>
        %dma_start3A_857 = tpu.memref_squeeze %dma_start3A_856 : memref<1x1x50xi32, #tpu.memory_space<hbm>> -> memref<50xi32, #tpu.memory_space<hbm>>
        tpu.enqueue_dma source(%dma_start3A_857 : memref<50xi32, #tpu.memory_space<hbm>>) target(%dma_start3A_854 : memref<50xi32, #tpu.memory_space<vmem>>) target_semaphore(%arg11 : memref<!tpu.dma_semaphore, #tpu.memory_space<semaphore_mem>>)
        %dma_start3A_858 = arith.constant 0 : i32
        %dma_start3A_859 = arith.constant 0 : i32
        %dma_start3A_860 = tpu.memref_slice %arg8[%dma_start3A_858, %dma_start3A_859] : memref<8x50xi32, #tpu.memory_space<vmem>> -> memref<1x50xi32, #tpu.memory_space<vmem>>
        %dma_start3A_861 = tpu.memref_squeeze %dma_start3A_860 : memref<1x50xi32, #tpu.memory_space<vmem>> -> memref<50xi32, #tpu.memory_space<vmem>>
        %dma_start3A_862 = arith.constant 0 : i32
        %dma_start3A_863 = tpu.memref_slice %arg4[%add3A, %add3A_475, %dma_start3A_862] : memref<32x200x50xi32, #tpu.memory_space<hbm>> -> memref<1x1x50xi32, #tpu.memory_space<hbm>>
        %dma_start3A_864 = tpu.memref_squeeze %dma_start3A_863 : memref<1x1x50xi32, #tpu.memory_space<hbm>> -> memref<50xi32, #tpu.memory_space<hbm>>
        %dma_start3A_865 = arith.constant 0 : i32
        %dma_start3A_866 = tpu.memref_slice %arg8[%dma_start3A_858, %dma_start3A_865] : memref<8x50xi32, #tpu.memory_space<vmem>> -> memref<1x50xi32, #tpu.memory_space<vmem>>
        %dma_start3A_867 = tpu.memref_squeeze %dma_start3A_866 : memref<1x50xi32, #tpu.memory_space<vmem>> -> memref<50xi32, #tpu.memory_space<vmem>>
        %dma_start3A_868 = arith.constant 0 : i32
        %dma_start3A_869 = tpu.memref_slice %arg4[%add3A, %add3A_475, %dma_start3A_868] : memref<32x200x50xi32, #tpu.memory_space<hbm>> -> memref<1x1x50xi32, #tpu.memory_space<hbm>>
        %dma_start3A_870 = tpu.memref_squeeze %dma_start3A_869 : memref<1x1x50xi32, #tpu.memory_space<hbm>> -> memref<50xi32, #tpu.memory_space<hbm>>
        tpu.enqueue_dma source(%dma_start3A_870 : memref<50xi32, #tpu.memory_space<hbm>>) target(%dma_start3A_867 : memref<50xi32, #tpu.memory_space<vmem>>) target_semaphore(%arg11 : memref<!tpu.dma_semaphore, #tpu.memory_space<semaphore_mem>>)
      } else {
      }
      %add3A_481 = arith.constant 1 : i32
      %add3A_482 = arith.addi %add3A_429, %add3A_481 : i32
      %dma_wait3A_483 = arith.constant 1 : i32
      %dma_wait3A_484 = arith.constant 1 : i32
      %dma_wait3A_485 = arith.constant 0 : i32
      %dma_wait3A_486 = arith.constant 0 : i32
      %dma_wait3A_487 = tpu.memref_slice %arg9[%dma_wait3A_484, %dma_wait3A_485, %dma_wait3A_486] : memref<4x50x128xf32, #tpu.memory_space<vmem>> -> memref<1x50x128xf32, #tpu.memory_space<vmem>>
      %dma_wait3A_488 = tpu.memref_squeeze %dma_wait3A_487 : memref<1x50x128xf32, #tpu.memory_space<vmem>> -> memref<50x128xf32, #tpu.memory_space<vmem>>
      %dma_wait3A_489 = arith.constant 0 : i32
      %dma_wait3A_490 = tpu.memref_slice %arg7[%dma_wait3A_483, %dma_wait3A_489] : memref<8x50xi32, #tpu.memory_space<vmem>> -> memref<1x50xi32, #tpu.memory_space<vmem>>
      %dma_wait3A_491 = tpu.memref_squeeze %dma_wait3A_490 : memref<1x50xi32, #tpu.memory_space<vmem>> -> memref<50xi32, #tpu.memory_space<vmem>>
      %dma_wait3A_492 = arith.constant 0 : i32
      %dma_wait3A_493 = arith.constant 0 : i32
      %dma_wait3A_494 = tpu.memref_slice %arg2[%dma_wait3A_492, %dma_wait3A_493] : memref<10000x128xf32, #tpu.memory_space<hbm>> -> memref<10000x128xf32, #tpu.memory_space<hbm>>
      tpu.wait_indirect_dma semaphore(%arg20 : memref<!tpu.dma_semaphore, #tpu.memory_space<semaphore_mem>>) src(%dma_wait3A_494 : memref<10000x128xf32, #tpu.memory_space<hbm>>) dst(%dma_wait3A_488 : memref<50x128xf32, #tpu.memory_space<vmem>>)
      %dma_start3A_495 = arith.constant 1 : i32
      %dma_start3A_496 = arith.constant 1 : i32
      %dma_start3A_497 = arith.constant 0 : i32
      %dma_start3A_498 = arith.constant 0 : i32
      %dma_start3A_499 = tpu.memref_slice %arg9[%dma_start3A_495, %dma_start3A_497, %dma_start3A_498] : memref<4x50x128xf32, #tpu.memory_space<vmem>> -> memref<1x50x128xf32, #tpu.memory_space<vmem>>
      %dma_start3A_500 = tpu.memref_squeeze %dma_start3A_499 : memref<1x50x128xf32, #tpu.memory_space<vmem>> -> memref<50x128xf32, #tpu.memory_space<vmem>>
      %dma_start3A_501 = arith.constant 0 : i32
      %dma_start3A_502 = tpu.memref_slice %arg8[%dma_start3A_496, %dma_start3A_501] : memref<8x50xi32, #tpu.memory_space<vmem>> -> memref<1x50xi32, #tpu.memory_space<vmem>>
      %dma_start3A_503 = tpu.memref_squeeze %dma_start3A_502 : memref<1x50xi32, #tpu.memory_space<vmem>> -> memref<50xi32, #tpu.memory_space<vmem>>
      %dma_start3A_504 = arith.constant 0 : i32
      %dma_start3A_505 = arith.constant 0 : i32
      %dma_start3A_506 = tpu.memref_slice %arg6[%dma_start3A_504, %dma_start3A_505] : memref<10000x128xf32, #tpu.memory_space<vmem_shared>> -> memref<10000x128xf32, #tpu.memory_space<vmem_shared>>
      tpu.enqueue_indirect_dma source(%dma_start3A_500 : memref<50x128xf32, #tpu.memory_space<vmem>>) target(%dma_start3A_506 : memref<10000x128xf32, #tpu.memory_space<vmem_shared>>) offsets(%dma_start3A_503 : memref<50xi32, #tpu.memory_space<vmem>>) semaphore(%arg24 : memref<!tpu.dma_semaphore, #tpu.memory_space<semaphore_mem>>) {add = true}
      %dma_wait3A_507 = arith.constant 1 : i32
      %dma_wait3A_508 = arith.constant 1 : i32
      %dma_wait3A_509 = arith.constant 0 : i32
      %dma_wait3A_510 = arith.constant 0 : i32
      %dma_wait3A_511 = tpu.memref_slice %arg9[%dma_wait3A_507, %dma_wait3A_509, %dma_wait3A_510] : memref<4x50x128xf32, #tpu.memory_space<vmem>> -> memref<1x50x128xf32, #tpu.memory_space<vmem>>
      %dma_wait3A_512 = tpu.memref_squeeze %dma_wait3A_511 : memref<1x50x128xf32, #tpu.memory_space<vmem>> -> memref<50x128xf32, #tpu.memory_space<vmem>>
      %dma_wait3A_513 = arith.constant 0 : i32
      %dma_wait3A_514 = tpu.memref_slice %arg8[%dma_wait3A_508, %dma_wait3A_513] : memref<8x50xi32, #tpu.memory_space<vmem>> -> memref<1x50xi32, #tpu.memory_space<vmem>>
      %dma_wait3A_515 = tpu.memref_squeeze %dma_wait3A_514 : memref<1x50xi32, #tpu.memory_space<vmem>> -> memref<50xi32, #tpu.memory_space<vmem>>
      %dma_wait3A_516 = arith.constant 0 : i32
      %dma_wait3A_517 = arith.constant 0 : i32
      %dma_wait3A_518 = tpu.memref_slice %arg6[%dma_wait3A_516, %dma_wait3A_517] : memref<10000x128xf32, #tpu.memory_space<vmem_shared>> -> memref<10000x128xf32, #tpu.memory_space<vmem_shared>>
      tpu.wait_indirect_dma semaphore(%arg24 : memref<!tpu.dma_semaphore, #tpu.memory_space<semaphore_mem>>) src(%dma_wait3A_512 : memref<50x128xf32, #tpu.memory_space<vmem>>) dst(%dma_wait3A_518 : memref<10000x128xf32, #tpu.memory_space<vmem_shared>>)
      %add3A_519 = arith.constant 4 : i32
      %add3A_520 = arith.addi %add3A_482, %add3A_519 : i32
      %lt3A_521 = arith.constant 200 : i32
      %lt3A_522 = arith.cmpi slt, %add3A_520, %lt3A_521 : i32
      %convert_element_type3A_523 = arith.extui %lt3A_522 : i1 to i32
      %cond3A_524 = arith.constant 0 : i32
      %cond3A_525 = arith.cmpi ne, %convert_element_type3A_523, %cond3A_524 : i32
      scf.if %cond3A_525 {
        %dma_wait3A_845 = arith.constant 5 : i32
        %dma_wait3A_846 = arith.constant 0 : i32
        %dma_wait3A_847 = tpu.memref_slice %arg7[%dma_wait3A_845, %dma_wait3A_846] : memref<8x50xi32, #tpu.memory_space<vmem>> -> memref<1x50xi32, #tpu.memory_space<vmem>>
        %dma_wait3A_848 = tpu.memref_squeeze %dma_wait3A_847 : memref<1x50xi32, #tpu.memory_space<vmem>> -> memref<50xi32, #tpu.memory_space<vmem>>
        %dma_wait3A_849 = arith.constant 0 : i32
        %dma_wait3A_850 = tpu.memref_slice %arg3[%add3A, %add3A_520, %dma_wait3A_849] : memref<32x200x50xi32, #tpu.memory_space<hbm>> -> memref<1x1x50xi32, #tpu.memory_space<hbm>>
        %dma_wait3A_851 = tpu.memref_squeeze %dma_wait3A_850 : memref<1x1x50xi32, #tpu.memory_space<hbm>> -> memref<50xi32, #tpu.memory_space<hbm>>
        %dma_wait3A_852 = arith.constant 0 : i32
        %dma_wait3A_853 = tpu.memref_slice %arg7[%dma_wait3A_845, %dma_wait3A_852] : memref<8x50xi32, #tpu.memory_space<vmem>> -> memref<1x50xi32, #tpu.memory_space<vmem>>
        %dma_wait3A_854 = tpu.memref_squeeze %dma_wait3A_853 : memref<1x50xi32, #tpu.memory_space<vmem>> -> memref<50xi32, #tpu.memory_space<vmem>>
        %dma_wait3A_855 = arith.constant 0 : i32
        %dma_wait3A_856 = tpu.memref_slice %arg3[%add3A, %add3A_520, %dma_wait3A_855] : memref<32x200x50xi32, #tpu.memory_space<hbm>> -> memref<1x1x50xi32, #tpu.memory_space<hbm>>
        %dma_wait3A_857 = tpu.memref_squeeze %dma_wait3A_856 : memref<1x1x50xi32, #tpu.memory_space<hbm>> -> memref<50xi32, #tpu.memory_space<hbm>>
        tpu.wait_dma2 semaphore(%arg16 : memref<!tpu.dma_semaphore, #tpu.memory_space<semaphore_mem>>) src(%dma_wait3A_857 : memref<50xi32, #tpu.memory_space<hbm>>) dst(%dma_wait3A_854 : memref<50xi32, #tpu.memory_space<vmem>>)
        %dma_wait3A_858 = arith.constant 5 : i32
        %dma_wait3A_859 = arith.constant 0 : i32
        %dma_wait3A_860 = tpu.memref_slice %arg8[%dma_wait3A_858, %dma_wait3A_859] : memref<8x50xi32, #tpu.memory_space<vmem>> -> memref<1x50xi32, #tpu.memory_space<vmem>>
        %dma_wait3A_861 = tpu.memref_squeeze %dma_wait3A_860 : memref<1x50xi32, #tpu.memory_space<vmem>> -> memref<50xi32, #tpu.memory_space<vmem>>
        %dma_wait3A_862 = arith.constant 0 : i32
        %dma_wait3A_863 = tpu.memref_slice %arg4[%add3A, %add3A_520, %dma_wait3A_862] : memref<32x200x50xi32, #tpu.memory_space<hbm>> -> memref<1x1x50xi32, #tpu.memory_space<hbm>>
        %dma_wait3A_864 = tpu.memref_squeeze %dma_wait3A_863 : memref<1x1x50xi32, #tpu.memory_space<hbm>> -> memref<50xi32, #tpu.memory_space<hbm>>
        %dma_wait3A_865 = arith.constant 0 : i32
        %dma_wait3A_866 = tpu.memref_slice %arg8[%dma_wait3A_858, %dma_wait3A_865] : memref<8x50xi32, #tpu.memory_space<vmem>> -> memref<1x50xi32, #tpu.memory_space<vmem>>
        %dma_wait3A_867 = tpu.memref_squeeze %dma_wait3A_866 : memref<1x50xi32, #tpu.memory_space<vmem>> -> memref<50xi32, #tpu.memory_space<vmem>>
        %dma_wait3A_868 = arith.constant 0 : i32
        %dma_wait3A_869 = tpu.memref_slice %arg4[%add3A, %add3A_520, %dma_wait3A_868] : memref<32x200x50xi32, #tpu.memory_space<hbm>> -> memref<1x1x50xi32, #tpu.memory_space<hbm>>
        %dma_wait3A_870 = tpu.memref_squeeze %dma_wait3A_869 : memref<1x1x50xi32, #tpu.memory_space<hbm>> -> memref<50xi32, #tpu.memory_space<hbm>>
        tpu.wait_dma2 semaphore(%arg16 : memref<!tpu.dma_semaphore, #tpu.memory_space<semaphore_mem>>) src(%dma_wait3A_870 : memref<50xi32, #tpu.memory_space<hbm>>) dst(%dma_wait3A_867 : memref<50xi32, #tpu.memory_space<vmem>>)
        %dma_start3A_871 = arith.constant 5 : i32
        %dma_start3A_872 = arith.constant 1 : i32
        %dma_start3A_873 = arith.constant 0 : i32
        %dma_start3A_874 = arith.constant 0 : i32
        %dma_start3A_875 = tpu.memref_slice %arg9[%dma_start3A_872, %dma_start3A_873, %dma_start3A_874] : memref<4x50x128xf32, #tpu.memory_space<vmem>> -> memref<1x50x128xf32, #tpu.memory_space<vmem>>
        %dma_start3A_876 = tpu.memref_squeeze %dma_start3A_875 : memref<1x50x128xf32, #tpu.memory_space<vmem>> -> memref<50x128xf32, #tpu.memory_space<vmem>>
        %dma_start3A_877 = arith.constant 0 : i32
        %dma_start3A_878 = tpu.memref_slice %arg7[%dma_start3A_871, %dma_start3A_877] : memref<8x50xi32, #tpu.memory_space<vmem>> -> memref<1x50xi32, #tpu.memory_space<vmem>>
        %dma_start3A_879 = tpu.memref_squeeze %dma_start3A_878 : memref<1x50xi32, #tpu.memory_space<vmem>> -> memref<50xi32, #tpu.memory_space<vmem>>
        %dma_start3A_880 = arith.constant 0 : i32
        %dma_start3A_881 = arith.constant 0 : i32
        %dma_start3A_882 = tpu.memref_slice %arg2[%dma_start3A_880, %dma_start3A_881] : memref<10000x128xf32, #tpu.memory_space<hbm>> -> memref<10000x128xf32, #tpu.memory_space<hbm>>
        tpu.enqueue_indirect_dma source(%dma_start3A_882 : memref<10000x128xf32, #tpu.memory_space<hbm>>) target(%dma_start3A_876 : memref<50x128xf32, #tpu.memory_space<vmem>>) offsets(%dma_start3A_879 : memref<50xi32, #tpu.memory_space<vmem>>) semaphore(%arg20 : memref<!tpu.dma_semaphore, #tpu.memory_space<semaphore_mem>>)
      } else {
      }
      %add3A_526 = arith.constant 8 : i32
      %add3A_527 = arith.addi %add3A_482, %add3A_526 : i32
      %lt3A_528 = arith.constant 200 : i32
      %lt3A_529 = arith.cmpi slt, %add3A_527, %lt3A_528 : i32
      %convert_element_type3A_530 = arith.extui %lt3A_529 : i1 to i32
      %cond3A_531 = arith.constant 0 : i32
      %cond3A_532 = arith.cmpi ne, %convert_element_type3A_530, %cond3A_531 : i32
      scf.if %cond3A_532 {
        %dma_start3A_845 = arith.constant 1 : i32
        %dma_start3A_846 = arith.constant 0 : i32
        %dma_start3A_847 = tpu.memref_slice %arg7[%dma_start3A_845, %dma_start3A_846] : memref<8x50xi32, #tpu.memory_space<vmem>> -> memref<1x50xi32, #tpu.memory_space<vmem>>
        %dma_start3A_848 = tpu.memref_squeeze %dma_start3A_847 : memref<1x50xi32, #tpu.memory_space<vmem>> -> memref<50xi32, #tpu.memory_space<vmem>>
        %dma_start3A_849 = arith.constant 0 : i32
        %dma_start3A_850 = tpu.memref_slice %arg3[%add3A, %add3A_527, %dma_start3A_849] : memref<32x200x50xi32, #tpu.memory_space<hbm>> -> memref<1x1x50xi32, #tpu.memory_space<hbm>>
        %dma_start3A_851 = tpu.memref_squeeze %dma_start3A_850 : memref<1x1x50xi32, #tpu.memory_space<hbm>> -> memref<50xi32, #tpu.memory_space<hbm>>
        %dma_start3A_852 = arith.constant 0 : i32
        %dma_start3A_853 = tpu.memref_slice %arg7[%dma_start3A_845, %dma_start3A_852] : memref<8x50xi32, #tpu.memory_space<vmem>> -> memref<1x50xi32, #tpu.memory_space<vmem>>
        %dma_start3A_854 = tpu.memref_squeeze %dma_start3A_853 : memref<1x50xi32, #tpu.memory_space<vmem>> -> memref<50xi32, #tpu.memory_space<vmem>>
        %dma_start3A_855 = arith.constant 0 : i32
        %dma_start3A_856 = tpu.memref_slice %arg3[%add3A, %add3A_527, %dma_start3A_855] : memref<32x200x50xi32, #tpu.memory_space<hbm>> -> memref<1x1x50xi32, #tpu.memory_space<hbm>>
        %dma_start3A_857 = tpu.memref_squeeze %dma_start3A_856 : memref<1x1x50xi32, #tpu.memory_space<hbm>> -> memref<50xi32, #tpu.memory_space<hbm>>
        tpu.enqueue_dma source(%dma_start3A_857 : memref<50xi32, #tpu.memory_space<hbm>>) target(%dma_start3A_854 : memref<50xi32, #tpu.memory_space<vmem>>) target_semaphore(%arg12 : memref<!tpu.dma_semaphore, #tpu.memory_space<semaphore_mem>>)
        %dma_start3A_858 = arith.constant 1 : i32
        %dma_start3A_859 = arith.constant 0 : i32
        %dma_start3A_860 = tpu.memref_slice %arg8[%dma_start3A_858, %dma_start3A_859] : memref<8x50xi32, #tpu.memory_space<vmem>> -> memref<1x50xi32, #tpu.memory_space<vmem>>
        %dma_start3A_861 = tpu.memref_squeeze %dma_start3A_860 : memref<1x50xi32, #tpu.memory_space<vmem>> -> memref<50xi32, #tpu.memory_space<vmem>>
        %dma_start3A_862 = arith.constant 0 : i32
        %dma_start3A_863 = tpu.memref_slice %arg4[%add3A, %add3A_527, %dma_start3A_862] : memref<32x200x50xi32, #tpu.memory_space<hbm>> -> memref<1x1x50xi32, #tpu.memory_space<hbm>>
        %dma_start3A_864 = tpu.memref_squeeze %dma_start3A_863 : memref<1x1x50xi32, #tpu.memory_space<hbm>> -> memref<50xi32, #tpu.memory_space<hbm>>
        %dma_start3A_865 = arith.constant 0 : i32
        %dma_start3A_866 = tpu.memref_slice %arg8[%dma_start3A_858, %dma_start3A_865] : memref<8x50xi32, #tpu.memory_space<vmem>> -> memref<1x50xi32, #tpu.memory_space<vmem>>
        %dma_start3A_867 = tpu.memref_squeeze %dma_start3A_866 : memref<1x50xi32, #tpu.memory_space<vmem>> -> memref<50xi32, #tpu.memory_space<vmem>>
        %dma_start3A_868 = arith.constant 0 : i32
        %dma_start3A_869 = tpu.memref_slice %arg4[%add3A, %add3A_527, %dma_start3A_868] : memref<32x200x50xi32, #tpu.memory_space<hbm>> -> memref<1x1x50xi32, #tpu.memory_space<hbm>>
        %dma_start3A_870 = tpu.memref_squeeze %dma_start3A_869 : memref<1x1x50xi32, #tpu.memory_space<hbm>> -> memref<50xi32, #tpu.memory_space<hbm>>
        tpu.enqueue_dma source(%dma_start3A_870 : memref<50xi32, #tpu.memory_space<hbm>>) target(%dma_start3A_867 : memref<50xi32, #tpu.memory_space<vmem>>) target_semaphore(%arg12 : memref<!tpu.dma_semaphore, #tpu.memory_space<semaphore_mem>>)
      } else {
      }
      %add3A_533 = arith.constant 2 : i32
      %add3A_534 = arith.addi %add3A_429, %add3A_533 : i32
      %dma_wait3A_535 = arith.constant 2 : i32
      %dma_wait3A_536 = arith.constant 2 : i32
      %dma_wait3A_537 = arith.constant 0 : i32
      %dma_wait3A_538 = arith.constant 0 : i32
      %dma_wait3A_539 = tpu.memref_slice %arg9[%dma_wait3A_536, %dma_wait3A_537, %dma_wait3A_538] : memref<4x50x128xf32, #tpu.memory_space<vmem>> -> memref<1x50x128xf32, #tpu.memory_space<vmem>>
      %dma_wait3A_540 = tpu.memref_squeeze %dma_wait3A_539 : memref<1x50x128xf32, #tpu.memory_space<vmem>> -> memref<50x128xf32, #tpu.memory_space<vmem>>
      %dma_wait3A_541 = arith.constant 0 : i32
      %dma_wait3A_542 = tpu.memref_slice %arg7[%dma_wait3A_535, %dma_wait3A_541] : memref<8x50xi32, #tpu.memory_space<vmem>> -> memref<1x50xi32, #tpu.memory_space<vmem>>
      %dma_wait3A_543 = tpu.memref_squeeze %dma_wait3A_542 : memref<1x50xi32, #tpu.memory_space<vmem>> -> memref<50xi32, #tpu.memory_space<vmem>>
      %dma_wait3A_544 = arith.constant 0 : i32
      %dma_wait3A_545 = arith.constant 0 : i32
      %dma_wait3A_546 = tpu.memref_slice %arg2[%dma_wait3A_544, %dma_wait3A_545] : memref<10000x128xf32, #tpu.memory_space<hbm>> -> memref<10000x128xf32, #tpu.memory_space<hbm>>
      tpu.wait_indirect_dma semaphore(%arg21 : memref<!tpu.dma_semaphore, #tpu.memory_space<semaphore_mem>>) src(%dma_wait3A_546 : memref<10000x128xf32, #tpu.memory_space<hbm>>) dst(%dma_wait3A_540 : memref<50x128xf32, #tpu.memory_space<vmem>>)
      %dma_start3A_547 = arith.constant 2 : i32
      %dma_start3A_548 = arith.constant 2 : i32
      %dma_start3A_549 = arith.constant 0 : i32
      %dma_start3A_550 = arith.constant 0 : i32
      %dma_start3A_551 = tpu.memref_slice %arg9[%dma_start3A_547, %dma_start3A_549, %dma_start3A_550] : memref<4x50x128xf32, #tpu.memory_space<vmem>> -> memref<1x50x128xf32, #tpu.memory_space<vmem>>
      %dma_start3A_552 = tpu.memref_squeeze %dma_start3A_551 : memref<1x50x128xf32, #tpu.memory_space<vmem>> -> memref<50x128xf32, #tpu.memory_space<vmem>>
      %dma_start3A_553 = arith.constant 0 : i32
      %dma_start3A_554 = tpu.memref_slice %arg8[%dma_start3A_548, %dma_start3A_553] : memref<8x50xi32, #tpu.memory_space<vmem>> -> memref<1x50xi32, #tpu.memory_space<vmem>>
      %dma_start3A_555 = tpu.memref_squeeze %dma_start3A_554 : memref<1x50xi32, #tpu.memory_space<vmem>> -> memref<50xi32, #tpu.memory_space<vmem>>
      %dma_start3A_556 = arith.constant 0 : i32
      %dma_start3A_557 = arith.constant 0 : i32
      %dma_start3A_558 = tpu.memref_slice %arg6[%dma_start3A_556, %dma_start3A_557] : memref<10000x128xf32, #tpu.memory_space<vmem_shared>> -> memref<10000x128xf32, #tpu.memory_space<vmem_shared>>
      tpu.enqueue_indirect_dma source(%dma_start3A_552 : memref<50x128xf32, #tpu.memory_space<vmem>>) target(%dma_start3A_558 : memref<10000x128xf32, #tpu.memory_space<vmem_shared>>) offsets(%dma_start3A_555 : memref<50xi32, #tpu.memory_space<vmem>>) semaphore(%arg25 : memref<!tpu.dma_semaphore, #tpu.memory_space<semaphore_mem>>) {add = true}
      %dma_wait3A_559 = arith.constant 2 : i32
      %dma_wait3A_560 = arith.constant 2 : i32
      %dma_wait3A_561 = arith.constant 0 : i32
      %dma_wait3A_562 = arith.constant 0 : i32
      %dma_wait3A_563 = tpu.memref_slice %arg9[%dma_wait3A_559, %dma_wait3A_561, %dma_wait3A_562] : memref<4x50x128xf32, #tpu.memory_space<vmem>> -> memref<1x50x128xf32, #tpu.memory_space<vmem>>
      %dma_wait3A_564 = tpu.memref_squeeze %dma_wait3A_563 : memref<1x50x128xf32, #tpu.memory_space<vmem>> -> memref<50x128xf32, #tpu.memory_space<vmem>>
      %dma_wait3A_565 = arith.constant 0 : i32
      %dma_wait3A_566 = tpu.memref_slice %arg8[%dma_wait3A_560, %dma_wait3A_565] : memref<8x50xi32, #tpu.memory_space<vmem>> -> memref<1x50xi32, #tpu.memory_space<vmem>>
      %dma_wait3A_567 = tpu.memref_squeeze %dma_wait3A_566 : memref<1x50xi32, #tpu.memory_space<vmem>> -> memref<50xi32, #tpu.memory_space<vmem>>
      %dma_wait3A_568 = arith.constant 0 : i32
      %dma_wait3A_569 = arith.constant 0 : i32
      %dma_wait3A_570 = tpu.memref_slice %arg6[%dma_wait3A_568, %dma_wait3A_569] : memref<10000x128xf32, #tpu.memory_space<vmem_shared>> -> memref<10000x128xf32, #tpu.memory_space<vmem_shared>>
      tpu.wait_indirect_dma semaphore(%arg25 : memref<!tpu.dma_semaphore, #tpu.memory_space<semaphore_mem>>) src(%dma_wait3A_564 : memref<50x128xf32, #tpu.memory_space<vmem>>) dst(%dma_wait3A_570 : memref<10000x128xf32, #tpu.memory_space<vmem_shared>>)
      %add3A_571 = arith.constant 4 : i32
      %add3A_572 = arith.addi %add3A_534, %add3A_571 : i32
      %lt3A_573 = arith.constant 200 : i32
      %lt3A_574 = arith.cmpi slt, %add3A_572, %lt3A_573 : i32
      %convert_element_type3A_575 = arith.extui %lt3A_574 : i1 to i32
      %cond3A_576 = arith.constant 0 : i32
      %cond3A_577 = arith.cmpi ne, %convert_element_type3A_575, %cond3A_576 : i32
      scf.if %cond3A_577 {
        %dma_wait3A_845 = arith.constant 6 : i32
        %dma_wait3A_846 = arith.constant 0 : i32
        %dma_wait3A_847 = tpu.memref_slice %arg7[%dma_wait3A_845, %dma_wait3A_846] : memref<8x50xi32, #tpu.memory_space<vmem>> -> memref<1x50xi32, #tpu.memory_space<vmem>>
        %dma_wait3A_848 = tpu.memref_squeeze %dma_wait3A_847 : memref<1x50xi32, #tpu.memory_space<vmem>> -> memref<50xi32, #tpu.memory_space<vmem>>
        %dma_wait3A_849 = arith.constant 0 : i32
        %dma_wait3A_850 = tpu.memref_slice %arg3[%add3A, %add3A_572, %dma_wait3A_849] : memref<32x200x50xi32, #tpu.memory_space<hbm>> -> memref<1x1x50xi32, #tpu.memory_space<hbm>>
        %dma_wait3A_851 = tpu.memref_squeeze %dma_wait3A_850 : memref<1x1x50xi32, #tpu.memory_space<hbm>> -> memref<50xi32, #tpu.memory_space<hbm>>
        %dma_wait3A_852 = arith.constant 0 : i32
        %dma_wait3A_853 = tpu.memref_slice %arg7[%dma_wait3A_845, %dma_wait3A_852] : memref<8x50xi32, #tpu.memory_space<vmem>> -> memref<1x50xi32, #tpu.memory_space<vmem>>
        %dma_wait3A_854 = tpu.memref_squeeze %dma_wait3A_853 : memref<1x50xi32, #tpu.memory_space<vmem>> -> memref<50xi32, #tpu.memory_space<vmem>>
        %dma_wait3A_855 = arith.constant 0 : i32
        %dma_wait3A_856 = tpu.memref_slice %arg3[%add3A, %add3A_572, %dma_wait3A_855] : memref<32x200x50xi32, #tpu.memory_space<hbm>> -> memref<1x1x50xi32, #tpu.memory_space<hbm>>
        %dma_wait3A_857 = tpu.memref_squeeze %dma_wait3A_856 : memref<1x1x50xi32, #tpu.memory_space<hbm>> -> memref<50xi32, #tpu.memory_space<hbm>>
        tpu.wait_dma2 semaphore(%arg17 : memref<!tpu.dma_semaphore, #tpu.memory_space<semaphore_mem>>) src(%dma_wait3A_857 : memref<50xi32, #tpu.memory_space<hbm>>) dst(%dma_wait3A_854 : memref<50xi32, #tpu.memory_space<vmem>>)
        %dma_wait3A_858 = arith.constant 6 : i32
        %dma_wait3A_859 = arith.constant 0 : i32
        %dma_wait3A_860 = tpu.memref_slice %arg8[%dma_wait3A_858, %dma_wait3A_859] : memref<8x50xi32, #tpu.memory_space<vmem>> -> memref<1x50xi32, #tpu.memory_space<vmem>>
        %dma_wait3A_861 = tpu.memref_squeeze %dma_wait3A_860 : memref<1x50xi32, #tpu.memory_space<vmem>> -> memref<50xi32, #tpu.memory_space<vmem>>
        %dma_wait3A_862 = arith.constant 0 : i32
        %dma_wait3A_863 = tpu.memref_slice %arg4[%add3A, %add3A_572, %dma_wait3A_862] : memref<32x200x50xi32, #tpu.memory_space<hbm>> -> memref<1x1x50xi32, #tpu.memory_space<hbm>>
        %dma_wait3A_864 = tpu.memref_squeeze %dma_wait3A_863 : memref<1x1x50xi32, #tpu.memory_space<hbm>> -> memref<50xi32, #tpu.memory_space<hbm>>
        %dma_wait3A_865 = arith.constant 0 : i32
        %dma_wait3A_866 = tpu.memref_slice %arg8[%dma_wait3A_858, %dma_wait3A_865] : memref<8x50xi32, #tpu.memory_space<vmem>> -> memref<1x50xi32, #tpu.memory_space<vmem>>
        %dma_wait3A_867 = tpu.memref_squeeze %dma_wait3A_866 : memref<1x50xi32, #tpu.memory_space<vmem>> -> memref<50xi32, #tpu.memory_space<vmem>>
        %dma_wait3A_868 = arith.constant 0 : i32
        %dma_wait3A_869 = tpu.memref_slice %arg4[%add3A, %add3A_572, %dma_wait3A_868] : memref<32x200x50xi32, #tpu.memory_space<hbm>> -> memref<1x1x50xi32, #tpu.memory_space<hbm>>
        %dma_wait3A_870 = tpu.memref_squeeze %dma_wait3A_869 : memref<1x1x50xi32, #tpu.memory_space<hbm>> -> memref<50xi32, #tpu.memory_space<hbm>>
        tpu.wait_dma2 semaphore(%arg17 : memref<!tpu.dma_semaphore, #tpu.memory_space<semaphore_mem>>) src(%dma_wait3A_870 : memref<50xi32, #tpu.memory_space<hbm>>) dst(%dma_wait3A_867 : memref<50xi32, #tpu.memory_space<vmem>>)
        %dma_start3A_871 = arith.constant 6 : i32
        %dma_start3A_872 = arith.constant 2 : i32
        %dma_start3A_873 = arith.constant 0 : i32
        %dma_start3A_874 = arith.constant 0 : i32
        %dma_start3A_875 = tpu.memref_slice %arg9[%dma_start3A_872, %dma_start3A_873, %dma_start3A_874] : memref<4x50x128xf32, #tpu.memory_space<vmem>> -> memref<1x50x128xf32, #tpu.memory_space<vmem>>
        %dma_start3A_876 = tpu.memref_squeeze %dma_start3A_875 : memref<1x50x128xf32, #tpu.memory_space<vmem>> -> memref<50x128xf32, #tpu.memory_space<vmem>>
        %dma_start3A_877 = arith.constant 0 : i32
        %dma_start3A_878 = tpu.memref_slice %arg7[%dma_start3A_871, %dma_start3A_877] : memref<8x50xi32, #tpu.memory_space<vmem>> -> memref<1x50xi32, #tpu.memory_space<vmem>>
        %dma_start3A_879 = tpu.memref_squeeze %dma_start3A_878 : memref<1x50xi32, #tpu.memory_space<vmem>> -> memref<50xi32, #tpu.memory_space<vmem>>
        %dma_start3A_880 = arith.constant 0 : i32
        %dma_start3A_881 = arith.constant 0 : i32
        %dma_start3A_882 = tpu.memref_slice %arg2[%dma_start3A_880, %dma_start3A_881] : memref<10000x128xf32, #tpu.memory_space<hbm>> -> memref<10000x128xf32, #tpu.memory_space<hbm>>
        tpu.enqueue_indirect_dma source(%dma_start3A_882 : memref<10000x128xf32, #tpu.memory_space<hbm>>) target(%dma_start3A_876 : memref<50x128xf32, #tpu.memory_space<vmem>>) offsets(%dma_start3A_879 : memref<50xi32, #tpu.memory_space<vmem>>) semaphore(%arg21 : memref<!tpu.dma_semaphore, #tpu.memory_space<semaphore_mem>>)
      } else {
      }
      %add3A_578 = arith.constant 8 : i32
      %add3A_579 = arith.addi %add3A_534, %add3A_578 : i32
      %lt3A_580 = arith.constant 200 : i32
      %lt3A_581 = arith.cmpi slt, %add3A_579, %lt3A_580 : i32
      %convert_element_type3A_582 = arith.extui %lt3A_581 : i1 to i32
      %cond3A_583 = arith.constant 0 : i32
      %cond3A_584 = arith.cmpi ne, %convert_element_type3A_582, %cond3A_583 : i32
      scf.if %cond3A_584 {
        %dma_start3A_845 = arith.constant 2 : i32
        %dma_start3A_846 = arith.constant 0 : i32
        %dma_start3A_847 = tpu.memref_slice %arg7[%dma_start3A_845, %dma_start3A_846] : memref<8x50xi32, #tpu.memory_space<vmem>> -> memref<1x50xi32, #tpu.memory_space<vmem>>
        %dma_start3A_848 = tpu.memref_squeeze %dma_start3A_847 : memref<1x50xi32, #tpu.memory_space<vmem>> -> memref<50xi32, #tpu.memory_space<vmem>>
        %dma_start3A_849 = arith.constant 0 : i32
        %dma_start3A_850 = tpu.memref_slice %arg3[%add3A, %add3A_579, %dma_start3A_849] : memref<32x200x50xi32, #tpu.memory_space<hbm>> -> memref<1x1x50xi32, #tpu.memory_space<hbm>>
        %dma_start3A_851 = tpu.memref_squeeze %dma_start3A_850 : memref<1x1x50xi32, #tpu.memory_space<hbm>> -> memref<50xi32, #tpu.memory_space<hbm>>
        %dma_start3A_852 = arith.constant 0 : i32
        %dma_start3A_853 = tpu.memref_slice %arg7[%dma_start3A_845, %dma_start3A_852] : memref<8x50xi32, #tpu.memory_space<vmem>> -> memref<1x50xi32, #tpu.memory_space<vmem>>
        %dma_start3A_854 = tpu.memref_squeeze %dma_start3A_853 : memref<1x50xi32, #tpu.memory_space<vmem>> -> memref<50xi32, #tpu.memory_space<vmem>>
        %dma_start3A_855 = arith.constant 0 : i32
        %dma_start3A_856 = tpu.memref_slice %arg3[%add3A, %add3A_579, %dma_start3A_855] : memref<32x200x50xi32, #tpu.memory_space<hbm>> -> memref<1x1x50xi32, #tpu.memory_space<hbm>>
        %dma_start3A_857 = tpu.memref_squeeze %dma_start3A_856 : memref<1x1x50xi32, #tpu.memory_space<hbm>> -> memref<50xi32, #tpu.memory_space<hbm>>
        tpu.enqueue_dma source(%dma_start3A_857 : memref<50xi32, #tpu.memory_space<hbm>>) target(%dma_start3A_854 : memref<50xi32, #tpu.memory_space<vmem>>) target_semaphore(%arg13 : memref<!tpu.dma_semaphore, #tpu.memory_space<semaphore_mem>>)
        %dma_start3A_858 = arith.constant 2 : i32
        %dma_start3A_859 = arith.constant 0 : i32
        %dma_start3A_860 = tpu.memref_slice %arg8[%dma_start3A_858, %dma_start3A_859] : memref<8x50xi32, #tpu.memory_space<vmem>> -> memref<1x50xi32, #tpu.memory_space<vmem>>
        %dma_start3A_861 = tpu.memref_squeeze %dma_start3A_860 : memref<1x50xi32, #tpu.memory_space<vmem>> -> memref<50xi32, #tpu.memory_space<vmem>>
        %dma_start3A_862 = arith.constant 0 : i32
        %dma_start3A_863 = tpu.memref_slice %arg4[%add3A, %add3A_579, %dma_start3A_862] : memref<32x200x50xi32, #tpu.memory_space<hbm>> -> memref<1x1x50xi32, #tpu.memory_space<hbm>>
        %dma_start3A_864 = tpu.memref_squeeze %dma_start3A_863 : memref<1x1x50xi32, #tpu.memory_space<hbm>> -> memref<50xi32, #tpu.memory_space<hbm>>
        %dma_start3A_865 = arith.constant 0 : i32
        %dma_start3A_866 = tpu.memref_slice %arg8[%dma_start3A_858, %dma_start3A_865] : memref<8x50xi32, #tpu.memory_space<vmem>> -> memref<1x50xi32, #tpu.memory_space<vmem>>
        %dma_start3A_867 = tpu.memref_squeeze %dma_start3A_866 : memref<1x50xi32, #tpu.memory_space<vmem>> -> memref<50xi32, #tpu.memory_space<vmem>>
        %dma_start3A_868 = arith.constant 0 : i32
        %dma_start3A_869 = tpu.memref_slice %arg4[%add3A, %add3A_579, %dma_start3A_868] : memref<32x200x50xi32, #tpu.memory_space<hbm>> -> memref<1x1x50xi32, #tpu.memory_space<hbm>>
        %dma_start3A_870 = tpu.memref_squeeze %dma_start3A_869 : memref<1x1x50xi32, #tpu.memory_space<hbm>> -> memref<50xi32, #tpu.memory_space<hbm>>
        tpu.enqueue_dma source(%dma_start3A_870 : memref<50xi32, #tpu.memory_space<hbm>>) target(%dma_start3A_867 : memref<50xi32, #tpu.memory_space<vmem>>) target_semaphore(%arg13 : memref<!tpu.dma_semaphore, #tpu.memory_space<semaphore_mem>>)
      } else {
      }
      %add3A_585 = arith.constant 3 : i32
      %add3A_586 = arith.addi %add3A_429, %add3A_585 : i32
      %dma_wait3A_587 = arith.constant 3 : i32
      %dma_wait3A_588 = arith.constant 3 : i32
      %dma_wait3A_589 = arith.constant 0 : i32
      %dma_wait3A_590 = arith.constant 0 : i32
      %dma_wait3A_591 = tpu.memref_slice %arg9[%dma_wait3A_588, %dma_wait3A_589, %dma_wait3A_590] : memref<4x50x128xf32, #tpu.memory_space<vmem>> -> memref<1x50x128xf32, #tpu.memory_space<vmem>>
      %dma_wait3A_592 = tpu.memref_squeeze %dma_wait3A_591 : memref<1x50x128xf32, #tpu.memory_space<vmem>> -> memref<50x128xf32, #tpu.memory_space<vmem>>
      %dma_wait3A_593 = arith.constant 0 : i32
      %dma_wait3A_594 = tpu.memref_slice %arg7[%dma_wait3A_587, %dma_wait3A_593] : memref<8x50xi32, #tpu.memory_space<vmem>> -> memref<1x50xi32, #tpu.memory_space<vmem>>
      %dma_wait3A_595 = tpu.memref_squeeze %dma_wait3A_594 : memref<1x50xi32, #tpu.memory_space<vmem>> -> memref<50xi32, #tpu.memory_space<vmem>>
      %dma_wait3A_596 = arith.constant 0 : i32
      %dma_wait3A_597 = arith.constant 0 : i32
      %dma_wait3A_598 = tpu.memref_slice %arg2[%dma_wait3A_596, %dma_wait3A_597] : memref<10000x128xf32, #tpu.memory_space<hbm>> -> memref<10000x128xf32, #tpu.memory_space<hbm>>
      tpu.wait_indirect_dma semaphore(%arg22 : memref<!tpu.dma_semaphore, #tpu.memory_space<semaphore_mem>>) src(%dma_wait3A_598 : memref<10000x128xf32, #tpu.memory_space<hbm>>) dst(%dma_wait3A_592 : memref<50x128xf32, #tpu.memory_space<vmem>>)
      %dma_start3A_599 = arith.constant 3 : i32
      %dma_start3A_600 = arith.constant 3 : i32
      %dma_start3A_601 = arith.constant 0 : i32
      %dma_start3A_602 = arith.constant 0 : i32
      %dma_start3A_603 = tpu.memref_slice %arg9[%dma_start3A_599, %dma_start3A_601, %dma_start3A_602] : memref<4x50x128xf32, #tpu.memory_space<vmem>> -> memref<1x50x128xf32, #tpu.memory_space<vmem>>
      %dma_start3A_604 = tpu.memref_squeeze %dma_start3A_603 : memref<1x50x128xf32, #tpu.memory_space<vmem>> -> memref<50x128xf32, #tpu.memory_space<vmem>>
      %dma_start3A_605 = arith.constant 0 : i32
      %dma_start3A_606 = tpu.memref_slice %arg8[%dma_start3A_600, %dma_start3A_605] : memref<8x50xi32, #tpu.memory_space<vmem>> -> memref<1x50xi32, #tpu.memory_space<vmem>>
      %dma_start3A_607 = tpu.memref_squeeze %dma_start3A_606 : memref<1x50xi32, #tpu.memory_space<vmem>> -> memref<50xi32, #tpu.memory_space<vmem>>
      %dma_start3A_608 = arith.constant 0 : i32
      %dma_start3A_609 = arith.constant 0 : i32
      %dma_start3A_610 = tpu.memref_slice %arg6[%dma_start3A_608, %dma_start3A_609] : memref<10000x128xf32, #tpu.memory_space<vmem_shared>> -> memref<10000x128xf32, #tpu.memory_space<vmem_shared>>
      tpu.enqueue_indirect_dma source(%dma_start3A_604 : memref<50x128xf32, #tpu.memory_space<vmem>>) target(%dma_start3A_610 : memref<10000x128xf32, #tpu.memory_space<vmem_shared>>) offsets(%dma_start3A_607 : memref<50xi32, #tpu.memory_space<vmem>>) semaphore(%arg26 : memref<!tpu.dma_semaphore, #tpu.memory_space<semaphore_mem>>) {add = true}
      %dma_wait3A_611 = arith.constant 3 : i32
      %dma_wait3A_612 = arith.constant 3 : i32
      %dma_wait3A_613 = arith.constant 0 : i32
      %dma_wait3A_614 = arith.constant 0 : i32
      %dma_wait3A_615 = tpu.memref_slice %arg9[%dma_wait3A_611, %dma_wait3A_613, %dma_wait3A_614] : memref<4x50x128xf32, #tpu.memory_space<vmem>> -> memref<1x50x128xf32, #tpu.memory_space<vmem>>
      %dma_wait3A_616 = tpu.memref_squeeze %dma_wait3A_615 : memref<1x50x128xf32, #tpu.memory_space<vmem>> -> memref<50x128xf32, #tpu.memory_space<vmem>>
      %dma_wait3A_617 = arith.constant 0 : i32
      %dma_wait3A_618 = tpu.memref_slice %arg8[%dma_wait3A_612, %dma_wait3A_617] : memref<8x50xi32, #tpu.memory_space<vmem>> -> memref<1x50xi32, #tpu.memory_space<vmem>>
      %dma_wait3A_619 = tpu.memref_squeeze %dma_wait3A_618 : memref<1x50xi32, #tpu.memory_space<vmem>> -> memref<50xi32, #tpu.memory_space<vmem>>
      %dma_wait3A_620 = arith.constant 0 : i32
      %dma_wait3A_621 = arith.constant 0 : i32
      %dma_wait3A_622 = tpu.memref_slice %arg6[%dma_wait3A_620, %dma_wait3A_621] : memref<10000x128xf32, #tpu.memory_space<vmem_shared>> -> memref<10000x128xf32, #tpu.memory_space<vmem_shared>>
      tpu.wait_indirect_dma semaphore(%arg26 : memref<!tpu.dma_semaphore, #tpu.memory_space<semaphore_mem>>) src(%dma_wait3A_616 : memref<50x128xf32, #tpu.memory_space<vmem>>) dst(%dma_wait3A_622 : memref<10000x128xf32, #tpu.memory_space<vmem_shared>>)
      %add3A_623 = arith.constant 4 : i32
      %add3A_624 = arith.addi %add3A_586, %add3A_623 : i32
      %lt3A_625 = arith.constant 200 : i32
      %lt3A_626 = arith.cmpi slt, %add3A_624, %lt3A_625 : i32
      %convert_element_type3A_627 = arith.extui %lt3A_626 : i1 to i32
      %cond3A_628 = arith.constant 0 : i32
      %cond3A_629 = arith.cmpi ne, %convert_element_type3A_627, %cond3A_628 : i32
      scf.if %cond3A_629 {
        %dma_wait3A_845 = arith.constant 7 : i32
        %dma_wait3A_846 = arith.constant 0 : i32
        %dma_wait3A_847 = tpu.memref_slice %arg7[%dma_wait3A_845, %dma_wait3A_846] : memref<8x50xi32, #tpu.memory_space<vmem>> -> memref<1x50xi32, #tpu.memory_space<vmem>>
        %dma_wait3A_848 = tpu.memref_squeeze %dma_wait3A_847 : memref<1x50xi32, #tpu.memory_space<vmem>> -> memref<50xi32, #tpu.memory_space<vmem>>
        %dma_wait3A_849 = arith.constant 0 : i32
        %dma_wait3A_850 = tpu.memref_slice %arg3[%add3A, %add3A_624, %dma_wait3A_849] : memref<32x200x50xi32, #tpu.memory_space<hbm>> -> memref<1x1x50xi32, #tpu.memory_space<hbm>>
        %dma_wait3A_851 = tpu.memref_squeeze %dma_wait3A_850 : memref<1x1x50xi32, #tpu.memory_space<hbm>> -> memref<50xi32, #tpu.memory_space<hbm>>
        %dma_wait3A_852 = arith.constant 0 : i32
        %dma_wait3A_853 = tpu.memref_slice %arg7[%dma_wait3A_845, %dma_wait3A_852] : memref<8x50xi32, #tpu.memory_space<vmem>> -> memref<1x50xi32, #tpu.memory_space<vmem>>
        %dma_wait3A_854 = tpu.memref_squeeze %dma_wait3A_853 : memref<1x50xi32, #tpu.memory_space<vmem>> -> memref<50xi32, #tpu.memory_space<vmem>>
        %dma_wait3A_855 = arith.constant 0 : i32
        %dma_wait3A_856 = tpu.memref_slice %arg3[%add3A, %add3A_624, %dma_wait3A_855] : memref<32x200x50xi32, #tpu.memory_space<hbm>> -> memref<1x1x50xi32, #tpu.memory_space<hbm>>
        %dma_wait3A_857 = tpu.memref_squeeze %dma_wait3A_856 : memref<1x1x50xi32, #tpu.memory_space<hbm>> -> memref<50xi32, #tpu.memory_space<hbm>>
        tpu.wait_dma2 semaphore(%arg18 : memref<!tpu.dma_semaphore, #tpu.memory_space<semaphore_mem>>) src(%dma_wait3A_857 : memref<50xi32, #tpu.memory_space<hbm>>) dst(%dma_wait3A_854 : memref<50xi32, #tpu.memory_space<vmem>>)
        %dma_wait3A_858 = arith.constant 7 : i32
        %dma_wait3A_859 = arith.constant 0 : i32
        %dma_wait3A_860 = tpu.memref_slice %arg8[%dma_wait3A_858, %dma_wait3A_859] : memref<8x50xi32, #tpu.memory_space<vmem>> -> memref<1x50xi32, #tpu.memory_space<vmem>>
        %dma_wait3A_861 = tpu.memref_squeeze %dma_wait3A_860 : memref<1x50xi32, #tpu.memory_space<vmem>> -> memref<50xi32, #tpu.memory_space<vmem>>
        %dma_wait3A_862 = arith.constant 0 : i32
        %dma_wait3A_863 = tpu.memref_slice %arg4[%add3A, %add3A_624, %dma_wait3A_862] : memref<32x200x50xi32, #tpu.memory_space<hbm>> -> memref<1x1x50xi32, #tpu.memory_space<hbm>>
        %dma_wait3A_864 = tpu.memref_squeeze %dma_wait3A_863 : memref<1x1x50xi32, #tpu.memory_space<hbm>> -> memref<50xi32, #tpu.memory_space<hbm>>
        %dma_wait3A_865 = arith.constant 0 : i32
        %dma_wait3A_866 = tpu.memref_slice %arg8[%dma_wait3A_858, %dma_wait3A_865] : memref<8x50xi32, #tpu.memory_space<vmem>> -> memref<1x50xi32, #tpu.memory_space<vmem>>
        %dma_wait3A_867 = tpu.memref_squeeze %dma_wait3A_866 : memref<1x50xi32, #tpu.memory_space<vmem>> -> memref<50xi32, #tpu.memory_space<vmem>>
        %dma_wait3A_868 = arith.constant 0 : i32
        %dma_wait3A_869 = tpu.memref_slice %arg4[%add3A, %add3A_624, %dma_wait3A_868] : memref<32x200x50xi32, #tpu.memory_space<hbm>> -> memref<1x1x50xi32, #tpu.memory_space<hbm>>
        %dma_wait3A_870 = tpu.memref_squeeze %dma_wait3A_869 : memref<1x1x50xi32, #tpu.memory_space<hbm>> -> memref<50xi32, #tpu.memory_space<hbm>>
        tpu.wait_dma2 semaphore(%arg18 : memref<!tpu.dma_semaphore, #tpu.memory_space<semaphore_mem>>) src(%dma_wait3A_870 : memref<50xi32, #tpu.memory_space<hbm>>) dst(%dma_wait3A_867 : memref<50xi32, #tpu.memory_space<vmem>>)
        %dma_start3A_871 = arith.constant 7 : i32
        %dma_start3A_872 = arith.constant 3 : i32
        %dma_start3A_873 = arith.constant 0 : i32
        %dma_start3A_874 = arith.constant 0 : i32
        %dma_start3A_875 = tpu.memref_slice %arg9[%dma_start3A_872, %dma_start3A_873, %dma_start3A_874] : memref<4x50x128xf32, #tpu.memory_space<vmem>> -> memref<1x50x128xf32, #tpu.memory_space<vmem>>
        %dma_start3A_876 = tpu.memref_squeeze %dma_start3A_875 : memref<1x50x128xf32, #tpu.memory_space<vmem>> -> memref<50x128xf32, #tpu.memory_space<vmem>>
        %dma_start3A_877 = arith.constant 0 : i32
        %dma_start3A_878 = tpu.memref_slice %arg7[%dma_start3A_871, %dma_start3A_877] : memref<8x50xi32, #tpu.memory_space<vmem>> -> memref<1x50xi32, #tpu.memory_space<vmem>>
        %dma_start3A_879 = tpu.memref_squeeze %dma_start3A_878 : memref<1x50xi32, #tpu.memory_space<vmem>> -> memref<50xi32, #tpu.memory_space<vmem>>
        %dma_start3A_880 = arith.constant 0 : i32
        %dma_start3A_881 = arith.constant 0 : i32
        %dma_start3A_882 = tpu.memref_slice %arg2[%dma_start3A_880, %dma_start3A_881] : memref<10000x128xf32, #tpu.memory_space<hbm>> -> memref<10000x128xf32, #tpu.memory_space<hbm>>
        tpu.enqueue_indirect_dma source(%dma_start3A_882 : memref<10000x128xf32, #tpu.memory_space<hbm>>) target(%dma_start3A_876 : memref<50x128xf32, #tpu.memory_space<vmem>>) offsets(%dma_start3A_879 : memref<50xi32, #tpu.memory_space<vmem>>) semaphore(%arg22 : memref<!tpu.dma_semaphore, #tpu.memory_space<semaphore_mem>>)
      } else {
      }
      %add3A_630 = arith.constant 8 : i32
      %add3A_631 = arith.addi %add3A_586, %add3A_630 : i32
      %lt3A_632 = arith.constant 200 : i32
      %lt3A_633 = arith.cmpi slt, %add3A_631, %lt3A_632 : i32
      %convert_element_type3A_634 = arith.extui %lt3A_633 : i1 to i32
      %cond3A_635 = arith.constant 0 : i32
      %cond3A_636 = arith.cmpi ne, %convert_element_type3A_634, %cond3A_635 : i32
      scf.if %cond3A_636 {
        %dma_start3A_845 = arith.constant 3 : i32
        %dma_start3A_846 = arith.constant 0 : i32
        %dma_start3A_847 = tpu.memref_slice %arg7[%dma_start3A_845, %dma_start3A_846] : memref<8x50xi32, #tpu.memory_space<vmem>> -> memref<1x50xi32, #tpu.memory_space<vmem>>
        %dma_start3A_848 = tpu.memref_squeeze %dma_start3A_847 : memref<1x50xi32, #tpu.memory_space<vmem>> -> memref<50xi32, #tpu.memory_space<vmem>>
        %dma_start3A_849 = arith.constant 0 : i32
        %dma_start3A_850 = tpu.memref_slice %arg3[%add3A, %add3A_631, %dma_start3A_849] : memref<32x200x50xi32, #tpu.memory_space<hbm>> -> memref<1x1x50xi32, #tpu.memory_space<hbm>>
        %dma_start3A_851 = tpu.memref_squeeze %dma_start3A_850 : memref<1x1x50xi32, #tpu.memory_space<hbm>> -> memref<50xi32, #tpu.memory_space<hbm>>
        %dma_start3A_852 = arith.constant 0 : i32
        %dma_start3A_853 = tpu.memref_slice %arg7[%dma_start3A_845, %dma_start3A_852] : memref<8x50xi32, #tpu.memory_space<vmem>> -> memref<1x50xi32, #tpu.memory_space<vmem>>
        %dma_start3A_854 = tpu.memref_squeeze %dma_start3A_853 : memref<1x50xi32, #tpu.memory_space<vmem>> -> memref<50xi32, #tpu.memory_space<vmem>>
        %dma_start3A_855 = arith.constant 0 : i32
        %dma_start3A_856 = tpu.memref_slice %arg3[%add3A, %add3A_631, %dma_start3A_855] : memref<32x200x50xi32, #tpu.memory_space<hbm>> -> memref<1x1x50xi32, #tpu.memory_space<hbm>>
        %dma_start3A_857 = tpu.memref_squeeze %dma_start3A_856 : memref<1x1x50xi32, #tpu.memory_space<hbm>> -> memref<50xi32, #tpu.memory_space<hbm>>
        tpu.enqueue_dma source(%dma_start3A_857 : memref<50xi32, #tpu.memory_space<hbm>>) target(%dma_start3A_854 : memref<50xi32, #tpu.memory_space<vmem>>) target_semaphore(%arg14 : memref<!tpu.dma_semaphore, #tpu.memory_space<semaphore_mem>>)
        %dma_start3A_858 = arith.constant 3 : i32
        %dma_start3A_859 = arith.constant 0 : i32
        %dma_start3A_860 = tpu.memref_slice %arg8[%dma_start3A_858, %dma_start3A_859] : memref<8x50xi32, #tpu.memory_space<vmem>> -> memref<1x50xi32, #tpu.memory_space<vmem>>
        %dma_start3A_861 = tpu.memref_squeeze %dma_start3A_860 : memref<1x50xi32, #tpu.memory_space<vmem>> -> memref<50xi32, #tpu.memory_space<vmem>>
        %dma_start3A_862 = arith.constant 0 : i32
        %dma_start3A_863 = tpu.memref_slice %arg4[%add3A, %add3A_631, %dma_start3A_862] : memref<32x200x50xi32, #tpu.memory_space<hbm>> -> memref<1x1x50xi32, #tpu.memory_space<hbm>>
        %dma_start3A_864 = tpu.memref_squeeze %dma_start3A_863 : memref<1x1x50xi32, #tpu.memory_space<hbm>> -> memref<50xi32, #tpu.memory_space<hbm>>
        %dma_start3A_865 = arith.constant 0 : i32
        %dma_start3A_866 = tpu.memref_slice %arg8[%dma_start3A_858, %dma_start3A_865] : memref<8x50xi32, #tpu.memory_space<vmem>> -> memref<1x50xi32, #tpu.memory_space<vmem>>
        %dma_start3A_867 = tpu.memref_squeeze %dma_start3A_866 : memref<1x50xi32, #tpu.memory_space<vmem>> -> memref<50xi32, #tpu.memory_space<vmem>>
        %dma_start3A_868 = arith.constant 0 : i32
        %dma_start3A_869 = tpu.memref_slice %arg4[%add3A, %add3A_631, %dma_start3A_868] : memref<32x200x50xi32, #tpu.memory_space<hbm>> -> memref<1x1x50xi32, #tpu.memory_space<hbm>>
        %dma_start3A_870 = tpu.memref_squeeze %dma_start3A_869 : memref<1x1x50xi32, #tpu.memory_space<hbm>> -> memref<50xi32, #tpu.memory_space<hbm>>
        tpu.enqueue_dma source(%dma_start3A_870 : memref<50xi32, #tpu.memory_space<hbm>>) target(%dma_start3A_867 : memref<50xi32, #tpu.memory_space<vmem>>) target_semaphore(%arg14 : memref<!tpu.dma_semaphore, #tpu.memory_space<semaphore_mem>>)
      } else {
      }
      %add3A_637 = arith.constant 4 : i32
      %add3A_638 = arith.addi %add3A_429, %add3A_637 : i32
      %dma_wait3A_639 = arith.constant 4 : i32
      %dma_wait3A_640 = arith.constant 0 : i32
      %dma_wait3A_641 = arith.constant 0 : i32
      %dma_wait3A_642 = arith.constant 0 : i32
      %dma_wait3A_643 = tpu.memref_slice %arg9[%dma_wait3A_640, %dma_wait3A_641, %dma_wait3A_642] : memref<4x50x128xf32, #tpu.memory_space<vmem>> -> memref<1x50x128xf32, #tpu.memory_space<vmem>>
      %dma_wait3A_644 = tpu.memref_squeeze %dma_wait3A_643 : memref<1x50x128xf32, #tpu.memory_space<vmem>> -> memref<50x128xf32, #tpu.memory_space<vmem>>
      %dma_wait3A_645 = arith.constant 0 : i32
      %dma_wait3A_646 = tpu.memref_slice %arg7[%dma_wait3A_639, %dma_wait3A_645] : memref<8x50xi32, #tpu.memory_space<vmem>> -> memref<1x50xi32, #tpu.memory_space<vmem>>
      %dma_wait3A_647 = tpu.memref_squeeze %dma_wait3A_646 : memref<1x50xi32, #tpu.memory_space<vmem>> -> memref<50xi32, #tpu.memory_space<vmem>>
      %dma_wait3A_648 = arith.constant 0 : i32
      %dma_wait3A_649 = arith.constant 0 : i32
      %dma_wait3A_650 = tpu.memref_slice %arg2[%dma_wait3A_648, %dma_wait3A_649] : memref<10000x128xf32, #tpu.memory_space<hbm>> -> memref<10000x128xf32, #tpu.memory_space<hbm>>
      tpu.wait_indirect_dma semaphore(%arg19 : memref<!tpu.dma_semaphore, #tpu.memory_space<semaphore_mem>>) src(%dma_wait3A_650 : memref<10000x128xf32, #tpu.memory_space<hbm>>) dst(%dma_wait3A_644 : memref<50x128xf32, #tpu.memory_space<vmem>>)
      %dma_start3A_651 = arith.constant 0 : i32
      %dma_start3A_652 = arith.constant 4 : i32
      %dma_start3A_653 = arith.constant 0 : i32
      %dma_start3A_654 = arith.constant 0 : i32
      %dma_start3A_655 = tpu.memref_slice %arg9[%dma_start3A_651, %dma_start3A_653, %dma_start3A_654] : memref<4x50x128xf32, #tpu.memory_space<vmem>> -> memref<1x50x128xf32, #tpu.memory_space<vmem>>
      %dma_start3A_656 = tpu.memref_squeeze %dma_start3A_655 : memref<1x50x128xf32, #tpu.memory_space<vmem>> -> memref<50x128xf32, #tpu.memory_space<vmem>>
      %dma_start3A_657 = arith.constant 0 : i32
      %dma_start3A_658 = tpu.memref_slice %arg8[%dma_start3A_652, %dma_start3A_657] : memref<8x50xi32, #tpu.memory_space<vmem>> -> memref<1x50xi32, #tpu.memory_space<vmem>>
      %dma_start3A_659 = tpu.memref_squeeze %dma_start3A_658 : memref<1x50xi32, #tpu.memory_space<vmem>> -> memref<50xi32, #tpu.memory_space<vmem>>
      %dma_start3A_660 = arith.constant 0 : i32
      %dma_start3A_661 = arith.constant 0 : i32
      %dma_start3A_662 = tpu.memref_slice %arg6[%dma_start3A_660, %dma_start3A_661] : memref<10000x128xf32, #tpu.memory_space<vmem_shared>> -> memref<10000x128xf32, #tpu.memory_space<vmem_shared>>
      tpu.enqueue_indirect_dma source(%dma_start3A_656 : memref<50x128xf32, #tpu.memory_space<vmem>>) target(%dma_start3A_662 : memref<10000x128xf32, #tpu.memory_space<vmem_shared>>) offsets(%dma_start3A_659 : memref<50xi32, #tpu.memory_space<vmem>>) semaphore(%arg23 : memref<!tpu.dma_semaphore, #tpu.memory_space<semaphore_mem>>) {add = true}
      %dma_wait3A_663 = arith.constant 0 : i32
      %dma_wait3A_664 = arith.constant 4 : i32
      %dma_wait3A_665 = arith.constant 0 : i32
      %dma_wait3A_666 = arith.constant 0 : i32
      %dma_wait3A_667 = tpu.memref_slice %arg9[%dma_wait3A_663, %dma_wait3A_665, %dma_wait3A_666] : memref<4x50x128xf32, #tpu.memory_space<vmem>> -> memref<1x50x128xf32, #tpu.memory_space<vmem>>
      %dma_wait3A_668 = tpu.memref_squeeze %dma_wait3A_667 : memref<1x50x128xf32, #tpu.memory_space<vmem>> -> memref<50x128xf32, #tpu.memory_space<vmem>>
      %dma_wait3A_669 = arith.constant 0 : i32
      %dma_wait3A_670 = tpu.memref_slice %arg8[%dma_wait3A_664, %dma_wait3A_669] : memref<8x50xi32, #tpu.memory_space<vmem>> -> memref<1x50xi32, #tpu.memory_space<vmem>>
      %dma_wait3A_671 = tpu.memref_squeeze %dma_wait3A_670 : memref<1x50xi32, #tpu.memory_space<vmem>> -> memref<50xi32, #tpu.memory_space<vmem>>
      %dma_wait3A_672 = arith.constant 0 : i32
      %dma_wait3A_673 = arith.constant 0 : i32
      %dma_wait3A_674 = tpu.memref_slice %arg6[%dma_wait3A_672, %dma_wait3A_673] : memref<10000x128xf32, #tpu.memory_space<vmem_shared>> -> memref<10000x128xf32, #tpu.memory_space<vmem_shared>>
      tpu.wait_indirect_dma semaphore(%arg23 : memref<!tpu.dma_semaphore, #tpu.memory_space<semaphore_mem>>) src(%dma_wait3A_668 : memref<50x128xf32, #tpu.memory_space<vmem>>) dst(%dma_wait3A_674 : memref<10000x128xf32, #tpu.memory_space<vmem_shared>>)
      %add3A_675 = arith.constant 4 : i32
      %add3A_676 = arith.addi %add3A_638, %add3A_675 : i32
      %lt3A_677 = arith.constant 200 : i32
      %lt3A_678 = arith.cmpi slt, %add3A_676, %lt3A_677 : i32
      %convert_element_type3A_679 = arith.extui %lt3A_678 : i1 to i32
      %cond3A_680 = arith.constant 0 : i32
      %cond3A_681 = arith.cmpi ne, %convert_element_type3A_679, %cond3A_680 : i32
      scf.if %cond3A_681 {
        %dma_wait3A_845 = arith.constant 0 : i32
        %dma_wait3A_846 = arith.constant 0 : i32
        %dma_wait3A_847 = tpu.memref_slice %arg7[%dma_wait3A_845, %dma_wait3A_846] : memref<8x50xi32, #tpu.memory_space<vmem>> -> memref<1x50xi32, #tpu.memory_space<vmem>>
        %dma_wait3A_848 = tpu.memref_squeeze %dma_wait3A_847 : memref<1x50xi32, #tpu.memory_space<vmem>> -> memref<50xi32, #tpu.memory_space<vmem>>
        %dma_wait3A_849 = arith.constant 0 : i32
        %dma_wait3A_850 = tpu.memref_slice %arg3[%add3A, %add3A_676, %dma_wait3A_849] : memref<32x200x50xi32, #tpu.memory_space<hbm>> -> memref<1x1x50xi32, #tpu.memory_space<hbm>>
        %dma_wait3A_851 = tpu.memref_squeeze %dma_wait3A_850 : memref<1x1x50xi32, #tpu.memory_space<hbm>> -> memref<50xi32, #tpu.memory_space<hbm>>
        %dma_wait3A_852 = arith.constant 0 : i32
        %dma_wait3A_853 = tpu.memref_slice %arg7[%dma_wait3A_845, %dma_wait3A_852] : memref<8x50xi32, #tpu.memory_space<vmem>> -> memref<1x50xi32, #tpu.memory_space<vmem>>
        %dma_wait3A_854 = tpu.memref_squeeze %dma_wait3A_853 : memref<1x50xi32, #tpu.memory_space<vmem>> -> memref<50xi32, #tpu.memory_space<vmem>>
        %dma_wait3A_855 = arith.constant 0 : i32
        %dma_wait3A_856 = tpu.memref_slice %arg3[%add3A, %add3A_676, %dma_wait3A_855] : memref<32x200x50xi32, #tpu.memory_space<hbm>> -> memref<1x1x50xi32, #tpu.memory_space<hbm>>
        %dma_wait3A_857 = tpu.memref_squeeze %dma_wait3A_856 : memref<1x1x50xi32, #tpu.memory_space<hbm>> -> memref<50xi32, #tpu.memory_space<hbm>>
        tpu.wait_dma2 semaphore(%arg11 : memref<!tpu.dma_semaphore, #tpu.memory_space<semaphore_mem>>) src(%dma_wait3A_857 : memref<50xi32, #tpu.memory_space<hbm>>) dst(%dma_wait3A_854 : memref<50xi32, #tpu.memory_space<vmem>>)
        %dma_wait3A_858 = arith.constant 0 : i32
        %dma_wait3A_859 = arith.constant 0 : i32
        %dma_wait3A_860 = tpu.memref_slice %arg8[%dma_wait3A_858, %dma_wait3A_859] : memref<8x50xi32, #tpu.memory_space<vmem>> -> memref<1x50xi32, #tpu.memory_space<vmem>>
        %dma_wait3A_861 = tpu.memref_squeeze %dma_wait3A_860 : memref<1x50xi32, #tpu.memory_space<vmem>> -> memref<50xi32, #tpu.memory_space<vmem>>
        %dma_wait3A_862 = arith.constant 0 : i32
        %dma_wait3A_863 = tpu.memref_slice %arg4[%add3A, %add3A_676, %dma_wait3A_862] : memref<32x200x50xi32, #tpu.memory_space<hbm>> -> memref<1x1x50xi32, #tpu.memory_space<hbm>>
        %dma_wait3A_864 = tpu.memref_squeeze %dma_wait3A_863 : memref<1x1x50xi32, #tpu.memory_space<hbm>> -> memref<50xi32, #tpu.memory_space<hbm>>
        %dma_wait3A_865 = arith.constant 0 : i32
        %dma_wait3A_866 = tpu.memref_slice %arg8[%dma_wait3A_858, %dma_wait3A_865] : memref<8x50xi32, #tpu.memory_space<vmem>> -> memref<1x50xi32, #tpu.memory_space<vmem>>
        %dma_wait3A_867 = tpu.memref_squeeze %dma_wait3A_866 : memref<1x50xi32, #tpu.memory_space<vmem>> -> memref<50xi32, #tpu.memory_space<vmem>>
        %dma_wait3A_868 = arith.constant 0 : i32
        %dma_wait3A_869 = tpu.memref_slice %arg4[%add3A, %add3A_676, %dma_wait3A_868] : memref<32x200x50xi32, #tpu.memory_space<hbm>> -> memref<1x1x50xi32, #tpu.memory_space<hbm>>
        %dma_wait3A_870 = tpu.memref_squeeze %dma_wait3A_869 : memref<1x1x50xi32, #tpu.memory_space<hbm>> -> memref<50xi32, #tpu.memory_space<hbm>>
        tpu.wait_dma2 semaphore(%arg11 : memref<!tpu.dma_semaphore, #tpu.memory_space<semaphore_mem>>) src(%dma_wait3A_870 : memref<50xi32, #tpu.memory_space<hbm>>) dst(%dma_wait3A_867 : memref<50xi32, #tpu.memory_space<vmem>>)
        %dma_start3A_871 = arith.constant 0 : i32
        %dma_start3A_872 = arith.constant 0 : i32
        %dma_start3A_873 = arith.constant 0 : i32
        %dma_start3A_874 = arith.constant 0 : i32
        %dma_start3A_875 = tpu.memref_slice %arg9[%dma_start3A_872, %dma_start3A_873, %dma_start3A_874] : memref<4x50x128xf32, #tpu.memory_space<vmem>> -> memref<1x50x128xf32, #tpu.memory_space<vmem>>
        %dma_start3A_876 = tpu.memref_squeeze %dma_start3A_875 : memref<1x50x128xf32, #tpu.memory_space<vmem>> -> memref<50x128xf32, #tpu.memory_space<vmem>>
        %dma_start3A_877 = arith.constant 0 : i32
        %dma_start3A_878 = tpu.memref_slice %arg7[%dma_start3A_871, %dma_start3A_877] : memref<8x50xi32, #tpu.memory_space<vmem>> -> memref<1x50xi32, #tpu.memory_space<vmem>>
        %dma_start3A_879 = tpu.memref_squeeze %dma_start3A_878 : memref<1x50xi32, #tpu.memory_space<vmem>> -> memref<50xi32, #tpu.memory_space<vmem>>
        %dma_start3A_880 = arith.constant 0 : i32
        %dma_start3A_881 = arith.constant 0 : i32
        %dma_start3A_882 = tpu.memref_slice %arg2[%dma_start3A_880, %dma_start3A_881] : memref<10000x128xf32, #tpu.memory_space<hbm>> -> memref<10000x128xf32, #tpu.memory_space<hbm>>
        tpu.enqueue_indirect_dma source(%dma_start3A_882 : memref<10000x128xf32, #tpu.memory_space<hbm>>) target(%dma_start3A_876 : memref<50x128xf32, #tpu.memory_space<vmem>>) offsets(%dma_start3A_879 : memref<50xi32, #tpu.memory_space<vmem>>) semaphore(%arg19 : memref<!tpu.dma_semaphore, #tpu.memory_space<semaphore_mem>>)
      } else {
      }
      %add3A_682 = arith.constant 8 : i32
      %add3A_683 = arith.addi %add3A_638, %add3A_682 : i32
      %lt3A_684 = arith.constant 200 : i32
      %lt3A_685 = arith.cmpi slt, %add3A_683, %lt3A_684 : i32
      %convert_element_type3A_686 = arith.extui %lt3A_685 : i1 to i32
      %cond3A_687 = arith.constant 0 : i32
      %cond3A_688 = arith.cmpi ne, %convert_element_type3A_686, %cond3A_687 : i32
      scf.if %cond3A_688 {
        %dma_start3A_845 = arith.constant 4 : i32
        %dma_start3A_846 = arith.constant 0 : i32
        %dma_start3A_847 = tpu.memref_slice %arg7[%dma_start3A_845, %dma_start3A_846] : memref<8x50xi32, #tpu.memory_space<vmem>> -> memref<1x50xi32, #tpu.memory_space<vmem>>
        %dma_start3A_848 = tpu.memref_squeeze %dma_start3A_847 : memref<1x50xi32, #tpu.memory_space<vmem>> -> memref<50xi32, #tpu.memory_space<vmem>>
        %dma_start3A_849 = arith.constant 0 : i32
        %dma_start3A_850 = tpu.memref_slice %arg3[%add3A, %add3A_683, %dma_start3A_849] : memref<32x200x50xi32, #tpu.memory_space<hbm>> -> memref<1x1x50xi32, #tpu.memory_space<hbm>>
        %dma_start3A_851 = tpu.memref_squeeze %dma_start3A_850 : memref<1x1x50xi32, #tpu.memory_space<hbm>> -> memref<50xi32, #tpu.memory_space<hbm>>
        %dma_start3A_852 = arith.constant 0 : i32
        %dma_start3A_853 = tpu.memref_slice %arg7[%dma_start3A_845, %dma_start3A_852] : memref<8x50xi32, #tpu.memory_space<vmem>> -> memref<1x50xi32, #tpu.memory_space<vmem>>
        %dma_start3A_854 = tpu.memref_squeeze %dma_start3A_853 : memref<1x50xi32, #tpu.memory_space<vmem>> -> memref<50xi32, #tpu.memory_space<vmem>>
        %dma_start3A_855 = arith.constant 0 : i32
        %dma_start3A_856 = tpu.memref_slice %arg3[%add3A, %add3A_683, %dma_start3A_855] : memref<32x200x50xi32, #tpu.memory_space<hbm>> -> memref<1x1x50xi32, #tpu.memory_space<hbm>>
        %dma_start3A_857 = tpu.memref_squeeze %dma_start3A_856 : memref<1x1x50xi32, #tpu.memory_space<hbm>> -> memref<50xi32, #tpu.memory_space<hbm>>
        tpu.enqueue_dma source(%dma_start3A_857 : memref<50xi32, #tpu.memory_space<hbm>>) target(%dma_start3A_854 : memref<50xi32, #tpu.memory_space<vmem>>) target_semaphore(%arg15 : memref<!tpu.dma_semaphore, #tpu.memory_space<semaphore_mem>>)
        %dma_start3A_858 = arith.constant 4 : i32
        %dma_start3A_859 = arith.constant 0 : i32
        %dma_start3A_860 = tpu.memref_slice %arg8[%dma_start3A_858, %dma_start3A_859] : memref<8x50xi32, #tpu.memory_space<vmem>> -> memref<1x50xi32, #tpu.memory_space<vmem>>
        %dma_start3A_861 = tpu.memref_squeeze %dma_start3A_860 : memref<1x50xi32, #tpu.memory_space<vmem>> -> memref<50xi32, #tpu.memory_space<vmem>>
        %dma_start3A_862 = arith.constant 0 : i32
        %dma_start3A_863 = tpu.memref_slice %arg4[%add3A, %add3A_683, %dma_start3A_862] : memref<32x200x50xi32, #tpu.memory_space<hbm>> -> memref<1x1x50xi32, #tpu.memory_space<hbm>>
        %dma_start3A_864 = tpu.memref_squeeze %dma_start3A_863 : memref<1x1x50xi32, #tpu.memory_space<hbm>> -> memref<50xi32, #tpu.memory_space<hbm>>
        %dma_start3A_865 = arith.constant 0 : i32
        %dma_start3A_866 = tpu.memref_slice %arg8[%dma_start3A_858, %dma_start3A_865] : memref<8x50xi32, #tpu.memory_space<vmem>> -> memref<1x50xi32, #tpu.memory_space<vmem>>
        %dma_start3A_867 = tpu.memref_squeeze %dma_start3A_866 : memref<1x50xi32, #tpu.memory_space<vmem>> -> memref<50xi32, #tpu.memory_space<vmem>>
        %dma_start3A_868 = arith.constant 0 : i32
        %dma_start3A_869 = tpu.memref_slice %arg4[%add3A, %add3A_683, %dma_start3A_868] : memref<32x200x50xi32, #tpu.memory_space<hbm>> -> memref<1x1x50xi32, #tpu.memory_space<hbm>>
        %dma_start3A_870 = tpu.memref_squeeze %dma_start3A_869 : memref<1x1x50xi32, #tpu.memory_space<hbm>> -> memref<50xi32, #tpu.memory_space<hbm>>
        tpu.enqueue_dma source(%dma_start3A_870 : memref<50xi32, #tpu.memory_space<hbm>>) target(%dma_start3A_867 : memref<50xi32, #tpu.memory_space<vmem>>) target_semaphore(%arg15 : memref<!tpu.dma_semaphore, #tpu.memory_space<semaphore_mem>>)
      } else {
      }
      %add3A_689 = arith.constant 5 : i32
      %add3A_690 = arith.addi %add3A_429, %add3A_689 : i32
      %dma_wait3A_691 = arith.constant 5 : i32
      %dma_wait3A_692 = arith.constant 1 : i32
      %dma_wait3A_693 = arith.constant 0 : i32
      %dma_wait3A_694 = arith.constant 0 : i32
      %dma_wait3A_695 = tpu.memref_slice %arg9[%dma_wait3A_692, %dma_wait3A_693, %dma_wait3A_694] : memref<4x50x128xf32, #tpu.memory_space<vmem>> -> memref<1x50x128xf32, #tpu.memory_space<vmem>>
      %dma_wait3A_696 = tpu.memref_squeeze %dma_wait3A_695 : memref<1x50x128xf32, #tpu.memory_space<vmem>> -> memref<50x128xf32, #tpu.memory_space<vmem>>
      %dma_wait3A_697 = arith.constant 0 : i32
      %dma_wait3A_698 = tpu.memref_slice %arg7[%dma_wait3A_691, %dma_wait3A_697] : memref<8x50xi32, #tpu.memory_space<vmem>> -> memref<1x50xi32, #tpu.memory_space<vmem>>
      %dma_wait3A_699 = tpu.memref_squeeze %dma_wait3A_698 : memref<1x50xi32, #tpu.memory_space<vmem>> -> memref<50xi32, #tpu.memory_space<vmem>>
      %dma_wait3A_700 = arith.constant 0 : i32
      %dma_wait3A_701 = arith.constant 0 : i32
      %dma_wait3A_702 = tpu.memref_slice %arg2[%dma_wait3A_700, %dma_wait3A_701] : memref<10000x128xf32, #tpu.memory_space<hbm>> -> memref<10000x128xf32, #tpu.memory_space<hbm>>
      tpu.wait_indirect_dma semaphore(%arg20 : memref<!tpu.dma_semaphore, #tpu.memory_space<semaphore_mem>>) src(%dma_wait3A_702 : memref<10000x128xf32, #tpu.memory_space<hbm>>) dst(%dma_wait3A_696 : memref<50x128xf32, #tpu.memory_space<vmem>>)
      %dma_start3A_703 = arith.constant 1 : i32
      %dma_start3A_704 = arith.constant 5 : i32
      %dma_start3A_705 = arith.constant 0 : i32
      %dma_start3A_706 = arith.constant 0 : i32
      %dma_start3A_707 = tpu.memref_slice %arg9[%dma_start3A_703, %dma_start3A_705, %dma_start3A_706] : memref<4x50x128xf32, #tpu.memory_space<vmem>> -> memref<1x50x128xf32, #tpu.memory_space<vmem>>
      %dma_start3A_708 = tpu.memref_squeeze %dma_start3A_707 : memref<1x50x128xf32, #tpu.memory_space<vmem>> -> memref<50x128xf32, #tpu.memory_space<vmem>>
      %dma_start3A_709 = arith.constant 0 : i32
      %dma_start3A_710 = tpu.memref_slice %arg8[%dma_start3A_704, %dma_start3A_709] : memref<8x50xi32, #tpu.memory_space<vmem>> -> memref<1x50xi32, #tpu.memory_space<vmem>>
      %dma_start3A_711 = tpu.memref_squeeze %dma_start3A_710 : memref<1x50xi32, #tpu.memory_space<vmem>> -> memref<50xi32, #tpu.memory_space<vmem>>
      %dma_start3A_712 = arith.constant 0 : i32
      %dma_start3A_713 = arith.constant 0 : i32
      %dma_start3A_714 = tpu.memref_slice %arg6[%dma_start3A_712, %dma_start3A_713] : memref<10000x128xf32, #tpu.memory_space<vmem_shared>> -> memref<10000x128xf32, #tpu.memory_space<vmem_shared>>
      tpu.enqueue_indirect_dma source(%dma_start3A_708 : memref<50x128xf32, #tpu.memory_space<vmem>>) target(%dma_start3A_714 : memref<10000x128xf32, #tpu.memory_space<vmem_shared>>) offsets(%dma_start3A_711 : memref<50xi32, #tpu.memory_space<vmem>>) semaphore(%arg24 : memref<!tpu.dma_semaphore, #tpu.memory_space<semaphore_mem>>) {add = true}
      %dma_wait3A_715 = arith.constant 1 : i32
      %dma_wait3A_716 = arith.constant 5 : i32
      %dma_wait3A_717 = arith.constant 0 : i32
      %dma_wait3A_718 = arith.constant 0 : i32
      %dma_wait3A_719 = tpu.memref_slice %arg9[%dma_wait3A_715, %dma_wait3A_717, %dma_wait3A_718] : memref<4x50x128xf32, #tpu.memory_space<vmem>> -> memref<1x50x128xf32, #tpu.memory_space<vmem>>
      %dma_wait3A_720 = tpu.memref_squeeze %dma_wait3A_719 : memref<1x50x128xf32, #tpu.memory_space<vmem>> -> memref<50x128xf32, #tpu.memory_space<vmem>>
      %dma_wait3A_721 = arith.constant 0 : i32
      %dma_wait3A_722 = tpu.memref_slice %arg8[%dma_wait3A_716, %dma_wait3A_721] : memref<8x50xi32, #tpu.memory_space<vmem>> -> memref<1x50xi32, #tpu.memory_space<vmem>>
      %dma_wait3A_723 = tpu.memref_squeeze %dma_wait3A_722 : memref<1x50xi32, #tpu.memory_space<vmem>> -> memref<50xi32, #tpu.memory_space<vmem>>
      %dma_wait3A_724 = arith.constant 0 : i32
      %dma_wait3A_725 = arith.constant 0 : i32
      %dma_wait3A_726 = tpu.memref_slice %arg6[%dma_wait3A_724, %dma_wait3A_725] : memref<10000x128xf32, #tpu.memory_space<vmem_shared>> -> memref<10000x128xf32, #tpu.memory_space<vmem_shared>>
      tpu.wait_indirect_dma semaphore(%arg24 : memref<!tpu.dma_semaphore, #tpu.memory_space<semaphore_mem>>) src(%dma_wait3A_720 : memref<50x128xf32, #tpu.memory_space<vmem>>) dst(%dma_wait3A_726 : memref<10000x128xf32, #tpu.memory_space<vmem_shared>>)
      %add3A_727 = arith.constant 4 : i32
      %add3A_728 = arith.addi %add3A_690, %add3A_727 : i32
      %lt3A_729 = arith.constant 200 : i32
      %lt3A_730 = arith.cmpi slt, %add3A_728, %lt3A_729 : i32
      %convert_element_type3A_731 = arith.extui %lt3A_730 : i1 to i32
      %cond3A_732 = arith.constant 0 : i32
      %cond3A_733 = arith.cmpi ne, %convert_element_type3A_731, %cond3A_732 : i32
      scf.if %cond3A_733 {
        %dma_wait3A_845 = arith.constant 1 : i32
        %dma_wait3A_846 = arith.constant 0 : i32
        %dma_wait3A_847 = tpu.memref_slice %arg7[%dma_wait3A_845, %dma_wait3A_846] : memref<8x50xi32, #tpu.memory_space<vmem>> -> memref<1x50xi32, #tpu.memory_space<vmem>>
        %dma_wait3A_848 = tpu.memref_squeeze %dma_wait3A_847 : memref<1x50xi32, #tpu.memory_space<vmem>> -> memref<50xi32, #tpu.memory_space<vmem>>
        %dma_wait3A_849 = arith.constant 0 : i32
        %dma_wait3A_850 = tpu.memref_slice %arg3[%add3A, %add3A_728, %dma_wait3A_849] : memref<32x200x50xi32, #tpu.memory_space<hbm>> -> memref<1x1x50xi32, #tpu.memory_space<hbm>>
        %dma_wait3A_851 = tpu.memref_squeeze %dma_wait3A_850 : memref<1x1x50xi32, #tpu.memory_space<hbm>> -> memref<50xi32, #tpu.memory_space<hbm>>
        %dma_wait3A_852 = arith.constant 0 : i32
        %dma_wait3A_853 = tpu.memref_slice %arg7[%dma_wait3A_845, %dma_wait3A_852] : memref<8x50xi32, #tpu.memory_space<vmem>> -> memref<1x50xi32, #tpu.memory_space<vmem>>
        %dma_wait3A_854 = tpu.memref_squeeze %dma_wait3A_853 : memref<1x50xi32, #tpu.memory_space<vmem>> -> memref<50xi32, #tpu.memory_space<vmem>>
        %dma_wait3A_855 = arith.constant 0 : i32
        %dma_wait3A_856 = tpu.memref_slice %arg3[%add3A, %add3A_728, %dma_wait3A_855] : memref<32x200x50xi32, #tpu.memory_space<hbm>> -> memref<1x1x50xi32, #tpu.memory_space<hbm>>
        %dma_wait3A_857 = tpu.memref_squeeze %dma_wait3A_856 : memref<1x1x50xi32, #tpu.memory_space<hbm>> -> memref<50xi32, #tpu.memory_space<hbm>>
        tpu.wait_dma2 semaphore(%arg12 : memref<!tpu.dma_semaphore, #tpu.memory_space<semaphore_mem>>) src(%dma_wait3A_857 : memref<50xi32, #tpu.memory_space<hbm>>) dst(%dma_wait3A_854 : memref<50xi32, #tpu.memory_space<vmem>>)
        %dma_wait3A_858 = arith.constant 1 : i32
        %dma_wait3A_859 = arith.constant 0 : i32
        %dma_wait3A_860 = tpu.memref_slice %arg8[%dma_wait3A_858, %dma_wait3A_859] : memref<8x50xi32, #tpu.memory_space<vmem>> -> memref<1x50xi32, #tpu.memory_space<vmem>>
        %dma_wait3A_861 = tpu.memref_squeeze %dma_wait3A_860 : memref<1x50xi32, #tpu.memory_space<vmem>> -> memref<50xi32, #tpu.memory_space<vmem>>
        %dma_wait3A_862 = arith.constant 0 : i32
        %dma_wait3A_863 = tpu.memref_slice %arg4[%add3A, %add3A_728, %dma_wait3A_862] : memref<32x200x50xi32, #tpu.memory_space<hbm>> -> memref<1x1x50xi32, #tpu.memory_space<hbm>>
        %dma_wait3A_864 = tpu.memref_squeeze %dma_wait3A_863 : memref<1x1x50xi32, #tpu.memory_space<hbm>> -> memref<50xi32, #tpu.memory_space<hbm>>
        %dma_wait3A_865 = arith.constant 0 : i32
        %dma_wait3A_866 = tpu.memref_slice %arg8[%dma_wait3A_858, %dma_wait3A_865] : memref<8x50xi32, #tpu.memory_space<vmem>> -> memref<1x50xi32, #tpu.memory_space<vmem>>
        %dma_wait3A_867 = tpu.memref_squeeze %dma_wait3A_866 : memref<1x50xi32, #tpu.memory_space<vmem>> -> memref<50xi32, #tpu.memory_space<vmem>>
        %dma_wait3A_868 = arith.constant 0 : i32
        %dma_wait3A_869 = tpu.memref_slice %arg4[%add3A, %add3A_728, %dma_wait3A_868] : memref<32x200x50xi32, #tpu.memory_space<hbm>> -> memref<1x1x50xi32, #tpu.memory_space<hbm>>
        %dma_wait3A_870 = tpu.memref_squeeze %dma_wait3A_869 : memref<1x1x50xi32, #tpu.memory_space<hbm>> -> memref<50xi32, #tpu.memory_space<hbm>>
        tpu.wait_dma2 semaphore(%arg12 : memref<!tpu.dma_semaphore, #tpu.memory_space<semaphore_mem>>) src(%dma_wait3A_870 : memref<50xi32, #tpu.memory_space<hbm>>) dst(%dma_wait3A_867 : memref<50xi32, #tpu.memory_space<vmem>>)
        %dma_start3A_871 = arith.constant 1 : i32
        %dma_start3A_872 = arith.constant 1 : i32
        %dma_start3A_873 = arith.constant 0 : i32
        %dma_start3A_874 = arith.constant 0 : i32
        %dma_start3A_875 = tpu.memref_slice %arg9[%dma_start3A_872, %dma_start3A_873, %dma_start3A_874] : memref<4x50x128xf32, #tpu.memory_space<vmem>> -> memref<1x50x128xf32, #tpu.memory_space<vmem>>
        %dma_start3A_876 = tpu.memref_squeeze %dma_start3A_875 : memref<1x50x128xf32, #tpu.memory_space<vmem>> -> memref<50x128xf32, #tpu.memory_space<vmem>>
        %dma_start3A_877 = arith.constant 0 : i32
        %dma_start3A_878 = tpu.memref_slice %arg7[%dma_start3A_871, %dma_start3A_877] : memref<8x50xi32, #tpu.memory_space<vmem>> -> memref<1x50xi32, #tpu.memory_space<vmem>>
        %dma_start3A_879 = tpu.memref_squeeze %dma_start3A_878 : memref<1x50xi32, #tpu.memory_space<vmem>> -> memref<50xi32, #tpu.memory_space<vmem>>
        %dma_start3A_880 = arith.constant 0 : i32
        %dma_start3A_881 = arith.constant 0 : i32
        %dma_start3A_882 = tpu.memref_slice %arg2[%dma_start3A_880, %dma_start3A_881] : memref<10000x128xf32, #tpu.memory_space<hbm>> -> memref<10000x128xf32, #tpu.memory_space<hbm>>
        tpu.enqueue_indirect_dma source(%dma_start3A_882 : memref<10000x128xf32, #tpu.memory_space<hbm>>) target(%dma_start3A_876 : memref<50x128xf32, #tpu.memory_space<vmem>>) offsets(%dma_start3A_879 : memref<50xi32, #tpu.memory_space<vmem>>) semaphore(%arg20 : memref<!tpu.dma_semaphore, #tpu.memory_space<semaphore_mem>>)
      } else {
      }
      %add3A_734 = arith.constant 8 : i32
      %add3A_735 = arith.addi %add3A_690, %add3A_734 : i32
      %lt3A_736 = arith.constant 200 : i32
      %lt3A_737 = arith.cmpi slt, %add3A_735, %lt3A_736 : i32
      %convert_element_type3A_738 = arith.extui %lt3A_737 : i1 to i32
      %cond3A_739 = arith.constant 0 : i32
      %cond3A_740 = arith.cmpi ne, %convert_element_type3A_738, %cond3A_739 : i32
      scf.if %cond3A_740 {
        %dma_start3A_845 = arith.constant 5 : i32
        %dma_start3A_846 = arith.constant 0 : i32
        %dma_start3A_847 = tpu.memref_slice %arg7[%dma_start3A_845, %dma_start3A_846] : memref<8x50xi32, #tpu.memory_space<vmem>> -> memref<1x50xi32, #tpu.memory_space<vmem>>
        %dma_start3A_848 = tpu.memref_squeeze %dma_start3A_847 : memref<1x50xi32, #tpu.memory_space<vmem>> -> memref<50xi32, #tpu.memory_space<vmem>>
        %dma_start3A_849 = arith.constant 0 : i32
        %dma_start3A_850 = tpu.memref_slice %arg3[%add3A, %add3A_735, %dma_start3A_849] : memref<32x200x50xi32, #tpu.memory_space<hbm>> -> memref<1x1x50xi32, #tpu.memory_space<hbm>>
        %dma_start3A_851 = tpu.memref_squeeze %dma_start3A_850 : memref<1x1x50xi32, #tpu.memory_space<hbm>> -> memref<50xi32, #tpu.memory_space<hbm>>
        %dma_start3A_852 = arith.constant 0 : i32
        %dma_start3A_853 = tpu.memref_slice %arg7[%dma_start3A_845, %dma_start3A_852] : memref<8x50xi32, #tpu.memory_space<vmem>> -> memref<1x50xi32, #tpu.memory_space<vmem>>
        %dma_start3A_854 = tpu.memref_squeeze %dma_start3A_853 : memref<1x50xi32, #tpu.memory_space<vmem>> -> memref<50xi32, #tpu.memory_space<vmem>>
        %dma_start3A_855 = arith.constant 0 : i32
        %dma_start3A_856 = tpu.memref_slice %arg3[%add3A, %add3A_735, %dma_start3A_855] : memref<32x200x50xi32, #tpu.memory_space<hbm>> -> memref<1x1x50xi32, #tpu.memory_space<hbm>>
        %dma_start3A_857 = tpu.memref_squeeze %dma_start3A_856 : memref<1x1x50xi32, #tpu.memory_space<hbm>> -> memref<50xi32, #tpu.memory_space<hbm>>
        tpu.enqueue_dma source(%dma_start3A_857 : memref<50xi32, #tpu.memory_space<hbm>>) target(%dma_start3A_854 : memref<50xi32, #tpu.memory_space<vmem>>) target_semaphore(%arg16 : memref<!tpu.dma_semaphore, #tpu.memory_space<semaphore_mem>>)
        %dma_start3A_858 = arith.constant 5 : i32
        %dma_start3A_859 = arith.constant 0 : i32
        %dma_start3A_860 = tpu.memref_slice %arg8[%dma_start3A_858, %dma_start3A_859] : memref<8x50xi32, #tpu.memory_space<vmem>> -> memref<1x50xi32, #tpu.memory_space<vmem>>
        %dma_start3A_861 = tpu.memref_squeeze %dma_start3A_860 : memref<1x50xi32, #tpu.memory_space<vmem>> -> memref<50xi32, #tpu.memory_space<vmem>>
        %dma_start3A_862 = arith.constant 0 : i32
        %dma_start3A_863 = tpu.memref_slice %arg4[%add3A, %add3A_735, %dma_start3A_862] : memref<32x200x50xi32, #tpu.memory_space<hbm>> -> memref<1x1x50xi32, #tpu.memory_space<hbm>>
        %dma_start3A_864 = tpu.memref_squeeze %dma_start3A_863 : memref<1x1x50xi32, #tpu.memory_space<hbm>> -> memref<50xi32, #tpu.memory_space<hbm>>
        %dma_start3A_865 = arith.constant 0 : i32
        %dma_start3A_866 = tpu.memref_slice %arg8[%dma_start3A_858, %dma_start3A_865] : memref<8x50xi32, #tpu.memory_space<vmem>> -> memref<1x50xi32, #tpu.memory_space<vmem>>
        %dma_start3A_867 = tpu.memref_squeeze %dma_start3A_866 : memref<1x50xi32, #tpu.memory_space<vmem>> -> memref<50xi32, #tpu.memory_space<vmem>>
        %dma_start3A_868 = arith.constant 0 : i32
        %dma_start3A_869 = tpu.memref_slice %arg4[%add3A, %add3A_735, %dma_start3A_868] : memref<32x200x50xi32, #tpu.memory_space<hbm>> -> memref<1x1x50xi32, #tpu.memory_space<hbm>>
        %dma_start3A_870 = tpu.memref_squeeze %dma_start3A_869 : memref<1x1x50xi32, #tpu.memory_space<hbm>> -> memref<50xi32, #tpu.memory_space<hbm>>
        tpu.enqueue_dma source(%dma_start3A_870 : memref<50xi32, #tpu.memory_space<hbm>>) target(%dma_start3A_867 : memref<50xi32, #tpu.memory_space<vmem>>) target_semaphore(%arg16 : memref<!tpu.dma_semaphore, #tpu.memory_space<semaphore_mem>>)
      } else {
      }
      %add3A_741 = arith.constant 6 : i32
      %add3A_742 = arith.addi %add3A_429, %add3A_741 : i32
      %dma_wait3A_743 = arith.constant 6 : i32
      %dma_wait3A_744 = arith.constant 2 : i32
      %dma_wait3A_745 = arith.constant 0 : i32
      %dma_wait3A_746 = arith.constant 0 : i32
      %dma_wait3A_747 = tpu.memref_slice %arg9[%dma_wait3A_744, %dma_wait3A_745, %dma_wait3A_746] : memref<4x50x128xf32, #tpu.memory_space<vmem>> -> memref<1x50x128xf32, #tpu.memory_space<vmem>>
      %dma_wait3A_748 = tpu.memref_squeeze %dma_wait3A_747 : memref<1x50x128xf32, #tpu.memory_space<vmem>> -> memref<50x128xf32, #tpu.memory_space<vmem>>
      %dma_wait3A_749 = arith.constant 0 : i32
      %dma_wait3A_750 = tpu.memref_slice %arg7[%dma_wait3A_743, %dma_wait3A_749] : memref<8x50xi32, #tpu.memory_space<vmem>> -> memref<1x50xi32, #tpu.memory_space<vmem>>
      %dma_wait3A_751 = tpu.memref_squeeze %dma_wait3A_750 : memref<1x50xi32, #tpu.memory_space<vmem>> -> memref<50xi32, #tpu.memory_space<vmem>>
      %dma_wait3A_752 = arith.constant 0 : i32
      %dma_wait3A_753 = arith.constant 0 : i32
      %dma_wait3A_754 = tpu.memref_slice %arg2[%dma_wait3A_752, %dma_wait3A_753] : memref<10000x128xf32, #tpu.memory_space<hbm>> -> memref<10000x128xf32, #tpu.memory_space<hbm>>
      tpu.wait_indirect_dma semaphore(%arg21 : memref<!tpu.dma_semaphore, #tpu.memory_space<semaphore_mem>>) src(%dma_wait3A_754 : memref<10000x128xf32, #tpu.memory_space<hbm>>) dst(%dma_wait3A_748 : memref<50x128xf32, #tpu.memory_space<vmem>>)
      %dma_start3A_755 = arith.constant 2 : i32
      %dma_start3A_756 = arith.constant 6 : i32
      %dma_start3A_757 = arith.constant 0 : i32
      %dma_start3A_758 = arith.constant 0 : i32
      %dma_start3A_759 = tpu.memref_slice %arg9[%dma_start3A_755, %dma_start3A_757, %dma_start3A_758] : memref<4x50x128xf32, #tpu.memory_space<vmem>> -> memref<1x50x128xf32, #tpu.memory_space<vmem>>
      %dma_start3A_760 = tpu.memref_squeeze %dma_start3A_759 : memref<1x50x128xf32, #tpu.memory_space<vmem>> -> memref<50x128xf32, #tpu.memory_space<vmem>>
      %dma_start3A_761 = arith.constant 0 : i32
      %dma_start3A_762 = tpu.memref_slice %arg8[%dma_start3A_756, %dma_start3A_761] : memref<8x50xi32, #tpu.memory_space<vmem>> -> memref<1x50xi32, #tpu.memory_space<vmem>>
      %dma_start3A_763 = tpu.memref_squeeze %dma_start3A_762 : memref<1x50xi32, #tpu.memory_space<vmem>> -> memref<50xi32, #tpu.memory_space<vmem>>
      %dma_start3A_764 = arith.constant 0 : i32
      %dma_start3A_765 = arith.constant 0 : i32
      %dma_start3A_766 = tpu.memref_slice %arg6[%dma_start3A_764, %dma_start3A_765] : memref<10000x128xf32, #tpu.memory_space<vmem_shared>> -> memref<10000x128xf32, #tpu.memory_space<vmem_shared>>
      tpu.enqueue_indirect_dma source(%dma_start3A_760 : memref<50x128xf32, #tpu.memory_space<vmem>>) target(%dma_start3A_766 : memref<10000x128xf32, #tpu.memory_space<vmem_shared>>) offsets(%dma_start3A_763 : memref<50xi32, #tpu.memory_space<vmem>>) semaphore(%arg25 : memref<!tpu.dma_semaphore, #tpu.memory_space<semaphore_mem>>) {add = true}
      %dma_wait3A_767 = arith.constant 2 : i32
      %dma_wait3A_768 = arith.constant 6 : i32
      %dma_wait3A_769 = arith.constant 0 : i32
      %dma_wait3A_770 = arith.constant 0 : i32
      %dma_wait3A_771 = tpu.memref_slice %arg9[%dma_wait3A_767, %dma_wait3A_769, %dma_wait3A_770] : memref<4x50x128xf32, #tpu.memory_space<vmem>> -> memref<1x50x128xf32, #tpu.memory_space<vmem>>
      %dma_wait3A_772 = tpu.memref_squeeze %dma_wait3A_771 : memref<1x50x128xf32, #tpu.memory_space<vmem>> -> memref<50x128xf32, #tpu.memory_space<vmem>>
      %dma_wait3A_773 = arith.constant 0 : i32
      %dma_wait3A_774 = tpu.memref_slice %arg8[%dma_wait3A_768, %dma_wait3A_773] : memref<8x50xi32, #tpu.memory_space<vmem>> -> memref<1x50xi32, #tpu.memory_space<vmem>>
      %dma_wait3A_775 = tpu.memref_squeeze %dma_wait3A_774 : memref<1x50xi32, #tpu.memory_space<vmem>> -> memref<50xi32, #tpu.memory_space<vmem>>
      %dma_wait3A_776 = arith.constant 0 : i32
      %dma_wait3A_777 = arith.constant 0 : i32
      %dma_wait3A_778 = tpu.memref_slice %arg6[%dma_wait3A_776, %dma_wait3A_777] : memref<10000x128xf32, #tpu.memory_space<vmem_shared>> -> memref<10000x128xf32, #tpu.memory_space<vmem_shared>>
      tpu.wait_indirect_dma semaphore(%arg25 : memref<!tpu.dma_semaphore, #tpu.memory_space<semaphore_mem>>) src(%dma_wait3A_772 : memref<50x128xf32, #tpu.memory_space<vmem>>) dst(%dma_wait3A_778 : memref<10000x128xf32, #tpu.memory_space<vmem_shared>>)
      %add3A_779 = arith.constant 4 : i32
      %add3A_780 = arith.addi %add3A_742, %add3A_779 : i32
      %lt3A_781 = arith.constant 200 : i32
      %lt3A_782 = arith.cmpi slt, %add3A_780, %lt3A_781 : i32
      %convert_element_type3A_783 = arith.extui %lt3A_782 : i1 to i32
      %cond3A_784 = arith.constant 0 : i32
      %cond3A_785 = arith.cmpi ne, %convert_element_type3A_783, %cond3A_784 : i32
      scf.if %cond3A_785 {
        %dma_wait3A_845 = arith.constant 2 : i32
        %dma_wait3A_846 = arith.constant 0 : i32
        %dma_wait3A_847 = tpu.memref_slice %arg7[%dma_wait3A_845, %dma_wait3A_846] : memref<8x50xi32, #tpu.memory_space<vmem>> -> memref<1x50xi32, #tpu.memory_space<vmem>>
        %dma_wait3A_848 = tpu.memref_squeeze %dma_wait3A_847 : memref<1x50xi32, #tpu.memory_space<vmem>> -> memref<50xi32, #tpu.memory_space<vmem>>
        %dma_wait3A_849 = arith.constant 0 : i32
        %dma_wait3A_850 = tpu.memref_slice %arg3[%add3A, %add3A_780, %dma_wait3A_849] : memref<32x200x50xi32, #tpu.memory_space<hbm>> -> memref<1x1x50xi32, #tpu.memory_space<hbm>>
        %dma_wait3A_851 = tpu.memref_squeeze %dma_wait3A_850 : memref<1x1x50xi32, #tpu.memory_space<hbm>> -> memref<50xi32, #tpu.memory_space<hbm>>
        %dma_wait3A_852 = arith.constant 0 : i32
        %dma_wait3A_853 = tpu.memref_slice %arg7[%dma_wait3A_845, %dma_wait3A_852] : memref<8x50xi32, #tpu.memory_space<vmem>> -> memref<1x50xi32, #tpu.memory_space<vmem>>
        %dma_wait3A_854 = tpu.memref_squeeze %dma_wait3A_853 : memref<1x50xi32, #tpu.memory_space<vmem>> -> memref<50xi32, #tpu.memory_space<vmem>>
        %dma_wait3A_855 = arith.constant 0 : i32
        %dma_wait3A_856 = tpu.memref_slice %arg3[%add3A, %add3A_780, %dma_wait3A_855] : memref<32x200x50xi32, #tpu.memory_space<hbm>> -> memref<1x1x50xi32, #tpu.memory_space<hbm>>
        %dma_wait3A_857 = tpu.memref_squeeze %dma_wait3A_856 : memref<1x1x50xi32, #tpu.memory_space<hbm>> -> memref<50xi32, #tpu.memory_space<hbm>>
        tpu.wait_dma2 semaphore(%arg13 : memref<!tpu.dma_semaphore, #tpu.memory_space<semaphore_mem>>) src(%dma_wait3A_857 : memref<50xi32, #tpu.memory_space<hbm>>) dst(%dma_wait3A_854 : memref<50xi32, #tpu.memory_space<vmem>>)
        %dma_wait3A_858 = arith.constant 2 : i32
        %dma_wait3A_859 = arith.constant 0 : i32
        %dma_wait3A_860 = tpu.memref_slice %arg8[%dma_wait3A_858, %dma_wait3A_859] : memref<8x50xi32, #tpu.memory_space<vmem>> -> memref<1x50xi32, #tpu.memory_space<vmem>>
        %dma_wait3A_861 = tpu.memref_squeeze %dma_wait3A_860 : memref<1x50xi32, #tpu.memory_space<vmem>> -> memref<50xi32, #tpu.memory_space<vmem>>
        %dma_wait3A_862 = arith.constant 0 : i32
        %dma_wait3A_863 = tpu.memref_slice %arg4[%add3A, %add3A_780, %dma_wait3A_862] : memref<32x200x50xi32, #tpu.memory_space<hbm>> -> memref<1x1x50xi32, #tpu.memory_space<hbm>>
        %dma_wait3A_864 = tpu.memref_squeeze %dma_wait3A_863 : memref<1x1x50xi32, #tpu.memory_space<hbm>> -> memref<50xi32, #tpu.memory_space<hbm>>
        %dma_wait3A_865 = arith.constant 0 : i32
        %dma_wait3A_866 = tpu.memref_slice %arg8[%dma_wait3A_858, %dma_wait3A_865] : memref<8x50xi32, #tpu.memory_space<vmem>> -> memref<1x50xi32, #tpu.memory_space<vmem>>
        %dma_wait3A_867 = tpu.memref_squeeze %dma_wait3A_866 : memref<1x50xi32, #tpu.memory_space<vmem>> -> memref<50xi32, #tpu.memory_space<vmem>>
        %dma_wait3A_868 = arith.constant 0 : i32
        %dma_wait3A_869 = tpu.memref_slice %arg4[%add3A, %add3A_780, %dma_wait3A_868] : memref<32x200x50xi32, #tpu.memory_space<hbm>> -> memref<1x1x50xi32, #tpu.memory_space<hbm>>
        %dma_wait3A_870 = tpu.memref_squeeze %dma_wait3A_869 : memref<1x1x50xi32, #tpu.memory_space<hbm>> -> memref<50xi32, #tpu.memory_space<hbm>>
        tpu.wait_dma2 semaphore(%arg13 : memref<!tpu.dma_semaphore, #tpu.memory_space<semaphore_mem>>) src(%dma_wait3A_870 : memref<50xi32, #tpu.memory_space<hbm>>) dst(%dma_wait3A_867 : memref<50xi32, #tpu.memory_space<vmem>>)
        %dma_start3A_871 = arith.constant 2 : i32
        %dma_start3A_872 = arith.constant 2 : i32
        %dma_start3A_873 = arith.constant 0 : i32
        %dma_start3A_874 = arith.constant 0 : i32
        %dma_start3A_875 = tpu.memref_slice %arg9[%dma_start3A_872, %dma_start3A_873, %dma_start3A_874] : memref<4x50x128xf32, #tpu.memory_space<vmem>> -> memref<1x50x128xf32, #tpu.memory_space<vmem>>
        %dma_start3A_876 = tpu.memref_squeeze %dma_start3A_875 : memref<1x50x128xf32, #tpu.memory_space<vmem>> -> memref<50x128xf32, #tpu.memory_space<vmem>>
        %dma_start3A_877 = arith.constant 0 : i32
        %dma_start3A_878 = tpu.memref_slice %arg7[%dma_start3A_871, %dma_start3A_877] : memref<8x50xi32, #tpu.memory_space<vmem>> -> memref<1x50xi32, #tpu.memory_space<vmem>>
        %dma_start3A_879 = tpu.memref_squeeze %dma_start3A_878 : memref<1x50xi32, #tpu.memory_space<vmem>> -> memref<50xi32, #tpu.memory_space<vmem>>
        %dma_start3A_880 = arith.constant 0 : i32
        %dma_start3A_881 = arith.constant 0 : i32
        %dma_start3A_882 = tpu.memref_slice %arg2[%dma_start3A_880, %dma_start3A_881] : memref<10000x128xf32, #tpu.memory_space<hbm>> -> memref<10000x128xf32, #tpu.memory_space<hbm>>
        tpu.enqueue_indirect_dma source(%dma_start3A_882 : memref<10000x128xf32, #tpu.memory_space<hbm>>) target(%dma_start3A_876 : memref<50x128xf32, #tpu.memory_space<vmem>>) offsets(%dma_start3A_879 : memref<50xi32, #tpu.memory_space<vmem>>) semaphore(%arg21 : memref<!tpu.dma_semaphore, #tpu.memory_space<semaphore_mem>>)
      } else {
      }
      %add3A_786 = arith.constant 8 : i32
      %add3A_787 = arith.addi %add3A_742, %add3A_786 : i32
      %lt3A_788 = arith.constant 200 : i32
      %lt3A_789 = arith.cmpi slt, %add3A_787, %lt3A_788 : i32
      %convert_element_type3A_790 = arith.extui %lt3A_789 : i1 to i32
      %cond3A_791 = arith.constant 0 : i32
      %cond3A_792 = arith.cmpi ne, %convert_element_type3A_790, %cond3A_791 : i32
      scf.if %cond3A_792 {
        %dma_start3A_845 = arith.constant 6 : i32
        %dma_start3A_846 = arith.constant 0 : i32
        %dma_start3A_847 = tpu.memref_slice %arg7[%dma_start3A_845, %dma_start3A_846] : memref<8x50xi32, #tpu.memory_space<vmem>> -> memref<1x50xi32, #tpu.memory_space<vmem>>
        %dma_start3A_848 = tpu.memref_squeeze %dma_start3A_847 : memref<1x50xi32, #tpu.memory_space<vmem>> -> memref<50xi32, #tpu.memory_space<vmem>>
        %dma_start3A_849 = arith.constant 0 : i32
        %dma_start3A_850 = tpu.memref_slice %arg3[%add3A, %add3A_787, %dma_start3A_849] : memref<32x200x50xi32, #tpu.memory_space<hbm>> -> memref<1x1x50xi32, #tpu.memory_space<hbm>>
        %dma_start3A_851 = tpu.memref_squeeze %dma_start3A_850 : memref<1x1x50xi32, #tpu.memory_space<hbm>> -> memref<50xi32, #tpu.memory_space<hbm>>
        %dma_start3A_852 = arith.constant 0 : i32
        %dma_start3A_853 = tpu.memref_slice %arg7[%dma_start3A_845, %dma_start3A_852] : memref<8x50xi32, #tpu.memory_space<vmem>> -> memref<1x50xi32, #tpu.memory_space<vmem>>
        %dma_start3A_854 = tpu.memref_squeeze %dma_start3A_853 : memref<1x50xi32, #tpu.memory_space<vmem>> -> memref<50xi32, #tpu.memory_space<vmem>>
        %dma_start3A_855 = arith.constant 0 : i32
        %dma_start3A_856 = tpu.memref_slice %arg3[%add3A, %add3A_787, %dma_start3A_855] : memref<32x200x50xi32, #tpu.memory_space<hbm>> -> memref<1x1x50xi32, #tpu.memory_space<hbm>>
        %dma_start3A_857 = tpu.memref_squeeze %dma_start3A_856 : memref<1x1x50xi32, #tpu.memory_space<hbm>> -> memref<50xi32, #tpu.memory_space<hbm>>
        tpu.enqueue_dma source(%dma_start3A_857 : memref<50xi32, #tpu.memory_space<hbm>>) target(%dma_start3A_854 : memref<50xi32, #tpu.memory_space<vmem>>) target_semaphore(%arg17 : memref<!tpu.dma_semaphore, #tpu.memory_space<semaphore_mem>>)
        %dma_start3A_858 = arith.constant 6 : i32
        %dma_start3A_859 = arith.constant 0 : i32
        %dma_start3A_860 = tpu.memref_slice %arg8[%dma_start3A_858, %dma_start3A_859] : memref<8x50xi32, #tpu.memory_space<vmem>> -> memref<1x50xi32, #tpu.memory_space<vmem>>
        %dma_start3A_861 = tpu.memref_squeeze %dma_start3A_860 : memref<1x50xi32, #tpu.memory_space<vmem>> -> memref<50xi32, #tpu.memory_space<vmem>>
        %dma_start3A_862 = arith.constant 0 : i32
        %dma_start3A_863 = tpu.memref_slice %arg4[%add3A, %add3A_787, %dma_start3A_862] : memref<32x200x50xi32, #tpu.memory_space<hbm>> -> memref<1x1x50xi32, #tpu.memory_space<hbm>>
        %dma_start3A_864 = tpu.memref_squeeze %dma_start3A_863 : memref<1x1x50xi32, #tpu.memory_space<hbm>> -> memref<50xi32, #tpu.memory_space<hbm>>
        %dma_start3A_865 = arith.constant 0 : i32
        %dma_start3A_866 = tpu.memref_slice %arg8[%dma_start3A_858, %dma_start3A_865] : memref<8x50xi32, #tpu.memory_space<vmem>> -> memref<1x50xi32, #tpu.memory_space<vmem>>
        %dma_start3A_867 = tpu.memref_squeeze %dma_start3A_866 : memref<1x50xi32, #tpu.memory_space<vmem>> -> memref<50xi32, #tpu.memory_space<vmem>>
        %dma_start3A_868 = arith.constant 0 : i32
        %dma_start3A_869 = tpu.memref_slice %arg4[%add3A, %add3A_787, %dma_start3A_868] : memref<32x200x50xi32, #tpu.memory_space<hbm>> -> memref<1x1x50xi32, #tpu.memory_space<hbm>>
        %dma_start3A_870 = tpu.memref_squeeze %dma_start3A_869 : memref<1x1x50xi32, #tpu.memory_space<hbm>> -> memref<50xi32, #tpu.memory_space<hbm>>
        tpu.enqueue_dma source(%dma_start3A_870 : memref<50xi32, #tpu.memory_space<hbm>>) target(%dma_start3A_867 : memref<50xi32, #tpu.memory_space<vmem>>) target_semaphore(%arg17 : memref<!tpu.dma_semaphore, #tpu.memory_space<semaphore_mem>>)
      } else {
      }
      %add3A_793 = arith.constant 7 : i32
      %add3A_794 = arith.addi %add3A_429, %add3A_793 : i32
      %dma_wait3A_795 = arith.constant 7 : i32
      %dma_wait3A_796 = arith.constant 3 : i32
      %dma_wait3A_797 = arith.constant 0 : i32
      %dma_wait3A_798 = arith.constant 0 : i32
      %dma_wait3A_799 = tpu.memref_slice %arg9[%dma_wait3A_796, %dma_wait3A_797, %dma_wait3A_798] : memref<4x50x128xf32, #tpu.memory_space<vmem>> -> memref<1x50x128xf32, #tpu.memory_space<vmem>>
      %dma_wait3A_800 = tpu.memref_squeeze %dma_wait3A_799 : memref<1x50x128xf32, #tpu.memory_space<vmem>> -> memref<50x128xf32, #tpu.memory_space<vmem>>
      %dma_wait3A_801 = arith.constant 0 : i32
      %dma_wait3A_802 = tpu.memref_slice %arg7[%dma_wait3A_795, %dma_wait3A_801] : memref<8x50xi32, #tpu.memory_space<vmem>> -> memref<1x50xi32, #tpu.memory_space<vmem>>
      %dma_wait3A_803 = tpu.memref_squeeze %dma_wait3A_802 : memref<1x50xi32, #tpu.memory_space<vmem>> -> memref<50xi32, #tpu.memory_space<vmem>>
      %dma_wait3A_804 = arith.constant 0 : i32
      %dma_wait3A_805 = arith.constant 0 : i32
      %dma_wait3A_806 = tpu.memref_slice %arg2[%dma_wait3A_804, %dma_wait3A_805] : memref<10000x128xf32, #tpu.memory_space<hbm>> -> memref<10000x128xf32, #tpu.memory_space<hbm>>
      tpu.wait_indirect_dma semaphore(%arg22 : memref<!tpu.dma_semaphore, #tpu.memory_space<semaphore_mem>>) src(%dma_wait3A_806 : memref<10000x128xf32, #tpu.memory_space<hbm>>) dst(%dma_wait3A_800 : memref<50x128xf32, #tpu.memory_space<vmem>>)
      %dma_start3A_807 = arith.constant 3 : i32
      %dma_start3A_808 = arith.constant 7 : i32
      %dma_start3A_809 = arith.constant 0 : i32
      %dma_start3A_810 = arith.constant 0 : i32
      %dma_start3A_811 = tpu.memref_slice %arg9[%dma_start3A_807, %dma_start3A_809, %dma_start3A_810] : memref<4x50x128xf32, #tpu.memory_space<vmem>> -> memref<1x50x128xf32, #tpu.memory_space<vmem>>
      %dma_start3A_812 = tpu.memref_squeeze %dma_start3A_811 : memref<1x50x128xf32, #tpu.memory_space<vmem>> -> memref<50x128xf32, #tpu.memory_space<vmem>>
      %dma_start3A_813 = arith.constant 0 : i32
      %dma_start3A_814 = tpu.memref_slice %arg8[%dma_start3A_808, %dma_start3A_813] : memref<8x50xi32, #tpu.memory_space<vmem>> -> memref<1x50xi32, #tpu.memory_space<vmem>>
      %dma_start3A_815 = tpu.memref_squeeze %dma_start3A_814 : memref<1x50xi32, #tpu.memory_space<vmem>> -> memref<50xi32, #tpu.memory_space<vmem>>
      %dma_start3A_816 = arith.constant 0 : i32
      %dma_start3A_817 = arith.constant 0 : i32
      %dma_start3A_818 = tpu.memref_slice %arg6[%dma_start3A_816, %dma_start3A_817] : memref<10000x128xf32, #tpu.memory_space<vmem_shared>> -> memref<10000x128xf32, #tpu.memory_space<vmem_shared>>
      tpu.enqueue_indirect_dma source(%dma_start3A_812 : memref<50x128xf32, #tpu.memory_space<vmem>>) target(%dma_start3A_818 : memref<10000x128xf32, #tpu.memory_space<vmem_shared>>) offsets(%dma_start3A_815 : memref<50xi32, #tpu.memory_space<vmem>>) semaphore(%arg26 : memref<!tpu.dma_semaphore, #tpu.memory_space<semaphore_mem>>) {add = true}
      %dma_wait3A_819 = arith.constant 3 : i32
      %dma_wait3A_820 = arith.constant 7 : i32
      %dma_wait3A_821 = arith.constant 0 : i32
      %dma_wait3A_822 = arith.constant 0 : i32
      %dma_wait3A_823 = tpu.memref_slice %arg9[%dma_wait3A_819, %dma_wait3A_821, %dma_wait3A_822] : memref<4x50x128xf32, #tpu.memory_space<vmem>> -> memref<1x50x128xf32, #tpu.memory_space<vmem>>
      %dma_wait3A_824 = tpu.memref_squeeze %dma_wait3A_823 : memref<1x50x128xf32, #tpu.memory_space<vmem>> -> memref<50x128xf32, #tpu.memory_space<vmem>>
      %dma_wait3A_825 = arith.constant 0 : i32
      %dma_wait3A_826 = tpu.memref_slice %arg8[%dma_wait3A_820, %dma_wait3A_825] : memref<8x50xi32, #tpu.memory_space<vmem>> -> memref<1x50xi32, #tpu.memory_space<vmem>>
      %dma_wait3A_827 = tpu.memref_squeeze %dma_wait3A_826 : memref<1x50xi32, #tpu.memory_space<vmem>> -> memref<50xi32, #tpu.memory_space<vmem>>
      %dma_wait3A_828 = arith.constant 0 : i32
      %dma_wait3A_829 = arith.constant 0 : i32
      %dma_wait3A_830 = tpu.memref_slice %arg6[%dma_wait3A_828, %dma_wait3A_829] : memref<10000x128xf32, #tpu.memory_space<vmem_shared>> -> memref<10000x128xf32, #tpu.memory_space<vmem_shared>>
      tpu.wait_indirect_dma semaphore(%arg26 : memref<!tpu.dma_semaphore, #tpu.memory_space<semaphore_mem>>) src(%dma_wait3A_824 : memref<50x128xf32, #tpu.memory_space<vmem>>) dst(%dma_wait3A_830 : memref<10000x128xf32, #tpu.memory_space<vmem_shared>>)
      %add3A_831 = arith.constant 4 : i32
      %add3A_832 = arith.addi %add3A_794, %add3A_831 : i32
      %lt3A_833 = arith.constant 200 : i32
      %lt3A_834 = arith.cmpi slt, %add3A_832, %lt3A_833 : i32
      %convert_element_type3A_835 = arith.extui %lt3A_834 : i1 to i32
      %cond3A_836 = arith.constant 0 : i32
      %cond3A_837 = arith.cmpi ne, %convert_element_type3A_835, %cond3A_836 : i32
      scf.if %cond3A_837 {
        %dma_wait3A_845 = arith.constant 3 : i32
        %dma_wait3A_846 = arith.constant 0 : i32
        %dma_wait3A_847 = tpu.memref_slice %arg7[%dma_wait3A_845, %dma_wait3A_846] : memref<8x50xi32, #tpu.memory_space<vmem>> -> memref<1x50xi32, #tpu.memory_space<vmem>>
        %dma_wait3A_848 = tpu.memref_squeeze %dma_wait3A_847 : memref<1x50xi32, #tpu.memory_space<vmem>> -> memref<50xi32, #tpu.memory_space<vmem>>
        %dma_wait3A_849 = arith.constant 0 : i32
        %dma_wait3A_850 = tpu.memref_slice %arg3[%add3A, %add3A_832, %dma_wait3A_849] : memref<32x200x50xi32, #tpu.memory_space<hbm>> -> memref<1x1x50xi32, #tpu.memory_space<hbm>>
        %dma_wait3A_851 = tpu.memref_squeeze %dma_wait3A_850 : memref<1x1x50xi32, #tpu.memory_space<hbm>> -> memref<50xi32, #tpu.memory_space<hbm>>
        %dma_wait3A_852 = arith.constant 0 : i32
        %dma_wait3A_853 = tpu.memref_slice %arg7[%dma_wait3A_845, %dma_wait3A_852] : memref<8x50xi32, #tpu.memory_space<vmem>> -> memref<1x50xi32, #tpu.memory_space<vmem>>
        %dma_wait3A_854 = tpu.memref_squeeze %dma_wait3A_853 : memref<1x50xi32, #tpu.memory_space<vmem>> -> memref<50xi32, #tpu.memory_space<vmem>>
        %dma_wait3A_855 = arith.constant 0 : i32
        %dma_wait3A_856 = tpu.memref_slice %arg3[%add3A, %add3A_832, %dma_wait3A_855] : memref<32x200x50xi32, #tpu.memory_space<hbm>> -> memref<1x1x50xi32, #tpu.memory_space<hbm>>
        %dma_wait3A_857 = tpu.memref_squeeze %dma_wait3A_856 : memref<1x1x50xi32, #tpu.memory_space<hbm>> -> memref<50xi32, #tpu.memory_space<hbm>>
        tpu.wait_dma2 semaphore(%arg14 : memref<!tpu.dma_semaphore, #tpu.memory_space<semaphore_mem>>) src(%dma_wait3A_857 : memref<50xi32, #tpu.memory_space<hbm>>) dst(%dma_wait3A_854 : memref<50xi32, #tpu.memory_space<vmem>>)
        %dma_wait3A_858 = arith.constant 3 : i32
        %dma_wait3A_859 = arith.constant 0 : i32
        %dma_wait3A_860 = tpu.memref_slice %arg8[%dma_wait3A_858, %dma_wait3A_859] : memref<8x50xi32, #tpu.memory_space<vmem>> -> memref<1x50xi32, #tpu.memory_space<vmem>>
        %dma_wait3A_861 = tpu.memref_squeeze %dma_wait3A_860 : memref<1x50xi32, #tpu.memory_space<vmem>> -> memref<50xi32, #tpu.memory_space<vmem>>
        %dma_wait3A_862 = arith.constant 0 : i32
        %dma_wait3A_863 = tpu.memref_slice %arg4[%add3A, %add3A_832, %dma_wait3A_862] : memref<32x200x50xi32, #tpu.memory_space<hbm>> -> memref<1x1x50xi32, #tpu.memory_space<hbm>>
        %dma_wait3A_864 = tpu.memref_squeeze %dma_wait3A_863 : memref<1x1x50xi32, #tpu.memory_space<hbm>> -> memref<50xi32, #tpu.memory_space<hbm>>
        %dma_wait3A_865 = arith.constant 0 : i32
        %dma_wait3A_866 = tpu.memref_slice %arg8[%dma_wait3A_858, %dma_wait3A_865] : memref<8x50xi32, #tpu.memory_space<vmem>> -> memref<1x50xi32, #tpu.memory_space<vmem>>
        %dma_wait3A_867 = tpu.memref_squeeze %dma_wait3A_866 : memref<1x50xi32, #tpu.memory_space<vmem>> -> memref<50xi32, #tpu.memory_space<vmem>>
        %dma_wait3A_868 = arith.constant 0 : i32
        %dma_wait3A_869 = tpu.memref_slice %arg4[%add3A, %add3A_832, %dma_wait3A_868] : memref<32x200x50xi32, #tpu.memory_space<hbm>> -> memref<1x1x50xi32, #tpu.memory_space<hbm>>
        %dma_wait3A_870 = tpu.memref_squeeze %dma_wait3A_869 : memref<1x1x50xi32, #tpu.memory_space<hbm>> -> memref<50xi32, #tpu.memory_space<hbm>>
        tpu.wait_dma2 semaphore(%arg14 : memref<!tpu.dma_semaphore, #tpu.memory_space<semaphore_mem>>) src(%dma_wait3A_870 : memref<50xi32, #tpu.memory_space<hbm>>) dst(%dma_wait3A_867 : memref<50xi32, #tpu.memory_space<vmem>>)
        %dma_start3A_871 = arith.constant 3 : i32
        %dma_start3A_872 = arith.constant 3 : i32
        %dma_start3A_873 = arith.constant 0 : i32
        %dma_start3A_874 = arith.constant 0 : i32
        %dma_start3A_875 = tpu.memref_slice %arg9[%dma_start3A_872, %dma_start3A_873, %dma_start3A_874] : memref<4x50x128xf32, #tpu.memory_space<vmem>> -> memref<1x50x128xf32, #tpu.memory_space<vmem>>
        %dma_start3A_876 = tpu.memref_squeeze %dma_start3A_875 : memref<1x50x128xf32, #tpu.memory_space<vmem>> -> memref<50x128xf32, #tpu.memory_space<vmem>>
        %dma_start3A_877 = arith.constant 0 : i32
        %dma_start3A_878 = tpu.memref_slice %arg7[%dma_start3A_871, %dma_start3A_877] : memref<8x50xi32, #tpu.memory_space<vmem>> -> memref<1x50xi32, #tpu.memory_space<vmem>>
        %dma_start3A_879 = tpu.memref_squeeze %dma_start3A_878 : memref<1x50xi32, #tpu.memory_space<vmem>> -> memref<50xi32, #tpu.memory_space<vmem>>
        %dma_start3A_880 = arith.constant 0 : i32
        %dma_start3A_881 = arith.constant 0 : i32
        %dma_start3A_882 = tpu.memref_slice %arg2[%dma_start3A_880, %dma_start3A_881] : memref<10000x128xf32, #tpu.memory_space<hbm>> -> memref<10000x128xf32, #tpu.memory_space<hbm>>
        tpu.enqueue_indirect_dma source(%dma_start3A_882 : memref<10000x128xf32, #tpu.memory_space<hbm>>) target(%dma_start3A_876 : memref<50x128xf32, #tpu.memory_space<vmem>>) offsets(%dma_start3A_879 : memref<50xi32, #tpu.memory_space<vmem>>) semaphore(%arg22 : memref<!tpu.dma_semaphore, #tpu.memory_space<semaphore_mem>>)
      } else {
      }
      %add3A_838 = arith.constant 8 : i32
      %add3A_839 = arith.addi %add3A_794, %add3A_838 : i32
      %lt3A_840 = arith.constant 200 : i32
      %lt3A_841 = arith.cmpi slt, %add3A_839, %lt3A_840 : i32
      %convert_element_type3A_842 = arith.extui %lt3A_841 : i1 to i32
      %cond3A_843 = arith.constant 0 : i32
      %cond3A_844 = arith.cmpi ne, %convert_element_type3A_842, %cond3A_843 : i32
      scf.if %cond3A_844 {
        %dma_start3A_845 = arith.constant 7 : i32
        %dma_start3A_846 = arith.constant 0 : i32
        %dma_start3A_847 = tpu.memref_slice %arg7[%dma_start3A_845, %dma_start3A_846] : memref<8x50xi32, #tpu.memory_space<vmem>> -> memref<1x50xi32, #tpu.memory_space<vmem>>
        %dma_start3A_848 = tpu.memref_squeeze %dma_start3A_847 : memref<1x50xi32, #tpu.memory_space<vmem>> -> memref<50xi32, #tpu.memory_space<vmem>>
        %dma_start3A_849 = arith.constant 0 : i32
        %dma_start3A_850 = tpu.memref_slice %arg3[%add3A, %add3A_839, %dma_start3A_849] : memref<32x200x50xi32, #tpu.memory_space<hbm>> -> memref<1x1x50xi32, #tpu.memory_space<hbm>>
        %dma_start3A_851 = tpu.memref_squeeze %dma_start3A_850 : memref<1x1x50xi32, #tpu.memory_space<hbm>> -> memref<50xi32, #tpu.memory_space<hbm>>
        %dma_start3A_852 = arith.constant 0 : i32
        %dma_start3A_853 = tpu.memref_slice %arg7[%dma_start3A_845, %dma_start3A_852] : memref<8x50xi32, #tpu.memory_space<vmem>> -> memref<1x50xi32, #tpu.memory_space<vmem>>
        %dma_start3A_854 = tpu.memref_squeeze %dma_start3A_853 : memref<1x50xi32, #tpu.memory_space<vmem>> -> memref<50xi32, #tpu.memory_space<vmem>>
        %dma_start3A_855 = arith.constant 0 : i32
        %dma_start3A_856 = tpu.memref_slice %arg3[%add3A, %add3A_839, %dma_start3A_855] : memref<32x200x50xi32, #tpu.memory_space<hbm>> -> memref<1x1x50xi32, #tpu.memory_space<hbm>>
        %dma_start3A_857 = tpu.memref_squeeze %dma_start3A_856 : memref<1x1x50xi32, #tpu.memory_space<hbm>> -> memref<50xi32, #tpu.memory_space<hbm>>
        tpu.enqueue_dma source(%dma_start3A_857 : memref<50xi32, #tpu.memory_space<hbm>>) target(%dma_start3A_854 : memref<50xi32, #tpu.memory_space<vmem>>) target_semaphore(%arg18 : memref<!tpu.dma_semaphore, #tpu.memory_space<semaphore_mem>>)
        %dma_start3A_858 = arith.constant 7 : i32
        %dma_start3A_859 = arith.constant 0 : i32
        %dma_start3A_860 = tpu.memref_slice %arg8[%dma_start3A_858, %dma_start3A_859] : memref<8x50xi32, #tpu.memory_space<vmem>> -> memref<1x50xi32, #tpu.memory_space<vmem>>
        %dma_start3A_861 = tpu.memref_squeeze %dma_start3A_860 : memref<1x50xi32, #tpu.memory_space<vmem>> -> memref<50xi32, #tpu.memory_space<vmem>>
        %dma_start3A_862 = arith.constant 0 : i32
        %dma_start3A_863 = tpu.memref_slice %arg4[%add3A, %add3A_839, %dma_start3A_862] : memref<32x200x50xi32, #tpu.memory_space<hbm>> -> memref<1x1x50xi32, #tpu.memory_space<hbm>>
        %dma_start3A_864 = tpu.memref_squeeze %dma_start3A_863 : memref<1x1x50xi32, #tpu.memory_space<hbm>> -> memref<50xi32, #tpu.memory_space<hbm>>
        %dma_start3A_865 = arith.constant 0 : i32
        %dma_start3A_866 = tpu.memref_slice %arg8[%dma_start3A_858, %dma_start3A_865] : memref<8x50xi32, #tpu.memory_space<vmem>> -> memref<1x50xi32, #tpu.memory_space<vmem>>
        %dma_start3A_867 = tpu.memref_squeeze %dma_start3A_866 : memref<1x50xi32, #tpu.memory_space<vmem>> -> memref<50xi32, #tpu.memory_space<vmem>>
        %dma_start3A_868 = arith.constant 0 : i32
        %dma_start3A_869 = tpu.memref_slice %arg4[%add3A, %add3A_839, %dma_start3A_868] : memref<32x200x50xi32, #tpu.memory_space<hbm>> -> memref<1x1x50xi32, #tpu.memory_space<hbm>>
        %dma_start3A_870 = tpu.memref_squeeze %dma_start3A_869 : memref<1x1x50xi32, #tpu.memory_space<hbm>> -> memref<50xi32, #tpu.memory_space<hbm>>
        tpu.enqueue_dma source(%dma_start3A_870 : memref<50xi32, #tpu.memory_space<hbm>>) target(%dma_start3A_867 : memref<50xi32, #tpu.memory_space<vmem>>) target_semaphore(%arg18 : memref<!tpu.dma_semaphore, #tpu.memory_space<semaphore_mem>>)
      } else {
      }
    }
    %scan3A_415 = arith.constant 25 : i32
    %barrier3A_416 = arith.constant 0 : index
    tpu.barrier barrier_id(%barrier3A_416)
    %mul3A_417 = arith.constant 10000 : i32
    %mul3A_418 = arith.muli %arg0, %mul3A_417 : i32
    %add3A_419 = arith.addi %mul3A_418, %mul3A_2 : i32
    "tpu.region"() ({
      %run_scoped3A = tpu.sem_alloc : memref<!tpu.dma_semaphore, #tpu.memory_space<semaphore_mem>>
      %dma_start3A_425 = arith.constant 0 : i32
      %dma_start3A_426 = tpu.memref_slice %arg5[%add3A_419, %dma_start3A_425] : memref<20000x128xf32, #tpu.memory_space<hbm>> -> memref<624x128xf32, #tpu.memory_space<hbm>>
      %dma_start3A_427 = arith.constant 0 : i32
      %dma_start3A_428 = tpu.memref_slice %arg6[%mul3A_2, %dma_start3A_427] : memref<10000x128xf32, #tpu.memory_space<vmem_shared>> -> memref<624x128xf32, #tpu.memory_space<vmem_shared>>
      tpu.enqueue_dma source(%dma_start3A_428 : memref<624x128xf32, #tpu.memory_space<vmem_shared>>) target(%dma_start3A_426 : memref<624x128xf32, #tpu.memory_space<hbm>>) target_semaphore(%run_scoped3A : memref<!tpu.dma_semaphore, #tpu.memory_space<semaphore_mem>>)
      %dma_wait3A_429 = arith.constant 0 : i32
      %dma_wait3A_430 = tpu.memref_slice %arg5[%add3A_419, %dma_wait3A_429] : memref<20000x128xf32, #tpu.memory_space<hbm>> -> memref<624x128xf32, #tpu.memory_space<hbm>>
      %dma_wait3A_431 = arith.constant 0 : i32
      %dma_wait3A_432 = tpu.memref_slice %arg6[%mul3A_2, %dma_wait3A_431] : memref<10000x128xf32, #tpu.memory_space<vmem_shared>> -> memref<624x128xf32, #tpu.memory_space<vmem_shared>>
      tpu.wait_dma2 semaphore(%run_scoped3A : memref<!tpu.dma_semaphore, #tpu.memory_space<semaphore_mem>>) src(%dma_wait3A_432 : memref<624x128xf32, #tpu.memory_space<vmem_shared>>) dst(%dma_wait3A_430 : memref<624x128xf32, #tpu.memory_space<hbm>>)
      tpu.yield
    }) : () -> ()
    %eq3A_420 = arith.constant 15 : i32
    %eq3A_421 = arith.cmpi eq, %arg1, %eq3A_420 : i32
    %convert_element_type3A_422 = arith.extui %eq3A_421 : i1 to i32
    %cond3A_423 = arith.constant 0 : i32
    %cond3A_424 = arith.cmpi ne, %convert_element_type3A_422, %cond3A_423 : i32
    scf.if %cond3A_424 {
      %mul3A_425 = arith.constant 10000 : i32
      %mul3A_426 = arith.muli %arg0, %mul3A_425 : i32
      %add3A_427 = arith.constant 9984 : i32
      %add3A_428 = arith.addi %mul3A_426, %add3A_427 : i32
      "tpu.region"() ({
        %run_scoped3A = tpu.sem_alloc : memref<!tpu.dma_semaphore, #tpu.memory_space<semaphore_mem>>
        %dma_start3A_429 = arith.constant 0 : i32
        %dma_start3A_430 = tpu.memref_slice %arg5[%add3A_428, %dma_start3A_429] : memref<20000x128xf32, #tpu.memory_space<hbm>> -> memref<16x128xf32, #tpu.memory_space<hbm>>
        %dma_start3A_431 = arith.constant 9984 : i32
        %dma_start3A_432 = arith.constant 0 : i32
        %dma_start3A_433 = tpu.memref_slice %arg6[%dma_start3A_431, %dma_start3A_432] : memref<10000x128xf32, #tpu.memory_space<vmem_shared>> -> memref<16x128xf32, #tpu.memory_space<vmem_shared>>
        tpu.enqueue_dma source(%dma_start3A_433 : memref<16x128xf32, #tpu.memory_space<vmem_shared>>) target(%dma_start3A_430 : memref<16x128xf32, #tpu.memory_space<hbm>>) target_semaphore(%run_scoped3A : memref<!tpu.dma_semaphore, #tpu.memory_space<semaphore_mem>>)
        %dma_wait3A_434 = arith.constant 0 : i32
        %dma_wait3A_435 = tpu.memref_slice %arg5[%add3A_428, %dma_wait3A_434] : memref<20000x128xf32, #tpu.memory_space<hbm>> -> memref<16x128xf32, #tpu.memory_space<hbm>>
        %dma_wait3A_436 = arith.constant 9984 : i32
        %dma_wait3A_437 = arith.constant 0 : i32
        %dma_wait3A_438 = tpu.memref_slice %arg6[%dma_wait3A_436, %dma_wait3A_437] : memref<10000x128xf32, #tpu.memory_space<vmem_shared>> -> memref<16x128xf32, #tpu.memory_space<vmem_shared>>
        tpu.wait_dma2 semaphore(%run_scoped3A : memref<!tpu.dma_semaphore, #tpu.memory_space<semaphore_mem>>) src(%dma_wait3A_438 : memref<16x128xf32, #tpu.memory_space<vmem_shared>>) dst(%dma_wait3A_435 : memref<16x128xf32, #tpu.memory_space<hbm>>)
        tpu.yield
      }) : () -> ()
    } else {
    }
    return
  }
}

module attributes {stable_mosaic.version = 14 : i64} {
  func.func @_mlp_bn_body(%arg0: memref<10000x128xf32, #tpu.memory_space<vmem>>, %arg1: memref<20000x128xf32, #tpu.memory_space<vmem>>, %arg2: memref<128x128xf32, #tpu.memory_space<vmem>>, %arg3: memref<1x128xf32, #tpu.memory_space<vmem>>, %arg4: memref<128x128xf32, #tpu.memory_space<vmem>>, %arg5: memref<1x128xf32, #tpu.memory_space<vmem>>, %arg6: memref<1x128xf32, #tpu.memory_space<vmem>>, %arg7: memref<1x128xf32, #tpu.memory_space<vmem>>, %arg8: memref<10000x128xf32, #tpu.memory_space<vmem>>) attributes {dimension_semantics = [], scalar_prefetch = 0 : i64, scratch_operands = 0 : i64, tpu.core_type = #tpu.core_type<tc>} {
    %get3A = arith.constant 0 : index
    %get3A_0 = arith.constant 0 : index
    %get3A_1 = vector.load %arg0[%get3A, %get3A_0] : memref<10000x128xf32, #tpu.memory_space<vmem>>, vector<10000x128xf32>
    %get3A_2 = arith.constant 0 : index
    %get3A_3 = arith.constant 0 : index
    %get3A_4 = vector.load %arg1[%get3A_2, %get3A_3] : memref<20000x128xf32, #tpu.memory_space<vmem>>, vector<10000x128xf32>
    %add3A = arith.addf %get3A_1, %get3A_4 : vector<10000x128xf32>
    %get3A_5 = arith.constant 10000 : index
    %get3A_6 = arith.constant 0 : index
    %get3A_7 = vector.load %arg1[%get3A_5, %get3A_6] : memref<20000x128xf32, #tpu.memory_space<vmem>>, vector<10000x128xf32>
    %add3A_8 = arith.addf %add3A, %get3A_7 : vector<10000x128xf32>
    %get3A_9 = arith.constant 0 : index
    %get3A_10 = arith.constant 0 : index
    %get3A_11 = vector.load %arg2[%get3A_9, %get3A_10] : memref<128x128xf32, #tpu.memory_space<vmem>>, vector<128x128xf32>
    %dot_general3A = arith.constant dense<0.000000e+00> : vector<10000x128xf32>
    %dot_general3A_12 = tpu.matmul %add3A_8, %get3A_11, %dot_general3A {dimension_numbers = #tpu.dot_dimension_numbers<[1], [0], [0], [1], [0, 0, 1, 1], [], []>, transpose_lhs_hint = false} : vector<10000x128xf32>, vector<128x128xf32>, vector<10000x128xf32> -> vector<10000x128xf32>
    %get3A_13 = arith.constant 0 : index
    %get3A_14 = arith.constant 0 : index
    %get3A_15 = vector.load %arg3[%get3A_13, %get3A_14] : memref<1x128xf32, #tpu.memory_space<vmem>>, vector<1x128xf32>
    %add3A_16 = vector.broadcast %get3A_15 : vector<1x128xf32> to vector<10000x128xf32>
    %add3A_17 = arith.addf %dot_general3A_12, %add3A_16 : vector<10000x128xf32>
    %max3A = arith.constant 0.000000e+00 : f32
    %max3A_18 = vector.broadcast %max3A : f32 to vector<10000x128xf32>
    %max3A_19 = arith.maximumf %add3A_17, %max3A_18 : vector<10000x128xf32>
    %get3A_20 = arith.constant 0 : index
    %get3A_21 = arith.constant 0 : index
    %get3A_22 = vector.load %arg4[%get3A_20, %get3A_21] : memref<128x128xf32, #tpu.memory_space<vmem>>, vector<128x128xf32>
    %dot_general3A_23 = arith.constant dense<0.000000e+00> : vector<10000x128xf32>
    %dot_general3A_24 = tpu.matmul %max3A_19, %get3A_22, %dot_general3A_23 {dimension_numbers = #tpu.dot_dimension_numbers<[1], [0], [0], [1], [0, 0, 1, 1], [], []>, transpose_lhs_hint = false} : vector<10000x128xf32>, vector<128x128xf32>, vector<10000x128xf32> -> vector<10000x128xf32>
    %get3A_25 = arith.constant 0 : index
    %get3A_26 = arith.constant 0 : index
    %get3A_27 = vector.load %arg5[%get3A_25, %get3A_26] : memref<1x128xf32, #tpu.memory_space<vmem>>, vector<1x128xf32>
    %add3A_28 = vector.broadcast %get3A_27 : vector<1x128xf32> to vector<10000x128xf32>
    %add3A_29 = arith.addf %dot_general3A_24, %add3A_28 : vector<10000x128xf32>
    %max3A_30 = arith.constant 0.000000e+00 : f32
    %max3A_31 = vector.broadcast %max3A_30 : f32 to vector<10000x128xf32>
    %max3A_32 = arith.maximumf %add3A_29, %max3A_31 : vector<10000x128xf32>
    %reduce_sum3A = arith.constant dense<0.000000e+00> : vector<128xf32>
    %reduce_sum3A_33 = vector.multi_reduction <add>, %max3A_32, %reduce_sum3A [0] : vector<10000x128xf32> to vector<128xf32>
    %broadcast_in_dim3A = vector.shape_cast %reduce_sum3A_33 : vector<128xf32> to vector<1x128xf32>
    %div3A = arith.constant 1.000000e+04 : f32
    %div3A_34 = vector.broadcast %div3A : f32 to vector<1x128xf32>
    %div3A_35 = arith.divf %broadcast_in_dim3A, %div3A_34 : vector<1x128xf32>
    %sub3A = vector.broadcast %div3A_35 : vector<1x128xf32> to vector<10000x128xf32>
    %sub3A_36 = arith.subf %max3A_32, %sub3A : vector<10000x128xf32>
    %mul3A = arith.mulf %sub3A_36, %sub3A_36 : vector<10000x128xf32>
    %reduce_sum3A_37 = arith.constant dense<0.000000e+00> : vector<128xf32>
    %reduce_sum3A_38 = vector.multi_reduction <add>, %mul3A, %reduce_sum3A_37 [0] : vector<10000x128xf32> to vector<128xf32>
    %broadcast_in_dim3A_39 = vector.shape_cast %reduce_sum3A_38 : vector<128xf32> to vector<1x128xf32>
    %div3A_40 = arith.constant 1.000000e+04 : f32
    %div3A_41 = vector.broadcast %div3A_40 : f32 to vector<1x128xf32>
    %div3A_42 = arith.divf %broadcast_in_dim3A_39, %div3A_41 : vector<1x128xf32>
    %add3A_43 = arith.constant 9.99999974E-6 : f32
    %add3A_44 = vector.broadcast %add3A_43 : f32 to vector<1x128xf32>
    %add3A_45 = arith.addf %div3A_42, %add3A_44 : vector<1x128xf32>
    %rsqrt3A = math.rsqrt %add3A_45 : vector<1x128xf32>
    %mul3A_46 = vector.broadcast %rsqrt3A : vector<1x128xf32> to vector<10000x128xf32>
    %mul3A_47 = arith.mulf %sub3A_36, %mul3A_46 : vector<10000x128xf32>
    %get3A_48 = arith.constant 0 : index
    %get3A_49 = arith.constant 0 : index
    %get3A_50 = vector.load %arg6[%get3A_48, %get3A_49] : memref<1x128xf32, #tpu.memory_space<vmem>>, vector<1x128xf32>
    %mul3A_51 = vector.broadcast %get3A_50 : vector<1x128xf32> to vector<10000x128xf32>
    %mul3A_52 = arith.mulf %mul3A_47, %mul3A_51 : vector<10000x128xf32>
    %get3A_53 = arith.constant 0 : index
    %get3A_54 = arith.constant 0 : index
    %get3A_55 = vector.load %arg7[%get3A_53, %get3A_54] : memref<1x128xf32, #tpu.memory_space<vmem>>, vector<1x128xf32>
    %add3A_56 = vector.broadcast %get3A_55 : vector<1x128xf32> to vector<10000x128xf32>
    %add3A_57 = arith.addf %mul3A_52, %add3A_56 : vector<10000x128xf32>
    %swap3A = arith.constant 0 : index
    %swap3A_58 = arith.constant 0 : index
    %swap3A_59 = vector.load %arg8[%swap3A, %swap3A_58] : memref<10000x128xf32, #tpu.memory_space<vmem>>, vector<10000x128xf32>
    tpu.vector_store %arg8[%swap3A, %swap3A_58], %add3A_57 {strides = array<i32>} : memref<10000x128xf32, #tpu.memory_space<vmem>>, vector<10000x128xf32>,
    return
  }
}

module attributes {stable_mosaic.version = 14 : i64} {
  func.func @_mlp_bn_body(%arg0: memref<10000x128xf32, #tpu.memory_space<vmem>>, %arg1: memref<20000x128xf32, #tpu.memory_space<vmem>>, %arg2: memref<128x128xf32, #tpu.memory_space<vmem>>, %arg3: memref<1x128xf32, #tpu.memory_space<vmem>>, %arg4: memref<128x128xf32, #tpu.memory_space<vmem>>, %arg5: memref<1x128xf32, #tpu.memory_space<vmem>>, %arg6: memref<1x128xf32, #tpu.memory_space<vmem>>, %arg7: memref<1x128xf32, #tpu.memory_space<vmem>>, %arg8: memref<10000x2xf32, #tpu.memory_space<vmem>>) attributes {dimension_semantics = [], scalar_prefetch = 0 : i64, scratch_operands = 0 : i64, tpu.core_type = #tpu.core_type<tc>} {
    %get3A = arith.constant 0 : index
    %get3A_0 = arith.constant 0 : index
    %get3A_1 = vector.load %arg0[%get3A, %get3A_0] : memref<10000x128xf32, #tpu.memory_space<vmem>>, vector<10000x128xf32>
    %get3A_2 = arith.constant 0 : index
    %get3A_3 = arith.constant 0 : index
    %get3A_4 = vector.load %arg1[%get3A_2, %get3A_3] : memref<20000x128xf32, #tpu.memory_space<vmem>>, vector<10000x128xf32>
    %add3A = arith.addf %get3A_1, %get3A_4 : vector<10000x128xf32>
    %get3A_5 = arith.constant 10000 : index
    %get3A_6 = arith.constant 0 : index
    %get3A_7 = vector.load %arg1[%get3A_5, %get3A_6] : memref<20000x128xf32, #tpu.memory_space<vmem>>, vector<10000x128xf32>
    %add3A_8 = arith.addf %add3A, %get3A_7 : vector<10000x128xf32>
    %get3A_9 = arith.constant 0 : index
    %get3A_10 = arith.constant 0 : index
    %get3A_11 = vector.load %arg2[%get3A_9, %get3A_10] : memref<128x128xf32, #tpu.memory_space<vmem>>, vector<128x128xf32>
    %dot_general3A = arith.constant dense<0.000000e+00> : vector<10000x128xf32>
    %dot_general3A_12 = tpu.matmul %add3A_8, %get3A_11, %dot_general3A {dimension_numbers = #tpu.dot_dimension_numbers<[1], [0], [0], [1], [0, 0, 1, 1], [], []>, transpose_lhs_hint = false} : vector<10000x128xf32>, vector<128x128xf32>, vector<10000x128xf32> -> vector<10000x128xf32>
    %get3A_13 = arith.constant 0 : index
    %get3A_14 = arith.constant 0 : index
    %get3A_15 = vector.load %arg3[%get3A_13, %get3A_14] : memref<1x128xf32, #tpu.memory_space<vmem>>, vector<1x128xf32>
    %add3A_16 = vector.broadcast %get3A_15 : vector<1x128xf32> to vector<10000x128xf32>
    %add3A_17 = arith.addf %dot_general3A_12, %add3A_16 : vector<10000x128xf32>
    %max3A = arith.constant 0.000000e+00 : f32
    %max3A_18 = vector.broadcast %max3A : f32 to vector<10000x128xf32>
    %max3A_19 = arith.maximumf %add3A_17, %max3A_18 : vector<10000x128xf32>
    %get3A_20 = arith.constant 0 : index
    %get3A_21 = arith.constant 0 : index
    %get3A_22 = vector.load %arg4[%get3A_20, %get3A_21] : memref<128x128xf32, #tpu.memory_space<vmem>>, vector<128x128xf32>
    %dot_general3A_23 = arith.constant dense<0.000000e+00> : vector<10000x128xf32>
    %dot_general3A_24 = tpu.matmul %max3A_19, %get3A_22, %dot_general3A_23 {dimension_numbers = #tpu.dot_dimension_numbers<[1], [0], [0], [1], [0, 0, 1, 1], [], []>, transpose_lhs_hint = false} : vector<10000x128xf32>, vector<128x128xf32>, vector<10000x128xf32> -> vector<10000x128xf32>
    %get3A_25 = arith.constant 0 : index
    %get3A_26 = arith.constant 0 : index
    %get3A_27 = vector.load %arg5[%get3A_25, %get3A_26] : memref<1x128xf32, #tpu.memory_space<vmem>>, vector<1x128xf32>
    %add3A_28 = vector.broadcast %get3A_27 : vector<1x128xf32> to vector<10000x128xf32>
    %add3A_29 = arith.addf %dot_general3A_24, %add3A_28 : vector<10000x128xf32>
    %max3A_30 = arith.constant 0.000000e+00 : f32
    %max3A_31 = vector.broadcast %max3A_30 : f32 to vector<10000x128xf32>
    %max3A_32 = arith.maximumf %add3A_29, %max3A_31 : vector<10000x128xf32>
    %reduce_sum3A = arith.constant dense<0.000000e+00> : vector<128xf32>
    %reduce_sum3A_33 = vector.multi_reduction <add>, %max3A_32, %reduce_sum3A [0] : vector<10000x128xf32> to vector<128xf32>
    %broadcast_in_dim3A = vector.shape_cast %reduce_sum3A_33 : vector<128xf32> to vector<1x128xf32>
    %div3A = arith.constant 1.000000e+04 : f32
    %div3A_34 = vector.broadcast %div3A : f32 to vector<1x128xf32>
    %div3A_35 = arith.divf %broadcast_in_dim3A, %div3A_34 : vector<1x128xf32>
    %sub3A = vector.broadcast %div3A_35 : vector<1x128xf32> to vector<10000x128xf32>
    %sub3A_36 = arith.subf %max3A_32, %sub3A : vector<10000x128xf32>
    %mul3A = arith.mulf %sub3A_36, %sub3A_36 : vector<10000x128xf32>
    %reduce_sum3A_37 = arith.constant dense<0.000000e+00> : vector<128xf32>
    %reduce_sum3A_38 = vector.multi_reduction <add>, %mul3A, %reduce_sum3A_37 [0] : vector<10000x128xf32> to vector<128xf32>
    %broadcast_in_dim3A_39 = vector.shape_cast %reduce_sum3A_38 : vector<128xf32> to vector<1x128xf32>
    %div3A_40 = arith.constant 1.000000e+04 : f32
    %div3A_41 = vector.broadcast %div3A_40 : f32 to vector<1x128xf32>
    %div3A_42 = arith.divf %broadcast_in_dim3A_39, %div3A_41 : vector<1x128xf32>
    %add3A_43 = arith.constant 9.99999974E-6 : f32
    %add3A_44 = vector.broadcast %add3A_43 : f32 to vector<1x128xf32>
    %add3A_45 = arith.addf %div3A_42, %add3A_44 : vector<1x128xf32>
    %rsqrt3A = math.rsqrt %add3A_45 : vector<1x128xf32>
    %mul3A_46 = vector.broadcast %rsqrt3A : vector<1x128xf32> to vector<10000x128xf32>
    %mul3A_47 = arith.mulf %sub3A_36, %mul3A_46 : vector<10000x128xf32>
    %get3A_48 = arith.constant 0 : index
    %get3A_49 = arith.constant 0 : index
    %get3A_50 = vector.load %arg6[%get3A_48, %get3A_49] : memref<1x128xf32, #tpu.memory_space<vmem>>, vector<1x128xf32>
    %mul3A_51 = vector.broadcast %get3A_50 : vector<1x128xf32> to vector<10000x128xf32>
    %mul3A_52 = arith.mulf %mul3A_47, %mul3A_51 : vector<10000x128xf32>
    %get3A_53 = arith.constant 0 : index
    %get3A_54 = arith.constant 0 : index
    %get3A_55 = vector.load %arg7[%get3A_53, %get3A_54] : memref<1x128xf32, #tpu.memory_space<vmem>>, vector<1x128xf32>
    %add3A_56 = vector.broadcast %get3A_55 : vector<1x128xf32> to vector<10000x128xf32>
    %add3A_57 = arith.addf %mul3A_52, %add3A_56 : vector<10000x128xf32>
    %slice3A = vector.extract_strided_slice %add3A_57 {offsets = [0, 0], sizes = [10000, 2], strides = [1, 1]} : vector<10000x128xf32> to vector<10000x2xf32>
    %swap3A = arith.constant 0 : index
    %swap3A_58 = arith.constant 0 : index
    %swap3A_59 = vector.load %arg8[%swap3A, %swap3A_58] : memref<10000x2xf32, #tpu.memory_space<vmem>>, vector<10000x2xf32>
    tpu.vector_store %arg8[%swap3A, %swap3A_58], %slice3A {strides = array<i32>} : memref<10000x2xf32, #tpu.memory_space<vmem>>, vector<10000x2xf32>,
    return
  }
}

</mosaic_0001>

<sc_bundles>
// kernel: kernel.6.cloned.1.call-start
scs
__scs_entry_jumppad:
0x0: {  	(pc) =	sbr.rel $0x88, $3  }
0x1: {  	(tag) =	ssettag $0x0;
	lr =	simm.s32 $0x1  }
0x2: {  	[smem:$0x3F93] =	sst lr;
	_ =	strace $0xD0000000  }
0x3: {  	_ = 	snop  }
0x4: {  	_ = 	snop  }
0x5: {  	_ = 	snop  }
0x6: {  	_ = 	snop  }
0x7: {  	_ = 	snop  }
__scs_overlays_trampoline_lowered:
0x8: {  	[smem:$0x3FA2] =	sst s0  }
0x9: {  	[smem:$0x3FA3] =	sst s1  }
0xa: {  	[smem:$0x3FA4] =	sst s2  }
0xb: {  	[smem:$0x3FA5] =	sst s3  }
0xc: {  	[smem:$0x3FA6] =	sst s4  }
0xd: {  	[smem:$0x3FA7] =	sst s5  }
0xe: {  	[smem:$0x3FA8] =	sst s6  }
0xf: {  	[smem:$0x3FA9] =	sst s7  }
0x10: {  	[smem:$0x3FAA] =	sst s8  }
0x11: {  	[smem:$0x3FAB] =	sst s9;
	s0 =	simm.s32 @!p0 $0x0  }
0x12: {  	s1 =	sld [smem:$0x3F91];
	s0 =	simm.s32 @p0 $0x1  }
0x13: {  	[smem:$0x3FAC] =	sst s0;
	s0 =	simm.s32 @!p1 $0x0  }
0x14: {  	s2 =	sld [smem:$0x3F90];
	s0 =	simm.s32 @p1 $0x1  }
0x15: {  	[smem:$0x3FAD] =	sst s0;
	s0 =	simm.s32 @!p2 $0x0  }
0x16: {  	s3 =	sld [smem:$0x3FDB];
	s0 =	simm.s32 @p2 $0x1  }
0x17: {  	s4 =	simm.s32 $0x1BF5;
	[smem:$0x3FAF] =	sst s0  }
0x18: {  	s0 =	sld [smem:$0x3F92];
	_ =	swait.ge [sflag:s4], $0x0  }
0x19: {  	s7 =	sld [smem:$0x3F93]  }
0x1a: {  	s8 =	sadd.s32 $0xFFFFE003, lr  }
0x1b: {  	s9 =	sadd.s32 $0xFFFFFEF7, lr;
	s5 =	simm.s32 $0xFFFFFFFF;
	p2 =	slt.u32 s8, $0xFFFFF086  }
0x1c: {  	p1 =	slt.u32 s9, $0xF7A;
	s5 =	simm.s32 @!p2 $0x0  }
0x1d: {  	s5 =	simm.s32 @p1 $0x1;
	p0 =	seq.s32 s7, s2  }
0x1e: {  	s7 =	smul.u32 @!p0 $0xF7A, s2;
	p2 =	seq.s32 @!p0 s5, $0x0  }
0x1f: {  	s9 =	smul.u32 $0xF7A, s1;
	s8 =	simm.s32 @!p0 $0x1BF5;
	p2 =	por !p2, p0  }
0x20: {  	[sflag:s8] =	ssyncset.s32 @!p0 $0xFFFFF086;
	s6 =	sadd.s32 @!p0 s3, s7;
	s7 =	simm.s32 @!p0 $0x108  }
0x21: {  	s3 =	sadd.s32 s3, s9;
	s6 =	sadd.s32 @!p0 $0x88, s6;
	s7 =	simm.s32 @p2 $0x1082  }
0x22: {  	[simem:s7], [sflag:s8] =	dma.local @!p0 [hbm:s6], $0xF7A  }
0x23: {  	s9 =	sor.u32 $0xD0000000, s2;
	s6 =	simm.s32 $0x108;
	_ =	swait.ge @!p0 [sflag:s8], $0x0  }
0x24: {  	s3 =	sadd.s32 $0x88, s3;
	s6 =	simm.s32 @!p1 $0x1082;
	[sflag:s4] =	ssyncset.s32 $0xFFFFF086  }
0x25: {  	[simem:s6], [sflag:s4] =	dma.local [hbm:s3], $0xF7A  }
0x26: {  	[smem:$0x3F93] =	sst s1;
	(tag) =	ssettag s2;
	_ =	strace s9  }
0x27: {  	s1 =	sld [smem:$0x3FA3]  }
0x28: {  	s2 =	sld [smem:$0x3FA4]  }
0x29: {  	s4 =	sld [smem:$0x3FA6]  }
0x2a: {  	p0 =	seq.s32 s5, $0x0;
	s5 =	sld [smem:$0x3FA7]  }
0x2b: {  	s6 =	sld [smem:$0x3FA8]  }
0x2c: {  	s7 =	sld [smem:$0x3FA9]  }
0x2d: {  	s3 =	simm.s32 $0x108;
	s8 =	sld [smem:$0x3FAA]  }
0x2e: {  	s3 =	simm.s32 @!p0 $0x1082;
	s9 =	sld [smem:$0x3FAB]  }
0x2f: {  	lr =	sadd.s32 s0, s3;
	s0 =	sld [smem:$0x3FA2]  }
0x30: {  	s3 =	sld [smem:$0x3FA5]  }
0x31: {  	[smem:$0x3FAE] =	sst s10  }
0x32: {  	s10 =	sld [smem:$0x3FAC];
	_ =	sdelay $0x3  }
0x33: {  	p0 =	seq.s32 s10, $0x1;
	s10 =	sld [smem:$0x3FAE];
	_ =	sdelay $0x3  }
0x34: {  	[smem:$0x3FAE] =	sst s10  }
0x35: {  	s10 =	sld [smem:$0x3FAD];
	_ =	sdelay $0x3  }
0x36: {  	p1 =	seq.s32 s10, $0x1;
	s10 =	sld [smem:$0x3FAE];
	_ =	sdelay $0x3  }
0x37: {  	[smem:$0x3FAE] =	sst s10  }
0x38: {  	s10 =	sld [smem:$0x3FAF]  }
0x39: {  	_ = 	snop;
	(pc) =	sbr.ind lr, $3  }
0x3a: {  	_ = 	snop  }
0x3b: {  	_ = 	snop  }
0x3c: {  	p2 =	seq.s32 s10, $0x1;
	s10 =	sld [smem:$0x3FAE]  }
0x3d: {  	_ =	shalt  }
0x3e: {  	_ =	shalt  }
0x3f: {  	_ =	shalt  }
0x40: {  	_ =	shalt  }
0x41: {  	_ =	shalt  }
0x42: {  	_ =	shalt  }
0x43: {  	_ =	shalt  }
0x44: {  	_ =	shalt  }
0x45: {  	_ =	shalt  }
0x46: {  	_ =	shalt  }
0x47: {  	_ =	shalt  }
0x48: {  	_ =	shalt  }
0x49: {  	_ =	shalt  }
0x4a: {  	_ =	shalt  }
0x4b: {  	_ =	shalt  }
0x4c: {  	_ =	shalt  }
0x4d: {  	_ =	shalt  }
0x4e: {  	_ =	shalt  }
0x4f: {  	_ =	shalt  }
0x50: {  	_ =	shalt  }
0x51: {  	_ =	shalt  }
0x52: {  	_ =	shalt  }
0x53: {  	_ =	shalt  }
0x54: {  	_ =	shalt  }
0x55: {  	_ =	shalt  }
0x56: {  	_ =	shalt  }
0x57: {  	_ =	shalt  }
0x58: {  	_ =	shalt  }
0x59: {  	_ =	shalt  }
0x5a: {  	_ =	shalt  }
0x5b: {  	_ =	shalt  }
0x5c: {  	_ =	shalt  }
0x5d: {  	_ =	shalt  }
0x5e: {  	_ =	shalt  }
0x5f: {  	_ =	shalt  }
0x60: {  	_ =	shalt  }
0x61: {  	_ =	shalt  }
0x62: {  	_ =	shalt  }
0x63: {  	_ =	shalt  }
0x64: {  	_ =	shalt  }
0x65: {  	_ =	shalt  }
0x66: {  	_ =	shalt  }
0x67: {  	_ =	shalt  }
0x68: {  	_ =	shalt  }
0x69: {  	_ =	shalt  }
0x6a: {  	_ =	shalt  }
0x6b: {  	_ =	shalt  }
0x6c: {  	_ =	shalt  }
0x6d: {  	_ =	shalt  }
0x6e: {  	_ =	shalt  }
0x6f: {  	_ =	shalt  }
0x70: {  	_ =	shalt  }
0x71: {  	_ =	shalt  }
0x72: {  	_ =	shalt  }
0x73: {  	_ =	shalt  }
0x74: {  	_ =	shalt  }
0x75: {  	_ =	shalt  }
0x76: {  	_ =	shalt  }
0x77: {  	_ =	shalt  }
0x78: {  	_ =	shalt  }
0x79: {  	_ =	shalt  }
0x7a: {  	_ =	shalt  }
0x7b: {  	_ =	shalt  }
0x7c: {  	_ =	shalt  }
0x7d: {  	_ =	shalt  }
0x7e: {  	_ =	shalt  }
0x7f: {  	_ =	shalt  }
0x80: {  	_ =	shalt  }
0x81: {  	_ =	shalt  }
0x82: {  	_ =	shalt  }
0x83: {  	_ =	shalt  }
0x84: {  	_ =	shalt  }
0x85: {  	_ =	shalt  }
0x86: {  	_ =	shalt  }
0x87: {  	_ =	shalt  }
.Lfunc_end0:
.L_simem_size_0:
called_computation_lowered:
.L_overlay_start_0:
0x88: {  	s2 =	sld [smem:$0x3FD9]  }
0x89: {  	s3 =	sld [smem:$0x3FFE];
	_ =	sdelay $0x1  }
0x8a: {  	s1 =	srdreg.scid  }
0x8b: {  	s0 =	sand.u32 $0x1, s1  }
0x8c: {  	s17 =	sshll.u32 s0, $0xA;
	s2 =	sadd.s32 s3, s2  }
0x8d: {  	s2 =	sadd.s32 s2, s17  }
0x8e: {  	[smem:$0x3FBA] =	sst s2  }
0x8f: {  	_ = 	snop  }
0x90: {  	s2 =	sld [smem:$0x3FC9];
	(tm) =	ssettm $0x1  }
0x91: {  	s18 =	sld [smem:$0x3FFB];
	_ =	sdelay $0x3  }
0x92: {  	_ =	strace s18  }
0x93: {  	s3 =	sld [smem:$0x3FFC];
	_ =	sdelay $0x3  }
0x94: {  	_ =	strace s3  }
0x95: {  	s3 =	sld [smem:$0x3FFD];
	_ =	sdelay $0x3  }
0x96: {  	_ =	strace s3  }
0x97: {  	_ =	strace $0x8FFFFFFF  }
0x98: {  	s19 =	sld [smem:$0x3FDB];
	_ =	sdelay $0x1  }
0x99: {  	s4 =	simm.s32 $_scs_section_size  }
0x9a: {  	s5 =	simm.s32 $_size__tile_overlayer_lowered;
	s6 =	simm.s32 $_tile_overlayer_lowered  }
0x9b: {  	s22 =	simm.s32 $0x1BFF;
	s21 =	sshll.u32 s6, $0x1;
	s3 =	sadd.s32 s4, s19  }
0x9c: {  	s7 =	simm.s32 $0x0;
	s20 =	sshll.u32 s5, $0x1;
	s5 =	sadd.s32 s21, s3  }
0x9d: {  	[timem:s7], [sflag:s22] =	dma.local [hbm:s5], s20  }
0x9e: {  	_ =	swait.ge [sflag:s22], s20  }
0x9f: {  	s4 =	ssub.s32 $0x0, s20;
	[sflag:s22] =	ssyncset.done $0x0  }
0xa0: {  	[sflag:s22] =	ssyncadd.s32 s4;
	_ =	sdelay $0x1  }
0xa1: {  	s23 =	simm.s32 $0x1B8B  }
0xa2: {  	_ =	swait.ge [sflag:s23], $0x1  }
0xa3: {  	[sflag:s23] =	ssyncset.done $0x0  }
0xa4: {  	s25 =	simm.s32 $0x1B8E;
	s24 =	sld [smem:$0x3FFE];
	[sflag:s23] =	ssyncadd.s32 $0xFFFFFFFF  }
0xa5: {  	s26 =	simm.s32 $execute0_lowered;
	[smem:$0x3FD2] =	sst s25  }
0xa6: {  	s5 =	sshll.u32 s26, $0x1;
	_ =	strace $0x80000046;
	[dreg:$0x1] =	wrdreg $0xFFFFFFFF  }
0xa7: {  	s28 =	simm.s32 $_size_execute0_lowered;
	s3 =	sadd.s32 s3, s5;
	[dreg:$0x0] =	wrdreg $0x0  }
0xa8: {  	s5 =	sshll.u32 s28, $0x1;
	[dreg:$0x2] =	wrdreg s3  }
0xa9: {  	[dreg:$0x3] =	wrdreg s5  }
0xaa: {  	[dreg:$0x4] =	wrdreg $0xC0  }
0xab: {  	_ =	task [dreg:s7], $0x5FFFF  }
0xac: {  	[dreg:$0x1] =	wrdreg $0xFFFFFFFF  }
0xad: {  	[dreg:$0x0] =	wrdreg $0x60  }
0xae: {  	[dreg:$0x2] =	wrdreg s2  }
0xaf: {  	[dreg:$0x3] =	wrdreg s24  }
0xb0: {  	[dreg:$0x4] =	wrdreg $0x0  }
0xb1: {  	[dreg:$0x5] =	wrdreg $0x9  }
0xb2: {  	_ =	task.clear_ibuf [dreg:s7], $0x6FFFF;
	_ =	strace $0x90000046  }
0xb3: {  	s29 =	simm.s32 $0x9;
	_ =	strace $0x80000048  }
0xb4: {  	_ =	swait.ge [sflag:s29], $0x1  }
0xb5: {  	[sflag:s29] =	ssyncadd.s32 $0xFFFFFFFF  }
0xb6: {  	_ =	strace $0x90000048  }
0xb7: {  	_ =	sfence  }
0xb8: {  	s30 =	sld [smem:$0x0];
	_ =	sdelay $0x2  }
0xb9: {  	s31 =	sshll.u32 s1, $0xD;
	s1 =	sshrl.u32 s1, $0x2  }
0xba: {  	s3 =	sand.u32 $0x4000, s31;
	s1 =	sadd.s32 s1, s30  }
0xbb: {  	s0 =	sor.u32 s3, s0;
	s1 =	sshll.u32 s1, $0x11  }
0xbc: {  	s0 =	sor.u32 s1, s0  }
0xbd: {  	s0 =	sadd.s32 $0x8F2B, s0  }
0xbe: {  	[sflag:s0] =	ssyncadd.remote.s32 $0x1  }
0xbf: {  	_ =	sfence.sel $0xFFFF  }
0xc0: {  	[dreg:$0x0] =	wrdreg $0xFFFFFFFF;
	(pc) =	sbr.abs _section_cstart, $3  }
0xc1: {  	[dreg:$0x1] =	wrdreg $0xFFFFFFFF  }
0xc2: {  	_ =	task.clear_ibuf [dreg:s7], $0x2FFFF;
	_ =	strace $0x9FFFFFFF  }
0xc3: {  	(tm) =	ssettm $0x7FFFFFFF  }
tec
execute0_lowered:
.L_overlay_start_1:
0x0: {  	(tag) =	ssettag $0x1  }
0x1: {  	s1 =	rddreg [dreg:$0x0]  }
0x2: {  	s0 =	rddreg [dreg:$0x1]  }
0x3: {  	s3 =	rddreg [dreg:$0x2];
	s5 =	simm.s32 $0x0;
	s4 =	stileid.u32  }
0x4: {  	s2 =	srdreg.scid;
	s29 =	simm.s32 $0x15C80;
	s7 =	smul.u32 $0x4E000, s4  }
0x5: {  	s31 =	simm.s32 $0xA;
	[smem:$0x7FF] =	sst s5;
	s13 =	smul.u32 $0x2700, s4  }
0x6: {  	s2 =	sand.u32 $0x1, s2;
	s12 =	sshll.u32 s4, $0x1;
	s28 =	smul.u32 $0xC800, s4  }
0x7: {  	s5 =	sadd.s32 $0x2A00, s0;
	s6 =	sor.u32 s2, s12;
	s23 =	smul.u32 $0x27100, s2  }
0x8: {  	s8 =	ssub.s32 $0x2, s2;
	s9 =	smul.u32 $0x6400, s6;
	s6 =	sadd.s32 $0x1BA00, s0  }
0x9: {  	s0 =	sadd.s32 $0x34A00, s0;
	s10 =	sshrl.u32 s8, $0x1;
	s7 =	sshrl.u32 s7, $0x2  }
0xa: {  	s8 =	ssub.s32 s8, s10;
	s15 =	sadd.s32 s7, s3;
	s10 =	sadd.s32 s13, s23  }
0xb: {  	_ =	strace $0x80000047;
	s10 =	sadd.s32 s0, s10;
	[dreg:$0x4] =	wrdreg s15  }
0xc: {  	s9 =	sshrl.u32 s9, $0x3;
	s23 =	sadd.s32 $0x8000, s15;
	[dreg:$0xf] =	wrdreg s10  }
0xd: {  	p0 =	sne.s32 s4, $0xF;
	s11 =	sadd.s32 s5, s9;
	[dreg:$0x1b] =	wrdreg s23  }
0xe: {  	s14 =	sor.u32 $0x10, s9;
	s16 =	sadd.s32 s6, s9;
	[dreg:$0x5] =	wrdreg s11  }
0xf: {  	s25 =	smul.u32 $0x138800, s2;
	[dreg:$0x6] =	wrdreg s16;
	s17 =	sadd.s32 s5, s14  }
0x10: {  	s18 =	sor.u32 $0x20, s9;
	s7 =	sadd.s32 s6, s14;
	[dreg:$0x7] =	wrdreg s17  }
0x11: {  	s19 =	sor.u32 $0x30, s9;
	s12 =	sadd.s32 s5, s18;
	[dreg:$0x8] =	wrdreg s7  }
0x12: {  	s2 =	smul.u32 $0x6400, s2;
	s20 =	sadd.s32 s5, s19;
	[dreg:$0x9] =	wrdreg s12  }
0x13: {  	s22 =	sor.u32 $0x40, s9;
	s21 =	sadd.s32 s6, s19;
	[dreg:$0xb] =	wrdreg s20  }
0x14: {  	s26 =	sor.u32 $0x50, s9;
	s24 =	sadd.s32 s5, s22;
	[dreg:$0xc] =	wrdreg s21  }
0x15: {  	s13 =	sor.u32 $0x70, s9;
	s30 =	sadd.s32 s5, s26;
	[dreg:$0xd] =	wrdreg s24  }
0x16: {  	s10 =	sadd.s32 s6, s26;
	s14 =	sadd.s32 s2, s28;
	[dreg:$0x10] =	wrdreg s30  }
0x17: {  	s19 =	smax.u32 s8, $0x1;
	s26 =	sadd.s32 $0xE000, s15;
	[dreg:$0x11] =	wrdreg s10  }
0x18: {  	s28 =	sadd.s32 $0x10000, s15;
	s8 =	simm.s32 $0xE;
	[dreg:$0x17] =	wrdreg s19  }
0x19: {  	s11 =	simm.s32 $0x15C80;
	s7 =	sadd.s32 s6, s18;
	[dreg:$0x1e] =	wrdreg s26  }
0x1a: {  	s12 =	sor.u32 $0x60, s9;
	s17 =	sadd.s32 s5, s13;
	[dreg:$0x1f] =	wrdreg s28  }
0x1b: {  	s18 =	sadd.s32 s6, s13;
	s20 =	sadd.s32 $0x2000, s15;
	[dreg:$0xa] =	wrdreg s7  }
0x1c: {  	s21 =	sadd.s32 $0x4000, s15;
	s24 =	sadd.s32 $0xA000, s15;
	[dreg:$0x14] =	wrdreg s17  }
0x1d: {  	s30 =	sadd.s32 $0x12000, s15;
	s26 =	simm.s32 $0x11;
	[dreg:$0x15] =	wrdreg s18  }
0x1e: {  	s13 =	simm.s32 $0x14080;
	s9 =	simm.s32 $0x6;
	[dreg:$0x18] =	wrdreg s20  }
0x1f: {  	s10 =	simm.s32 $0x0;
	s7 =	sadd.s32 s6, s22;
	[dreg:$0x19] =	wrdreg s21  }
0x20: {  	s16 =	sadd.s32 s5, s12;
	s2 =	sadd.s32 s6, s12;
	[dreg:$0x1c] =	wrdreg s24  }
0x21: {  	s22 =	sadd.s32 $0x6000, s15;
	[smem:$0x7FC] =	sst s30;
	s12 =	simm.s32 $0x14000  }
0x22: {  	s21 =	simm.s32 $0x17880;
	s17 =	simm.s32 $0x4;
	[dreg:$0xe] =	wrdreg s7  }
0x23: {  	s18 =	simm.s32 $0xC;
	s20 =	simm.s32 $0x10;
	[dreg:$0x12] =	wrdreg s16  }
.Ltmp0:
0x24: {  	s7 =	sshrl.u32 s25, $0x3;
	[dreg:$0x13] =	wrdreg s2;
	(pc) =	sbr.rel .LBB2_1-.Ltmp0, $4  }
0x25: {  	[dreg:$0x1a] =	wrdreg s22;
	s25 =	sadd.s32 $0xC000, s15;
	s16 =	simm.s32 $0x7  }
0x26: {  	s0 =	sadd.s32 s0, s7;
	[dreg:$0x1d] =	wrdreg s25;
	s25 =	sadd.s32 $0x138000, s3  }
0x27: {  	s22 =	simm.s32 $0x8;
	s0 =	sadd.s32 $0x27000, s0;
	[smem:$0x7FD] =	sst s25  }
0x28: {  	v0 =	vimm.f32 $0.0e+00;
	s7 =	simm.s32 $0x5;
	[dreg:$0x16] =	wrdreg s0;
	s0 =	simm.s32 $0x32  }
.LBB2_6:
0x29: {  	s2 =	stileid.u32;
	[bflag:$0x0] =	sbarrier.arrive $0xFFFF  }
0x2a: {  	s26 =	simm.s32 $0x11;
	s2 =	sshll.u32 s2, $0x6;
	s15 =	rddreg [dreg:$0x4]  }
0x2b: {  	s10 =	rddreg [dreg:$0xf];
	s2 =	sor.u32 $0x1C11, s2;
	s4 =	sshrl.u32 s15, $0x3  }
0x2c: {  	[hbm:s10], [sflag:s2] =	dma.local [spmem:s4], $0x2700  }
0x2d: {  	_ =	swait.ge [sflag:s26], $0x2700  }
0x2e: {  	s25 =	sld [smem:$0x7FD];
	_ =	sdelay $0x1  }
0x2f: {  	[sflag:s26] =	ssyncset.done $0x0  }
0x30: {  	s10 =	rddreg [dreg:$0x16];
	[sflag:s26] =	ssyncadd.s32 $0xFFFFD900;
	s4 =	sshrl.u32 @!p0 s25, $0x3  }
0x31: {  	[hbm:s10], [sflag:s2] =	dma.local @!p0 [spmem:s4], $0x100  }
0x32: {  	s2 =	simm.s32 @!p0 $0x11  }
0x33: {  	_ =	swait.ge @!p0 [sflag:s2], $0x100  }
0x34: {  	s28 =	sld [smem:$0x7FB];
	_ =	sdelay $0x2  }
0x35: {  	s30 =	rddreg [dreg:$0x17];
	s10 =	sadd.s32 $0x1, s28  }
0x36: {  	p1 =	sne.s32 s10, s30  }
.Ltmp1:
0x37: {  	_ = 	snop;
	(pc) =	sbr.rel @!p1 .LBB2_7-.Ltmp1, $3  }
0x38: {  	_ =	sdelay $0x1  }
0x39: {  	[sflag:s2] =	ssyncset.done @!p0 $0x0  }
0x3a: {  	[sflag:s2] =	ssyncadd.s32 @!p0 $0xFFFFFF00  }
.LBB2_1:
0x3b: {  	[smem:$0x7FB] =	sst s10;
	s23 =	simm.s32 $0x0;
	s24 =	simm.s32 $0x200  }
.LBB2_2:
0x3c: {  	p1 =	sne.s32 s24, $0x7E00;
	[tilespmem:s23+$0x1B0F0] =	vst v0  }
0x3d: {  	[tilespmem:s23+$0x1B080] =	vst v0  }
0x3e: {  	[tilespmem:s23+$0x1B090] =	vst v0  }
.Ltmp2:
0x3f: {  	[tilespmem:s23+$0x1B0A0] =	vst v0;
	(pc) =	sbr.rel @p1 .LBB2_2-.Ltmp2, $4  }
0x40: {  	[tilespmem:s23+$0x1B0B0] =	vst v0  }
0x41: {  	[tilespmem:s23+$0x1B0C0] =	vst v0  }
0x42: {  	[tilespmem:s23+$0x1B0D0] =	vst v0  }
0x43: {  	[tilespmem:s23+$0x1B0E0] =	vst v0;
	s23 =	sshra.s32 s24, $0x2;
	s24 =	sadd.s32 $0x200, s24  }
0x44: {  	[tilespmem:s23+$0x1B0F0] =	vst v0  }
0x45: {  	[tilespmem:s23+$0x1B080] =	vst v0  }
0x46: {  	[tilespmem:s23+$0x1B090] =	vst v0  }
0x47: {  	[tilespmem:s23+$0x1B0A0] =	vst v0  }
0x48: {  	[tilespmem:s23+$0x1B0B0] =	vst v0  }
0x49: {  	[tilespmem:s23+$0x1B0C0] =	vst v0  }
0x4a: {  	[tilespmem:s23+$0x1B0D0] =	vst v0  }
0x4b: {  	[tilespmem:s23+$0x1B0E0] =	vst v0;
	s4 =	simm.s32 $0x1B080  }
0x4c: {  	[spmem:s15] =	stream.linear.scatter [tilespmem:s4], [sflag:$0x11], $0x2000, $0x38;
	[tilespmem:$0x1D080] =	vst v63  }
0x4d: {  	_ =	swait.ge [sflag:s26], $0x2000  }
0x4e: {  	[sflag:s26] =	ssyncset.done $0x0  }
0x4f: {  	s2 =	rddreg [dreg:$0x18];
	[sflag:s26] =	ssyncadd.s32 $0xFFFFE000  }
0x50: {  	[spmem:s2] =	stream.linear.scatter [tilespmem:s4], [sflag:$0x11], $0x2000, $0x38;
	[tilespmem:$0x1D080] =	vst v63  }
0x51: {  	_ =	swait.ge [sflag:s26], $0x2000  }
0x52: {  	[sflag:s26] =	ssyncset.done $0x0  }
0x53: {  	s15 =	rddreg [dreg:$0x19];
	[sflag:s26] =	ssyncadd.s32 $0xFFFFE000  }
0x54: {  	[spmem:s15] =	stream.linear.scatter [tilespmem:s4], [sflag:$0x11], $0x2000, $0x38;
	[tilespmem:$0x1D080] =	vst v63  }
0x55: {  	_ =	swait.ge [sflag:s26], $0x2000  }
0x56: {  	[sflag:s26] =	ssyncset.done $0x0  }
0x57: {  	s19 =	rddreg [dreg:$0x1a];
	[sflag:s26] =	ssyncadd.s32 $0xFFFFE000  }
0x58: {  	[spmem:s19] =	stream.linear.scatter [tilespmem:s4], [sflag:$0x11], $0x2000, $0x38;
	[tilespmem:$0x1D080] =	vst v63  }
0x59: {  	_ =	swait.ge [sflag:s26], $0x2000  }
0x5a: {  	[sflag:s26] =	ssyncset.done $0x0  }
0x5b: {  	s23 =	rddreg [dreg:$0x1b];
	[sflag:s26] =	ssyncadd.s32 $0xFFFFE000  }
0x5c: {  	[spmem:s23] =	stream.linear.scatter [tilespmem:s4], [sflag:$0x11], $0x2000, $0x38;
	[tilespmem:$0x1D080] =	vst v63  }
0x5d: {  	_ =	swait.ge [sflag:s26], $0x2000  }
0x5e: {  	[sflag:s26] =	ssyncset.done $0x0  }
0x5f: {  	s24 =	rddreg [dreg:$0x1c];
	[sflag:s26] =	ssyncadd.s32 $0xFFFFE000  }
0x60: {  	[spmem:s24] =	stream.linear.scatter [tilespmem:s4], [sflag:$0x11], $0x2000, $0x38;
	[tilespmem:$0x1D080] =	vst v63  }
0x61: {  	_ =	swait.ge [sflag:s26], $0x2000  }
0x62: {  	[sflag:s26] =	ssyncset.done $0x0  }
0x63: {  	s28 =	rddreg [dreg:$0x1d];
	[sflag:s26] =	ssyncadd.s32 $0xFFFFE000  }
0x64: {  	[spmem:s28] =	stream.linear.scatter [tilespmem:s4], [sflag:$0x11], $0x2000, $0x38;
	[tilespmem:$0x1D080] =	vst v63  }
0x65: {  	_ =	swait.ge [sflag:s26], $0x2000  }
0x66: {  	[sflag:s26] =	ssyncset.done $0x0  }
0x67: {  	s30 =	rddreg [dreg:$0x1e];
	[sflag:s26] =	ssyncadd.s32 $0xFFFFE000  }
0x68: {  	[spmem:s30] =	stream.linear.scatter [tilespmem:s4], [sflag:$0x11], $0x2000, $0x38;
	[tilespmem:$0x1D080] =	vst v63  }
0x69: {  	_ =	swait.ge [sflag:s26], $0x2000  }
0x6a: {  	[sflag:s26] =	ssyncset.done $0x0  }
0x6b: {  	s10 =	rddreg [dreg:$0x1f];
	[sflag:s26] =	ssyncadd.s32 $0xFFFFE000  }
0x6c: {  	[spmem:s10] =	stream.linear.scatter [tilespmem:s4], [sflag:$0x11], $0x2000, $0x38;
	[tilespmem:$0x1D080] =	vst v63  }
0x6d: {  	_ =	swait.ge [sflag:s26], $0x2000  }
0x6e: {  	s15 =	sld [smem:$0x7FC]  }
0x6f: {  	[sflag:s26] =	ssyncset.done $0x0  }
0x70: {  	[sflag:s26] =	ssyncadd.s32 $0xFFFFE000  }
0x71: {  	[spmem:s15] =	stream.linear.scatter [tilespmem:s4], [sflag:$0x11], $0x1800, $0x38;
	[tilespmem:$0x1D080] =	vst v63  }
0x72: {  	_ =	swait.ge [sflag:s26], $0x1800  }
0x73: {  	[sflag:s26] =	ssyncset.done $0x0  }
0x74: {  	s23 =	simm.s32 @!p0 $0x1B080;
	[sflag:s26] =	ssyncadd.s32 $0xFFFFE800  }
0x75: {  	[spmem:s25] =	stream.linear.scatter @!p0 [tilespmem:s23], [sflag:$0x11], $0x800, $0x38;
	[tilespmem:$0x1D080] =	vst v63  }
0x76: {  	s23 =	simm.s32 @!p0 $0x11  }
0x77: {  	_ =	swait.ge @!p0 [sflag:s23], $0x800  }
0x78: {  	[sflag:s23] =	ssyncset.done @!p0 $0x0  }
0x79: {  	[sflag:s23] =	ssyncadd.s32 @!p0 $0xFFFFF800  }
0x7a: {  	[bflag:$0x0] =	sbarrier.arrive $0xFFFF  }
0x7b: {  	s2 =	simm.s32 $0x0;
	s10 =	simm.s32 $0x13880;
	s19 =	rddreg [dreg:$0x5]  }
0x7c: {  	[tilespmem:s10], [sflag:$0x1] =	stream.linear.gather [hbm4b:s19+s2], $0x80, $0x38;
	[tilespmem:$0x1D080] =	vst v63  }
0x7d: {  	s24 =	simm.s32 $0x13C80;
	s23 =	rddreg [dreg:$0x6]  }
0x7e: {  	[tilespmem:s24], [sflag:$0x1] =	stream.linear.gather [hbm4b:s23+s2], $0x80, $0x38;
	[tilespmem:$0x1D080] =	vst v63  }
0x7f: {  	s15 =	simm.s32 $0x13900;
	s25 =	rddreg [dreg:$0x7]  }
0x80: {  	[tilespmem:s15], [sflag:$0x2] =	stream.linear.gather [hbm4b:s25+s2], $0x80, $0x38;
	[tilespmem:$0x1D080] =	vst v63  }
0x81: {  	s28 =	simm.s32 $0x13D00;
	s26 =	rddreg [dreg:$0x8]  }
0x82: {  	[tilespmem:s28], [sflag:$0x2] =	stream.linear.gather [hbm4b:s26+s2], $0x80, $0x38;
	[tilespmem:$0x1D080] =	vst v63  }
0x83: {  	s30 =	rddreg [dreg:$0x9];
	s23 =	simm.s32 $0x13980  }
0x84: {  	[tilespmem:s23], [sflag:$0x3] =	stream.linear.gather [hbm4b:s30+s2], $0x80, $0x38;
	[tilespmem:$0x1D080] =	vst v63  }
0x85: {  	s19 =	rddreg [dreg:$0xa];
	s24 =	simm.s32 $0x13D80  }
0x86: {  	[tilespmem:s24], [sflag:$0x3] =	stream.linear.gather [hbm4b:s19+s2], $0x80, $0x38;
	[tilespmem:$0x1D080] =	vst v63  }
0x87: {  	s25 =	rddreg [dreg:$0xb];
	s24 =	simm.s32 $0x13A00  }
0x88: {  	[tilespmem:s24], [sflag:$0x4] =	stream.linear.gather [hbm4b:s25+s2], $0x80, $0x38;
	[tilespmem:$0x1D080] =	vst v63  }
0x89: {  	s26 =	rddreg [dreg:$0xc];
	s28 =	simm.s32 $0x13E00  }
0x8a: {  	[tilespmem:s28], [sflag:$0x4] =	stream.linear.gather [hbm4b:s26+s2], $0x80, $0x38;
	[tilespmem:$0x1D080] =	vst v63  }
0x8b: {  	s30 =	rddreg [dreg:$0xd];
	s19 =	simm.s32 $0x13A80  }
0x8c: {  	[tilespmem:s19], [sflag:$0x5] =	stream.linear.gather [hbm4b:s30+s2], $0x80, $0x38;
	[tilespmem:$0x1D080] =	vst v63  }
0x8d: {  	s26 =	rddreg [dreg:$0xe];
	s28 =	simm.s32 $0x13E80  }
0x8e: {  	[tilespmem:s28], [sflag:$0x5] =	stream.linear.gather [hbm4b:s26+s2], $0x80, $0x38;
	[tilespmem:$0x1D080] =	vst v63  }
0x8f: {  	s30 =	rddreg [dreg:$0x10];
	s19 =	simm.s32 $0x13B00  }
0x90: {  	[tilespmem:s19], [sflag:$0x6] =	stream.linear.gather [hbm4b:s30+s2], $0x80, $0x38;
	[tilespmem:$0x1D080] =	vst v63  }
0x91: {  	s26 =	rddreg [dreg:$0x11];
	s28 =	simm.s32 $0x13F00  }
0x92: {  	[tilespmem:s28], [sflag:$0x6] =	stream.linear.gather [hbm4b:s26+s2], $0x80, $0x38;
	[tilespmem:$0x1D080] =	vst v63  }
0x93: {  	s30 =	rddreg [dreg:$0x12];
	s19 =	simm.s32 $0x13B80  }
0x94: {  	[tilespmem:s19], [sflag:$0x7] =	stream.linear.gather [hbm4b:s30+s2], $0x80, $0x38;
	[tilespmem:$0x1D080] =	vst v63  }
0x95: {  	s26 =	rddreg [dreg:$0x13];
	s28 =	simm.s32 $0x13F80  }
0x96: {  	[tilespmem:s28], [sflag:$0x7] =	stream.linear.gather [hbm4b:s26+s2], $0x80, $0x38;
	[tilespmem:$0x1D080] =	vst v63  }
0x97: {  	s30 =	rddreg [dreg:$0x14];
	s19 =	simm.s32 $0x13C00  }
0x98: {  	[tilespmem:s19], [sflag:$0x8] =	stream.linear.gather [hbm4b:s30+s2], $0x80, $0x38;
	[tilespmem:$0x1D080] =	vst v63  }
0x99: {  	s25 =	rddreg [dreg:$0x15];
	s26 =	simm.s32 $0x1  }
0x9a: {  	[tilespmem:s12], [sflag:$0x8] =	stream.linear.gather [hbm4b:s25+s2], $0x80, $0x38;
	[tilespmem:$0x1D080] =	vst v63  }
0x9b: {  	_ =	swait.ge [sflag:s26], $0x80  }
0x9c: {  	[sflag:s26] =	ssyncset.done $0x0  }
0x9d: {  	[sflag:s26] =	ssyncadd.s32 $0xFFFFFF80  }
0x9e: {  	_ =	swait.ge [sflag:s26], $0x80  }
0x9f: {  	[sflag:s26] =	ssyncset.done $0x0  }
0xa0: {  	s28 =	simm.s32 $0x2;
	[sflag:s26] =	ssyncadd.s32 $0xFFFFFF80  }
0xa1: {  	[tilespmem:s13], [sflag:$0x9] =	stream.indirect.gather [hbm4b:s1+s0], $0x80, s10, s0, $0xb8;
	[tilespmem:$0x1D080] =	vst v63  }
0xa2: {  	_ =	swait.ge [sflag:s28], $0x80  }
0xa3: {  	[sflag:s28] =	ssyncset.done $0x0  }
0xa4: {  	[sflag:s28] =	ssyncadd.s32 $0xFFFFFF80  }
0xa5: {  	_ =	swait.ge [sflag:s28], $0x80  }
0xa6: {  	[sflag:s28] =	ssyncset.done $0x0  }
0xa7: {  	s30 =	simm.s32 $0x3;
	[sflag:s28] =	ssyncadd.s32 $0xFFFFFF80  }
0xa8: {  	[tilespmem:s29], [sflag:$0xA] =	stream.indirect.gather [hbm4b:s1+s0], $0x80, s15, s0, $0xb8;
	[tilespmem:$0x1D080] =	vst v63  }
0xa9: {  	_ =	swait.ge [sflag:s30], $0x80  }
0xaa: {  	[sflag:s30] =	ssyncset.done $0x0  }
0xab: {  	[sflag:s30] =	ssyncadd.s32 $0xFFFFFF80  }
0xac: {  	_ =	swait.ge [sflag:s30], $0x80  }
0xad: {  	[sflag:s30] =	ssyncset.done $0x0  }
0xae: {  	[sflag:s30] =	ssyncadd.s32 $0xFFFFFF80  }
0xaf: {  	[tilespmem:s21], [sflag:$0xB] =	stream.indirect.gather [hbm4b:s1+s0], $0x80, s23, s0, $0xb8;
	[tilespmem:$0x1D080] =	vst v63  }
0xb0: {  	_ =	swait.ge [sflag:s17], $0x80  }
0xb1: {  	[sflag:s17] =	ssyncset.done $0x0  }
0xb2: {  	[sflag:s17] =	ssyncadd.s32 $0xFFFFFF80  }
0xb3: {  	_ =	swait.ge [sflag:s17], $0x80  }
0xb4: {  	s12 =	simm.s32 $0x14000;
	s10 =	simm.s32 $0x13C00;
	[sflag:s17] =	ssyncset.done $0x0  }
0xb5: {  	s15 =	simm.s32 $0x19480;
	s23 =	simm.s32 $0x400;
	[sflag:s17] =	ssyncadd.s32 $0xFFFFFF80  }
0xb6: {  	[tilespmem:s15], [sflag:$0xC] =	stream.indirect.gather [hbm4b:s1+s0], $0x80, s24, s0, $0xb8;
	[tilespmem:$0x1D080] =	vst v63  }
.LBB2_4:
0xb7: {  	s2 =	simm.s32 $0x9  }
0xb8: {  	_ =	swait.ge [sflag:s2], $0x1900  }
0xb9: {  	s21 =	simm.s32 $0x13C80;
	[sflag:s2] =	ssyncset.done $0x0  }
0xba: {  	s4 =	simm.s32 $0x14080;
	s24 =	simm.s32 $0xD;
	[sflag:s2] =	ssyncadd.s32 $0xFFFFE700  }
0xbb: {  	[spmem:s3] =	stream.indirect.scatter.add.f32 [tilespmem:s4], [sflag:$0xD], $0x80, s21, s0, $0xb8;
	[tilespmem:$0x1D080] =	vst v63  }
0xbc: {  	_ =	swait.ge [sflag:s24], $0x1900  }
0xbd: {  	[sflag:s24] =	ssyncset.done $0x0  }
0xbe: {  	[sflag:s24] =	ssyncadd.s32 $0xFFFFE700  }
0xbf: {  	_ =	swait.ge [sflag:s7], $0x80  }
0xc0: {  	[sflag:s7] =	ssyncset.done $0x0  }
0xc1: {  	[sflag:s7] =	ssyncadd.s32 $0xFFFFFF80  }
0xc2: {  	_ =	swait.ge [sflag:s7], $0x80  }
0xc3: {  	p1 =	seq.s32 s23, $0x6400;
	[sflag:s7] =	ssyncset.done $0x0  }
0xc4: {  	s25 =	simm.s32 $0x13A80;
	s24 =	sadd.s32 @!p1 s23, s14;
	[sflag:s7] =	ssyncadd.s32 $0xFFFFFF80  }
0xc5: {  	[tilespmem:s4], [sflag:$0x9] =	stream.indirect.gather [hbm4b:s1+s0], $0x80, s25, s0, $0xb8;
	[tilespmem:$0x1D080] =	vst v63  }
0xc6: {  	s25 =	sshrl.u32 @!p1 s24, $0x3  }
0xc7: {  	s29 =	simm.s32 @!p1 $0x13880;
	s24 =	simm.s32 @!p1 $0x0;
	s26 =	sadd.s32 @!p1 s5, s25  }
0xc8: {  	[tilespmem:s29], [sflag:$0x1] =	stream.linear.gather @!p1 [hbm4b:s26+s24], $0x80, $0x38;
	[tilespmem:$0x1D080] =	vst v63  }
0xc9: {  	s28 =	simm.s32 @!p1 $0x13C80;
	s26 =	sadd.s32 @!p1 s6, s25  }
0xca: {  	[tilespmem:s28], [sflag:$0x1] =	stream.linear.gather @!p1 [hbm4b:s26+s24], $0x80, $0x38;
	[tilespmem:$0x1D080] =	vst v63  }
0xcb: {  	_ =	swait.ge [sflag:s31], $0x1900  }
0xcc: {  	[sflag:s31] =	ssyncset.done $0x0  }
0xcd: {  	s26 =	simm.s32 $0x13D00;
	[sflag:s31] =	ssyncadd.s32 $0xFFFFE700  }
0xce: {  	[spmem:s3] =	stream.indirect.scatter.add.f32 [tilespmem:s11], [sflag:$0xE], $0x80, s26, s0, $0xb8;
	[tilespmem:$0x1D080] =	vst v63  }
0xcf: {  	_ =	swait.ge [sflag:s8], $0x1900  }
0xd0: {  	[sflag:s8] =	ssyncset.done $0x0  }
0xd1: {  	[sflag:s8] =	ssyncadd.s32 $0xFFFFE700  }
0xd2: {  	_ =	swait.ge [sflag:s9], $0x80  }
0xd3: {  	[sflag:s9] =	ssyncset.done $0x0  }
0xd4: {  	[sflag:s9] =	ssyncadd.s32 $0xFFFFFF80  }
0xd5: {  	_ =	swait.ge [sflag:s9], $0x80  }
0xd6: {  	[sflag:s9] =	ssyncset.done $0x0  }
0xd7: {  	s28 =	simm.s32 $0x13B00;
	s26 =	sor.u32 @!p1 $0x10, s25;
	[sflag:s9] =	ssyncadd.s32 $0xFFFFFF80  }
0xd8: {  	[tilespmem:s11], [sflag:$0xA] =	stream.indirect.gather [hbm4b:s1+s0], $0x80, s28, s0, $0xb8;
	[tilespmem:$0x1D080] =	vst v63  }
0xd9: {  	s30 =	sadd.s32 @!p1 s5, s26;
	s28 =	simm.s32 @!p1 $0x13900  }
0xda: {  	[tilespmem:s28], [sflag:$0x2] =	stream.linear.gather @!p1 [hbm4b:s30+s24], $0x80, $0x38;
	[tilespmem:$0x1D080] =	vst v63  }
0xdb: {  	s26 =	sadd.s32 @!p1 s6, s26;
	s30 =	simm.s32 @!p1 $0x13D00  }
0xdc: {  	[tilespmem:s30], [sflag:$0x2] =	stream.linear.gather @!p1 [hbm4b:s26+s24], $0x80, $0x38;
	[tilespmem:$0x1D080] =	vst v63  }
0xdd: {  	s30 =	simm.s32 $0xB  }
0xde: {  	_ =	swait.ge [sflag:s30], $0x1900  }
0xdf: {  	s19 =	simm.s32 $0x17880;
	[sflag:s30] =	ssyncset.done $0x0  }
0xe0: {  	s4 =	simm.s32 $0x13D80;
	s26 =	simm.s32 $0xF;
	[sflag:s30] =	ssyncadd.s32 $0xFFFFE700  }
0xe1: {  	[spmem:s3] =	stream.indirect.scatter.add.f32 [tilespmem:s19], [sflag:$0xF], $0x80, s4, s0, $0xb8;
	[tilespmem:$0x1D080] =	vst v63  }
0xe2: {  	_ =	swait.ge [sflag:s26], $0x1900  }
0xe3: {  	[sflag:s26] =	ssyncset.done $0x0  }
0xe4: {  	[sflag:s26] =	ssyncadd.s32 $0xFFFFE700  }
0xe5: {  	_ =	swait.ge [sflag:s16], $0x80  }
0xe6: {  	[sflag:s16] =	ssyncset.done $0x0  }
0xe7: {  	[sflag:s16] =	ssyncadd.s32 $0xFFFFFF80  }
0xe8: {  	_ =	swait.ge [sflag:s16], $0x80  }
0xe9: {  	[sflag:s16] =	ssyncset.done $0x0  }
0xea: {  	s30 =	simm.s32 $0x13B80;
	[sflag:s16] =	ssyncadd.s32 $0xFFFFFF80  }
0xeb: {  	[tilespmem:s19], [sflag:$0xB] =	stream.indirect.gather [hbm4b:s1+s0], $0x80, s30, s0, $0xb8;
	[tilespmem:$0x1D080] =	vst v63  }
0xec: {  	s30 =	sor.u32 @!p1 $0x20, s25  }
0xed: {  	s26 =	simm.s32 @!p1 $0x13980;
	s4 =	sadd.s32 @!p1 s5, s30  }
0xee: {  	[tilespmem:s26], [sflag:$0x3] =	stream.linear.gather @!p1 [hbm4b:s4+s24], $0x80, $0x38;
	[tilespmem:$0x1D080] =	vst v63  }
0xef: {  	s4 =	sadd.s32 @!p1 s6, s30;
	s30 =	simm.s32 @!p1 $0x13D80  }
0xf0: {  	[tilespmem:s30], [sflag:$0x3] =	stream.linear.gather @!p1 [hbm4b:s4+s24], $0x80, $0x38;
	[tilespmem:$0x1D080] =	vst v63  }
0xf1: {  	_ =	swait.ge [sflag:s18], $0x1900  }
0xf2: {  	[sflag:s18] =	ssyncset.done $0x0  }
0xf3: {  	s4 =	simm.s32 $0x13E00;
	[sflag:s18] =	ssyncadd.s32 $0xFFFFE700  }
0xf4: {  	[spmem:s3] =	stream.indirect.scatter.add.f32 [tilespmem:s15], [sflag:$0x10], $0x80, s4, s0, $0xb8;
	[tilespmem:$0x1D080] =	vst v63  }
0xf5: {  	_ =	swait.ge [sflag:s20], $0x1900  }
0xf6: {  	[sflag:s20] =	ssyncset.done $0x0  }
0xf7: {  	[sflag:s20] =	ssyncadd.s32 $0xFFFFE700  }
0xf8: {  	_ =	swait.ge [sflag:s22], $0x80  }
0xf9: {  	[sflag:s22] =	ssyncset.done $0x0  }
0xfa: {  	[sflag:s22] =	ssyncadd.s32 $0xFFFFFF80  }
0xfb: {  	_ =	swait.ge [sflag:s22], $0x80  }
0xfc: {  	[sflag:s22] =	ssyncset.done $0x0  }
0xfd: {  	s4 =	simm.s32 @p1 $0x9;
	[sflag:s22] =	ssyncadd.s32 $0xFFFFFF80  }
0xfe: {  	[tilespmem:s15], [sflag:$0xC] =	stream.indirect.gather [hbm4b:s1+s0], $0x80, s10, s0, $0xb8;
	[tilespmem:$0x1D080] =	vst v63  }
0xff: {  	_ =	swait.ge @p1 [sflag:s4], $0x1900  }
0x100: {  	s2 =	simm.s32 @p1 $0x14080;
	[sflag:s4] =	ssyncset.done @p1 $0x0  }
0x101: {  	s30 =	simm.s32 @p1 $0x13E80;
	[sflag:s4] =	ssyncadd.s32 @p1 $0xFFFFE700;
	s4 =	simm.s32 @p1 $0x32  }
0x102: {  	[spmem:s3] =	stream.indirect.scatter.add.f32 @p1 [tilespmem:s2], [sflag:$0xD], $0x80, s30, s4, $0xb8;
	[tilespmem:$0x1D080] =	vst v63  }
0x103: {  	s2 =	simm.s32 @p1 $0xD  }
0x104: {  	_ =	swait.ge @p1 [sflag:s2], $0x1900  }
0x105: {  	s30 =	sor.u32 @!p1 $0x30, s25;
	[sflag:s2] =	ssyncset.done @p1 $0x0  }
0x106: {  	s10 =	simm.s32 @!p1 $0x13A00;
	[sflag:s2] =	ssyncadd.s32 @p1 $0xFFFFE700;
	s2 =	sadd.s32 @!p1 s5, s30  }
0x107: {  	[tilespmem:s10], [sflag:$0x4] =	stream.linear.gather @!p1 [hbm4b:s2+s24], $0x80, $0x38;
	[tilespmem:$0x1D080] =	vst v63  }
0x108: {  	s2 =	sadd.s32 @!p1 s6, s30;
	s10 =	simm.s32 @!p1 $0x13E00  }
0x109: {  	[tilespmem:s10], [sflag:$0x4] =	stream.linear.gather @!p1 [hbm4b:s2+s24], $0x80, $0x38;
	[tilespmem:$0x1D080] =	vst v63  }
0x10a: {  	s2 =	simm.s32 @!p1 $0x9  }
0x10b: {  	_ =	swait.ge @!p1 [sflag:s2], $0x1900  }
0x10c: {  	s15 =	simm.s32 @!p1 $0xD;
	s30 =	simm.s32 @!p1 $0x32;
	[sflag:s2] =	ssyncset.done @!p1 $0x0  }
0x10d: {  	s10 =	simm.s32 @!p1 $0x14080;
	[sflag:s2] =	ssyncadd.s32 @!p1 $0xFFFFE700;
	s2 =	simm.s32 @!p1 $0x13E80  }
0x10e: {  	[spmem:s3] =	stream.indirect.scatter.add.f32 @!p1 [tilespmem:s10], [sflag:$0xD], $0x80, s2, s30, $0xb8;
	[tilespmem:$0x1D080] =	vst v63  }
0x10f: {  	_ =	swait.ge @!p1 [sflag:s15], $0x1900  }
0x110: {  	[sflag:s15] =	ssyncset.done @!p1 $0x0  }
0x111: {  	[sflag:s15] =	ssyncadd.s32 @!p1 $0xFFFFE700;
	s15 =	simm.s32 @!p1 $0x1  }
0x112: {  	_ =	swait.ge @!p1 [sflag:s15], $0x80  }
0x113: {  	[sflag:s15] =	ssyncset.done @!p1 $0x0  }
0x114: {  	[sflag:s15] =	ssyncadd.s32 @!p1 $0xFFFFFF80  }
0x115: {  	_ =	swait.ge @!p1 [sflag:s15], $0x80  }
0x116: {  	[sflag:s15] =	ssyncset.done @!p1 $0x0  }
0x117: {  	[sflag:s15] =	ssyncadd.s32 @!p1 $0xFFFFFF80  }
0x118: {  	[tilespmem:s10], [sflag:$0x9] =	stream.indirect.gather @!p1 [hbm4b:s1+s30], $0x80, s29, s30, $0xb8;
	[tilespmem:$0x1D080] =	vst v63  }
0x119: {  	s10 =	sor.u32 @!p1 $0x40, s25  }
0x11a: {  	s29 =	simm.s32 @!p1 $0x13A80;
	s15 =	sadd.s32 @!p1 s5, s10  }
0x11b: {  	[tilespmem:s29], [sflag:$0x5] =	stream.linear.gather @!p1 [hbm4b:s15+s24], $0x80, $0x38;
	[tilespmem:$0x1D080] =	vst v63  }
0x11c: {  	s10 =	sadd.s32 @!p1 s6, s10  }
0x11d: {  	[tilespmem:s2], [sflag:$0x5] =	stream.linear.gather @!p1 [hbm4b:s10+s24], $0x80, $0x38;
	[tilespmem:$0x1D080] =	vst v63  }
0x11e: {  	_ =	swait.ge [sflag:s31], $0x1900  }
0x11f: {  	[sflag:s31] =	ssyncset.done $0x0  }
0x120: {  	s15 =	simm.s32 $0x13F00;
	[sflag:s31] =	ssyncadd.s32 $0xFFFFE700  }
0x121: {  	[spmem:s3] =	stream.indirect.scatter.add.f32 [tilespmem:s11], [sflag:$0xE], $0x80, s15, s0, $0xb8;
	[tilespmem:$0x1D080] =	vst v63  }
0x122: {  	_ =	swait.ge [sflag:s8], $0x1900  }
0x123: {  	[sflag:s8] =	ssyncset.done $0x0  }
0x124: {  	s2 =	simm.s32 @p1 $0xB;
	[sflag:s8] =	ssyncadd.s32 $0xFFFFE700  }
0x125: {  	_ =	swait.ge @p1 [sflag:s2], $0x1900  }
0x126: {  	[sflag:s2] =	ssyncset.done @p1 $0x0  }
0x127: {  	s10 =	simm.s32 @p1 $0x17880;
	[sflag:s2] =	ssyncadd.s32 @p1 $0xFFFFE700;
	s2 =	simm.s32 @p1 $0x13F80  }
0x128: {  	[spmem:s3] =	stream.indirect.scatter.add.f32 @p1 [tilespmem:s10], [sflag:$0xF], $0x80, s2, s4, $0xb8;
	[tilespmem:$0x1D080] =	vst v63  }
0x129: {  	s2 =	simm.s32 @p1 $0xF  }
0x12a: {  	_ =	swait.ge @p1 [sflag:s2], $0x1900  }
0x12b: {  	[sflag:s2] =	ssyncset.done @p1 $0x0  }
0x12c: {  	[sflag:s2] =	ssyncadd.s32 @p1 $0xFFFFE700;
	s2 =	simm.s32 @!p1 $0x2  }
0x12d: {  	_ =	swait.ge @!p1 [sflag:s2], $0x80  }
0x12e: {  	[sflag:s2] =	ssyncset.done @!p1 $0x0  }
0x12f: {  	[sflag:s2] =	ssyncadd.s32 @!p1 $0xFFFFFF80  }
0x130: {  	_ =	swait.ge @!p1 [sflag:s2], $0x80  }
0x131: {  	[sflag:s2] =	ssyncset.done @!p1 $0x0  }
0x132: {  	[sflag:s2] =	ssyncadd.s32 @!p1 $0xFFFFFF80;
	s2 =	simm.s32 @!p1 $0x15C80  }
0x133: {  	[tilespmem:s2], [sflag:$0xA] =	stream.indirect.gather @!p1 [hbm4b:s1+s30], $0x80, s28, s30, $0xb8;
	[tilespmem:$0x1D080] =	vst v63  }
0x134: {  	s2 =	sor.u32 @!p1 $0x50, s25  }
0x135: {  	s10 =	simm.s32 @!p1 $0x13B00;
	s4 =	sadd.s32 @!p1 s5, s2  }
0x136: {  	[tilespmem:s10], [sflag:$0x6] =	stream.linear.gather @!p1 [hbm4b:s4+s24], $0x80, $0x38;
	[tilespmem:$0x1D080] =	vst v63  }
0x137: {  	s2 =	sadd.s32 @!p1 s6, s2;
	s4 =	simm.s32 @!p1 $0x13F00  }
0x138: {  	[tilespmem:s4], [sflag:$0x6] =	stream.linear.gather @!p1 [hbm4b:s2+s24], $0x80, $0x38;
	[tilespmem:$0x1D080] =	vst v63  }
0x139: {  	s2 =	simm.s32 @!p1 $0xB  }
0x13a: {  	_ =	swait.ge @!p1 [sflag:s2], $0x1900  }
0x13b: {  	s10 =	simm.s32 @!p1 $0xF;
	[sflag:s2] =	ssyncset.done @!p1 $0x0  }
0x13c: {  	s4 =	simm.s32 @!p1 $0x17880;
	[sflag:s2] =	ssyncadd.s32 @!p1 $0xFFFFE700;
	s2 =	simm.s32 @!p1 $0x13F80  }
0x13d: {  	[spmem:s3] =	stream.indirect.scatter.add.f32 @!p1 [tilespmem:s4], [sflag:$0xF], $0x80, s2, s30, $0xb8;
	[tilespmem:$0x1D080] =	vst v63  }
0x13e: {  	_ =	swait.ge @!p1 [sflag:s10], $0x1900  }
0x13f: {  	[sflag:s10] =	ssyncset.done @!p1 $0x0  }
0x140: {  	[sflag:s10] =	ssyncadd.s32 @!p1 $0xFFFFE700;
	s10 =	simm.s32 @!p1 $0x3  }
0x141: {  	_ =	swait.ge @!p1 [sflag:s10], $0x80  }
0x142: {  	[sflag:s10] =	ssyncset.done @!p1 $0x0  }
0x143: {  	[sflag:s10] =	ssyncadd.s32 @!p1 $0xFFFFFF80  }
0x144: {  	_ =	swait.ge @!p1 [sflag:s10], $0x80  }
0x145: {  	[sflag:s10] =	ssyncset.done @!p1 $0x0  }
0x146: {  	[sflag:s10] =	ssyncadd.s32 @!p1 $0xFFFFFF80  }
0x147: {  	[tilespmem:s4], [sflag:$0xB] =	stream.indirect.gather @!p1 [hbm4b:s1+s30], $0x80, s26, s30, $0xb8;
	[tilespmem:$0x1D080] =	vst v63  }
0x148: {  	s4 =	sor.u32 @!p1 $0x60, s25  }
0x149: {  	s15 =	simm.s32 @!p1 $0x13B80;
	s10 =	sadd.s32 @!p1 s5, s4  }
0x14a: {  	[tilespmem:s15], [sflag:$0x7] =	stream.linear.gather @!p1 [hbm4b:s10+s24], $0x80, $0x38;
	[tilespmem:$0x1D080] =	vst v63  }
0x14b: {  	s4 =	sadd.s32 @!p1 s6, s4  }
0x14c: {  	[tilespmem:s2], [sflag:$0x7] =	stream.linear.gather @!p1 [hbm4b:s4+s24], $0x80, $0x38;
	[tilespmem:$0x1D080] =	vst v63  }
0x14d: {  	_ =	swait.ge [sflag:s18], $0x1900  }
0x14e: {  	[sflag:s18] =	ssyncset.done $0x0  }
.Ltmp3:
0x14f: {  	s15 =	simm.s32 $0x19480;
	[sflag:s18] =	ssyncadd.s32 $0xFFFFE700;
	(pc) =	sbr.rel @p1 .LBB2_6-.Ltmp3, $4  }
0x150: {  	[spmem:s3] =	stream.indirect.scatter.add.f32 [tilespmem:s15], [sflag:$0x10], $0x80, s12, s0, $0xb8;
	[tilespmem:$0x1D080] =	vst v63  }
0x151: {  	s13 =	simm.s32 $0x14080;
	_ =	swait.ge [sflag:s20], $0x1900  }
0x152: {  	s21 =	simm.s32 $0x17880;
	s19 =	simm.s32 $0x13C00;
	[sflag:s20] =	ssyncset.done $0x0  }
0x153: {  	s29 =	simm.s32 $0x15C80;
	s12 =	simm.s32 $0x14000;
	[sflag:s20] =	ssyncadd.s32 $0xFFFFE700  }
0x154: {  	_ =	swait.ge [sflag:s17], $0x80  }
0x155: {  	[sflag:s17] =	ssyncset.done $0x0  }
0x156: {  	[sflag:s17] =	ssyncadd.s32 $0xFFFFFF80  }
0x157: {  	_ =	swait.ge [sflag:s17], $0x80  }
0x158: {  	[sflag:s17] =	ssyncset.done $0x0  }
0x159: {  	s2 =	simm.s32 $0x13A00;
	s30 =	sadd.s32 s23, s14;
	[sflag:s17] =	ssyncadd.s32 $0xFFFFFF80  }
0x15a: {  	[tilespmem:s15], [sflag:$0xC] =	stream.indirect.gather [hbm4b:s1+s0], $0x80, s2, s0, $0xb8;
	[tilespmem:$0x1D080] =	vst v63  }
0x15b: {  	s2 =	sshrl.u32 s30, $0x3  }
0x15c: {  	s2 =	sor.u32 $0x70, s2  }
.Ltmp4:
0x15d: {  	s10 =	simm.s32 $0x0;
	s4 =	sadd.s32 s5, s2;
	(pc) =	sbr.rel .LBB2_4-.Ltmp4, $4  }
0x15e: {  	[tilespmem:s19], [sflag:$0x8] =	stream.linear.gather [hbm4b:s4+s10], $0x80, $0x38;
	[tilespmem:$0x1D080] =	vst v63  }
0x15f: {  	s2 =	sadd.s32 s6, s2  }
0x160: {  	[tilespmem:s12], [sflag:$0x8] =	stream.linear.gather [hbm4b:s2+s10], $0x80, $0x38;
	[tilespmem:$0x1D080] =	vst v63  }
0x161: {  	s23 =	sadd.s32 $0x400, s23;
	s10 =	simm.s32 $0x13C00;
	s12 =	simm.s32 $0x14000  }
.LBB2_7:
0x162: {  	_ =	sfence.sel $0x180000  }
0x163: {  	[bflag:$0x0] =	sbarrier.arrive $0xFFFF  }
0x164: {  	_ =	strace $0x90000047  }
0x165: {  	s0 =	stileid.u32;
	[bflag:$0x2] =	sbarrier.arrive $0xFFFF  }
0x166: {  	p0 =	sne.s32 s0, $0x0;
	s0 =	rddreg [dreg:$0x3]  }
0x167: {  	s0 =	sadd.s32 @!p0 $0x100000, s0  }
0x168: {  	[sflag:s0] =	ssyncadd.tile.s32 @!p0 $0x1;
	_ =	shalt  }
.Lfunc_end2:
_tile_overlayer_lowered:
.L_overlay_start_2:
0x169: {  	(tag) =	ssettag $0x2  }
0x16a: {  	s0 =	rddreg [dreg:$0x0];
	s2 =	stileid.u32  }
0x16b: {  	s1 =	rddreg [dreg:$0x1];
	p0 =	sne.s32 s2, $0x0  }
0x16c: {  	s3 =	rddreg [dreg:$0x2];
	[bflag:$0x3] =	sbarrier.arrive $0xFFFF;
	s2 =	simm.s32 @!p0 $0x1C11  }
0x16d: {  	[timem:s3], [sflag:s2] =	dma.local @!p0 [hbm:s0], s1  }
0x16e: {  	s0 =	simm.s32 @!p0 $0x11  }
0x16f: {  	_ =	swait.ge @!p0 [sflag:s0], s1  }
0x170: {  	s1 =	ssub.s32 @!p0 $0x0, s1;
	[sflag:s0] =	ssyncset.done @!p0 $0x0  }
0x171: {  	[sflag:s0] =	ssyncadd.s32 @!p0 s1  }
0x172: {  	[bflag:$0x3] =	sbarrier.arrive $0xFFFF  }
0x173: {  	_ =	shalt  }

// kernel: kernel.9.cloned.1.call-start
scs
__scs_entry_jumppad:
0x0: {  	(pc) =	sbr.rel $0x88, $3  }
0x1: {  	(tag) =	ssettag $0x0;
	lr =	simm.s32 $0x1  }
0x2: {  	[smem:$0x3F93] =	sst lr;
	_ =	strace $0xD0000000  }
0x3: {  	_ = 	snop  }
0x4: {  	_ = 	snop  }
0x5: {  	_ = 	snop  }
0x6: {  	_ = 	snop  }
0x7: {  	_ = 	snop  }
__scs_overlays_trampoline_lowered:
0x8: {  	[smem:$0x3FA2] =	sst s0  }
0x9: {  	[smem:$0x3FA3] =	sst s1  }
0xa: {  	[smem:$0x3FA4] =	sst s2  }
0xb: {  	[smem:$0x3FA5] =	sst s3  }
0xc: {  	[smem:$0x3FA6] =	sst s4  }
0xd: {  	[smem:$0x3FA7] =	sst s5  }
0xe: {  	[smem:$0x3FA8] =	sst s6  }
0xf: {  	[smem:$0x3FA9] =	sst s7  }
0x10: {  	[smem:$0x3FAA] =	sst s8  }
0x11: {  	[smem:$0x3FAB] =	sst s9;
	s0 =	simm.s32 @!p0 $0x0  }
0x12: {  	s1 =	sld [smem:$0x3F91];
	s0 =	simm.s32 @p0 $0x1  }
0x13: {  	[smem:$0x3FAC] =	sst s0;
	s0 =	simm.s32 @!p1 $0x0  }
0x14: {  	s2 =	sld [smem:$0x3F90];
	s0 =	simm.s32 @p1 $0x1  }
0x15: {  	[smem:$0x3FAD] =	sst s0;
	s0 =	simm.s32 @!p2 $0x0  }
0x16: {  	s3 =	sld [smem:$0x3FDB];
	s0 =	simm.s32 @p2 $0x1  }
0x17: {  	s4 =	simm.s32 $0x1BF5;
	[smem:$0x3FAF] =	sst s0  }
0x18: {  	s0 =	sld [smem:$0x3F92];
	_ =	swait.ge [sflag:s4], $0x0  }
0x19: {  	s7 =	sld [smem:$0x3F93]  }
0x1a: {  	s8 =	sadd.s32 $0xFFFFE003, lr  }
0x1b: {  	s9 =	sadd.s32 $0xFFFFFEF7, lr;
	s5 =	simm.s32 $0xFFFFFFFF;
	p2 =	slt.u32 s8, $0xFFFFF086  }
0x1c: {  	p1 =	slt.u32 s9, $0xF7A;
	s5 =	simm.s32 @!p2 $0x0  }
0x1d: {  	s5 =	simm.s32 @p1 $0x1;
	p0 =	seq.s32 s7, s2  }
0x1e: {  	s7 =	smul.u32 @!p0 $0xF7A, s2;
	p2 =	seq.s32 @!p0 s5, $0x0  }
0x1f: {  	s9 =	smul.u32 $0xF7A, s1;
	s8 =	simm.s32 @!p0 $0x1BF5;
	p2 =	por !p2, p0  }
0x20: {  	[sflag:s8] =	ssyncset.s32 @!p0 $0xFFFFF086;
	s6 =	sadd.s32 @!p0 s3, s7;
	s7 =	simm.s32 @!p0 $0x108  }
0x21: {  	s3 =	sadd.s32 s3, s9;
	s6 =	sadd.s32 @!p0 $0x88, s6;
	s7 =	simm.s32 @p2 $0x1082  }
0x22: {  	[simem:s7], [sflag:s8] =	dma.local @!p0 [hbm:s6], $0xF7A  }
0x23: {  	s9 =	sor.u32 $0xD0000000, s2;
	s6 =	simm.s32 $0x108;
	_ =	swait.ge @!p0 [sflag:s8], $0x0  }
0x24: {  	s3 =	sadd.s32 $0x88, s3;
	s6 =	simm.s32 @!p1 $0x1082;
	[sflag:s4] =	ssyncset.s32 $0xFFFFF086  }
0x25: {  	[simem:s6], [sflag:s4] =	dma.local [hbm:s3], $0xF7A  }
0x26: {  	[smem:$0x3F93] =	sst s1;
	(tag) =	ssettag s2;
	_ =	strace s9  }
0x27: {  	s1 =	sld [smem:$0x3FA3]  }
0x28: {  	s2 =	sld [smem:$0x3FA4]  }
0x29: {  	s4 =	sld [smem:$0x3FA6]  }
0x2a: {  	p0 =	seq.s32 s5, $0x0;
	s5 =	sld [smem:$0x3FA7]  }
0x2b: {  	s6 =	sld [smem:$0x3FA8]  }
0x2c: {  	s7 =	sld [smem:$0x3FA9]  }
0x2d: {  	s3 =	simm.s32 $0x108;
	s8 =	sld [smem:$0x3FAA]  }
0x2e: {  	s3 =	simm.s32 @!p0 $0x1082;
	s9 =	sld [smem:$0x3FAB]  }
0x2f: {  	lr =	sadd.s32 s0, s3;
	s0 =	sld [smem:$0x3FA2]  }
0x30: {  	s3 =	sld [smem:$0x3FA5]  }
0x31: {  	[smem:$0x3FAE] =	sst s10  }
0x32: {  	s10 =	sld [smem:$0x3FAC];
	_ =	sdelay $0x3  }
0x33: {  	p0 =	seq.s32 s10, $0x1;
	s10 =	sld [smem:$0x3FAE];
	_ =	sdelay $0x3  }
0x34: {  	[smem:$0x3FAE] =	sst s10  }
0x35: {  	s10 =	sld [smem:$0x3FAD];
	_ =	sdelay $0x3  }
0x36: {  	p1 =	seq.s32 s10, $0x1;
	s10 =	sld [smem:$0x3FAE];
	_ =	sdelay $0x3  }
0x37: {  	[smem:$0x3FAE] =	sst s10  }
0x38: {  	s10 =	sld [smem:$0x3FAF]  }
0x39: {  	_ = 	snop;
	(pc) =	sbr.ind lr, $3  }
0x3a: {  	_ = 	snop  }
0x3b: {  	_ = 	snop  }
0x3c: {  	p2 =	seq.s32 s10, $0x1;
	s10 =	sld [smem:$0x3FAE]  }
0x3d: {  	_ =	shalt  }
0x3e: {  	_ =	shalt  }
0x3f: {  	_ =	shalt  }
0x40: {  	_ =	shalt  }
0x41: {  	_ =	shalt  }
0x42: {  	_ =	shalt  }
0x43: {  	_ =	shalt  }
0x44: {  	_ =	shalt  }
0x45: {  	_ =	shalt  }
0x46: {  	_ =	shalt  }
0x47: {  	_ =	shalt  }
0x48: {  	_ =	shalt  }
0x49: {  	_ =	shalt  }
0x4a: {  	_ =	shalt  }
0x4b: {  	_ =	shalt  }
0x4c: {  	_ =	shalt  }
0x4d: {  	_ =	shalt  }
0x4e: {  	_ =	shalt  }
0x4f: {  	_ =	shalt  }
0x50: {  	_ =	shalt  }
0x51: {  	_ =	shalt  }
0x52: {  	_ =	shalt  }
0x53: {  	_ =	shalt  }
0x54: {  	_ =	shalt  }
0x55: {  	_ =	shalt  }
0x56: {  	_ =	shalt  }
0x57: {  	_ =	shalt  }
0x58: {  	_ =	shalt  }
0x59: {  	_ =	shalt  }
0x5a: {  	_ =	shalt  }
0x5b: {  	_ =	shalt  }
0x5c: {  	_ =	shalt  }
0x5d: {  	_ =	shalt  }
0x5e: {  	_ =	shalt  }
0x5f: {  	_ =	shalt  }
0x60: {  	_ =	shalt  }
0x61: {  	_ =	shalt  }
0x62: {  	_ =	shalt  }
0x63: {  	_ =	shalt  }
0x64: {  	_ =	shalt  }
0x65: {  	_ =	shalt  }
0x66: {  	_ =	shalt  }
0x67: {  	_ =	shalt  }
0x68: {  	_ =	shalt  }
0x69: {  	_ =	shalt  }
0x6a: {  	_ =	shalt  }
0x6b: {  	_ =	shalt  }
0x6c: {  	_ =	shalt  }
0x6d: {  	_ =	shalt  }
0x6e: {  	_ =	shalt  }
0x6f: {  	_ =	shalt  }
0x70: {  	_ =	shalt  }
0x71: {  	_ =	shalt  }
0x72: {  	_ =	shalt  }
0x73: {  	_ =	shalt  }
0x74: {  	_ =	shalt  }
0x75: {  	_ =	shalt  }
0x76: {  	_ =	shalt  }
0x77: {  	_ =	shalt  }
0x78: {  	_ =	shalt  }
0x79: {  	_ =	shalt  }
0x7a: {  	_ =	shalt  }
0x7b: {  	_ =	shalt  }
0x7c: {  	_ =	shalt  }
0x7d: {  	_ =	shalt  }
0x7e: {  	_ =	shalt  }
0x7f: {  	_ =	shalt  }
0x80: {  	_ =	shalt  }
0x81: {  	_ =	shalt  }
0x82: {  	_ =	shalt  }
0x83: {  	_ =	shalt  }
0x84: {  	_ =	shalt  }
0x85: {  	_ =	shalt  }
0x86: {  	_ =	shalt  }
0x87: {  	_ =	shalt  }
.Lfunc_end0:
.L_simem_size_0:
called_computation.1_lowered:
.L_overlay_start_0:
0x88: {  	s2 =	sld [smem:$0x3FD9]  }
0x89: {  	s3 =	sld [smem:$0x3FFE];
	_ =	sdelay $0x1  }
0x8a: {  	s1 =	srdreg.scid  }
0x8b: {  	s0 =	sand.u32 $0x1, s1  }
0x8c: {  	s16 =	sshll.u32 s0, $0xA;
	s2 =	sadd.s32 s3, s2  }
0x8d: {  	s2 =	sadd.s32 s2, s16  }
0x8e: {  	[smem:$0x3FBA] =	sst s2  }
0x8f: {  	_ = 	snop  }
0x90: {  	(tm) =	ssettm $0x1  }
0x91: {  	s17 =	sld [smem:$0x3FFB];
	_ =	sdelay $0x3  }
0x92: {  	_ =	strace s17  }
0x93: {  	s2 =	sld [smem:$0x3FFC];
	_ =	sdelay $0x3  }
0x94: {  	_ =	strace s2  }
0x95: {  	s2 =	sld [smem:$0x3FFD];
	_ =	sdelay $0x3  }
0x96: {  	_ =	strace s2  }
0x97: {  	_ =	strace $0x8FFFFFFF  }
0x98: {  	s18 =	sld [smem:$0x3FDB];
	_ =	sdelay $0x1  }
0x99: {  	s19 =	simm.s32 $_scs_section_size  }
0x9a: {  	s4 =	simm.s32 $_size__tile_overlayer_lowered;
	s5 =	simm.s32 $_tile_overlayer_lowered  }
0x9b: {  	s22 =	simm.s32 $0x1BFF;
	s21 =	sshll.u32 s5, $0x1;
	s2 =	sadd.s32 s19, s18  }
0x9c: {  	s6 =	simm.s32 $0x0;
	s20 =	sshll.u32 s4, $0x1;
	s4 =	sadd.s32 s21, s2  }
0x9d: {  	[timem:s6], [sflag:s22] =	dma.local [hbm:s4], s20  }
0x9e: {  	_ =	swait.ge [sflag:s22], s20  }
0x9f: {  	s3 =	ssub.s32 $0x0, s20;
	[sflag:s22] =	ssyncset.done $0x0  }
0xa0: {  	[sflag:s22] =	ssyncadd.s32 s3;
	_ =	sdelay $0x1  }
0xa1: {  	s23 =	simm.s32 $0x1B8B  }
0xa2: {  	_ =	swait.ge [sflag:s23], $0x1  }
0xa3: {  	[sflag:s23] =	ssyncset.done $0x0  }
0xa4: {  	s25 =	simm.s32 $0x1B8E;
	s24 =	sld [smem:$0x3FFE];
	[sflag:s23] =	ssyncadd.s32 $0xFFFFFFFF  }
0xa5: {  	s26 =	simm.s32 $execute0_lowered;
	[smem:$0x3FD2] =	sst s25  }
0xa6: {  	s4 =	sshll.u32 s26, $0x1;
	_ =	strace $0x80000049;
	[dreg:$0x1] =	wrdreg $0xFFFFFFFF  }
0xa7: {  	s28 =	simm.s32 $_size_execute0_lowered;
	s2 =	sadd.s32 s2, s4;
	[dreg:$0x0] =	wrdreg $0x0  }
0xa8: {  	s4 =	sshll.u32 s28, $0x1;
	[dreg:$0x2] =	wrdreg s2  }
0xa9: {  	[dreg:$0x3] =	wrdreg s4  }
0xaa: {  	[dreg:$0x4] =	wrdreg $0xC0  }
0xab: {  	_ =	task [dreg:s6], $0x5FFFF  }
0xac: {  	[dreg:$0x1] =	wrdreg $0xFFFFFFFF  }
0xad: {  	[dreg:$0x0] =	wrdreg $0x60  }
0xae: {  	[dreg:$0x2] =	wrdreg s24  }
0xaf: {  	[dreg:$0x3] =	wrdreg $0x0  }
0xb0: {  	[dreg:$0x4] =	wrdreg $0x9  }
0xb1: {  	_ =	task.clear_ibuf [dreg:s6], $0x5FFFF;
	_ =	strace $0x90000049  }
0xb2: {  	s29 =	simm.s32 $0x9;
	_ =	strace $0x8000004B  }
0xb3: {  	_ =	swait.ge [sflag:s29], $0x1  }
0xb4: {  	[sflag:s29] =	ssyncadd.s32 $0xFFFFFFFF  }
0xb5: {  	_ =	strace $0x9000004B  }
0xb6: {  	_ =	sfence  }
0xb7: {  	s30 =	sld [smem:$0x0];
	_ =	sdelay $0x2  }
0xb8: {  	s31 =	sshll.u32 s1, $0xD;
	s1 =	sshrl.u32 s1, $0x2  }
0xb9: {  	s3 =	sand.u32 $0x4000, s31;
	s1 =	sadd.s32 s1, s30  }
0xba: {  	s0 =	sor.u32 s3, s0;
	s1 =	sshll.u32 s1, $0x11  }
0xbb: {  	s0 =	sor.u32 s1, s0  }
0xbc: {  	s0 =	sadd.s32 $0x8F2B, s0  }
0xbd: {  	[sflag:s0] =	ssyncadd.remote.s32 $0x1  }
0xbe: {  	_ =	sfence.sel $0xFFFF  }
0xbf: {  	[dreg:$0x0] =	wrdreg $0xFFFFFFFF;
	(pc) =	sbr.abs _section_cstart, $3  }
0xc0: {  	[dreg:$0x1] =	wrdreg $0xFFFFFFFF  }
0xc1: {  	_ =	task.clear_ibuf [dreg:s6], $0x2FFFF;
	_ =	strace $0x9FFFFFFF  }
0xc2: {  	(tm) =	ssettm $0x7FFFFFFF  }
0xc3: {  	_ =	shalt  }
tec
execute0_lowered:
.L_overlay_start_1:
0x0: {  	(tag) =	ssettag $0x1  }
0x1: {  	s0 =	rddreg [dreg:$0x0]  }
0x2: {  	s1 =	rddreg [dreg:$0x1]  }
0x3: {  	s2 =	simm.s32 $0x0;
	s12 =	srdreg.scid;
	s3 =	stileid.u32  }
0x4: {  	s29 =	simm.s32 $0x15C80;
	s31 =	simm.s32 $0xA;
	s7 =	smul.u32 $0x4E000, s3  }
0x5: {  	[smem:$0x7FF] =	sst s2;
	s2 =	sand.u32 $0x1, s12;
	s13 =	smul.u32 $0x2700, s3  }
0x6: {  	s5 =	sshll.u32 s3, $0x1;
	s4 =	sadd.s32 $0x34A00, s0;
	s28 =	smul.u32 $0xC800, s3  }
0x7: {  	s6 =	sor.u32 s2, s5;
	s5 =	sadd.s32 $0x2A00, s0;
	s23 =	smul.u32 $0x27100, s2  }
0x8: {  	s8 =	ssub.s32 $0x2, s2;
	s9 =	smul.u32 $0x6400, s6;
	s6 =	sadd.s32 $0x1BA00, s0  }
0x9: {  	s0 =	sadd.s32 $0x5BC00, s0;
	s10 =	sshrl.u32 s8, $0x1;
	s7 =	sshrl.u32 s7, $0x2  }
0xa: {  	s8 =	ssub.s32 s8, s10;
	s15 =	sadd.s32 s7, s1;
	s10 =	sadd.s32 s13, s23  }
0xb: {  	_ =	strace $0x8000004A;
	s10 =	sadd.s32 s0, s10;
	[dreg:$0x3] =	wrdreg s15  }
0xc: {  	s9 =	sshrl.u32 s9, $0x3;
	s23 =	sadd.s32 $0x8000, s15;
	[dreg:$0xe] =	wrdreg s10  }
0xd: {  	p0 =	sne.s32 s3, $0xF;
	s11 =	sadd.s32 s5, s9;
	[dreg:$0x1a] =	wrdreg s23  }
0xe: {  	s14 =	sor.u32 $0x10, s9;
	s16 =	sadd.s32 s6, s9;
	[dreg:$0x4] =	wrdreg s11  }
0xf: {  	s25 =	smul.u32 $0x138800, s2;
	[dreg:$0x5] =	wrdreg s16;
	s17 =	sadd.s32 s5, s14  }
0x10: {  	s18 =	sor.u32 $0x20, s9;
	s7 =	sadd.s32 s6, s14;
	[dreg:$0x6] =	wrdreg s17  }
0x11: {  	s19 =	sor.u32 $0x30, s9;
	s12 =	sadd.s32 s5, s18;
	[dreg:$0x7] =	wrdreg s7  }
0x12: {  	s2 =	smul.u32 $0x6400, s2;
	s20 =	sadd.s32 s5, s19;
	[dreg:$0x8] =	wrdreg s12  }
0x13: {  	s22 =	sor.u32 $0x40, s9;
	s21 =	sadd.s32 s6, s19;
	[dreg:$0xa] =	wrdreg s20  }
0x14: {  	s26 =	sor.u32 $0x50, s9;
	s24 =	sadd.s32 s5, s22;
	[dreg:$0xb] =	wrdreg s21  }
0x15: {  	s13 =	sor.u32 $0x70, s9;
	s30 =	sadd.s32 s5, s26;
	[dreg:$0xc] =	wrdreg s24  }
0x16: {  	s10 =	sadd.s32 s6, s26;
	s14 =	sadd.s32 s2, s28;
	[dreg:$0xf] =	wrdreg s30  }
0x17: {  	s19 =	smax.u32 s8, $0x1;
	s26 =	sadd.s32 $0xE000, s15;
	[dreg:$0x10] =	wrdreg s10  }
0x18: {  	s28 =	sadd.s32 $0x10000, s15;
	s8 =	simm.s32 $0xE;
	[dreg:$0x16] =	wrdreg s19  }
0x19: {  	s11 =	simm.s32 $0x15C80;
	s7 =	sadd.s32 s6, s18;
	[dreg:$0x1d] =	wrdreg s26  }
0x1a: {  	s12 =	sor.u32 $0x60, s9;
	s17 =	sadd.s32 s5, s13;
	[dreg:$0x1e] =	wrdreg s28  }
0x1b: {  	s18 =	sadd.s32 s6, s13;
	s20 =	sadd.s32 $0x2000, s15;
	[dreg:$0x9] =	wrdreg s7  }
0x1c: {  	s21 =	sadd.s32 $0x4000, s15;
	s24 =	sadd.s32 $0xA000, s15;
	[dreg:$0x13] =	wrdreg s17  }
0x1d: {  	s30 =	sadd.s32 $0x12000, s15;
	s26 =	simm.s32 $0x11;
	[dreg:$0x14] =	wrdreg s18  }
0x1e: {  	s13 =	simm.s32 $0x14080;
	s9 =	simm.s32 $0x6;
	[dreg:$0x17] =	wrdreg s20  }
0x1f: {  	s10 =	simm.s32 $0x0;
	s7 =	sadd.s32 s6, s22;
	[dreg:$0x18] =	wrdreg s21  }
0x20: {  	s16 =	sadd.s32 s5, s12;
	s2 =	sadd.s32 s6, s12;
	[dreg:$0x1b] =	wrdreg s24  }
0x21: {  	s22 =	sadd.s32 $0x6000, s15;
	[dreg:$0x1f] =	wrdreg s30;
	s12 =	simm.s32 $0x14000  }
0x22: {  	s21 =	simm.s32 $0x17880;
	s17 =	simm.s32 $0x4;
	[dreg:$0xd] =	wrdreg s7  }
0x23: {  	s18 =	simm.s32 $0xC;
	s20 =	simm.s32 $0x10;
	[dreg:$0x11] =	wrdreg s16  }
.Ltmp0:
0x24: {  	s7 =	sshrl.u32 s25, $0x3;
	[dreg:$0x12] =	wrdreg s2;
	(pc) =	sbr.rel .LBB2_1-.Ltmp0, $4  }
0x25: {  	[dreg:$0x19] =	wrdreg s22;
	s25 =	sadd.s32 $0xC000, s15;
	s16 =	simm.s32 $0x7  }
0x26: {  	s0 =	sadd.s32 s0, s7;
	[dreg:$0x1c] =	wrdreg s25;
	s25 =	sadd.s32 $0x138000, s1  }
0x27: {  	s22 =	simm.s32 $0x8;
	s0 =	sadd.s32 $0x27000, s0;
	[smem:$0x7FD] =	sst s25  }
0x28: {  	v0 =	vimm.f32 $0.0e+00;
	s7 =	simm.s32 $0x5;
	[dreg:$0x15] =	wrdreg s0;
	s0 =	simm.s32 $0x32  }
.LBB2_6:
0x29: {  	s2 =	stileid.u32;
	[bflag:$0x0] =	sbarrier.arrive $0xFFFF  }
0x2a: {  	s26 =	simm.s32 $0x11;
	s2 =	sshll.u32 s2, $0x6;
	s15 =	rddreg [dreg:$0x3]  }
0x2b: {  	s10 =	rddreg [dreg:$0xe];
	s2 =	sor.u32 $0x1C11, s2;
	s3 =	sshrl.u32 s15, $0x3  }
0x2c: {  	[hbm:s10], [sflag:s2] =	dma.local [spmem:s3], $0x2700  }
0x2d: {  	_ =	swait.ge [sflag:s26], $0x2700  }
0x2e: {  	s25 =	sld [smem:$0x7FD];
	_ =	sdelay $0x1  }
0x2f: {  	[sflag:s26] =	ssyncset.done $0x0  }
0x30: {  	s10 =	rddreg [dreg:$0x15];
	[sflag:s26] =	ssyncadd.s32 $0xFFFFD900;
	s3 =	sshrl.u32 @!p0 s25, $0x3  }
0x31: {  	[hbm:s10], [sflag:s2] =	dma.local @!p0 [spmem:s3], $0x100  }
0x32: {  	s2 =	simm.s32 @!p0 $0x11  }
0x33: {  	_ =	swait.ge @!p0 [sflag:s2], $0x100  }
0x34: {  	s28 =	sld [smem:$0x7FC];
	_ =	sdelay $0x2  }
0x35: {  	s30 =	rddreg [dreg:$0x16];
	s10 =	sadd.s32 $0x1, s28  }
0x36: {  	p1 =	sne.s32 s10, s30  }
.Ltmp1:
0x37: {  	_ = 	snop;
	(pc) =	sbr.rel @!p1 .LBB2_7-.Ltmp1, $3  }
0x38: {  	_ =	sdelay $0x1  }
0x39: {  	[sflag:s2] =	ssyncset.done @!p0 $0x0  }
0x3a: {  	[sflag:s2] =	ssyncadd.s32 @!p0 $0xFFFFFF00  }
.LBB2_1:
0x3b: {  	[smem:$0x7FC] =	sst s10;
	s23 =	simm.s32 $0x0;
	s24 =	simm.s32 $0x200  }
.LBB2_2:
0x3c: {  	p1 =	sne.s32 s24, $0x7E00;
	[tilespmem:s23+$0x1B0F0] =	vst v0  }
0x3d: {  	[tilespmem:s23+$0x1B080] =	vst v0  }
0x3e: {  	[tilespmem:s23+$0x1B090] =	vst v0  }
.Ltmp2:
0x3f: {  	[tilespmem:s23+$0x1B0A0] =	vst v0;
	(pc) =	sbr.rel @p1 .LBB2_2-.Ltmp2, $4  }
0x40: {  	[tilespmem:s23+$0x1B0B0] =	vst v0  }
0x41: {  	[tilespmem:s23+$0x1B0C0] =	vst v0  }
0x42: {  	[tilespmem:s23+$0x1B0D0] =	vst v0  }
0x43: {  	[tilespmem:s23+$0x1B0E0] =	vst v0;
	s23 =	sshra.s32 s24, $0x2;
	s24 =	sadd.s32 $0x200, s24  }
0x44: {  	[tilespmem:s23+$0x1B0F0] =	vst v0  }
0x45: {  	[tilespmem:s23+$0x1B080] =	vst v0  }
0x46: {  	[tilespmem:s23+$0x1B090] =	vst v0  }
0x47: {  	[tilespmem:s23+$0x1B0A0] =	vst v0  }
0x48: {  	[tilespmem:s23+$0x1B0B0] =	vst v0  }
0x49: {  	[tilespmem:s23+$0x1B0C0] =	vst v0  }
0x4a: {  	[tilespmem:s23+$0x1B0D0] =	vst v0  }
0x4b: {  	[tilespmem:s23+$0x1B0E0] =	vst v0;
	s3 =	simm.s32 $0x1B080  }
0x4c: {  	[spmem:s15] =	stream.linear.scatter [tilespmem:s3], [sflag:$0x11], $0x2000, $0x38;
	[tilespmem:$0x1D080] =	vst v63  }
0x4d: {  	_ =	swait.ge [sflag:s26], $0x2000  }
0x4e: {  	[sflag:s26] =	ssyncset.done $0x0  }
0x4f: {  	s2 =	rddreg [dreg:$0x17];
	[sflag:s26] =	ssyncadd.s32 $0xFFFFE000  }
0x50: {  	[spmem:s2] =	stream.linear.scatter [tilespmem:s3], [sflag:$0x11], $0x2000, $0x38;
	[tilespmem:$0x1D080] =	vst v63  }
0x51: {  	_ =	swait.ge [sflag:s26], $0x2000  }
0x52: {  	[sflag:s26] =	ssyncset.done $0x0  }
0x53: {  	s15 =	rddreg [dreg:$0x18];
	[sflag:s26] =	ssyncadd.s32 $0xFFFFE000  }
0x54: {  	[spmem:s15] =	stream.linear.scatter [tilespmem:s3], [sflag:$0x11], $0x2000, $0x38;
	[tilespmem:$0x1D080] =	vst v63  }
0x55: {  	_ =	swait.ge [sflag:s26], $0x2000  }
0x56: {  	[sflag:s26] =	ssyncset.done $0x0  }
0x57: {  	s19 =	rddreg [dreg:$0x19];
	[sflag:s26] =	ssyncadd.s32 $0xFFFFE000  }
0x58: {  	[spmem:s19] =	stream.linear.scatter [tilespmem:s3], [sflag:$0x11], $0x2000, $0x38;
	[tilespmem:$0x1D080] =	vst v63  }
0x59: {  	_ =	swait.ge [sflag:s26], $0x2000  }
0x5a: {  	[sflag:s26] =	ssyncset.done $0x0  }
0x5b: {  	s23 =	rddreg [dreg:$0x1a];
	[sflag:s26] =	ssyncadd.s32 $0xFFFFE000  }
0x5c: {  	[spmem:s23] =	stream.linear.scatter [tilespmem:s3], [sflag:$0x11], $0x2000, $0x38;
	[tilespmem:$0x1D080] =	vst v63  }
0x5d: {  	_ =	swait.ge [sflag:s26], $0x2000  }
0x5e: {  	[sflag:s26] =	ssyncset.done $0x0  }
0x5f: {  	s24 =	rddreg [dreg:$0x1b];
	[sflag:s26] =	ssyncadd.s32 $0xFFFFE000  }
0x60: {  	[spmem:s24] =	stream.linear.scatter [tilespmem:s3], [sflag:$0x11], $0x2000, $0x38;
	[tilespmem:$0x1D080] =	vst v63  }
0x61: {  	_ =	swait.ge [sflag:s26], $0x2000  }
0x62: {  	[sflag:s26] =	ssyncset.done $0x0  }
0x63: {  	s28 =	rddreg [dreg:$0x1c];
	[sflag:s26] =	ssyncadd.s32 $0xFFFFE000  }
0x64: {  	[spmem:s28] =	stream.linear.scatter [tilespmem:s3], [sflag:$0x11], $0x2000, $0x38;
	[tilespmem:$0x1D080] =	vst v63  }
0x65: {  	_ =	swait.ge [sflag:s26], $0x2000  }
0x66: {  	[sflag:s26] =	ssyncset.done $0x0  }
0x67: {  	s30 =	rddreg [dreg:$0x1d];
	[sflag:s26] =	ssyncadd.s32 $0xFFFFE000  }
0x68: {  	[spmem:s30] =	stream.linear.scatter [tilespmem:s3], [sflag:$0x11], $0x2000, $0x38;
	[tilespmem:$0x1D080] =	vst v63  }
0x69: {  	_ =	swait.ge [sflag:s26], $0x2000  }
0x6a: {  	[sflag:s26] =	ssyncset.done $0x0  }
0x6b: {  	s10 =	rddreg [dreg:$0x1e];
	[sflag:s26] =	ssyncadd.s32 $0xFFFFE000  }
0x6c: {  	[spmem:s10] =	stream.linear.scatter [tilespmem:s3], [sflag:$0x11], $0x2000, $0x38;
	[tilespmem:$0x1D080] =	vst v63  }
0x6d: {  	_ =	swait.ge [sflag:s26], $0x2000  }
0x6e: {  	[sflag:s26] =	ssyncset.done $0x0  }
0x6f: {  	s15 =	rddreg [dreg:$0x1f];
	[sflag:s26] =	ssyncadd.s32 $0xFFFFE000  }
0x70: {  	[spmem:s15] =	stream.linear.scatter [tilespmem:s3], [sflag:$0x11], $0x1800, $0x38;
	[tilespmem:$0x1D080] =	vst v63  }
0x71: {  	_ =	swait.ge [sflag:s26], $0x1800  }
0x72: {  	[sflag:s26] =	ssyncset.done $0x0  }
0x73: {  	s23 =	simm.s32 @!p0 $0x1B080;
	[sflag:s26] =	ssyncadd.s32 $0xFFFFE800  }
0x74: {  	[spmem:s25] =	stream.linear.scatter @!p0 [tilespmem:s23], [sflag:$0x11], $0x800, $0x38;
	[tilespmem:$0x1D080] =	vst v63  }
0x75: {  	s23 =	simm.s32 @!p0 $0x11  }
0x76: {  	_ =	swait.ge @!p0 [sflag:s23], $0x800  }
0x77: {  	[sflag:s23] =	ssyncset.done @!p0 $0x0  }
0x78: {  	[sflag:s23] =	ssyncadd.s32 @!p0 $0xFFFFF800  }
0x79: {  	[bflag:$0x0] =	sbarrier.arrive $0xFFFF  }
0x7a: {  	s2 =	simm.s32 $0x0;
	s10 =	simm.s32 $0x13880;
	s19 =	rddreg [dreg:$0x4]  }
0x7b: {  	[tilespmem:s10], [sflag:$0x1] =	stream.linear.gather [hbm4b:s19+s2], $0x80, $0x38;
	[tilespmem:$0x1D080] =	vst v63  }
0x7c: {  	s24 =	simm.s32 $0x13C80;
	s23 =	rddreg [dreg:$0x5]  }
0x7d: {  	[tilespmem:s24], [sflag:$0x1] =	stream.linear.gather [hbm4b:s23+s2], $0x80, $0x38;
	[tilespmem:$0x1D080] =	vst v63  }
0x7e: {  	s15 =	simm.s32 $0x13900;
	s25 =	rddreg [dreg:$0x6]  }
0x7f: {  	[tilespmem:s15], [sflag:$0x2] =	stream.linear.gather [hbm4b:s25+s2], $0x80, $0x38;
	[tilespmem:$0x1D080] =	vst v63  }
0x80: {  	s28 =	simm.s32 $0x13D00;
	s26 =	rddreg [dreg:$0x7]  }
0x81: {  	[tilespmem:s28], [sflag:$0x2] =	stream.linear.gather [hbm4b:s26+s2], $0x80, $0x38;
	[tilespmem:$0x1D080] =	vst v63  }
0x82: {  	s30 =	rddreg [dreg:$0x8];
	s23 =	simm.s32 $0x13980  }
0x83: {  	[tilespmem:s23], [sflag:$0x3] =	stream.linear.gather [hbm4b:s30+s2], $0x80, $0x38;
	[tilespmem:$0x1D080] =	vst v63  }
0x84: {  	s19 =	rddreg [dreg:$0x9];
	s24 =	simm.s32 $0x13D80  }
0x85: {  	[tilespmem:s24], [sflag:$0x3] =	stream.linear.gather [hbm4b:s19+s2], $0x80, $0x38;
	[tilespmem:$0x1D080] =	vst v63  }
0x86: {  	s25 =	rddreg [dreg:$0xa];
	s24 =	simm.s32 $0x13A00  }
0x87: {  	[tilespmem:s24], [sflag:$0x4] =	stream.linear.gather [hbm4b:s25+s2], $0x80, $0x38;
	[tilespmem:$0x1D080] =	vst v63  }
0x88: {  	s26 =	rddreg [dreg:$0xb];
	s28 =	simm.s32 $0x13E00  }
0x89: {  	[tilespmem:s28], [sflag:$0x4] =	stream.linear.gather [hbm4b:s26+s2], $0x80, $0x38;
	[tilespmem:$0x1D080] =	vst v63  }
0x8a: {  	s30 =	rddreg [dreg:$0xc];
	s19 =	simm.s32 $0x13A80  }
0x8b: {  	[tilespmem:s19], [sflag:$0x5] =	stream.linear.gather [hbm4b:s30+s2], $0x80, $0x38;
	[tilespmem:$0x1D080] =	vst v63  }
0x8c: {  	s26 =	rddreg [dreg:$0xd];
	s28 =	simm.s32 $0x13E80  }
0x8d: {  	[tilespmem:s28], [sflag:$0x5] =	stream.linear.gather [hbm4b:s26+s2], $0x80, $0x38;
	[tilespmem:$0x1D080] =	vst v63  }
0x8e: {  	s30 =	rddreg [dreg:$0xf];
	s19 =	simm.s32 $0x13B00  }
0x8f: {  	[tilespmem:s19], [sflag:$0x6] =	stream.linear.gather [hbm4b:s30+s2], $0x80, $0x38;
	[tilespmem:$0x1D080] =	vst v63  }
0x90: {  	s26 =	rddreg [dreg:$0x10];
	s28 =	simm.s32 $0x13F00  }
0x91: {  	[tilespmem:s28], [sflag:$0x6] =	stream.linear.gather [hbm4b:s26+s2], $0x80, $0x38;
	[tilespmem:$0x1D080] =	vst v63  }
0x92: {  	s30 =	rddreg [dreg:$0x11];
	s19 =	simm.s32 $0x13B80  }
0x93: {  	[tilespmem:s19], [sflag:$0x7] =	stream.linear.gather [hbm4b:s30+s2], $0x80, $0x38;
	[tilespmem:$0x1D080] =	vst v63  }
0x94: {  	s26 =	rddreg [dreg:$0x12];
	s28 =	simm.s32 $0x13F80  }
0x95: {  	[tilespmem:s28], [sflag:$0x7] =	stream.linear.gather [hbm4b:s26+s2], $0x80, $0x38;
	[tilespmem:$0x1D080] =	vst v63  }
0x96: {  	s30 =	rddreg [dreg:$0x13];
	s19 =	simm.s32 $0x13C00  }
0x97: {  	[tilespmem:s19], [sflag:$0x8] =	stream.linear.gather [hbm4b:s30+s2], $0x80, $0x38;
	[tilespmem:$0x1D080] =	vst v63  }
0x98: {  	s25 =	rddreg [dreg:$0x14];
	s26 =	simm.s32 $0x1  }
0x99: {  	[tilespmem:s12], [sflag:$0x8] =	stream.linear.gather [hbm4b:s25+s2], $0x80, $0x38;
	[tilespmem:$0x1D080] =	vst v63  }
0x9a: {  	_ =	swait.ge [sflag:s26], $0x80  }
0x9b: {  	[sflag:s26] =	ssyncset.done $0x0  }
0x9c: {  	[sflag:s26] =	ssyncadd.s32 $0xFFFFFF80  }
0x9d: {  	_ =	swait.ge [sflag:s26], $0x80  }
0x9e: {  	[sflag:s26] =	ssyncset.done $0x0  }
0x9f: {  	s28 =	simm.s32 $0x2;
	[sflag:s26] =	ssyncadd.s32 $0xFFFFFF80  }
0xa0: {  	[tilespmem:s13], [sflag:$0x9] =	stream.indirect.gather [hbm4b:s4+s0], $0x80, s10, s0, $0xb8;
	[tilespmem:$0x1D080] =	vst v63  }
0xa1: {  	_ =	swait.ge [sflag:s28], $0x80  }
0xa2: {  	[sflag:s28] =	ssyncset.done $0x0  }
0xa3: {  	[sflag:s28] =	ssyncadd.s32 $0xFFFFFF80  }
0xa4: {  	_ =	swait.ge [sflag:s28], $0x80  }
0xa5: {  	[sflag:s28] =	ssyncset.done $0x0  }
0xa6: {  	s30 =	simm.s32 $0x3;
	[sflag:s28] =	ssyncadd.s32 $0xFFFFFF80  }
0xa7: {  	[tilespmem:s29], [sflag:$0xA] =	stream.indirect.gather [hbm4b:s4+s0], $0x80, s15, s0, $0xb8;
	[tilespmem:$0x1D080] =	vst v63  }
0xa8: {  	_ =	swait.ge [sflag:s30], $0x80  }
0xa9: {  	[sflag:s30] =	ssyncset.done $0x0  }
0xaa: {  	[sflag:s30] =	ssyncadd.s32 $0xFFFFFF80  }
0xab: {  	_ =	swait.ge [sflag:s30], $0x80  }
0xac: {  	[sflag:s30] =	ssyncset.done $0x0  }
0xad: {  	[sflag:s30] =	ssyncadd.s32 $0xFFFFFF80  }
0xae: {  	[tilespmem:s21], [sflag:$0xB] =	stream.indirect.gather [hbm4b:s4+s0], $0x80, s23, s0, $0xb8;
	[tilespmem:$0x1D080] =	vst v63  }
0xaf: {  	_ =	swait.ge [sflag:s17], $0x80  }
0xb0: {  	[sflag:s17] =	ssyncset.done $0x0  }
0xb1: {  	[sflag:s17] =	ssyncadd.s32 $0xFFFFFF80  }
0xb2: {  	_ =	swait.ge [sflag:s17], $0x80  }
0xb3: {  	s12 =	simm.s32 $0x14000;
	s10 =	simm.s32 $0x13C00;
	[sflag:s17] =	ssyncset.done $0x0  }
0xb4: {  	s15 =	simm.s32 $0x19480;
	s23 =	simm.s32 $0x400;
	[sflag:s17] =	ssyncadd.s32 $0xFFFFFF80  }
0xb5: {  	[tilespmem:s15], [sflag:$0xC] =	stream.indirect.gather [hbm4b:s4+s0], $0x80, s24, s0, $0xb8;
	[tilespmem:$0x1D080] =	vst v63  }
.LBB2_4:
0xb6: {  	s2 =	simm.s32 $0x9  }
0xb7: {  	_ =	swait.ge [sflag:s2], $0x1900  }
0xb8: {  	s21 =	simm.s32 $0x13C80;
	[sflag:s2] =	ssyncset.done $0x0  }
0xb9: {  	s3 =	simm.s32 $0x14080;
	s24 =	simm.s32 $0xD;
	[sflag:s2] =	ssyncadd.s32 $0xFFFFE700  }
0xba: {  	[spmem:s1] =	stream.indirect.scatter.add.f32 [tilespmem:s3], [sflag:$0xD], $0x80, s21, s0, $0xb8;
	[tilespmem:$0x1D080] =	vst v63  }
0xbb: {  	_ =	swait.ge [sflag:s24], $0x1900  }
0xbc: {  	[sflag:s24] =	ssyncset.done $0x0  }
0xbd: {  	[sflag:s24] =	ssyncadd.s32 $0xFFFFE700  }
0xbe: {  	_ =	swait.ge [sflag:s7], $0x80  }
0xbf: {  	[sflag:s7] =	ssyncset.done $0x0  }
0xc0: {  	[sflag:s7] =	ssyncadd.s32 $0xFFFFFF80  }
0xc1: {  	_ =	swait.ge [sflag:s7], $0x80  }
0xc2: {  	p1 =	seq.s32 s23, $0x6400;
	[sflag:s7] =	ssyncset.done $0x0  }
0xc3: {  	s25 =	simm.s32 $0x13A80;
	s24 =	sadd.s32 @!p1 s23, s14;
	[sflag:s7] =	ssyncadd.s32 $0xFFFFFF80  }
0xc4: {  	[tilespmem:s3], [sflag:$0x9] =	stream.indirect.gather [hbm4b:s4+s0], $0x80, s25, s0, $0xb8;
	[tilespmem:$0x1D080] =	vst v63  }
0xc5: {  	s25 =	sshrl.u32 @!p1 s24, $0x3  }
0xc6: {  	s29 =	simm.s32 @!p1 $0x13880;
	s24 =	simm.s32 @!p1 $0x0;
	s26 =	sadd.s32 @!p1 s5, s25  }
0xc7: {  	[tilespmem:s29], [sflag:$0x1] =	stream.linear.gather @!p1 [hbm4b:s26+s24], $0x80, $0x38;
	[tilespmem:$0x1D080] =	vst v63  }
0xc8: {  	s28 =	simm.s32 @!p1 $0x13C80;
	s26 =	sadd.s32 @!p1 s6, s25  }
0xc9: {  	[tilespmem:s28], [sflag:$0x1] =	stream.linear.gather @!p1 [hbm4b:s26+s24], $0x80, $0x38;
	[tilespmem:$0x1D080] =	vst v63  }
0xca: {  	_ =	swait.ge [sflag:s31], $0x1900  }
0xcb: {  	[sflag:s31] =	ssyncset.done $0x0  }
0xcc: {  	s26 =	simm.s32 $0x13D00;
	[sflag:s31] =	ssyncadd.s32 $0xFFFFE700  }
0xcd: {  	[spmem:s1] =	stream.indirect.scatter.add.f32 [tilespmem:s11], [sflag:$0xE], $0x80, s26, s0, $0xb8;
	[tilespmem:$0x1D080] =	vst v63  }
0xce: {  	_ =	swait.ge [sflag:s8], $0x1900  }
0xcf: {  	[sflag:s8] =	ssyncset.done $0x0  }
0xd0: {  	[sflag:s8] =	ssyncadd.s32 $0xFFFFE700  }
0xd1: {  	_ =	swait.ge [sflag:s9], $0x80  }
0xd2: {  	[sflag:s9] =	ssyncset.done $0x0  }
0xd3: {  	[sflag:s9] =	ssyncadd.s32 $0xFFFFFF80  }
0xd4: {  	_ =	swait.ge [sflag:s9], $0x80  }
0xd5: {  	[sflag:s9] =	ssyncset.done $0x0  }
0xd6: {  	s28 =	simm.s32 $0x13B00;
	s26 =	sor.u32 @!p1 $0x10, s25;
	[sflag:s9] =	ssyncadd.s32 $0xFFFFFF80  }
0xd7: {  	[tilespmem:s11], [sflag:$0xA] =	stream.indirect.gather [hbm4b:s4+s0], $0x80, s28, s0, $0xb8;
	[tilespmem:$0x1D080] =	vst v63  }
0xd8: {  	s30 =	sadd.s32 @!p1 s5, s26;
	s28 =	simm.s32 @!p1 $0x13900  }
0xd9: {  	[tilespmem:s28], [sflag:$0x2] =	stream.linear.gather @!p1 [hbm4b:s30+s24], $0x80, $0x38;
	[tilespmem:$0x1D080] =	vst v63  }
0xda: {  	s26 =	sadd.s32 @!p1 s6, s26;
	s30 =	simm.s32 @!p1 $0x13D00  }
0xdb: {  	[tilespmem:s30], [sflag:$0x2] =	stream.linear.gather @!p1 [hbm4b:s26+s24], $0x80, $0x38;
	[tilespmem:$0x1D080] =	vst v63  }
0xdc: {  	s30 =	simm.s32 $0xB  }
0xdd: {  	_ =	swait.ge [sflag:s30], $0x1900  }
0xde: {  	s19 =	simm.s32 $0x17880;
	[sflag:s30] =	ssyncset.done $0x0  }
0xdf: {  	s3 =	simm.s32 $0x13D80;
	s26 =	simm.s32 $0xF;
	[sflag:s30] =	ssyncadd.s32 $0xFFFFE700  }
0xe0: {  	[spmem:s1] =	stream.indirect.scatter.add.f32 [tilespmem:s19], [sflag:$0xF], $0x80, s3, s0, $0xb8;
	[tilespmem:$0x1D080] =	vst v63  }
0xe1: {  	_ =	swait.ge [sflag:s26], $0x1900  }
0xe2: {  	[sflag:s26] =	ssyncset.done $0x0  }
0xe3: {  	[sflag:s26] =	ssyncadd.s32 $0xFFFFE700  }
0xe4: {  	_ =	swait.ge [sflag:s16], $0x80  }
0xe5: {  	[sflag:s16] =	ssyncset.done $0x0  }
0xe6: {  	[sflag:s16] =	ssyncadd.s32 $0xFFFFFF80  }
0xe7: {  	_ =	swait.ge [sflag:s16], $0x80  }
0xe8: {  	[sflag:s16] =	ssyncset.done $0x0  }
0xe9: {  	s30 =	simm.s32 $0x13B80;
	[sflag:s16] =	ssyncadd.s32 $0xFFFFFF80  }
0xea: {  	[tilespmem:s19], [sflag:$0xB] =	stream.indirect.gather [hbm4b:s4+s0], $0x80, s30, s0, $0xb8;
	[tilespmem:$0x1D080] =	vst v63  }
0xeb: {  	s30 =	sor.u32 @!p1 $0x20, s25  }
0xec: {  	s26 =	simm.s32 @!p1 $0x13980;
	s3 =	sadd.s32 @!p1 s5, s30  }
0xed: {  	[tilespmem:s26], [sflag:$0x3] =	stream.linear.gather @!p1 [hbm4b:s3+s24], $0x80, $0x38;
	[tilespmem:$0x1D080] =	vst v63  }
0xee: {  	s3 =	sadd.s32 @!p1 s6, s30;
	s30 =	simm.s32 @!p1 $0x13D80  }
0xef: {  	[tilespmem:s30], [sflag:$0x3] =	stream.linear.gather @!p1 [hbm4b:s3+s24], $0x80, $0x38;
	[tilespmem:$0x1D080] =	vst v63  }
0xf0: {  	_ =	swait.ge [sflag:s18], $0x1900  }
0xf1: {  	[sflag:s18] =	ssyncset.done $0x0  }
0xf2: {  	s3 =	simm.s32 $0x13E00;
	[sflag:s18] =	ssyncadd.s32 $0xFFFFE700  }
0xf3: {  	[spmem:s1] =	stream.indirect.scatter.add.f32 [tilespmem:s15], [sflag:$0x10], $0x80, s3, s0, $0xb8;
	[tilespmem:$0x1D080] =	vst v63  }
0xf4: {  	_ =	swait.ge [sflag:s20], $0x1900  }
0xf5: {  	[sflag:s20] =	ssyncset.done $0x0  }
0xf6: {  	[sflag:s20] =	ssyncadd.s32 $0xFFFFE700  }
0xf7: {  	_ =	swait.ge [sflag:s22], $0x80  }
0xf8: {  	[sflag:s22] =	ssyncset.done $0x0  }
0xf9: {  	[sflag:s22] =	ssyncadd.s32 $0xFFFFFF80  }
0xfa: {  	_ =	swait.ge [sflag:s22], $0x80  }
0xfb: {  	[sflag:s22] =	ssyncset.done $0x0  }
0xfc: {  	s3 =	simm.s32 @p1 $0x9;
	[sflag:s22] =	ssyncadd.s32 $0xFFFFFF80  }
0xfd: {  	[tilespmem:s15], [sflag:$0xC] =	stream.indirect.gather [hbm4b:s4+s0], $0x80, s10, s0, $0xb8;
	[tilespmem:$0x1D080] =	vst v63  }
0xfe: {  	_ =	swait.ge @p1 [sflag:s3], $0x1900  }
0xff: {  	s2 =	simm.s32 @p1 $0x14080;
	[sflag:s3] =	ssyncset.done @p1 $0x0  }
0x100: {  	s30 =	simm.s32 @p1 $0x13E80;
	[sflag:s3] =	ssyncadd.s32 @p1 $0xFFFFE700;
	s3 =	simm.s32 @p1 $0x32  }
0x101: {  	[spmem:s1] =	stream.indirect.scatter.add.f32 @p1 [tilespmem:s2], [sflag:$0xD], $0x80, s30, s3, $0xb8;
	[tilespmem:$0x1D080] =	vst v63  }
0x102: {  	s2 =	simm.s32 @p1 $0xD  }
0x103: {  	_ =	swait.ge @p1 [sflag:s2], $0x1900  }
0x104: {  	s30 =	sor.u32 @!p1 $0x30, s25;
	[sflag:s2] =	ssyncset.done @p1 $0x0  }
0x105: {  	s10 =	simm.s32 @!p1 $0x13A00;
	[sflag:s2] =	ssyncadd.s32 @p1 $0xFFFFE700;
	s2 =	sadd.s32 @!p1 s5, s30  }
0x106: {  	[tilespmem:s10], [sflag:$0x4] =	stream.linear.gather @!p1 [hbm4b:s2+s24], $0x80, $0x38;
	[tilespmem:$0x1D080] =	vst v63  }
0x107: {  	s2 =	sadd.s32 @!p1 s6, s30;
	s10 =	simm.s32 @!p1 $0x13E00  }
0x108: {  	[tilespmem:s10], [sflag:$0x4] =	stream.linear.gather @!p1 [hbm4b:s2+s24], $0x80, $0x38;
	[tilespmem:$0x1D080] =	vst v63  }
0x109: {  	s2 =	simm.s32 @!p1 $0x9  }
0x10a: {  	_ =	swait.ge @!p1 [sflag:s2], $0x1900  }
0x10b: {  	s15 =	simm.s32 @!p1 $0xD;
	s30 =	simm.s32 @!p1 $0x32;
	[sflag:s2] =	ssyncset.done @!p1 $0x0  }
0x10c: {  	s10 =	simm.s32 @!p1 $0x14080;
	[sflag:s2] =	ssyncadd.s32 @!p1 $0xFFFFE700;
	s2 =	simm.s32 @!p1 $0x13E80  }
0x10d: {  	[spmem:s1] =	stream.indirect.scatter.add.f32 @!p1 [tilespmem:s10], [sflag:$0xD], $0x80, s2, s30, $0xb8;
	[tilespmem:$0x1D080] =	vst v63  }
0x10e: {  	_ =	swait.ge @!p1 [sflag:s15], $0x1900  }
0x10f: {  	[sflag:s15] =	ssyncset.done @!p1 $0x0  }
0x110: {  	[sflag:s15] =	ssyncadd.s32 @!p1 $0xFFFFE700;
	s15 =	simm.s32 @!p1 $0x1  }
0x111: {  	_ =	swait.ge @!p1 [sflag:s15], $0x80  }
0x112: {  	[sflag:s15] =	ssyncset.done @!p1 $0x0  }
0x113: {  	[sflag:s15] =	ssyncadd.s32 @!p1 $0xFFFFFF80  }
0x114: {  	_ =	swait.ge @!p1 [sflag:s15], $0x80  }
0x115: {  	[sflag:s15] =	ssyncset.done @!p1 $0x0  }
0x116: {  	[sflag:s15] =	ssyncadd.s32 @!p1 $0xFFFFFF80  }
0x117: {  	[tilespmem:s10], [sflag:$0x9] =	stream.indirect.gather @!p1 [hbm4b:s4+s30], $0x80, s29, s30, $0xb8;
	[tilespmem:$0x1D080] =	vst v63  }
0x118: {  	s10 =	sor.u32 @!p1 $0x40, s25  }
0x119: {  	s29 =	simm.s32 @!p1 $0x13A80;
	s15 =	sadd.s32 @!p1 s5, s10  }
0x11a: {  	[tilespmem:s29], [sflag:$0x5] =	stream.linear.gather @!p1 [hbm4b:s15+s24], $0x80, $0x38;
	[tilespmem:$0x1D080] =	vst v63  }
0x11b: {  	s10 =	sadd.s32 @!p1 s6, s10  }
0x11c: {  	[tilespmem:s2], [sflag:$0x5] =	stream.linear.gather @!p1 [hbm4b:s10+s24], $0x80, $0x38;
	[tilespmem:$0x1D080] =	vst v63  }
0x11d: {  	_ =	swait.ge [sflag:s31], $0x1900  }
0x11e: {  	[sflag:s31] =	ssyncset.done $0x0  }
0x11f: {  	s15 =	simm.s32 $0x13F00;
	[sflag:s31] =	ssyncadd.s32 $0xFFFFE700  }
0x120: {  	[spmem:s1] =	stream.indirect.scatter.add.f32 [tilespmem:s11], [sflag:$0xE], $0x80, s15, s0, $0xb8;
	[tilespmem:$0x1D080] =	vst v63  }
0x121: {  	_ =	swait.ge [sflag:s8], $0x1900  }
0x122: {  	[sflag:s8] =	ssyncset.done $0x0  }
0x123: {  	s2 =	simm.s32 @p1 $0xB;
	[sflag:s8] =	ssyncadd.s32 $0xFFFFE700  }
0x124: {  	_ =	swait.ge @p1 [sflag:s2], $0x1900  }
0x125: {  	[sflag:s2] =	ssyncset.done @p1 $0x0  }
0x126: {  	s10 =	simm.s32 @p1 $0x17880;
	[sflag:s2] =	ssyncadd.s32 @p1 $0xFFFFE700;
	s2 =	simm.s32 @p1 $0x13F80  }
0x127: {  	[spmem:s1] =	stream.indirect.scatter.add.f32 @p1 [tilespmem:s10], [sflag:$0xF], $0x80, s2, s3, $0xb8;
	[tilespmem:$0x1D080] =	vst v63  }
0x128: {  	s2 =	simm.s32 @p1 $0xF  }
0x129: {  	_ =	swait.ge @p1 [sflag:s2], $0x1900  }
0x12a: {  	[sflag:s2] =	ssyncset.done @p1 $0x0  }
0x12b: {  	[sflag:s2] =	ssyncadd.s32 @p1 $0xFFFFE700;
	s2 =	simm.s32 @!p1 $0x2  }
0x12c: {  	_ =	swait.ge @!p1 [sflag:s2], $0x80  }
0x12d: {  	[sflag:s2] =	ssyncset.done @!p1 $0x0  }
0x12e: {  	[sflag:s2] =	ssyncadd.s32 @!p1 $0xFFFFFF80  }
0x12f: {  	_ =	swait.ge @!p1 [sflag:s2], $0x80  }
0x130: {  	[sflag:s2] =	ssyncset.done @!p1 $0x0  }
0x131: {  	[sflag:s2] =	ssyncadd.s32 @!p1 $0xFFFFFF80;
	s2 =	simm.s32 @!p1 $0x15C80  }
0x132: {  	[tilespmem:s2], [sflag:$0xA] =	stream.indirect.gather @!p1 [hbm4b:s4+s30], $0x80, s28, s30, $0xb8;
	[tilespmem:$0x1D080] =	vst v63  }
0x133: {  	s2 =	sor.u32 @!p1 $0x50, s25  }
0x134: {  	s10 =	simm.s32 @!p1 $0x13B00;
	s3 =	sadd.s32 @!p1 s5, s2  }
0x135: {  	[tilespmem:s10], [sflag:$0x6] =	stream.linear.gather @!p1 [hbm4b:s3+s24], $0x80, $0x38;
	[tilespmem:$0x1D080] =	vst v63  }
0x136: {  	s2 =	sadd.s32 @!p1 s6, s2;
	s3 =	simm.s32 @!p1 $0x13F00  }
0x137: {  	[tilespmem:s3], [sflag:$0x6] =	stream.linear.gather @!p1 [hbm4b:s2+s24], $0x80, $0x38;
	[tilespmem:$0x1D080] =	vst v63  }
0x138: {  	s2 =	simm.s32 @!p1 $0xB  }
0x139: {  	_ =	swait.ge @!p1 [sflag:s2], $0x1900  }
0x13a: {  	s10 =	simm.s32 @!p1 $0xF;
	[sflag:s2] =	ssyncset.done @!p1 $0x0  }
0x13b: {  	s3 =	simm.s32 @!p1 $0x17880;
	[sflag:s2] =	ssyncadd.s32 @!p1 $0xFFFFE700;
	s2 =	simm.s32 @!p1 $0x13F80  }
0x13c: {  	[spmem:s1] =	stream.indirect.scatter.add.f32 @!p1 [tilespmem:s3], [sflag:$0xF], $0x80, s2, s30, $0xb8;
	[tilespmem:$0x1D080] =	vst v63  }
0x13d: {  	_ =	swait.ge @!p1 [sflag:s10], $0x1900  }
0x13e: {  	[sflag:s10] =	ssyncset.done @!p1 $0x0  }
0x13f: {  	[sflag:s10] =	ssyncadd.s32 @!p1 $0xFFFFE700;
	s10 =	simm.s32 @!p1 $0x3  }
0x140: {  	_ =	swait.ge @!p1 [sflag:s10], $0x80  }
0x141: {  	[sflag:s10] =	ssyncset.done @!p1 $0x0  }
0x142: {  	[sflag:s10] =	ssyncadd.s32 @!p1 $0xFFFFFF80  }
0x143: {  	_ =	swait.ge @!p1 [sflag:s10], $0x80  }
0x144: {  	[sflag:s10] =	ssyncset.done @!p1 $0x0  }
0x145: {  	[sflag:s10] =	ssyncadd.s32 @!p1 $0xFFFFFF80  }
0x146: {  	[tilespmem:s3], [sflag:$0xB] =	stream.indirect.gather @!p1 [hbm4b:s4+s30], $0x80, s26, s30, $0xb8;
	[tilespmem:$0x1D080] =	vst v63  }
0x147: {  	s3 =	sor.u32 @!p1 $0x60, s25  }
0x148: {  	s15 =	simm.s32 @!p1 $0x13B80;
	s10 =	sadd.s32 @!p1 s5, s3  }
0x149: {  	[tilespmem:s15], [sflag:$0x7] =	stream.linear.gather @!p1 [hbm4b:s10+s24], $0x80, $0x38;
	[tilespmem:$0x1D080] =	vst v63  }
0x14a: {  	s3 =	sadd.s32 @!p1 s6, s3  }
0x14b: {  	[tilespmem:s2], [sflag:$0x7] =	stream.linear.gather @!p1 [hbm4b:s3+s24], $0x80, $0x38;
	[tilespmem:$0x1D080] =	vst v63  }
0x14c: {  	_ =	swait.ge [sflag:s18], $0x1900  }
0x14d: {  	[sflag:s18] =	ssyncset.done $0x0  }
.Ltmp3:
0x14e: {  	s15 =	simm.s32 $0x19480;
	[sflag:s18] =	ssyncadd.s32 $0xFFFFE700;
	(pc) =	sbr.rel @p1 .LBB2_6-.Ltmp3, $4  }
0x14f: {  	[spmem:s1] =	stream.indirect.scatter.add.f32 [tilespmem:s15], [sflag:$0x10], $0x80, s12, s0, $0xb8;
	[tilespmem:$0x1D080] =	vst v63  }
0x150: {  	s13 =	simm.s32 $0x14080;
	_ =	swait.ge [sflag:s20], $0x1900  }
0x151: {  	s21 =	simm.s32 $0x17880;
	s19 =	simm.s32 $0x13C00;
	[sflag:s20] =	ssyncset.done $0x0  }
0x152: {  	s29 =	simm.s32 $0x15C80;
	s12 =	simm.s32 $0x14000;
	[sflag:s20] =	ssyncadd.s32 $0xFFFFE700  }
0x153: {  	_ =	swait.ge [sflag:s17], $0x80  }
0x154: {  	[sflag:s17] =	ssyncset.done $0x0  }
0x155: {  	[sflag:s17] =	ssyncadd.s32 $0xFFFFFF80  }
0x156: {  	_ =	swait.ge [sflag:s17], $0x80  }
0x157: {  	[sflag:s17] =	ssyncset.done $0x0  }
0x158: {  	s2 =	simm.s32 $0x13A00;
	s30 =	sadd.s32 s23, s14;
	[sflag:s17] =	ssyncadd.s32 $0xFFFFFF80  }
0x159: {  	[tilespmem:s15], [sflag:$0xC] =	stream.indirect.gather [hbm4b:s4+s0], $0x80, s2, s0, $0xb8;
	[tilespmem:$0x1D080] =	vst v63  }
0x15a: {  	s2 =	sshrl.u32 s30, $0x3  }
0x15b: {  	s2 =	sor.u32 $0x70, s2  }
.Ltmp4:
0x15c: {  	s10 =	simm.s32 $0x0;
	s3 =	sadd.s32 s5, s2;
	(pc) =	sbr.rel .LBB2_4-.Ltmp4, $4  }
0x15d: {  	[tilespmem:s19], [sflag:$0x8] =	stream.linear.gather [hbm4b:s3+s10], $0x80, $0x38;
	[tilespmem:$0x1D080] =	vst v63  }
0x15e: {  	s2 =	sadd.s32 s6, s2  }
0x15f: {  	[tilespmem:s12], [sflag:$0x8] =	stream.linear.gather [hbm4b:s2+s10], $0x80, $0x38;
	[tilespmem:$0x1D080] =	vst v63  }
0x160: {  	s23 =	sadd.s32 $0x400, s23;
	s10 =	simm.s32 $0x13C00;
	s12 =	simm.s32 $0x14000  }
.LBB2_7:
0x161: {  	_ =	sfence.sel $0x180000  }
0x162: {  	[bflag:$0x0] =	sbarrier.arrive $0xFFFF  }
0x163: {  	_ =	strace $0x9000004A  }
0x164: {  	s0 =	stileid.u32;
	[bflag:$0x2] =	sbarrier.arrive $0xFFFF  }
0x165: {  	p0 =	sne.s32 s0, $0x0;
	s0 =	rddreg [dreg:$0x2]  }
0x166: {  	s0 =	sadd.s32 @!p0 $0x100000, s0  }
0x167: {  	[sflag:s0] =	ssyncadd.tile.s32 @!p0 $0x1;
	_ =	shalt  }
.Lfunc_end2:
_tile_overlayer_lowered:
.L_overlay_start_2:
0x168: {  	(tag) =	ssettag $0x2  }
0x169: {  	s0 =	rddreg [dreg:$0x0];
	s2 =	stileid.u32  }
0x16a: {  	s1 =	rddreg [dreg:$0x1];
	p0 =	sne.s32 s2, $0x0  }
0x16b: {  	s3 =	rddreg [dreg:$0x2];
	[bflag:$0x3] =	sbarrier.arrive $0xFFFF;
	s2 =	simm.s32 @!p0 $0x1C11  }
0x16c: {  	[timem:s3], [sflag:s2] =	dma.local @!p0 [hbm:s0], s1  }
0x16d: {  	s0 =	simm.s32 @!p0 $0x11  }
0x16e: {  	_ =	swait.ge @!p0 [sflag:s0], s1  }
0x16f: {  	s1 =	ssub.s32 @!p0 $0x0, s1;
	[sflag:s0] =	ssyncset.done @!p0 $0x0  }
0x170: {  	[sflag:s0] =	ssyncadd.s32 @!p0 s1  }
0x171: {  	[bflag:$0x3] =	sbarrier.arrive $0xFFFF  }
0x172: {  	_ =	shalt  }

</sc_bundles>
